<compile_context>
chip_gen: v7x
topology: tpu7x:2x2x1
jax: 0.10.2.dev20260603
libtpu: 0.0.44.dev20260713+nightly
codegen_flags: <defaults>
</compile_context>

<pallas_src>
import functools

import jax
import jax.numpy as jnp
from jax import lax
from jax.experimental import pallas as pl
from jax.experimental.pallas import tpu as pltpu
from jax.experimental.pallas import tpu_sc as plsc

N_NODES = 10000
N_EDGES = 320000
H_NODE = 128
H_EDGE = 16
D_OUT = 2 * H_NODE
EPS = 1e-5

NC = 2
NS = 16
NW = NC * NS
E_PER_W = N_EDGES // NW
CH = 80
N_CHUNKS = E_PER_W // CH
G_RING = 4
ACC_ROWS = 10240
ROWS_PER_TILE = ACC_ROWS // NS

_MESH = plsc.VectorSubcoreMesh(
    core_axis_name="c", subcore_axis_name="s", num_cores=NC, num_subcores=NS
)


G_CH = 80
TBL_CH = 640


def _make_gather(n_edges):
    e_per_w = n_edges // NW
    n_chunks = e_per_w // G_CH
    assert e_per_w % G_CH == 0 and e_per_w % 8 == 0

    @functools.partial(
        pl.kernel,
        out_type=jax.ShapeDtypeStruct((n_edges, H_NODE), jnp.float32),
        mesh=_MESH,
        scratch_types=[
            pltpu.VMEM((e_per_w,), jnp.int32),
            [pltpu.VMEM((G_CH, H_NODE), jnp.float32) for _ in range(G_RING)],
            [pltpu.SemaphoreType.DMA for _ in range(G_RING)],
            [pltpu.SemaphoreType.DMA for _ in range(G_RING)],
            pltpu.VMEM_SHARED((N_NODES, H_NODE), jnp.float32),
        ],
    )
    def gather(node_hbm, idx_hbm, out_hbm, idx_all, rows, gsems, ssems, tbl_sh):
        sid = lax.axis_index("s")
        wid = sid * NC + lax.axis_index("c")
        base = wid * e_per_w

        t0 = sid * TBL_CH

        @pl.when(sid < NS - 1)
        def _stage_full():
            pltpu.sync_copy(
                node_hbm.at[pl.ds(t0, TBL_CH)], tbl_sh.at[pl.ds(t0, TBL_CH)]
            )

        @pl.when(sid == NS - 1)
        def _stage_last():
            last0 = (NS - 1) * TBL_CH
            nlast = N_NODES - last0
            pltpu.sync_copy(
                node_hbm.at[pl.ds(last0, nlast)], tbl_sh.at[pl.ds(last0, nlast)]
            )

        pltpu.sync_copy(idx_hbm.at[pl.ds(base, e_per_w)], idx_all)
        plsc.subcore_barrier()

        def fire(c, s):
            pltpu.async_copy(
                tbl_sh.at[idx_all.at[pl.ds(c * G_CH, G_CH)]], rows[s], gsems[s]
            )

        def wait_gather(s):
            pltpu.make_async_copy(out_hbm.at[pl.ds(0, G_CH)], rows[s], gsems[s]).wait()

        def store(c, s):
            pltpu.async_copy(
                rows[s], out_hbm.at[pl.ds(base + c * G_CH, G_CH)], ssems[s]
            )

        def wait_store(s):
            pltpu.make_async_copy(rows[s], out_hbm.at[pl.ds(0, G_CH)], ssems[s]).wait()

        fire(0, 0)
        fire(1, 1)

        def body(j, carry):
            for d in range(G_RING):
                c = j * G_RING + d

                @pl.when(c < n_chunks)
                def _():
                    wait_gather(d)
                    store(c, d)
                    cn = c + 2
                    sn = (d + 2) % G_RING

                    @pl.when(cn < n_chunks)
                    def _():
                        @pl.when(c >= 2)
                        def _():
                            wait_store(sn)

                        fire(cn, sn)

            return carry

        lax.fori_loop(0, (n_chunks + G_RING - 1) // G_RING, body, 0)
        for s in range(G_RING):
            wait_store(s)

    return gather


SC_SLOTS = 4


def _make_scatter(n_edges):
    e_per_w = n_edges // NW
    n_chunks = e_per_w // CH
    assert e_per_w % CH == 0

    @functools.partial(
        pl.kernel,
        out_type=jax.ShapeDtypeStruct((NC, N_NODES, H_NODE), jnp.float32),
        mesh=_MESH,
        scratch_types=[
            [pltpu.VMEM((CH,), jnp.int32) for _ in range(SC_SLOTS)],
            [pltpu.VMEM((CH, H_NODE), jnp.float32) for _ in range(SC_SLOTS)],
            [pltpu.SemaphoreType.DMA for _ in range(SC_SLOTS)],
            [pltpu.SemaphoreType.DMA for _ in range(SC_SLOTS)],
            [pltpu.SemaphoreType.DMA for _ in range(SC_SLOTS)],
            pltpu.VMEM_SHARED((ACC_ROWS, H_NODE), jnp.float32),
        ],
    )
    def scatter(msg_hbm, idx_hbm, out_hbm, idxb, rowsb, isems, lsems, asems, acc_sh):
        cid = lax.axis_index("c")
        sid = lax.axis_index("s")
        wid = cid * NS + sid
        base = wid * e_per_w

        def zrow(r, carry):
            for cc in range(H_NODE // 16):
                rowsb[0][r, pl.ds(cc * 16, 16)] = jnp.zeros((16,), jnp.float32)
            return carry

        lax.fori_loop(0, CH, zrow, 0)
        r0 = sid * ROWS_PER_TILE
        for ofs in range(0, ROWS_PER_TILE, CH):
            pltpu.sync_copy(rowsb[0], acc_sh.at[pl.ds(r0 + ofs, CH)])
        plsc.subcore_barrier()

        def fire_load(c, s):
            ebase = base + c * CH
            pltpu.async_copy(idx_hbm.at[pl.ds(ebase, CH)], idxb[s], isems[s])
            pltpu.async_copy(msg_hbm.at[pl.ds(ebase, CH)], rowsb[s], lsems[s])

        def wait_load(s):
            pltpu.make_async_copy(idx_hbm.at[pl.ds(0, CH)], idxb[s], isems[s]).wait()
            pltpu.make_async_copy(msg_hbm.at[pl.ds(0, CH)], rowsb[s], lsems[s]).wait()

        def fire_add(s):
            pltpu.async_copy(rowsb[s], acc_sh.at[idxb[s]], asems[s], add=True)

        def wait_add(s):
            pltpu.make_async_copy(rowsb[s], acc_sh.at[idxb[s]], asems[s]).wait()

        fire_load(0, 0)
        fire_load(1, 1)

        def step(j, carry):
            for d in range(SC_SLOTS):
                c = j * SC_SLOTS + d

                @pl.when(c < n_chunks)
                def _():
                    wait_load(d)
                    fire_add(d)
                    cn = c + 2
                    sn = (d + 2) % SC_SLOTS

                    @pl.when(cn < n_chunks)
                    def _():
                        @pl.when(c >= 2)
                        def _():
                            wait_add(sn)

                        fire_load(cn, sn)

            return carry

        lax.fori_loop(0, (n_chunks + SC_SLOTS - 1) // SC_SLOTS, step, 0)
        for s in range(SC_SLOTS):
            wait_add(s)
        plsc.subcore_barrier()

        @pl.when(sid < NS - 1)
        def _copy_full():
            pltpu.sync_copy(
                acc_sh.at[pl.ds(r0, ROWS_PER_TILE)],
                out_hbm.at[cid, pl.ds(r0, ROWS_PER_TILE)],
            )

        @pl.when(sid == NS - 1)
        def _copy_last():
            last0 = (NS - 1) * ROWS_PER_TILE
            nlast = N_NODES - last0
            pltpu.sync_copy(
                acc_sh.at[pl.ds(last0, nlast)], out_hbm.at[cid, pl.ds(last0, nlast)]
            )

    return scatter


R_BLK = 6400
E_A = 128000
E_B = N_EDGES - E_A


def _tc_stats_body(g_ref, e_ref, wn_ref, we_ref, b_ref, out_ref):
    c = (
        jnp.dot(
            g_ref[...].astype(jnp.bfloat16),
            wn_ref[...],
            preferred_element_type=jnp.float32,
        )
        + jnp.dot(
            e_ref[...].astype(jnp.bfloat16),
            we_ref[...],
            preferred_element_type=jnp.float32,
        )
        + b_ref[...]
    )
    s = jnp.sum(c, axis=0, keepdims=True)
    s2 = jnp.sum(c * c, axis=0, keepdims=True)
    blk = jnp.concatenate([s, s2], axis=0)

    @pl.when(pl.program_id(0) == 0)
    def _init():
        out_ref[...] = blk

    @pl.when(pl.program_id(0) > 0)
    def _acc():
        out_ref[...] += blk


def _tc_msg_body(g_ref, e_ref, wn_ref, we_ref, b_ref, st_ref, w1_ref, b1_ref, out_ref):
    c = (
        jnp.dot(
            g_ref[...].astype(jnp.bfloat16),
            wn_ref[...],
            preferred_element_type=jnp.float32,
        )
        + jnp.dot(
            e_ref[...].astype(jnp.bfloat16),
            we_ref[...],
            preferred_element_type=jnp.float32,
        )
        + b_ref[...]
    )
    mean = st_ref[0:1, :] * (1.0 / N_EDGES)
    var = st_ref[1:2, :] * (1.0 / N_EDGES) - mean * mean
    inv = lax.rsqrt(var + EPS)
    scale = w1_ref[...] * inv
    shift = b1_ref[...] - mean * scale
    y = c * scale + shift
    out_ref[...] = jax.nn.sigmoid(y[:, :H_NODE]) * jnp.tanh(y[:, H_NODE:])


def _make_stats(n_edges):
    n_blks = n_edges // R_BLK
    return pl.pallas_call(
        _tc_stats_body,
        grid=(n_blks,),
        in_specs=[
            pl.BlockSpec((R_BLK, H_NODE), lambda j: (j, 0)),
            pl.BlockSpec((R_BLK, H_EDGE), lambda j: (j, 0)),
            pl.BlockSpec((H_NODE, D_OUT), lambda j: (0, 0)),
            pl.BlockSpec((H_EDGE, D_OUT), lambda j: (0, 0)),
            pl.BlockSpec((1, D_OUT), lambda j: (0, 0)),
        ],
        out_specs=pl.BlockSpec((2, D_OUT), lambda j: (0, 0)),
        out_shape=jax.ShapeDtypeStruct((2, D_OUT), jnp.float32),
    )


def _make_msg(n_edges):
    n_blks = n_edges // R_BLK
    return pl.pallas_call(
        _tc_msg_body,
        grid=(n_blks,),
        in_specs=[
            pl.BlockSpec((R_BLK, H_NODE), lambda j: (j, 0)),
            pl.BlockSpec((R_BLK, H_EDGE), lambda j: (j, 0)),
            pl.BlockSpec((H_NODE, D_OUT), lambda j: (0, 0)),
            pl.BlockSpec((H_EDGE, D_OUT), lambda j: (0, 0)),
            pl.BlockSpec((1, D_OUT), lambda j: (0, 0)),
            pl.BlockSpec((2, D_OUT), lambda j: (0, 0)),
            pl.BlockSpec((1, D_OUT), lambda j: (0, 0)),
            pl.BlockSpec((1, D_OUT), lambda j: (0, 0)),
        ],
        out_specs=pl.BlockSpec((R_BLK, H_NODE), lambda j: (j, 0)),
        out_shape=jax.ShapeDtypeStruct((n_edges, H_NODE), jnp.float32),
    )


def _tc_final_body(agg_a_ref, agg_b_ref, node_ref, w_ref, b_ref, out_ref):
    agg = agg_a_ref[0] + agg_a_ref[1] + agg_b_ref[0] + agg_b_ref[1]
    mean = jnp.mean(agg, axis=0, keepdims=True)
    var = jnp.mean((agg - mean) ** 2, axis=0, keepdims=True)
    y = (agg - mean) * lax.rsqrt(var + EPS) * w_ref[...] + b_ref[...]
    out_ref[...] = jnp.tanh(node_ref[...] + y)


_tc_final = pl.pallas_call(
    _tc_final_body,
    out_shape=jax.ShapeDtypeStruct((N_NODES, H_NODE), jnp.float32),
)

_gather_a = _make_gather(E_A)
_gather_b = _make_gather(E_B)
_scatter_a = _make_scatter(E_A)
_scatter_b = _make_scatter(E_B)
_stats_a = _make_stats(E_A)
_stats_b = _make_stats(E_B)
_msg_a = _make_msg(E_A)
_msg_b = _make_msg(E_B)


def kernel(node_emb, edge_emb, i, lin_W, lin_b, bn1_w, bn1_b, bn_w, bn_b):
    idx = i.astype(jnp.int32)
    idx_a, idx_b = idx[:E_A], idx[E_A:]
    e_a, e_b = edge_emb[:E_A], edge_emb[E_A:]
    wn = lin_W[:, :H_NODE].T.astype(jnp.bfloat16)
    we = lin_W[:, H_NODE:].T.astype(jnp.bfloat16)
    b2 = lin_b.reshape(1, D_OUT)
    w1 = bn1_w.reshape(1, D_OUT)
    b1 = bn1_b.reshape(1, D_OUT)
    wb = bn_w.reshape(1, H_NODE)
    bb = bn_b.reshape(1, H_NODE)

    g_a = _gather_a(node_emb, idx_a)
    g_b = _gather_b(node_emb, idx_b)
    st_a = _stats_a(g_a, e_a, wn, we, b2)
    st_b = _stats_b(g_b, e_b, wn, we, b2)
    st = st_a + st_b
    msg_a = _msg_a(g_a, e_a, wn, we, b2, st, w1, b1)
    agg_a = _scatter_a(msg_a, idx_a)
    msg_b = _msg_b(g_b, e_b, wn, we, b2, st, w1, b1)
    agg_b = _scatter_b(msg_b, idx_b)
    return _tc_final(agg_a, agg_b, node_emb, wb, bb)

# --- scband reference (transcript-rebuilt; emitter-appended) ---
"""Pipeline reference for scband-node-update-9990093930530 (READ-ONLY COPY).

The authoritative reference and input builder live on the scoring server;
editing this copy changes nothing except your own understanding.
"""

import jax, jax.numpy as jnp
import numpy as np

N_NODES = 10000
N_EDGES = 320000
H_NODE = 128
H_EDGE = 16
EPS = 1e-5


def setup_inputs(seed: int = 0) -> dict:
    key = jax.random.key(seed)
    k1, k2, k3, k4, k5 = jax.random.split(key, 5)
    node_emb = jax.random.normal(k1, (N_NODES, H_NODE), dtype=jnp.float32)
    edge_emb = jax.random.normal(k2, (N_EDGES, H_EDGE), dtype=jnp.float32)
    i = jax.random.randint(k3, (N_EDGES,), 0, N_NODES, dtype=jnp.int64) if jax.config.jax_enable_x64 else jax.random.randint(k3, (N_EDGES,), 0, N_NODES, dtype=jnp.int32)
    fan_in = H_NODE + H_EDGE
    bound = 1.0 / np.sqrt(fan_in)
    lin_W = jax.random.uniform(k4, (2 * H_NODE, fan_in), minval=-bound, maxval=bound, dtype=jnp.float32)
    lin_b = jax.random.uniform(k5, (2 * H_NODE,), minval=-bound, maxval=bound, dtype=jnp.float32)
    bn1_w = jnp.ones((2 * H_NODE,), dtype=jnp.float32)
    bn1_b = jnp.zeros((2 * H_NODE,), dtype=jnp.float32)
    bn_w = jnp.ones((H_NODE,), dtype=jnp.float32)
    bn_b = jnp.zeros((H_NODE,), dtype=jnp.float32)
    return {"node_emb": node_emb, "edge_emb": edge_emb, "i": i,
            "lin_W": lin_W, "lin_b": lin_b,
            "bn1_w": bn1_w, "bn1_b": bn1_b, "bn_w": bn_w, "bn_b": bn_b}


def _batchnorm(x, w, b):
    mean = jnp.mean(x, axis=0)
    var = jnp.var(x, axis=0)  # biased var, matches torch BN training normalization
    return (x - mean) / jnp.sqrt(var + EPS) * w + b


def reference(node_emb, edge_emb, i, lin_W, lin_b, bn1_w, bn1_b, bn_w, bn_b):
    # gather source-node embeddings per edge and concat with edge embeddings
    c1 = jnp.concatenate([jnp.take(node_emb, i, axis=0), edge_emb], axis=1)
    c1 = c1 @ lin_W.T + lin_b
    c1 = _batchnorm(c1, bn1_w, bn1_b)
    c1_filter, c1_core = jnp.split(c1, 2, axis=1)
    msg = jax.nn.sigmoid(c1_filter) * jnp.tanh(c1_core)
    agg = jax.ops.segment_sum(msg, i, num_segments=node_emb.shape[0])
    c1_emb = _batchnorm(agg, bn_w, bn_b)
    return jnp.tanh(node_emb + c1_emb)

if __name__ == "__main__":
    import jax
    _d = setup_inputs()
    print(jax.jit(kernel)(*tuple(_d.values())))

</pallas_src>

<mosaic_0001>
#map = affine_map<(d0, d1) -> (0, 0)>
#map1 = affine_map<(d0, d1) -> (0)>
#map2 = affine_map<(d0, d1) -> (0, 0, 0)>
module attributes {stable_mosaic.version = 14 : i64} {
  func.func @scatter(%arg0: i32, %arg1: i32, %arg2: memref<192000x128xf32, #tpu.memory_space<hbm>>, %arg3: memref<192000xi32, #tpu.memory_space<hbm>>, %arg4: memref<2x10000x128xf32, #tpu.memory_space<hbm>>, %arg5: memref<80xi32, #tpu.memory_space<vmem>>, %arg6: memref<80xi32, #tpu.memory_space<vmem>>, %arg7: memref<80xi32, #tpu.memory_space<vmem>>, %arg8: memref<80xi32, #tpu.memory_space<vmem>>, %arg9: memref<80x128xf32, #tpu.memory_space<vmem>>, %arg10: memref<80x128xf32, #tpu.memory_space<vmem>>, %arg11: memref<80x128xf32, #tpu.memory_space<vmem>>, %arg12: memref<80x128xf32, #tpu.memory_space<vmem>>, %arg13: memref<!tpu.dma_semaphore, #tpu.memory_space<semaphore_mem>>, %arg14: memref<!tpu.dma_semaphore, #tpu.memory_space<semaphore_mem>>, %arg15: memref<!tpu.dma_semaphore, #tpu.memory_space<semaphore_mem>>, %arg16: memref<!tpu.dma_semaphore, #tpu.memory_space<semaphore_mem>>, %arg17: memref<!tpu.dma_semaphore, #tpu.memory_space<semaphore_mem>>, %arg18: memref<!tpu.dma_semaphore, #tpu.memory_space<semaphore_mem>>, %arg19: memref<!tpu.dma_semaphore, #tpu.memory_space<semaphore_mem>>, %arg20: memref<!tpu.dma_semaphore, #tpu.memory_space<semaphore_mem>>, %arg21: memref<!tpu.dma_semaphore, #tpu.memory_space<semaphore_mem>>, %arg22: memref<!tpu.dma_semaphore, #tpu.memory_space<semaphore_mem>>, %arg23: memref<!tpu.dma_semaphore, #tpu.memory_space<semaphore_mem>>, %arg24: memref<!tpu.dma_semaphore, #tpu.memory_space<semaphore_mem>>, %arg25: memref<10240x128xf32, #tpu.memory_space<vmem_shared>>) attributes {dimension_semantics = [#tpu.dimension_semantics<core_parallel>, #tpu.dimension_semantics<subcore_parallel>], iteration_bounds = array<i64: 2, 16>, scalar_prefetch = 0 : i64, scratch_operands = 21 : i64, tpu.core_type = #tpu.core_type<sc_vector_subcore>, window_params = [{transform_indices = #map}, {transform_indices = #map1}, {transform_indices = #map2}]} {
    %mul3A = arith.constant 16 : i32
    %mul3A_0 = arith.muli %arg0, %mul3A : i32
    %add3A = arith.addi %mul3A_0, %arg1 : i32
    %mul3A_1 = arith.constant 6000 : i32
    %mul3A_2 = arith.muli %add3A, %mul3A_1 : i32
    %scan3A = arith.constant 0 : i32
    %scan3A_3 = arith.constant 0 : i32
    %scan3A_4 = arith.constant 80 : i32
    %scan3A_5 = arith.addi %scan3A_3, %scan3A_4 : i32
    %scan3A_6 = arith.constant 1 : i32
    scf.for %scan3A_65 = %scan3A_3 to %scan3A_5 step %scan3A_6  : i32 {
      %broadcast_in_dim3A = arith.constant 0.000000e+00 : f32
      %broadcast_in_dim3A_66 = vector.broadcast %broadcast_in_dim3A : f32 to vector<16xf32>
      %swap3A = arith.index_cast %scan3A_65 : i32 to index
      %swap3A_67 = arith.constant 0 : index
      %swap3A_68 = tpu.vector_load %arg9[%swap3A, %swap3A_67] {strides = array<i32>} : memref<80x128xf32, #tpu.memory_space<vmem>>, vector<1x16xf32>,
      %swap3A_69 = vector.shape_cast %swap3A_68 : vector<1x16xf32> to vector<16xf32>
      %swap3A_70 = vector.shape_cast %broadcast_in_dim3A_66 : vector<16xf32> to vector<1x16xf32>
      tpu.vector_store %arg9[%swap3A, %swap3A_67], %swap3A_70 {strides = array<i32>} : memref<80x128xf32, #tpu.memory_space<vmem>>, vector<1x16xf32>,
      %broadcast_in_dim3A_71 = arith.constant 0.000000e+00 : f32
      %broadcast_in_dim3A_72 = vector.broadcast %broadcast_in_dim3A_71 : f32 to vector<16xf32>
      %swap3A_73 = arith.index_cast %scan3A_65 : i32 to index
      %swap3A_74 = arith.constant 16 : index
      %swap3A_75 = tpu.vector_load %arg9[%swap3A_73, %swap3A_74] {strides = array<i32>} : memref<80x128xf32, #tpu.memory_space<vmem>>, vector<1x16xf32>,
      %swap3A_76 = vector.shape_cast %swap3A_75 : vector<1x16xf32> to vector<16xf32>
      %swap3A_77 = vector.shape_cast %broadcast_in_dim3A_72 : vector<16xf32> to vector<1x16xf32>
      tpu.vector_store %arg9[%swap3A_73, %swap3A_74], %swap3A_77 {strides = array<i32>} : memref<80x128xf32, #tpu.memory_space<vmem>>, vector<1x16xf32>,
      %broadcast_in_dim3A_78 = arith.constant 0.000000e+00 : f32
      %broadcast_in_dim3A_79 = vector.broadcast %broadcast_in_dim3A_78 : f32 to vector<16xf32>
      %swap3A_80 = arith.index_cast %scan3A_65 : i32 to index
      %swap3A_81 = arith.constant 32 : index
      %swap3A_82 = tpu.vector_load %arg9[%swap3A_80, %swap3A_81] {strides = array<i32>} : memref<80x128xf32, #tpu.memory_space<vmem>>, vector<1x16xf32>,
      %swap3A_83 = vector.shape_cast %swap3A_82 : vector<1x16xf32> to vector<16xf32>
      %swap3A_84 = vector.shape_cast %broadcast_in_dim3A_79 : vector<16xf32> to vector<1x16xf32>
      tpu.vector_store %arg9[%swap3A_80, %swap3A_81], %swap3A_84 {strides = array<i32>} : memref<80x128xf32, #tpu.memory_space<vmem>>, vector<1x16xf32>,
      %broadcast_in_dim3A_85 = arith.constant 0.000000e+00 : f32
      %broadcast_in_dim3A_86 = vector.broadcast %broadcast_in_dim3A_85 : f32 to vector<16xf32>
      %swap3A_87 = arith.index_cast %scan3A_65 : i32 to index
      %swap3A_88 = arith.constant 48 : index
      %swap3A_89 = tpu.vector_load %arg9[%swap3A_87, %swap3A_88] {strides = array<i32>} : memref<80x128xf32, #tpu.memory_space<vmem>>, vector<1x16xf32>,
      %swap3A_90 = vector.shape_cast %swap3A_89 : vector<1x16xf32> to vector<16xf32>
      %swap3A_91 = vector.shape_cast %broadcast_in_dim3A_86 : vector<16xf32> to vector<1x16xf32>
      tpu.vector_store %arg9[%swap3A_87, %swap3A_88], %swap3A_91 {strides = array<i32>} : memref<80x128xf32, #tpu.memory_space<vmem>>, vector<1x16xf32>,
      %broadcast_in_dim3A_92 = arith.constant 0.000000e+00 : f32
      %broadcast_in_dim3A_93 = vector.broadcast %broadcast_in_dim3A_92 : f32 to vector<16xf32>
      %swap3A_94 = arith.index_cast %scan3A_65 : i32 to index
      %swap3A_95 = arith.constant 64 : index
      %swap3A_96 = tpu.vector_load %arg9[%swap3A_94, %swap3A_95] {strides = array<i32>} : memref<80x128xf32, #tpu.memory_space<vmem>>, vector<1x16xf32>,
      %swap3A_97 = vector.shape_cast %swap3A_96 : vector<1x16xf32> to vector<16xf32>
      %swap3A_98 = vector.shape_cast %broadcast_in_dim3A_93 : vector<16xf32> to vector<1x16xf32>
      tpu.vector_store %arg9[%swap3A_94, %swap3A_95], %swap3A_98 {strides = array<i32>} : memref<80x128xf32, #tpu.memory_space<vmem>>, vector<1x16xf32>,
      %broadcast_in_dim3A_99 = arith.constant 0.000000e+00 : f32
      %broadcast_in_dim3A_100 = vector.broadcast %broadcast_in_dim3A_99 : f32 to vector<16xf32>
      %swap3A_101 = arith.index_cast %scan3A_65 : i32 to index
      %swap3A_102 = arith.constant 80 : index
      %swap3A_103 = tpu.vector_load %arg9[%swap3A_101, %swap3A_102] {strides = array<i32>} : memref<80x128xf32, #tpu.memory_space<vmem>>, vector<1x16xf32>,
      %swap3A_104 = vector.shape_cast %swap3A_103 : vector<1x16xf32> to vector<16xf32>
      %swap3A_105 = vector.shape_cast %broadcast_in_dim3A_100 : vector<16xf32> to vector<1x16xf32>
      tpu.vector_store %arg9[%swap3A_101, %swap3A_102], %swap3A_105 {strides = array<i32>} : memref<80x128xf32, #tpu.memory_space<vmem>>, vector<1x16xf32>,
      %broadcast_in_dim3A_106 = arith.constant 0.000000e+00 : f32
      %broadcast_in_dim3A_107 = vector.broadcast %broadcast_in_dim3A_106 : f32 to vector<16xf32>
      %swap3A_108 = arith.index_cast %scan3A_65 : i32 to index
      %swap3A_109 = arith.constant 96 : index
      %swap3A_110 = tpu.vector_load %arg9[%swap3A_108, %swap3A_109] {strides = array<i32>} : memref<80x128xf32, #tpu.memory_space<vmem>>, vector<1x16xf32>,
      %swap3A_111 = vector.shape_cast %swap3A_110 : vector<1x16xf32> to vector<16xf32>
      %swap3A_112 = vector.shape_cast %broadcast_in_dim3A_107 : vector<16xf32> to vector<1x16xf32>
      tpu.vector_store %arg9[%swap3A_108, %swap3A_109], %swap3A_112 {strides = array<i32>} : memref<80x128xf32, #tpu.memory_space<vmem>>, vector<1x16xf32>,
      %broadcast_in_dim3A_113 = arith.constant 0.000000e+00 : f32
      %broadcast_in_dim3A_114 = vector.broadcast %broadcast_in_dim3A_113 : f32 to vector<16xf32>
      %swap3A_115 = arith.index_cast %scan3A_65 : i32 to index
      %swap3A_116 = arith.constant 112 : index
      %swap3A_117 = tpu.vector_load %arg9[%swap3A_115, %swap3A_116] {strides = array<i32>} : memref<80x128xf32, #tpu.memory_space<vmem>>, vector<1x16xf32>,
      %swap3A_118 = vector.shape_cast %swap3A_117 : vector<1x16xf32> to vector<16xf32>
      %swap3A_119 = vector.shape_cast %broadcast_in_dim3A_114 : vector<16xf32> to vector<1x16xf32>
      tpu.vector_store %arg9[%swap3A_115, %swap3A_116], %swap3A_119 {strides = array<i32>} : memref<80x128xf32, #tpu.memory_space<vmem>>, vector<1x16xf32>,
    }
    %scan3A_7 = arith.constant 80 : i32
    %mul3A_8 = arith.constant 640 : i32
    %mul3A_9 = arith.muli %arg1, %mul3A_8 : i32
    %add3A_10 = arith.constant 0 : i32
    %add3A_11 = arith.addi %mul3A_9, %add3A_10 : i32
    "tpu.region"() ({
      %run_scoped3A = tpu.sem_alloc : memref<!tpu.dma_semaphore, #tpu.memory_space<semaphore_mem>>
      %dma_start3A_65 = arith.constant 0 : i32
      %dma_start3A_66 = tpu.memref_slice %arg25[%add3A_11, %dma_start3A_65] : memref<10240x128xf32, #tpu.memory_space<vmem_shared>> -> memref<80x128xf32, #tpu.memory_space<vmem_shared>>
      %dma_start3A_67 = arith.constant 0 : i32
      %dma_start3A_68 = tpu.memref_slice %arg25[%add3A_11, %dma_start3A_67] : memref<10240x128xf32, #tpu.memory_space<vmem_shared>> -> memref<80x128xf32, #tpu.memory_space<vmem_shared>>
      tpu.enqueue_dma source(%arg9 : memref<80x128xf32, #tpu.memory_space<vmem>>) target(%dma_start3A_68 : memref<80x128xf32, #tpu.memory_space<vmem_shared>>) target_semaphore(%run_scoped3A : memref<!tpu.dma_semaphore, #tpu.memory_space<semaphore_mem>>)
      %dma_wait3A_69 = arith.constant 0 : i32
      %dma_wait3A_70 = tpu.memref_slice %arg25[%add3A_11, %dma_wait3A_69] : memref<10240x128xf32, #tpu.memory_space<vmem_shared>> -> memref<80x128xf32, #tpu.memory_space<vmem_shared>>
      %dma_wait3A_71 = arith.constant 0 : i32
      %dma_wait3A_72 = tpu.memref_slice %arg25[%add3A_11, %dma_wait3A_71] : memref<10240x128xf32, #tpu.memory_space<vmem_shared>> -> memref<80x128xf32, #tpu.memory_space<vmem_shared>>
      tpu.wait_dma2 semaphore(%run_scoped3A : memref<!tpu.dma_semaphore, #tpu.memory_space<semaphore_mem>>) src(%arg9 : memref<80x128xf32, #tpu.memory_space<vmem>>) dst(%dma_wait3A_72 : memref<80x128xf32, #tpu.memory_space<vmem_shared>>)
      tpu.yield
    }) : () -> ()
    %add3A_12 = arith.constant 80 : i32
    %add3A_13 = arith.addi %mul3A_9, %add3A_12 : i32
    "tpu.region"() ({
      %run_scoped3A = tpu.sem_alloc : memref<!tpu.dma_semaphore, #tpu.memory_space<semaphore_mem>>
      %dma_start3A_65 = arith.constant 0 : i32
      %dma_start3A_66 = tpu.memref_slice %arg25[%add3A_13, %dma_start3A_65] : memref<10240x128xf32, #tpu.memory_space<vmem_shared>> -> memref<80x128xf32, #tpu.memory_space<vmem_shared>>
      %dma_start3A_67 = arith.constant 0 : i32
      %dma_start3A_68 = tpu.memref_slice %arg25[%add3A_13, %dma_start3A_67] : memref<10240x128xf32, #tpu.memory_space<vmem_shared>> -> memref<80x128xf32, #tpu.memory_space<vmem_shared>>
      tpu.enqueue_dma source(%arg9 : memref<80x128xf32, #tpu.memory_space<vmem>>) target(%dma_start3A_68 : memref<80x128xf32, #tpu.memory_space<vmem_shared>>) target_semaphore(%run_scoped3A : memref<!tpu.dma_semaphore, #tpu.memory_space<semaphore_mem>>)
      %dma_wait3A_69 = arith.constant 0 : i32
      %dma_wait3A_70 = tpu.memref_slice %arg25[%add3A_13, %dma_wait3A_69] : memref<10240x128xf32, #tpu.memory_space<vmem_shared>> -> memref<80x128xf32, #tpu.memory_space<vmem_shared>>
      %dma_wait3A_71 = arith.constant 0 : i32
      %dma_wait3A_72 = tpu.memref_slice %arg25[%add3A_13, %dma_wait3A_71] : memref<10240x128xf32, #tpu.memory_space<vmem_shared>> -> memref<80x128xf32, #tpu.memory_space<vmem_shared>>
      tpu.wait_dma2 semaphore(%run_scoped3A : memref<!tpu.dma_semaphore, #tpu.memory_space<semaphore_mem>>) src(%arg9 : memref<80x128xf32, #tpu.memory_space<vmem>>) dst(%dma_wait3A_72 : memref<80x128xf32, #tpu.memory_space<vmem_shared>>)
      tpu.yield
    }) : () -> ()
    %add3A_14 = arith.constant 160 : i32
    %add3A_15 = arith.addi %mul3A_9, %add3A_14 : i32
    "tpu.region"() ({
      %run_scoped3A = tpu.sem_alloc : memref<!tpu.dma_semaphore, #tpu.memory_space<semaphore_mem>>
      %dma_start3A_65 = arith.constant 0 : i32
      %dma_start3A_66 = tpu.memref_slice %arg25[%add3A_15, %dma_start3A_65] : memref<10240x128xf32, #tpu.memory_space<vmem_shared>> -> memref<80x128xf32, #tpu.memory_space<vmem_shared>>
      %dma_start3A_67 = arith.constant 0 : i32
      %dma_start3A_68 = tpu.memref_slice %arg25[%add3A_15, %dma_start3A_67] : memref<10240x128xf32, #tpu.memory_space<vmem_shared>> -> memref<80x128xf32, #tpu.memory_space<vmem_shared>>
      tpu.enqueue_dma source(%arg9 : memref<80x128xf32, #tpu.memory_space<vmem>>) target(%dma_start3A_68 : memref<80x128xf32, #tpu.memory_space<vmem_shared>>) target_semaphore(%run_scoped3A : memref<!tpu.dma_semaphore, #tpu.memory_space<semaphore_mem>>)
      %dma_wait3A_69 = arith.constant 0 : i32
      %dma_wait3A_70 = tpu.memref_slice %arg25[%add3A_15, %dma_wait3A_69] : memref<10240x128xf32, #tpu.memory_space<vmem_shared>> -> memref<80x128xf32, #tpu.memory_space<vmem_shared>>
      %dma_wait3A_71 = arith.constant 0 : i32
      %dma_wait3A_72 = tpu.memref_slice %arg25[%add3A_15, %dma_wait3A_71] : memref<10240x128xf32, #tpu.memory_space<vmem_shared>> -> memref<80x128xf32, #tpu.memory_space<vmem_shared>>
      tpu.wait_dma2 semaphore(%run_scoped3A : memref<!tpu.dma_semaphore, #tpu.memory_space<semaphore_mem>>) src(%arg9 : memref<80x128xf32, #tpu.memory_space<vmem>>) dst(%dma_wait3A_72 : memref<80x128xf32, #tpu.memory_space<vmem_shared>>)
      tpu.yield
    }) : () -> ()
    %add3A_16 = arith.constant 240 : i32
    %add3A_17 = arith.addi %mul3A_9, %add3A_16 : i32
    "tpu.region"() ({
      %run_scoped3A = tpu.sem_alloc : memref<!tpu.dma_semaphore, #tpu.memory_space<semaphore_mem>>
      %dma_start3A_65 = arith.constant 0 : i32
      %dma_start3A_66 = tpu.memref_slice %arg25[%add3A_17, %dma_start3A_65] : memref<10240x128xf32, #tpu.memory_space<vmem_shared>> -> memref<80x128xf32, #tpu.memory_space<vmem_shared>>
      %dma_start3A_67 = arith.constant 0 : i32
      %dma_start3A_68 = tpu.memref_slice %arg25[%add3A_17, %dma_start3A_67] : memref<10240x128xf32, #tpu.memory_space<vmem_shared>> -> memref<80x128xf32, #tpu.memory_space<vmem_shared>>
      tpu.enqueue_dma source(%arg9 : memref<80x128xf32, #tpu.memory_space<vmem>>) target(%dma_start3A_68 : memref<80x128xf32, #tpu.memory_space<vmem_shared>>) target_semaphore(%run_scoped3A : memref<!tpu.dma_semaphore, #tpu.memory_space<semaphore_mem>>)
      %dma_wait3A_69 = arith.constant 0 : i32
      %dma_wait3A_70 = tpu.memref_slice %arg25[%add3A_17, %dma_wait3A_69] : memref<10240x128xf32, #tpu.memory_space<vmem_shared>> -> memref<80x128xf32, #tpu.memory_space<vmem_shared>>
      %dma_wait3A_71 = arith.constant 0 : i32
      %dma_wait3A_72 = tpu.memref_slice %arg25[%add3A_17, %dma_wait3A_71] : memref<10240x128xf32, #tpu.memory_space<vmem_shared>> -> memref<80x128xf32, #tpu.memory_space<vmem_shared>>
      tpu.wait_dma2 semaphore(%run_scoped3A : memref<!tpu.dma_semaphore, #tpu.memory_space<semaphore_mem>>) src(%arg9 : memref<80x128xf32, #tpu.memory_space<vmem>>) dst(%dma_wait3A_72 : memref<80x128xf32, #tpu.memory_space<vmem_shared>>)
      tpu.yield
    }) : () -> ()
    %add3A_18 = arith.constant 320 : i32
    %add3A_19 = arith.addi %mul3A_9, %add3A_18 : i32
    "tpu.region"() ({
      %run_scoped3A = tpu.sem_alloc : memref<!tpu.dma_semaphore, #tpu.memory_space<semaphore_mem>>
      %dma_start3A_65 = arith.constant 0 : i32
      %dma_start3A_66 = tpu.memref_slice %arg25[%add3A_19, %dma_start3A_65] : memref<10240x128xf32, #tpu.memory_space<vmem_shared>> -> memref<80x128xf32, #tpu.memory_space<vmem_shared>>
      %dma_start3A_67 = arith.constant 0 : i32
      %dma_start3A_68 = tpu.memref_slice %arg25[%add3A_19, %dma_start3A_67] : memref<10240x128xf32, #tpu.memory_space<vmem_shared>> -> memref<80x128xf32, #tpu.memory_space<vmem_shared>>
      tpu.enqueue_dma source(%arg9 : memref<80x128xf32, #tpu.memory_space<vmem>>) target(%dma_start3A_68 : memref<80x128xf32, #tpu.memory_space<vmem_shared>>) target_semaphore(%run_scoped3A : memref<!tpu.dma_semaphore, #tpu.memory_space<semaphore_mem>>)
      %dma_wait3A_69 = arith.constant 0 : i32
      %dma_wait3A_70 = tpu.memref_slice %arg25[%add3A_19, %dma_wait3A_69] : memref<10240x128xf32, #tpu.memory_space<vmem_shared>> -> memref<80x128xf32, #tpu.memory_space<vmem_shared>>
      %dma_wait3A_71 = arith.constant 0 : i32
      %dma_wait3A_72 = tpu.memref_slice %arg25[%add3A_19, %dma_wait3A_71] : memref<10240x128xf32, #tpu.memory_space<vmem_shared>> -> memref<80x128xf32, #tpu.memory_space<vmem_shared>>
      tpu.wait_dma2 semaphore(%run_scoped3A : memref<!tpu.dma_semaphore, #tpu.memory_space<semaphore_mem>>) src(%arg9 : memref<80x128xf32, #tpu.memory_space<vmem>>) dst(%dma_wait3A_72 : memref<80x128xf32, #tpu.memory_space<vmem_shared>>)
      tpu.yield
    }) : () -> ()
    %add3A_20 = arith.constant 400 : i32
    %add3A_21 = arith.addi %mul3A_9, %add3A_20 : i32
    "tpu.region"() ({
      %run_scoped3A = tpu.sem_alloc : memref<!tpu.dma_semaphore, #tpu.memory_space<semaphore_mem>>
      %dma_start3A_65 = arith.constant 0 : i32
      %dma_start3A_66 = tpu.memref_slice %arg25[%add3A_21, %dma_start3A_65] : memref<10240x128xf32, #tpu.memory_space<vmem_shared>> -> memref<80x128xf32, #tpu.memory_space<vmem_shared>>
      %dma_start3A_67 = arith.constant 0 : i32
      %dma_start3A_68 = tpu.memref_slice %arg25[%add3A_21, %dma_start3A_67] : memref<10240x128xf32, #tpu.memory_space<vmem_shared>> -> memref<80x128xf32, #tpu.memory_space<vmem_shared>>
      tpu.enqueue_dma source(%arg9 : memref<80x128xf32, #tpu.memory_space<vmem>>) target(%dma_start3A_68 : memref<80x128xf32, #tpu.memory_space<vmem_shared>>) target_semaphore(%run_scoped3A : memref<!tpu.dma_semaphore, #tpu.memory_space<semaphore_mem>>)
      %dma_wait3A_69 = arith.constant 0 : i32
      %dma_wait3A_70 = tpu.memref_slice %arg25[%add3A_21, %dma_wait3A_69] : memref<10240x128xf32, #tpu.memory_space<vmem_shared>> -> memref<80x128xf32, #tpu.memory_space<vmem_shared>>
      %dma_wait3A_71 = arith.constant 0 : i32
      %dma_wait3A_72 = tpu.memref_slice %arg25[%add3A_21, %dma_wait3A_71] : memref<10240x128xf32, #tpu.memory_space<vmem_shared>> -> memref<80x128xf32, #tpu.memory_space<vmem_shared>>
      tpu.wait_dma2 semaphore(%run_scoped3A : memref<!tpu.dma_semaphore, #tpu.memory_space<semaphore_mem>>) src(%arg9 : memref<80x128xf32, #tpu.memory_space<vmem>>) dst(%dma_wait3A_72 : memref<80x128xf32, #tpu.memory_space<vmem_shared>>)
      tpu.yield
    }) : () -> ()
    %add3A_22 = arith.constant 480 : i32
    %add3A_23 = arith.addi %mul3A_9, %add3A_22 : i32
    "tpu.region"() ({
      %run_scoped3A = tpu.sem_alloc : memref<!tpu.dma_semaphore, #tpu.memory_space<semaphore_mem>>
      %dma_start3A_65 = arith.constant 0 : i32
      %dma_start3A_66 = tpu.memref_slice %arg25[%add3A_23, %dma_start3A_65] : memref<10240x128xf32, #tpu.memory_space<vmem_shared>> -> memref<80x128xf32, #tpu.memory_space<vmem_shared>>
      %dma_start3A_67 = arith.constant 0 : i32
      %dma_start3A_68 = tpu.memref_slice %arg25[%add3A_23, %dma_start3A_67] : memref<10240x128xf32, #tpu.memory_space<vmem_shared>> -> memref<80x128xf32, #tpu.memory_space<vmem_shared>>
      tpu.enqueue_dma source(%arg9 : memref<80x128xf32, #tpu.memory_space<vmem>>) target(%dma_start3A_68 : memref<80x128xf32, #tpu.memory_space<vmem_shared>>) target_semaphore(%run_scoped3A : memref<!tpu.dma_semaphore, #tpu.memory_space<semaphore_mem>>)
      %dma_wait3A_69 = arith.constant 0 : i32
      %dma_wait3A_70 = tpu.memref_slice %arg25[%add3A_23, %dma_wait3A_69] : memref<10240x128xf32, #tpu.memory_space<vmem_shared>> -> memref<80x128xf32, #tpu.memory_space<vmem_shared>>
      %dma_wait3A_71 = arith.constant 0 : i32
      %dma_wait3A_72 = tpu.memref_slice %arg25[%add3A_23, %dma_wait3A_71] : memref<10240x128xf32, #tpu.memory_space<vmem_shared>> -> memref<80x128xf32, #tpu.memory_space<vmem_shared>>
      tpu.wait_dma2 semaphore(%run_scoped3A : memref<!tpu.dma_semaphore, #tpu.memory_space<semaphore_mem>>) src(%arg9 : memref<80x128xf32, #tpu.memory_space<vmem>>) dst(%dma_wait3A_72 : memref<80x128xf32, #tpu.memory_space<vmem_shared>>)
      tpu.yield
    }) : () -> ()
    %add3A_24 = arith.constant 560 : i32
    %add3A_25 = arith.addi %mul3A_9, %add3A_24 : i32
    "tpu.region"() ({
      %run_scoped3A = tpu.sem_alloc : memref<!tpu.dma_semaphore, #tpu.memory_space<semaphore_mem>>
      %dma_start3A_65 = arith.constant 0 : i32
      %dma_start3A_66 = tpu.memref_slice %arg25[%add3A_25, %dma_start3A_65] : memref<10240x128xf32, #tpu.memory_space<vmem_shared>> -> memref<80x128xf32, #tpu.memory_space<vmem_shared>>
      %dma_start3A_67 = arith.constant 0 : i32
      %dma_start3A_68 = tpu.memref_slice %arg25[%add3A_25, %dma_start3A_67] : memref<10240x128xf32, #tpu.memory_space<vmem_shared>> -> memref<80x128xf32, #tpu.memory_space<vmem_shared>>
      tpu.enqueue_dma source(%arg9 : memref<80x128xf32, #tpu.memory_space<vmem>>) target(%dma_start3A_68 : memref<80x128xf32, #tpu.memory_space<vmem_shared>>) target_semaphore(%run_scoped3A : memref<!tpu.dma_semaphore, #tpu.memory_space<semaphore_mem>>)
      %dma_wait3A_69 = arith.constant 0 : i32
      %dma_wait3A_70 = tpu.memref_slice %arg25[%add3A_25, %dma_wait3A_69] : memref<10240x128xf32, #tpu.memory_space<vmem_shared>> -> memref<80x128xf32, #tpu.memory_space<vmem_shared>>
      %dma_wait3A_71 = arith.constant 0 : i32
      %dma_wait3A_72 = tpu.memref_slice %arg25[%add3A_25, %dma_wait3A_71] : memref<10240x128xf32, #tpu.memory_space<vmem_shared>> -> memref<80x128xf32, #tpu.memory_space<vmem_shared>>
      tpu.wait_dma2 semaphore(%run_scoped3A : memref<!tpu.dma_semaphore, #tpu.memory_space<semaphore_mem>>) src(%arg9 : memref<80x128xf32, #tpu.memory_space<vmem>>) dst(%dma_wait3A_72 : memref<80x128xf32, #tpu.memory_space<vmem_shared>>)
      tpu.yield
    }) : () -> ()
    %barrier3A = arith.constant 0 : index
    tpu.barrier barrier_id(%barrier3A)
    %add3A_26 = arith.constant 0 : i32
    %add3A_27 = arith.addi %mul3A_2, %add3A_26 : i32
    %dma_start3A = tpu.memref_slice %arg3[%add3A_27] : memref<192000xi32, #tpu.memory_space<hbm>> -> memref<80xi32, #tpu.memory_space<hbm>>
    %dma_start3A_28 = tpu.memref_slice %arg3[%add3A_27] : memref<192000xi32, #tpu.memory_space<hbm>> -> memref<80xi32, #tpu.memory_space<hbm>>
    tpu.enqueue_dma source(%dma_start3A_28 : memref<80xi32, #tpu.memory_space<hbm>>) target(%arg5 : memref<80xi32, #tpu.memory_space<vmem>>) target_semaphore(%arg13 : memref<!tpu.dma_semaphore, #tpu.memory_space<semaphore_mem>>)
    %dma_start3A_29 = arith.constant 0 : i32
    %dma_start3A_30 = tpu.memref_slice %arg2[%add3A_27, %dma_start3A_29] : memref<192000x128xf32, #tpu.memory_space<hbm>> -> memref<80x128xf32, #tpu.memory_space<hbm>>
    %dma_start3A_31 = arith.constant 0 : i32
    %dma_start3A_32 = tpu.memref_slice %arg2[%add3A_27, %dma_start3A_31] : memref<192000x128xf32, #tpu.memory_space<hbm>> -> memref<80x128xf32, #tpu.memory_space<hbm>>
    tpu.enqueue_dma source(%dma_start3A_32 : memref<80x128xf32, #tpu.memory_space<hbm>>) target(%arg9 : memref<80x128xf32, #tpu.memory_space<vmem>>) target_semaphore(%arg17 : memref<!tpu.dma_semaphore, #tpu.memory_space<semaphore_mem>>)
    %add3A_33 = arith.constant 80 : i32
    %add3A_34 = arith.addi %mul3A_2, %add3A_33 : i32
    %dma_start3A_35 = tpu.memref_slice %arg3[%add3A_34] : memref<192000xi32, #tpu.memory_space<hbm>> -> memref<80xi32, #tpu.memory_space<hbm>>
    %dma_start3A_36 = tpu.memref_slice %arg3[%add3A_34] : memref<192000xi32, #tpu.memory_space<hbm>> -> memref<80xi32, #tpu.memory_space<hbm>>
    tpu.enqueue_dma source(%dma_start3A_36 : memref<80xi32, #tpu.memory_space<hbm>>) target(%arg6 : memref<80xi32, #tpu.memory_space<vmem>>) target_semaphore(%arg14 : memref<!tpu.dma_semaphore, #tpu.memory_space<semaphore_mem>>)
    %dma_start3A_37 = arith.constant 0 : i32
    %dma_start3A_38 = tpu.memref_slice %arg2[%add3A_34, %dma_start3A_37] : memref<192000x128xf32, #tpu.memory_space<hbm>> -> memref<80x128xf32, #tpu.memory_space<hbm>>
    %dma_start3A_39 = arith.constant 0 : i32
    %dma_start3A_40 = tpu.memref_slice %arg2[%add3A_34, %dma_start3A_39] : memref<192000x128xf32, #tpu.memory_space<hbm>> -> memref<80x128xf32, #tpu.memory_space<hbm>>
    tpu.enqueue_dma source(%dma_start3A_40 : memref<80x128xf32, #tpu.memory_space<hbm>>) target(%arg10 : memref<80x128xf32, #tpu.memory_space<vmem>>) target_semaphore(%arg18 : memref<!tpu.dma_semaphore, #tpu.memory_space<semaphore_mem>>)
    %scan3A_41 = arith.constant 0 : i32
    %scan3A_42 = arith.constant 0 : i32
    %scan3A_43 = arith.constant 19 : i32
    %scan3A_44 = arith.addi %scan3A_42, %scan3A_43 : i32
    %scan3A_45 = arith.constant 1 : i32
    scf.for %scan3A_65 = %scan3A_42 to %scan3A_44 step %scan3A_45  : i32 {
      %mul3A_66 = arith.constant 4 : i32
      %mul3A_67 = arith.muli %scan3A_65, %mul3A_66 : i32
      %add3A_68 = arith.constant 0 : i32
      %add3A_69 = arith.addi %mul3A_67, %add3A_68 : i32
      %lt3A_70 = arith.constant 75 : i32
      %lt3A_71 = arith.cmpi slt, %add3A_69, %lt3A_70 : i32
      %convert_element_type3A_72 = arith.extui %lt3A_71 : i1 to i32
      %cond3A_73 = arith.constant 0 : i32
      %cond3A_74 = arith.cmpi ne, %convert_element_type3A_72, %cond3A_73 : i32
      scf.if %cond3A_74 {
        %dma_wait3A_102 = arith.constant 0 : i32
        %dma_wait3A_103 = tpu.memref_slice %arg3[%dma_wait3A_102] : memref<192000xi32, #tpu.memory_space<hbm>> -> memref<80xi32, #tpu.memory_space<hbm>>
        %dma_wait3A_104 = arith.constant 0 : i32
        %dma_wait3A_105 = tpu.memref_slice %arg3[%dma_wait3A_104] : memref<192000xi32, #tpu.memory_space<hbm>> -> memref<80xi32, #tpu.memory_space<hbm>>
        tpu.wait_dma2 semaphore(%arg13 : memref<!tpu.dma_semaphore, #tpu.memory_space<semaphore_mem>>) src(%dma_wait3A_105 : memref<80xi32, #tpu.memory_space<hbm>>) dst(%arg5 : memref<80xi32, #tpu.memory_space<vmem>>)
        %dma_wait3A_106 = arith.constant 0 : i32
        %dma_wait3A_107 = arith.constant 0 : i32
        %dma_wait3A_108 = tpu.memref_slice %arg2[%dma_wait3A_106, %dma_wait3A_107] : memref<192000x128xf32, #tpu.memory_space<hbm>> -> memref<80x128xf32, #tpu.memory_space<hbm>>
        %dma_wait3A_109 = arith.constant 0 : i32
        %dma_wait3A_110 = arith.constant 0 : i32
        %dma_wait3A_111 = tpu.memref_slice %arg2[%dma_wait3A_109, %dma_wait3A_110] : memref<192000x128xf32, #tpu.memory_space<hbm>> -> memref<80x128xf32, #tpu.memory_space<hbm>>
        tpu.wait_dma2 semaphore(%arg17 : memref<!tpu.dma_semaphore, #tpu.memory_space<semaphore_mem>>) src(%dma_wait3A_111 : memref<80x128xf32, #tpu.memory_space<hbm>>) dst(%arg9 : memref<80x128xf32, #tpu.memory_space<vmem>>)
        %dma_start3A_112 = arith.constant 0 : i32
        %dma_start3A_113 = arith.constant 0 : i32
        %dma_start3A_114 = tpu.memref_slice %arg25[%dma_start3A_112, %dma_start3A_113] : memref<10240x128xf32, #tpu.memory_space<vmem_shared>> -> memref<10240x128xf32, #tpu.memory_space<vmem_shared>>
        tpu.enqueue_indirect_dma source(%arg9 : memref<80x128xf32, #tpu.memory_space<vmem>>) target(%dma_start3A_114 : memref<10240x128xf32, #tpu.memory_space<vmem_shared>>) offsets(%arg5 : memref<80xi32, #tpu.memory_space<vmem>>) semaphore(%arg21 : memref<!tpu.dma_semaphore, #tpu.memory_space<semaphore_mem>>) {add = true}
        %add3A_115 = arith.constant 2 : i32
        %add3A_116 = arith.addi %add3A_69, %add3A_115 : i32
        %lt3A_117 = arith.constant 75 : i32
        %lt3A_118 = arith.cmpi slt, %add3A_116, %lt3A_117 : i32
        %convert_element_type3A_119 = arith.extui %lt3A_118 : i1 to i32
        %cond3A_120 = arith.constant 0 : i32
        %cond3A_121 = arith.cmpi ne, %convert_element_type3A_119, %cond3A_120 : i32
        scf.if %cond3A_121 {
          %ge3A = arith.constant 2 : i32
          %ge3A_122 = arith.cmpi sge, %add3A_69, %ge3A : i32
          %convert_element_type3A_123 = arith.extui %ge3A_122 : i1 to i32
          %cond3A_124 = arith.constant 0 : i32
          %cond3A_125 = arith.cmpi ne, %convert_element_type3A_123, %cond3A_124 : i32
          scf.if %cond3A_125 {
            %dma_wait3A_135 = arith.constant 0 : i32
            %dma_wait3A_136 = arith.constant 0 : i32
            %dma_wait3A_137 = tpu.memref_slice %arg25[%dma_wait3A_135, %dma_wait3A_136] : memref<10240x128xf32, #tpu.memory_space<vmem_shared>> -> memref<10240x128xf32, #tpu.memory_space<vmem_shared>>
            tpu.wait_indirect_dma semaphore(%arg23 : memref<!tpu.dma_semaphore, #tpu.memory_space<semaphore_mem>>) src(%arg11 : memref<80x128xf32, #tpu.memory_space<vmem>>) dst(%dma_wait3A_137 : memref<10240x128xf32, #tpu.memory_space<vmem_shared>>)
          } else {
          }
          %mul3A_126 = arith.constant 80 : i32
          %mul3A_127 = arith.muli %add3A_116, %mul3A_126 : i32
          %add3A_128 = arith.addi %mul3A_2, %mul3A_127 : i32
          %dma_start3A_129 = tpu.memref_slice %arg3[%add3A_128] : memref<192000xi32, #tpu.memory_space<hbm>> -> memref<80xi32, #tpu.memory_space<hbm>>
          %dma_start3A_130 = tpu.memref_slice %arg3[%add3A_128] : memref<192000xi32, #tpu.memory_space<hbm>> -> memref<80xi32, #tpu.memory_space<hbm>>
          tpu.enqueue_dma source(%dma_start3A_130 : memref<80xi32, #tpu.memory_space<hbm>>) target(%arg7 : memref<80xi32, #tpu.memory_space<vmem>>) target_semaphore(%arg15 : memref<!tpu.dma_semaphore, #tpu.memory_space<semaphore_mem>>)
          %dma_start3A_131 = arith.constant 0 : i32
          %dma_start3A_132 = tpu.memref_slice %arg2[%add3A_128, %dma_start3A_131] : memref<192000x128xf32, #tpu.memory_space<hbm>> -> memref<80x128xf32, #tpu.memory_space<hbm>>
          %dma_start3A_133 = arith.constant 0 : i32
          %dma_start3A_134 = tpu.memref_slice %arg2[%add3A_128, %dma_start3A_133] : memref<192000x128xf32, #tpu.memory_space<hbm>> -> memref<80x128xf32, #tpu.memory_space<hbm>>
          tpu.enqueue_dma source(%dma_start3A_134 : memref<80x128xf32, #tpu.memory_space<hbm>>) target(%arg11 : memref<80x128xf32, #tpu.memory_space<vmem>>) target_semaphore(%arg19 : memref<!tpu.dma_semaphore, #tpu.memory_space<semaphore_mem>>)
        } else {
        }
      } else {
      }
      %mul3A_75 = arith.constant 4 : i32
      %mul3A_76 = arith.muli %scan3A_65, %mul3A_75 : i32
      %add3A_77 = arith.constant 1 : i32
      %add3A_78 = arith.addi %mul3A_76, %add3A_77 : i32
      %lt3A_79 = arith.constant 75 : i32
      %lt3A_80 = arith.cmpi slt, %add3A_78, %lt3A_79 : i32
      %convert_element_type3A_81 = arith.extui %lt3A_80 : i1 to i32
      %cond3A_82 = arith.constant 0 : i32
      %cond3A_83 = arith.cmpi ne, %convert_element_type3A_81, %cond3A_82 : i32
      scf.if %cond3A_83 {
        %dma_wait3A_102 = arith.constant 0 : i32
        %dma_wait3A_103 = tpu.memref_slice %arg3[%dma_wait3A_102] : memref<192000xi32, #tpu.memory_space<hbm>> -> memref<80xi32, #tpu.memory_space<hbm>>
        %dma_wait3A_104 = arith.constant 0 : i32
        %dma_wait3A_105 = tpu.memref_slice %arg3[%dma_wait3A_104] : memref<192000xi32, #tpu.memory_space<hbm>> -> memref<80xi32, #tpu.memory_space<hbm>>
        tpu.wait_dma2 semaphore(%arg14 : memref<!tpu.dma_semaphore, #tpu.memory_space<semaphore_mem>>) src(%dma_wait3A_105 : memref<80xi32, #tpu.memory_space<hbm>>) dst(%arg6 : memref<80xi32, #tpu.memory_space<vmem>>)
        %dma_wait3A_106 = arith.constant 0 : i32
        %dma_wait3A_107 = arith.constant 0 : i32
        %dma_wait3A_108 = tpu.memref_slice %arg2[%dma_wait3A_106, %dma_wait3A_107] : memref<192000x128xf32, #tpu.memory_space<hbm>> -> memref<80x128xf32, #tpu.memory_space<hbm>>
        %dma_wait3A_109 = arith.constant 0 : i32
        %dma_wait3A_110 = arith.constant 0 : i32
        %dma_wait3A_111 = tpu.memref_slice %arg2[%dma_wait3A_109, %dma_wait3A_110] : memref<192000x128xf32, #tpu.memory_space<hbm>> -> memref<80x128xf32, #tpu.memory_space<hbm>>
        tpu.wait_dma2 semaphore(%arg18 : memref<!tpu.dma_semaphore, #tpu.memory_space<semaphore_mem>>) src(%dma_wait3A_111 : memref<80x128xf32, #tpu.memory_space<hbm>>) dst(%arg10 : memref<80x128xf32, #tpu.memory_space<vmem>>)
        %dma_start3A_112 = arith.constant 0 : i32
        %dma_start3A_113 = arith.constant 0 : i32
        %dma_start3A_114 = tpu.memref_slice %arg25[%dma_start3A_112, %dma_start3A_113] : memref<10240x128xf32, #tpu.memory_space<vmem_shared>> -> memref<10240x128xf32, #tpu.memory_space<vmem_shared>>
        tpu.enqueue_indirect_dma source(%arg10 : memref<80x128xf32, #tpu.memory_space<vmem>>) target(%dma_start3A_114 : memref<10240x128xf32, #tpu.memory_space<vmem_shared>>) offsets(%arg6 : memref<80xi32, #tpu.memory_space<vmem>>) semaphore(%arg22 : memref<!tpu.dma_semaphore, #tpu.memory_space<semaphore_mem>>) {add = true}
        %add3A_115 = arith.constant 2 : i32
        %add3A_116 = arith.addi %add3A_78, %add3A_115 : i32
        %lt3A_117 = arith.constant 75 : i32
        %lt3A_118 = arith.cmpi slt, %add3A_116, %lt3A_117 : i32
        %convert_element_type3A_119 = arith.extui %lt3A_118 : i1 to i32
        %cond3A_120 = arith.constant 0 : i32
        %cond3A_121 = arith.cmpi ne, %convert_element_type3A_119, %cond3A_120 : i32
        scf.if %cond3A_121 {
          %ge3A = arith.constant 2 : i32
          %ge3A_122 = arith.cmpi sge, %add3A_78, %ge3A : i32
          %convert_element_type3A_123 = arith.extui %ge3A_122 : i1 to i32
          %cond3A_124 = arith.constant 0 : i32
          %cond3A_125 = arith.cmpi ne, %convert_element_type3A_123, %cond3A_124 : i32
          scf.if %cond3A_125 {
            %dma_wait3A_135 = arith.constant 0 : i32
            %dma_wait3A_136 = arith.constant 0 : i32
            %dma_wait3A_137 = tpu.memref_slice %arg25[%dma_wait3A_135, %dma_wait3A_136] : memref<10240x128xf32, #tpu.memory_space<vmem_shared>> -> memref<10240x128xf32, #tpu.memory_space<vmem_shared>>
            tpu.wait_indirect_dma semaphore(%arg24 : memref<!tpu.dma_semaphore, #tpu.memory_space<semaphore_mem>>) src(%arg12 : memref<80x128xf32, #tpu.memory_space<vmem>>) dst(%dma_wait3A_137 : memref<10240x128xf32, #tpu.memory_space<vmem_shared>>)
          } else {
          }
          %mul3A_126 = arith.constant 80 : i32
          %mul3A_127 = arith.muli %add3A_116, %mul3A_126 : i32
          %add3A_128 = arith.addi %mul3A_2, %mul3A_127 : i32
          %dma_start3A_129 = tpu.memref_slice %arg3[%add3A_128] : memref<192000xi32, #tpu.memory_space<hbm>> -> memref<80xi32, #tpu.memory_space<hbm>>
          %dma_start3A_130 = tpu.memref_slice %arg3[%add3A_128] : memref<192000xi32, #tpu.memory_space<hbm>> -> memref<80xi32, #tpu.memory_space<hbm>>
          tpu.enqueue_dma source(%dma_start3A_130 : memref<80xi32, #tpu.memory_space<hbm>>) target(%arg8 : memref<80xi32, #tpu.memory_space<vmem>>) target_semaphore(%arg16 : memref<!tpu.dma_semaphore, #tpu.memory_space<semaphore_mem>>)
          %dma_start3A_131 = arith.constant 0 : i32
          %dma_start3A_132 = tpu.memref_slice %arg2[%add3A_128, %dma_start3A_131] : memref<192000x128xf32, #tpu.memory_space<hbm>> -> memref<80x128xf32, #tpu.memory_space<hbm>>
          %dma_start3A_133 = arith.constant 0 : i32
          %dma_start3A_134 = tpu.memref_slice %arg2[%add3A_128, %dma_start3A_133] : memref<192000x128xf32, #tpu.memory_space<hbm>> -> memref<80x128xf32, #tpu.memory_space<hbm>>
          tpu.enqueue_dma source(%dma_start3A_134 : memref<80x128xf32, #tpu.memory_space<hbm>>) target(%arg12 : memref<80x128xf32, #tpu.memory_space<vmem>>) target_semaphore(%arg20 : memref<!tpu.dma_semaphore, #tpu.memory_space<semaphore_mem>>)
        } else {
        }
      } else {
      }
      %mul3A_84 = arith.constant 4 : i32
      %mul3A_85 = arith.muli %scan3A_65, %mul3A_84 : i32
      %add3A_86 = arith.constant 2 : i32
      %add3A_87 = arith.addi %mul3A_85, %add3A_86 : i32
      %lt3A_88 = arith.constant 75 : i32
      %lt3A_89 = arith.cmpi slt, %add3A_87, %lt3A_88 : i32
      %convert_element_type3A_90 = arith.extui %lt3A_89 : i1 to i32
      %cond3A_91 = arith.constant 0 : i32
      %cond3A_92 = arith.cmpi ne, %convert_element_type3A_90, %cond3A_91 : i32
      scf.if %cond3A_92 {
        %dma_wait3A_102 = arith.constant 0 : i32
        %dma_wait3A_103 = tpu.memref_slice %arg3[%dma_wait3A_102] : memref<192000xi32, #tpu.memory_space<hbm>> -> memref<80xi32, #tpu.memory_space<hbm>>
        %dma_wait3A_104 = arith.constant 0 : i32
        %dma_wait3A_105 = tpu.memref_slice %arg3[%dma_wait3A_104] : memref<192000xi32, #tpu.memory_space<hbm>> -> memref<80xi32, #tpu.memory_space<hbm>>
        tpu.wait_dma2 semaphore(%arg15 : memref<!tpu.dma_semaphore, #tpu.memory_space<semaphore_mem>>) src(%dma_wait3A_105 : memref<80xi32, #tpu.memory_space<hbm>>) dst(%arg7 : memref<80xi32, #tpu.memory_space<vmem>>)
        %dma_wait3A_106 = arith.constant 0 : i32
        %dma_wait3A_107 = arith.constant 0 : i32
        %dma_wait3A_108 = tpu.memref_slice %arg2[%dma_wait3A_106, %dma_wait3A_107] : memref<192000x128xf32, #tpu.memory_space<hbm>> -> memref<80x128xf32, #tpu.memory_space<hbm>>
        %dma_wait3A_109 = arith.constant 0 : i32
        %dma_wait3A_110 = arith.constant 0 : i32
        %dma_wait3A_111 = tpu.memref_slice %arg2[%dma_wait3A_109, %dma_wait3A_110] : memref<192000x128xf32, #tpu.memory_space<hbm>> -> memref<80x128xf32, #tpu.memory_space<hbm>>
        tpu.wait_dma2 semaphore(%arg19 : memref<!tpu.dma_semaphore, #tpu.memory_space<semaphore_mem>>) src(%dma_wait3A_111 : memref<80x128xf32, #tpu.memory_space<hbm>>) dst(%arg11 : memref<80x128xf32, #tpu.memory_space<vmem>>)
        %dma_start3A_112 = arith.constant 0 : i32
        %dma_start3A_113 = arith.constant 0 : i32
        %dma_start3A_114 = tpu.memref_slice %arg25[%dma_start3A_112, %dma_start3A_113] : memref<10240x128xf32, #tpu.memory_space<vmem_shared>> -> memref<10240x128xf32, #tpu.memory_space<vmem_shared>>
        tpu.enqueue_indirect_dma source(%arg11 : memref<80x128xf32, #tpu.memory_space<vmem>>) target(%dma_start3A_114 : memref<10240x128xf32, #tpu.memory_space<vmem_shared>>) offsets(%arg7 : memref<80xi32, #tpu.memory_space<vmem>>) semaphore(%arg23 : memref<!tpu.dma_semaphore, #tpu.memory_space<semaphore_mem>>) {add = true}
        %add3A_115 = arith.constant 2 : i32
        %add3A_116 = arith.addi %add3A_87, %add3A_115 : i32
        %lt3A_117 = arith.constant 75 : i32
        %lt3A_118 = arith.cmpi slt, %add3A_116, %lt3A_117 : i32
        %convert_element_type3A_119 = arith.extui %lt3A_118 : i1 to i32
        %cond3A_120 = arith.constant 0 : i32
        %cond3A_121 = arith.cmpi ne, %convert_element_type3A_119, %cond3A_120 : i32
        scf.if %cond3A_121 {
          %ge3A = arith.constant 2 : i32
          %ge3A_122 = arith.cmpi sge, %add3A_87, %ge3A : i32
          %convert_element_type3A_123 = arith.extui %ge3A_122 : i1 to i32
          %cond3A_124 = arith.constant 0 : i32
          %cond3A_125 = arith.cmpi ne, %convert_element_type3A_123, %cond3A_124 : i32
          scf.if %cond3A_125 {
            %dma_wait3A_135 = arith.constant 0 : i32
            %dma_wait3A_136 = arith.constant 0 : i32
            %dma_wait3A_137 = tpu.memref_slice %arg25[%dma_wait3A_135, %dma_wait3A_136] : memref<10240x128xf32, #tpu.memory_space<vmem_shared>> -> memref<10240x128xf32, #tpu.memory_space<vmem_shared>>
            tpu.wait_indirect_dma semaphore(%arg21 : memref<!tpu.dma_semaphore, #tpu.memory_space<semaphore_mem>>) src(%arg9 : memref<80x128xf32, #tpu.memory_space<vmem>>) dst(%dma_wait3A_137 : memref<10240x128xf32, #tpu.memory_space<vmem_shared>>)
          } else {
          }
          %mul3A_126 = arith.constant 80 : i32
          %mul3A_127 = arith.muli %add3A_116, %mul3A_126 : i32
          %add3A_128 = arith.addi %mul3A_2, %mul3A_127 : i32
          %dma_start3A_129 = tpu.memref_slice %arg3[%add3A_128] : memref<192000xi32, #tpu.memory_space<hbm>> -> memref<80xi32, #tpu.memory_space<hbm>>
          %dma_start3A_130 = tpu.memref_slice %arg3[%add3A_128] : memref<192000xi32, #tpu.memory_space<hbm>> -> memref<80xi32, #tpu.memory_space<hbm>>
          tpu.enqueue_dma source(%dma_start3A_130 : memref<80xi32, #tpu.memory_space<hbm>>) target(%arg5 : memref<80xi32, #tpu.memory_space<vmem>>) target_semaphore(%arg13 : memref<!tpu.dma_semaphore, #tpu.memory_space<semaphore_mem>>)
          %dma_start3A_131 = arith.constant 0 : i32
          %dma_start3A_132 = tpu.memref_slice %arg2[%add3A_128, %dma_start3A_131] : memref<192000x128xf32, #tpu.memory_space<hbm>> -> memref<80x128xf32, #tpu.memory_space<hbm>>
          %dma_start3A_133 = arith.constant 0 : i32
          %dma_start3A_134 = tpu.memref_slice %arg2[%add3A_128, %dma_start3A_133] : memref<192000x128xf32, #tpu.memory_space<hbm>> -> memref<80x128xf32, #tpu.memory_space<hbm>>
          tpu.enqueue_dma source(%dma_start3A_134 : memref<80x128xf32, #tpu.memory_space<hbm>>) target(%arg9 : memref<80x128xf32, #tpu.memory_space<vmem>>) target_semaphore(%arg17 : memref<!tpu.dma_semaphore, #tpu.memory_space<semaphore_mem>>)
        } else {
        }
      } else {
      }
      %mul3A_93 = arith.constant 4 : i32
      %mul3A_94 = arith.muli %scan3A_65, %mul3A_93 : i32
      %add3A_95 = arith.constant 3 : i32
      %add3A_96 = arith.addi %mul3A_94, %add3A_95 : i32
      %lt3A_97 = arith.constant 75 : i32
      %lt3A_98 = arith.cmpi slt, %add3A_96, %lt3A_97 : i32
      %convert_element_type3A_99 = arith.extui %lt3A_98 : i1 to i32
      %cond3A_100 = arith.constant 0 : i32
      %cond3A_101 = arith.cmpi ne, %convert_element_type3A_99, %cond3A_100 : i32
      scf.if %cond3A_101 {
        %dma_wait3A_102 = arith.constant 0 : i32
        %dma_wait3A_103 = tpu.memref_slice %arg3[%dma_wait3A_102] : memref<192000xi32, #tpu.memory_space<hbm>> -> memref<80xi32, #tpu.memory_space<hbm>>
        %dma_wait3A_104 = arith.constant 0 : i32
        %dma_wait3A_105 = tpu.memref_slice %arg3[%dma_wait3A_104] : memref<192000xi32, #tpu.memory_space<hbm>> -> memref<80xi32, #tpu.memory_space<hbm>>
        tpu.wait_dma2 semaphore(%arg16 : memref<!tpu.dma_semaphore, #tpu.memory_space<semaphore_mem>>) src(%dma_wait3A_105 : memref<80xi32, #tpu.memory_space<hbm>>) dst(%arg8 : memref<80xi32, #tpu.memory_space<vmem>>)
        %dma_wait3A_106 = arith.constant 0 : i32
        %dma_wait3A_107 = arith.constant 0 : i32
        %dma_wait3A_108 = tpu.memref_slice %arg2[%dma_wait3A_106, %dma_wait3A_107] : memref<192000x128xf32, #tpu.memory_space<hbm>> -> memref<80x128xf32, #tpu.memory_space<hbm>>
        %dma_wait3A_109 = arith.constant 0 : i32
        %dma_wait3A_110 = arith.constant 0 : i32
        %dma_wait3A_111 = tpu.memref_slice %arg2[%dma_wait3A_109, %dma_wait3A_110] : memref<192000x128xf32, #tpu.memory_space<hbm>> -> memref<80x128xf32, #tpu.memory_space<hbm>>
        tpu.wait_dma2 semaphore(%arg20 : memref<!tpu.dma_semaphore, #tpu.memory_space<semaphore_mem>>) src(%dma_wait3A_111 : memref<80x128xf32, #tpu.memory_space<hbm>>) dst(%arg12 : memref<80x128xf32, #tpu.memory_space<vmem>>)
        %dma_start3A_112 = arith.constant 0 : i32
        %dma_start3A_113 = arith.constant 0 : i32
        %dma_start3A_114 = tpu.memref_slice %arg25[%dma_start3A_112, %dma_start3A_113] : memref<10240x128xf32, #tpu.memory_space<vmem_shared>> -> memref<10240x128xf32, #tpu.memory_space<vmem_shared>>
        tpu.enqueue_indirect_dma source(%arg12 : memref<80x128xf32, #tpu.memory_space<vmem>>) target(%dma_start3A_114 : memref<10240x128xf32, #tpu.memory_space<vmem_shared>>) offsets(%arg8 : memref<80xi32, #tpu.memory_space<vmem>>) semaphore(%arg24 : memref<!tpu.dma_semaphore, #tpu.memory_space<semaphore_mem>>) {add = true}
        %add3A_115 = arith.constant 2 : i32
        %add3A_116 = arith.addi %add3A_96, %add3A_115 : i32
        %lt3A_117 = arith.constant 75 : i32
        %lt3A_118 = arith.cmpi slt, %add3A_116, %lt3A_117 : i32
        %convert_element_type3A_119 = arith.extui %lt3A_118 : i1 to i32
        %cond3A_120 = arith.constant 0 : i32
        %cond3A_121 = arith.cmpi ne, %convert_element_type3A_119, %cond3A_120 : i32
        scf.if %cond3A_121 {
          %ge3A = arith.constant 2 : i32
          %ge3A_122 = arith.cmpi sge, %add3A_96, %ge3A : i32
          %convert_element_type3A_123 = arith.extui %ge3A_122 : i1 to i32
          %cond3A_124 = arith.constant 0 : i32
          %cond3A_125 = arith.cmpi ne, %convert_element_type3A_123, %cond3A_124 : i32
          scf.if %cond3A_125 {
            %dma_wait3A_135 = arith.constant 0 : i32
            %dma_wait3A_136 = arith.constant 0 : i32
            %dma_wait3A_137 = tpu.memref_slice %arg25[%dma_wait3A_135, %dma_wait3A_136] : memref<10240x128xf32, #tpu.memory_space<vmem_shared>> -> memref<10240x128xf32, #tpu.memory_space<vmem_shared>>
            tpu.wait_indirect_dma semaphore(%arg22 : memref<!tpu.dma_semaphore, #tpu.memory_space<semaphore_mem>>) src(%arg10 : memref<80x128xf32, #tpu.memory_space<vmem>>) dst(%dma_wait3A_137 : memref<10240x128xf32, #tpu.memory_space<vmem_shared>>)
          } else {
          }
          %mul3A_126 = arith.constant 80 : i32
          %mul3A_127 = arith.muli %add3A_116, %mul3A_126 : i32
          %add3A_128 = arith.addi %mul3A_2, %mul3A_127 : i32
          %dma_start3A_129 = tpu.memref_slice %arg3[%add3A_128] : memref<192000xi32, #tpu.memory_space<hbm>> -> memref<80xi32, #tpu.memory_space<hbm>>
          %dma_start3A_130 = tpu.memref_slice %arg3[%add3A_128] : memref<192000xi32, #tpu.memory_space<hbm>> -> memref<80xi32, #tpu.memory_space<hbm>>
          tpu.enqueue_dma source(%dma_start3A_130 : memref<80xi32, #tpu.memory_space<hbm>>) target(%arg6 : memref<80xi32, #tpu.memory_space<vmem>>) target_semaphore(%arg14 : memref<!tpu.dma_semaphore, #tpu.memory_space<semaphore_mem>>)
          %dma_start3A_131 = arith.constant 0 : i32
          %dma_start3A_132 = tpu.memref_slice %arg2[%add3A_128, %dma_start3A_131] : memref<192000x128xf32, #tpu.memory_space<hbm>> -> memref<80x128xf32, #tpu.memory_space<hbm>>
          %dma_start3A_133 = arith.constant 0 : i32
          %dma_start3A_134 = tpu.memref_slice %arg2[%add3A_128, %dma_start3A_133] : memref<192000x128xf32, #tpu.memory_space<hbm>> -> memref<80x128xf32, #tpu.memory_space<hbm>>
          tpu.enqueue_dma source(%dma_start3A_134 : memref<80x128xf32, #tpu.memory_space<hbm>>) target(%arg10 : memref<80x128xf32, #tpu.memory_space<vmem>>) target_semaphore(%arg18 : memref<!tpu.dma_semaphore, #tpu.memory_space<semaphore_mem>>)
        } else {
        }
      } else {
      }
    }
    %scan3A_46 = arith.constant 19 : i32
    %dma_wait3A = arith.constant 0 : i32
    %dma_wait3A_47 = arith.constant 0 : i32
    %dma_wait3A_48 = tpu.memref_slice %arg25[%dma_wait3A, %dma_wait3A_47] : memref<10240x128xf32, #tpu.memory_space<vmem_shared>> -> memref<10240x128xf32, #tpu.memory_space<vmem_shared>>
    tpu.wait_indirect_dma semaphore(%arg21 : memref<!tpu.dma_semaphore, #tpu.memory_space<semaphore_mem>>) src(%arg9 : memref<80x128xf32, #tpu.memory_space<vmem>>) dst(%dma_wait3A_48 : memref<10240x128xf32, #tpu.memory_space<vmem_shared>>)
    %dma_wait3A_49 = arith.constant 0 : i32
    %dma_wait3A_50 = arith.constant 0 : i32
    %dma_wait3A_51 = tpu.memref_slice %arg25[%dma_wait3A_49, %dma_wait3A_50] : memref<10240x128xf32, #tpu.memory_space<vmem_shared>> -> memref<10240x128xf32, #tpu.memory_space<vmem_shared>>
    tpu.wait_indirect_dma semaphore(%arg22 : memref<!tpu.dma_semaphore, #tpu.memory_space<semaphore_mem>>) src(%arg10 : memref<80x128xf32, #tpu.memory_space<vmem>>) dst(%dma_wait3A_51 : memref<10240x128xf32, #tpu.memory_space<vmem_shared>>)
    %dma_wait3A_52 = arith.constant 0 : i32
    %dma_wait3A_53 = arith.constant 0 : i32
    %dma_wait3A_54 = tpu.memref_slice %arg25[%dma_wait3A_52, %dma_wait3A_53] : memref<10240x128xf32, #tpu.memory_space<vmem_shared>> -> memref<10240x128xf32, #tpu.memory_space<vmem_shared>>
    tpu.wait_indirect_dma semaphore(%arg23 : memref<!tpu.dma_semaphore, #tpu.memory_space<semaphore_mem>>) src(%arg11 : memref<80x128xf32, #tpu.memory_space<vmem>>) dst(%dma_wait3A_54 : memref<10240x128xf32, #tpu.memory_space<vmem_shared>>)
    %dma_wait3A_55 = arith.constant 0 : i32
    %dma_wait3A_56 = arith.constant 0 : i32
    %dma_wait3A_57 = tpu.memref_slice %arg25[%dma_wait3A_55, %dma_wait3A_56] : memref<10240x128xf32, #tpu.memory_space<vmem_shared>> -> memref<10240x128xf32, #tpu.memory_space<vmem_shared>>
    tpu.wait_indirect_dma semaphore(%arg24 : memref<!tpu.dma_semaphore, #tpu.memory_space<semaphore_mem>>) src(%arg12 : memref<80x128xf32, #tpu.memory_space<vmem>>) dst(%dma_wait3A_57 : memref<10240x128xf32, #tpu.memory_space<vmem_shared>>)
    %barrier3A_58 = arith.constant 0 : index
    tpu.barrier barrier_id(%barrier3A_58)
    %lt3A = arith.constant 15 : i32
    %lt3A_59 = arith.cmpi slt, %arg1, %lt3A : i32
    %convert_element_type3A = arith.extui %lt3A_59 : i1 to i32
    %cond3A = arith.constant 0 : i32
    %cond3A_60 = arith.cmpi ne, %convert_element_type3A, %cond3A : i32
    scf.if %cond3A_60 {
      "tpu.region"() ({
        %run_scoped3A = tpu.sem_alloc : memref<!tpu.dma_semaphore, #tpu.memory_space<semaphore_mem>>
        %dma_start3A_65 = arith.constant 0 : i32
        %dma_start3A_66 = tpu.memref_slice %arg4[%arg0, %mul3A_9, %dma_start3A_65] : memref<2x10000x128xf32, #tpu.memory_space<hbm>> -> memref<1x640x128xf32, #tpu.memory_space<hbm>>
        %dma_start3A_67 = tpu.memref_squeeze %dma_start3A_66 : memref<1x640x128xf32, #tpu.memory_space<hbm>> -> memref<640x128xf32, #tpu.memory_space<hbm>>
        %dma_start3A_68 = arith.constant 0 : i32
        %dma_start3A_69 = tpu.memref_slice %arg25[%mul3A_9, %dma_start3A_68] : memref<10240x128xf32, #tpu.memory_space<vmem_shared>> -> memref<640x128xf32, #tpu.memory_space<vmem_shared>>
        tpu.enqueue_dma source(%dma_start3A_69 : memref<640x128xf32, #tpu.memory_space<vmem_shared>>) target(%dma_start3A_67 : memref<640x128xf32, #tpu.memory_space<hbm>>) target_semaphore(%run_scoped3A : memref<!tpu.dma_semaphore, #tpu.memory_space<semaphore_mem>>)
        %dma_wait3A_70 = arith.constant 0 : i32
        %dma_wait3A_71 = tpu.memref_slice %arg4[%arg0, %mul3A_9, %dma_wait3A_70] : memref<2x10000x128xf32, #tpu.memory_space<hbm>> -> memref<1x640x128xf32, #tpu.memory_space<hbm>>
        %dma_wait3A_72 = tpu.memref_squeeze %dma_wait3A_71 : memref<1x640x128xf32, #tpu.memory_space<hbm>> -> memref<640x128xf32, #tpu.memory_space<hbm>>
        %dma_wait3A_73 = arith.constant 0 : i32
        %dma_wait3A_74 = tpu.memref_slice %arg25[%mul3A_9, %dma_wait3A_73] : memref<10240x128xf32, #tpu.memory_space<vmem_shared>> -> memref<640x128xf32, #tpu.memory_space<vmem_shared>>
        tpu.wait_dma2 semaphore(%run_scoped3A : memref<!tpu.dma_semaphore, #tpu.memory_space<semaphore_mem>>) src(%dma_wait3A_74 : memref<640x128xf32, #tpu.memory_space<vmem_shared>>) dst(%dma_wait3A_72 : memref<640x128xf32, #tpu.memory_space<hbm>>)
        tpu.yield
      }) : () -> ()
    } else {
    }
    %eq3A = arith.constant 15 : i32
    %eq3A_61 = arith.cmpi eq, %arg1, %eq3A : i32
    %convert_element_type3A_62 = arith.extui %eq3A_61 : i1 to i32
    %cond3A_63 = arith.constant 0 : i32
    %cond3A_64 = arith.cmpi ne, %convert_element_type3A_62, %cond3A_63 : i32
    scf.if %cond3A_64 {
      "tpu.region"() ({
        %run_scoped3A = tpu.sem_alloc : memref<!tpu.dma_semaphore, #tpu.memory_space<semaphore_mem>>
        %dma_start3A_65 = arith.constant 9600 : i32
        %dma_start3A_66 = arith.constant 0 : i32
        %dma_start3A_67 = tpu.memref_slice %arg4[%arg0, %dma_start3A_65, %dma_start3A_66] : memref<2x10000x128xf32, #tpu.memory_space<hbm>> -> memref<1x400x128xf32, #tpu.memory_space<hbm>>
        %dma_start3A_68 = tpu.memref_squeeze %dma_start3A_67 : memref<1x400x128xf32, #tpu.memory_space<hbm>> -> memref<400x128xf32, #tpu.memory_space<hbm>>
        %dma_start3A_69 = arith.constant 9600 : i32
        %dma_start3A_70 = arith.constant 0 : i32
        %dma_start3A_71 = tpu.memref_slice %arg25[%dma_start3A_69, %dma_start3A_70] : memref<10240x128xf32, #tpu.memory_space<vmem_shared>> -> memref<400x128xf32, #tpu.memory_space<vmem_shared>>
        tpu.enqueue_dma source(%dma_start3A_71 : memref<400x128xf32, #tpu.memory_space<vmem_shared>>) target(%dma_start3A_68 : memref<400x128xf32, #tpu.memory_space<hbm>>) target_semaphore(%run_scoped3A : memref<!tpu.dma_semaphore, #tpu.memory_space<semaphore_mem>>)
        %dma_wait3A_72 = arith.constant 9600 : i32
        %dma_wait3A_73 = arith.constant 0 : i32
        %dma_wait3A_74 = tpu.memref_slice %arg4[%arg0, %dma_wait3A_72, %dma_wait3A_73] : memref<2x10000x128xf32, #tpu.memory_space<hbm>> -> memref<1x400x128xf32, #tpu.memory_space<hbm>>
        %dma_wait3A_75 = tpu.memref_squeeze %dma_wait3A_74 : memref<1x400x128xf32, #tpu.memory_space<hbm>> -> memref<400x128xf32, #tpu.memory_space<hbm>>
        %dma_wait3A_76 = arith.constant 9600 : i32
        %dma_wait3A_77 = arith.constant 0 : i32
        %dma_wait3A_78 = tpu.memref_slice %arg25[%dma_wait3A_76, %dma_wait3A_77] : memref<10240x128xf32, #tpu.memory_space<vmem_shared>> -> memref<400x128xf32, #tpu.memory_space<vmem_shared>>
        tpu.wait_dma2 semaphore(%run_scoped3A : memref<!tpu.dma_semaphore, #tpu.memory_space<semaphore_mem>>) src(%dma_wait3A_78 : memref<400x128xf32, #tpu.memory_space<vmem_shared>>) dst(%dma_wait3A_75 : memref<400x128xf32, #tpu.memory_space<hbm>>)
        tpu.yield
      }) : () -> ()
    } else {
    }
    return
  }
}

#map = affine_map<(d0, d1) -> (0, 0)>
#map1 = affine_map<(d0, d1) -> (0)>
#map2 = affine_map<(d0, d1) -> (0, 0, 0)>
module attributes {stable_mosaic.version = 14 : i64} {
  func.func @scatter(%arg0: i32, %arg1: i32, %arg2: memref<128000x128xf32, #tpu.memory_space<hbm>>, %arg3: memref<128000xi32, #tpu.memory_space<hbm>>, %arg4: memref<2x10000x128xf32, #tpu.memory_space<hbm>>, %arg5: memref<80xi32, #tpu.memory_space<vmem>>, %arg6: memref<80xi32, #tpu.memory_space<vmem>>, %arg7: memref<80xi32, #tpu.memory_space<vmem>>, %arg8: memref<80xi32, #tpu.memory_space<vmem>>, %arg9: memref<80x128xf32, #tpu.memory_space<vmem>>, %arg10: memref<80x128xf32, #tpu.memory_space<vmem>>, %arg11: memref<80x128xf32, #tpu.memory_space<vmem>>, %arg12: memref<80x128xf32, #tpu.memory_space<vmem>>, %arg13: memref<!tpu.dma_semaphore, #tpu.memory_space<semaphore_mem>>, %arg14: memref<!tpu.dma_semaphore, #tpu.memory_space<semaphore_mem>>, %arg15: memref<!tpu.dma_semaphore, #tpu.memory_space<semaphore_mem>>, %arg16: memref<!tpu.dma_semaphore, #tpu.memory_space<semaphore_mem>>, %arg17: memref<!tpu.dma_semaphore, #tpu.memory_space<semaphore_mem>>, %arg18: memref<!tpu.dma_semaphore, #tpu.memory_space<semaphore_mem>>, %arg19: memref<!tpu.dma_semaphore, #tpu.memory_space<semaphore_mem>>, %arg20: memref<!tpu.dma_semaphore, #tpu.memory_space<semaphore_mem>>, %arg21: memref<!tpu.dma_semaphore, #tpu.memory_space<semaphore_mem>>, %arg22: memref<!tpu.dma_semaphore, #tpu.memory_space<semaphore_mem>>, %arg23: memref<!tpu.dma_semaphore, #tpu.memory_space<semaphore_mem>>, %arg24: memref<!tpu.dma_semaphore, #tpu.memory_space<semaphore_mem>>, %arg25: memref<10240x128xf32, #tpu.memory_space<vmem_shared>>) attributes {dimension_semantics = [#tpu.dimension_semantics<core_parallel>, #tpu.dimension_semantics<subcore_parallel>], iteration_bounds = array<i64: 2, 16>, scalar_prefetch = 0 : i64, scratch_operands = 21 : i64, tpu.core_type = #tpu.core_type<sc_vector_subcore>, window_params = [{transform_indices = #map}, {transform_indices = #map1}, {transform_indices = #map2}]} {
    %mul3A = arith.constant 16 : i32
    %mul3A_0 = arith.muli %arg0, %mul3A : i32
    %add3A = arith.addi %mul3A_0, %arg1 : i32
    %mul3A_1 = arith.constant 4000 : i32
    %mul3A_2 = arith.muli %add3A, %mul3A_1 : i32
    %scan3A = arith.constant 0 : i32
    %scan3A_3 = arith.constant 0 : i32
    %scan3A_4 = arith.constant 80 : i32
    %scan3A_5 = arith.addi %scan3A_3, %scan3A_4 : i32
    %scan3A_6 = arith.constant 1 : i32
    scf.for %scan3A_65 = %scan3A_3 to %scan3A_5 step %scan3A_6  : i32 {
      %broadcast_in_dim3A = arith.constant 0.000000e+00 : f32
      %broadcast_in_dim3A_66 = vector.broadcast %broadcast_in_dim3A : f32 to vector<16xf32>
      %swap3A = arith.index_cast %scan3A_65 : i32 to index
      %swap3A_67 = arith.constant 0 : index
      %swap3A_68 = tpu.vector_load %arg9[%swap3A, %swap3A_67] {strides = array<i32>} : memref<80x128xf32, #tpu.memory_space<vmem>>, vector<1x16xf32>,
      %swap3A_69 = vector.shape_cast %swap3A_68 : vector<1x16xf32> to vector<16xf32>
      %swap3A_70 = vector.shape_cast %broadcast_in_dim3A_66 : vector<16xf32> to vector<1x16xf32>
      tpu.vector_store %arg9[%swap3A, %swap3A_67], %swap3A_70 {strides = array<i32>} : memref<80x128xf32, #tpu.memory_space<vmem>>, vector<1x16xf32>,
      %broadcast_in_dim3A_71 = arith.constant 0.000000e+00 : f32
      %broadcast_in_dim3A_72 = vector.broadcast %broadcast_in_dim3A_71 : f32 to vector<16xf32>
      %swap3A_73 = arith.index_cast %scan3A_65 : i32 to index
      %swap3A_74 = arith.constant 16 : index
      %swap3A_75 = tpu.vector_load %arg9[%swap3A_73, %swap3A_74] {strides = array<i32>} : memref<80x128xf32, #tpu.memory_space<vmem>>, vector<1x16xf32>,
      %swap3A_76 = vector.shape_cast %swap3A_75 : vector<1x16xf32> to vector<16xf32>
      %swap3A_77 = vector.shape_cast %broadcast_in_dim3A_72 : vector<16xf32> to vector<1x16xf32>
      tpu.vector_store %arg9[%swap3A_73, %swap3A_74], %swap3A_77 {strides = array<i32>} : memref<80x128xf32, #tpu.memory_space<vmem>>, vector<1x16xf32>,
      %broadcast_in_dim3A_78 = arith.constant 0.000000e+00 : f32
      %broadcast_in_dim3A_79 = vector.broadcast %broadcast_in_dim3A_78 : f32 to vector<16xf32>
      %swap3A_80 = arith.index_cast %scan3A_65 : i32 to index
      %swap3A_81 = arith.constant 32 : index
      %swap3A_82 = tpu.vector_load %arg9[%swap3A_80, %swap3A_81] {strides = array<i32>} : memref<80x128xf32, #tpu.memory_space<vmem>>, vector<1x16xf32>,
      %swap3A_83 = vector.shape_cast %swap3A_82 : vector<1x16xf32> to vector<16xf32>
      %swap3A_84 = vector.shape_cast %broadcast_in_dim3A_79 : vector<16xf32> to vector<1x16xf32>
      tpu.vector_store %arg9[%swap3A_80, %swap3A_81], %swap3A_84 {strides = array<i32>} : memref<80x128xf32, #tpu.memory_space<vmem>>, vector<1x16xf32>,
      %broadcast_in_dim3A_85 = arith.constant 0.000000e+00 : f32
      %broadcast_in_dim3A_86 = vector.broadcast %broadcast_in_dim3A_85 : f32 to vector<16xf32>
      %swap3A_87 = arith.index_cast %scan3A_65 : i32 to index
      %swap3A_88 = arith.constant 48 : index
      %swap3A_89 = tpu.vector_load %arg9[%swap3A_87, %swap3A_88] {strides = array<i32>} : memref<80x128xf32, #tpu.memory_space<vmem>>, vector<1x16xf32>,
      %swap3A_90 = vector.shape_cast %swap3A_89 : vector<1x16xf32> to vector<16xf32>
      %swap3A_91 = vector.shape_cast %broadcast_in_dim3A_86 : vector<16xf32> to vector<1x16xf32>
      tpu.vector_store %arg9[%swap3A_87, %swap3A_88], %swap3A_91 {strides = array<i32>} : memref<80x128xf32, #tpu.memory_space<vmem>>, vector<1x16xf32>,
      %broadcast_in_dim3A_92 = arith.constant 0.000000e+00 : f32
      %broadcast_in_dim3A_93 = vector.broadcast %broadcast_in_dim3A_92 : f32 to vector<16xf32>
      %swap3A_94 = arith.index_cast %scan3A_65 : i32 to index
      %swap3A_95 = arith.constant 64 : index
      %swap3A_96 = tpu.vector_load %arg9[%swap3A_94, %swap3A_95] {strides = array<i32>} : memref<80x128xf32, #tpu.memory_space<vmem>>, vector<1x16xf32>,
      %swap3A_97 = vector.shape_cast %swap3A_96 : vector<1x16xf32> to vector<16xf32>
      %swap3A_98 = vector.shape_cast %broadcast_in_dim3A_93 : vector<16xf32> to vector<1x16xf32>
      tpu.vector_store %arg9[%swap3A_94, %swap3A_95], %swap3A_98 {strides = array<i32>} : memref<80x128xf32, #tpu.memory_space<vmem>>, vector<1x16xf32>,
      %broadcast_in_dim3A_99 = arith.constant 0.000000e+00 : f32
      %broadcast_in_dim3A_100 = vector.broadcast %broadcast_in_dim3A_99 : f32 to vector<16xf32>
      %swap3A_101 = arith.index_cast %scan3A_65 : i32 to index
      %swap3A_102 = arith.constant 80 : index
      %swap3A_103 = tpu.vector_load %arg9[%swap3A_101, %swap3A_102] {strides = array<i32>} : memref<80x128xf32, #tpu.memory_space<vmem>>, vector<1x16xf32>,
      %swap3A_104 = vector.shape_cast %swap3A_103 : vector<1x16xf32> to vector<16xf32>
      %swap3A_105 = vector.shape_cast %broadcast_in_dim3A_100 : vector<16xf32> to vector<1x16xf32>
      tpu.vector_store %arg9[%swap3A_101, %swap3A_102], %swap3A_105 {strides = array<i32>} : memref<80x128xf32, #tpu.memory_space<vmem>>, vector<1x16xf32>,
      %broadcast_in_dim3A_106 = arith.constant 0.000000e+00 : f32
      %broadcast_in_dim3A_107 = vector.broadcast %broadcast_in_dim3A_106 : f32 to vector<16xf32>
      %swap3A_108 = arith.index_cast %scan3A_65 : i32 to index
      %swap3A_109 = arith.constant 96 : index
      %swap3A_110 = tpu.vector_load %arg9[%swap3A_108, %swap3A_109] {strides = array<i32>} : memref<80x128xf32, #tpu.memory_space<vmem>>, vector<1x16xf32>,
      %swap3A_111 = vector.shape_cast %swap3A_110 : vector<1x16xf32> to vector<16xf32>
      %swap3A_112 = vector.shape_cast %broadcast_in_dim3A_107 : vector<16xf32> to vector<1x16xf32>
      tpu.vector_store %arg9[%swap3A_108, %swap3A_109], %swap3A_112 {strides = array<i32>} : memref<80x128xf32, #tpu.memory_space<vmem>>, vector<1x16xf32>,
      %broadcast_in_dim3A_113 = arith.constant 0.000000e+00 : f32
      %broadcast_in_dim3A_114 = vector.broadcast %broadcast_in_dim3A_113 : f32 to vector<16xf32>
      %swap3A_115 = arith.index_cast %scan3A_65 : i32 to index
      %swap3A_116 = arith.constant 112 : index
      %swap3A_117 = tpu.vector_load %arg9[%swap3A_115, %swap3A_116] {strides = array<i32>} : memref<80x128xf32, #tpu.memory_space<vmem>>, vector<1x16xf32>,
      %swap3A_118 = vector.shape_cast %swap3A_117 : vector<1x16xf32> to vector<16xf32>
      %swap3A_119 = vector.shape_cast %broadcast_in_dim3A_114 : vector<16xf32> to vector<1x16xf32>
      tpu.vector_store %arg9[%swap3A_115, %swap3A_116], %swap3A_119 {strides = array<i32>} : memref<80x128xf32, #tpu.memory_space<vmem>>, vector<1x16xf32>,
    }
    %scan3A_7 = arith.constant 80 : i32
    %mul3A_8 = arith.constant 640 : i32
    %mul3A_9 = arith.muli %arg1, %mul3A_8 : i32
    %add3A_10 = arith.constant 0 : i32
    %add3A_11 = arith.addi %mul3A_9, %add3A_10 : i32
    "tpu.region"() ({
      %run_scoped3A = tpu.sem_alloc : memref<!tpu.dma_semaphore, #tpu.memory_space<semaphore_mem>>
      %dma_start3A_65 = arith.constant 0 : i32
      %dma_start3A_66 = tpu.memref_slice %arg25[%add3A_11, %dma_start3A_65] : memref<10240x128xf32, #tpu.memory_space<vmem_shared>> -> memref<80x128xf32, #tpu.memory_space<vmem_shared>>
      %dma_start3A_67 = arith.constant 0 : i32
      %dma_start3A_68 = tpu.memref_slice %arg25[%add3A_11, %dma_start3A_67] : memref<10240x128xf32, #tpu.memory_space<vmem_shared>> -> memref<80x128xf32, #tpu.memory_space<vmem_shared>>
      tpu.enqueue_dma source(%arg9 : memref<80x128xf32, #tpu.memory_space<vmem>>) target(%dma_start3A_68 : memref<80x128xf32, #tpu.memory_space<vmem_shared>>) target_semaphore(%run_scoped3A : memref<!tpu.dma_semaphore, #tpu.memory_space<semaphore_mem>>)
      %dma_wait3A_69 = arith.constant 0 : i32
      %dma_wait3A_70 = tpu.memref_slice %arg25[%add3A_11, %dma_wait3A_69] : memref<10240x128xf32, #tpu.memory_space<vmem_shared>> -> memref<80x128xf32, #tpu.memory_space<vmem_shared>>
      %dma_wait3A_71 = arith.constant 0 : i32
      %dma_wait3A_72 = tpu.memref_slice %arg25[%add3A_11, %dma_wait3A_71] : memref<10240x128xf32, #tpu.memory_space<vmem_shared>> -> memref<80x128xf32, #tpu.memory_space<vmem_shared>>
      tpu.wait_dma2 semaphore(%run_scoped3A : memref<!tpu.dma_semaphore, #tpu.memory_space<semaphore_mem>>) src(%arg9 : memref<80x128xf32, #tpu.memory_space<vmem>>) dst(%dma_wait3A_72 : memref<80x128xf32, #tpu.memory_space<vmem_shared>>)
      tpu.yield
    }) : () -> ()
    %add3A_12 = arith.constant 80 : i32
    %add3A_13 = arith.addi %mul3A_9, %add3A_12 : i32
    "tpu.region"() ({
      %run_scoped3A = tpu.sem_alloc : memref<!tpu.dma_semaphore, #tpu.memory_space<semaphore_mem>>
      %dma_start3A_65 = arith.constant 0 : i32
      %dma_start3A_66 = tpu.memref_slice %arg25[%add3A_13, %dma_start3A_65] : memref<10240x128xf32, #tpu.memory_space<vmem_shared>> -> memref<80x128xf32, #tpu.memory_space<vmem_shared>>
      %dma_start3A_67 = arith.constant 0 : i32
      %dma_start3A_68 = tpu.memref_slice %arg25[%add3A_13, %dma_start3A_67] : memref<10240x128xf32, #tpu.memory_space<vmem_shared>> -> memref<80x128xf32, #tpu.memory_space<vmem_shared>>
      tpu.enqueue_dma source(%arg9 : memref<80x128xf32, #tpu.memory_space<vmem>>) target(%dma_start3A_68 : memref<80x128xf32, #tpu.memory_space<vmem_shared>>) target_semaphore(%run_scoped3A : memref<!tpu.dma_semaphore, #tpu.memory_space<semaphore_mem>>)
      %dma_wait3A_69 = arith.constant 0 : i32
      %dma_wait3A_70 = tpu.memref_slice %arg25[%add3A_13, %dma_wait3A_69] : memref<10240x128xf32, #tpu.memory_space<vmem_shared>> -> memref<80x128xf32, #tpu.memory_space<vmem_shared>>
      %dma_wait3A_71 = arith.constant 0 : i32
      %dma_wait3A_72 = tpu.memref_slice %arg25[%add3A_13, %dma_wait3A_71] : memref<10240x128xf32, #tpu.memory_space<vmem_shared>> -> memref<80x128xf32, #tpu.memory_space<vmem_shared>>
      tpu.wait_dma2 semaphore(%run_scoped3A : memref<!tpu.dma_semaphore, #tpu.memory_space<semaphore_mem>>) src(%arg9 : memref<80x128xf32, #tpu.memory_space<vmem>>) dst(%dma_wait3A_72 : memref<80x128xf32, #tpu.memory_space<vmem_shared>>)
      tpu.yield
    }) : () -> ()
    %add3A_14 = arith.constant 160 : i32
    %add3A_15 = arith.addi %mul3A_9, %add3A_14 : i32
    "tpu.region"() ({
      %run_scoped3A = tpu.sem_alloc : memref<!tpu.dma_semaphore, #tpu.memory_space<semaphore_mem>>
      %dma_start3A_65 = arith.constant 0 : i32
      %dma_start3A_66 = tpu.memref_slice %arg25[%add3A_15, %dma_start3A_65] : memref<10240x128xf32, #tpu.memory_space<vmem_shared>> -> memref<80x128xf32, #tpu.memory_space<vmem_shared>>
      %dma_start3A_67 = arith.constant 0 : i32
      %dma_start3A_68 = tpu.memref_slice %arg25[%add3A_15, %dma_start3A_67] : memref<10240x128xf32, #tpu.memory_space<vmem_shared>> -> memref<80x128xf32, #tpu.memory_space<vmem_shared>>
      tpu.enqueue_dma source(%arg9 : memref<80x128xf32, #tpu.memory_space<vmem>>) target(%dma_start3A_68 : memref<80x128xf32, #tpu.memory_space<vmem_shared>>) target_semaphore(%run_scoped3A : memref<!tpu.dma_semaphore, #tpu.memory_space<semaphore_mem>>)
      %dma_wait3A_69 = arith.constant 0 : i32
      %dma_wait3A_70 = tpu.memref_slice %arg25[%add3A_15, %dma_wait3A_69] : memref<10240x128xf32, #tpu.memory_space<vmem_shared>> -> memref<80x128xf32, #tpu.memory_space<vmem_shared>>
      %dma_wait3A_71 = arith.constant 0 : i32
      %dma_wait3A_72 = tpu.memref_slice %arg25[%add3A_15, %dma_wait3A_71] : memref<10240x128xf32, #tpu.memory_space<vmem_shared>> -> memref<80x128xf32, #tpu.memory_space<vmem_shared>>
      tpu.wait_dma2 semaphore(%run_scoped3A : memref<!tpu.dma_semaphore, #tpu.memory_space<semaphore_mem>>) src(%arg9 : memref<80x128xf32, #tpu.memory_space<vmem>>) dst(%dma_wait3A_72 : memref<80x128xf32, #tpu.memory_space<vmem_shared>>)
      tpu.yield
    }) : () -> ()
    %add3A_16 = arith.constant 240 : i32
    %add3A_17 = arith.addi %mul3A_9, %add3A_16 : i32
    "tpu.region"() ({
      %run_scoped3A = tpu.sem_alloc : memref<!tpu.dma_semaphore, #tpu.memory_space<semaphore_mem>>
      %dma_start3A_65 = arith.constant 0 : i32
      %dma_start3A_66 = tpu.memref_slice %arg25[%add3A_17, %dma_start3A_65] : memref<10240x128xf32, #tpu.memory_space<vmem_shared>> -> memref<80x128xf32, #tpu.memory_space<vmem_shared>>
      %dma_start3A_67 = arith.constant 0 : i32
      %dma_start3A_68 = tpu.memref_slice %arg25[%add3A_17, %dma_start3A_67] : memref<10240x128xf32, #tpu.memory_space<vmem_shared>> -> memref<80x128xf32, #tpu.memory_space<vmem_shared>>
      tpu.enqueue_dma source(%arg9 : memref<80x128xf32, #tpu.memory_space<vmem>>) target(%dma_start3A_68 : memref<80x128xf32, #tpu.memory_space<vmem_shared>>) target_semaphore(%run_scoped3A : memref<!tpu.dma_semaphore, #tpu.memory_space<semaphore_mem>>)
      %dma_wait3A_69 = arith.constant 0 : i32
      %dma_wait3A_70 = tpu.memref_slice %arg25[%add3A_17, %dma_wait3A_69] : memref<10240x128xf32, #tpu.memory_space<vmem_shared>> -> memref<80x128xf32, #tpu.memory_space<vmem_shared>>
      %dma_wait3A_71 = arith.constant 0 : i32
      %dma_wait3A_72 = tpu.memref_slice %arg25[%add3A_17, %dma_wait3A_71] : memref<10240x128xf32, #tpu.memory_space<vmem_shared>> -> memref<80x128xf32, #tpu.memory_space<vmem_shared>>
      tpu.wait_dma2 semaphore(%run_scoped3A : memref<!tpu.dma_semaphore, #tpu.memory_space<semaphore_mem>>) src(%arg9 : memref<80x128xf32, #tpu.memory_space<vmem>>) dst(%dma_wait3A_72 : memref<80x128xf32, #tpu.memory_space<vmem_shared>>)
      tpu.yield
    }) : () -> ()
    %add3A_18 = arith.constant 320 : i32
    %add3A_19 = arith.addi %mul3A_9, %add3A_18 : i32
    "tpu.region"() ({
      %run_scoped3A = tpu.sem_alloc : memref<!tpu.dma_semaphore, #tpu.memory_space<semaphore_mem>>
      %dma_start3A_65 = arith.constant 0 : i32
      %dma_start3A_66 = tpu.memref_slice %arg25[%add3A_19, %dma_start3A_65] : memref<10240x128xf32, #tpu.memory_space<vmem_shared>> -> memref<80x128xf32, #tpu.memory_space<vmem_shared>>
      %dma_start3A_67 = arith.constant 0 : i32
      %dma_start3A_68 = tpu.memref_slice %arg25[%add3A_19, %dma_start3A_67] : memref<10240x128xf32, #tpu.memory_space<vmem_shared>> -> memref<80x128xf32, #tpu.memory_space<vmem_shared>>
      tpu.enqueue_dma source(%arg9 : memref<80x128xf32, #tpu.memory_space<vmem>>) target(%dma_start3A_68 : memref<80x128xf32, #tpu.memory_space<vmem_shared>>) target_semaphore(%run_scoped3A : memref<!tpu.dma_semaphore, #tpu.memory_space<semaphore_mem>>)
      %dma_wait3A_69 = arith.constant 0 : i32
      %dma_wait3A_70 = tpu.memref_slice %arg25[%add3A_19, %dma_wait3A_69] : memref<10240x128xf32, #tpu.memory_space<vmem_shared>> -> memref<80x128xf32, #tpu.memory_space<vmem_shared>>
      %dma_wait3A_71 = arith.constant 0 : i32
      %dma_wait3A_72 = tpu.memref_slice %arg25[%add3A_19, %dma_wait3A_71] : memref<10240x128xf32, #tpu.memory_space<vmem_shared>> -> memref<80x128xf32, #tpu.memory_space<vmem_shared>>
      tpu.wait_dma2 semaphore(%run_scoped3A : memref<!tpu.dma_semaphore, #tpu.memory_space<semaphore_mem>>) src(%arg9 : memref<80x128xf32, #tpu.memory_space<vmem>>) dst(%dma_wait3A_72 : memref<80x128xf32, #tpu.memory_space<vmem_shared>>)
      tpu.yield
    }) : () -> ()
    %add3A_20 = arith.constant 400 : i32
    %add3A_21 = arith.addi %mul3A_9, %add3A_20 : i32
    "tpu.region"() ({
      %run_scoped3A = tpu.sem_alloc : memref<!tpu.dma_semaphore, #tpu.memory_space<semaphore_mem>>
      %dma_start3A_65 = arith.constant 0 : i32
      %dma_start3A_66 = tpu.memref_slice %arg25[%add3A_21, %dma_start3A_65] : memref<10240x128xf32, #tpu.memory_space<vmem_shared>> -> memref<80x128xf32, #tpu.memory_space<vmem_shared>>
      %dma_start3A_67 = arith.constant 0 : i32
      %dma_start3A_68 = tpu.memref_slice %arg25[%add3A_21, %dma_start3A_67] : memref<10240x128xf32, #tpu.memory_space<vmem_shared>> -> memref<80x128xf32, #tpu.memory_space<vmem_shared>>
      tpu.enqueue_dma source(%arg9 : memref<80x128xf32, #tpu.memory_space<vmem>>) target(%dma_start3A_68 : memref<80x128xf32, #tpu.memory_space<vmem_shared>>) target_semaphore(%run_scoped3A : memref<!tpu.dma_semaphore, #tpu.memory_space<semaphore_mem>>)
      %dma_wait3A_69 = arith.constant 0 : i32
      %dma_wait3A_70 = tpu.memref_slice %arg25[%add3A_21, %dma_wait3A_69] : memref<10240x128xf32, #tpu.memory_space<vmem_shared>> -> memref<80x128xf32, #tpu.memory_space<vmem_shared>>
      %dma_wait3A_71 = arith.constant 0 : i32
      %dma_wait3A_72 = tpu.memref_slice %arg25[%add3A_21, %dma_wait3A_71] : memref<10240x128xf32, #tpu.memory_space<vmem_shared>> -> memref<80x128xf32, #tpu.memory_space<vmem_shared>>
      tpu.wait_dma2 semaphore(%run_scoped3A : memref<!tpu.dma_semaphore, #tpu.memory_space<semaphore_mem>>) src(%arg9 : memref<80x128xf32, #tpu.memory_space<vmem>>) dst(%dma_wait3A_72 : memref<80x128xf32, #tpu.memory_space<vmem_shared>>)
      tpu.yield
    }) : () -> ()
    %add3A_22 = arith.constant 480 : i32
    %add3A_23 = arith.addi %mul3A_9, %add3A_22 : i32
    "tpu.region"() ({
      %run_scoped3A = tpu.sem_alloc : memref<!tpu.dma_semaphore, #tpu.memory_space<semaphore_mem>>
      %dma_start3A_65 = arith.constant 0 : i32
      %dma_start3A_66 = tpu.memref_slice %arg25[%add3A_23, %dma_start3A_65] : memref<10240x128xf32, #tpu.memory_space<vmem_shared>> -> memref<80x128xf32, #tpu.memory_space<vmem_shared>>
      %dma_start3A_67 = arith.constant 0 : i32
      %dma_start3A_68 = tpu.memref_slice %arg25[%add3A_23, %dma_start3A_67] : memref<10240x128xf32, #tpu.memory_space<vmem_shared>> -> memref<80x128xf32, #tpu.memory_space<vmem_shared>>
      tpu.enqueue_dma source(%arg9 : memref<80x128xf32, #tpu.memory_space<vmem>>) target(%dma_start3A_68 : memref<80x128xf32, #tpu.memory_space<vmem_shared>>) target_semaphore(%run_scoped3A : memref<!tpu.dma_semaphore, #tpu.memory_space<semaphore_mem>>)
      %dma_wait3A_69 = arith.constant 0 : i32
      %dma_wait3A_70 = tpu.memref_slice %arg25[%add3A_23, %dma_wait3A_69] : memref<10240x128xf32, #tpu.memory_space<vmem_shared>> -> memref<80x128xf32, #tpu.memory_space<vmem_shared>>
      %dma_wait3A_71 = arith.constant 0 : i32
      %dma_wait3A_72 = tpu.memref_slice %arg25[%add3A_23, %dma_wait3A_71] : memref<10240x128xf32, #tpu.memory_space<vmem_shared>> -> memref<80x128xf32, #tpu.memory_space<vmem_shared>>
      tpu.wait_dma2 semaphore(%run_scoped3A : memref<!tpu.dma_semaphore, #tpu.memory_space<semaphore_mem>>) src(%arg9 : memref<80x128xf32, #tpu.memory_space<vmem>>) dst(%dma_wait3A_72 : memref<80x128xf32, #tpu.memory_space<vmem_shared>>)
      tpu.yield
    }) : () -> ()
    %add3A_24 = arith.constant 560 : i32
    %add3A_25 = arith.addi %mul3A_9, %add3A_24 : i32
    "tpu.region"() ({
      %run_scoped3A = tpu.sem_alloc : memref<!tpu.dma_semaphore, #tpu.memory_space<semaphore_mem>>
      %dma_start3A_65 = arith.constant 0 : i32
      %dma_start3A_66 = tpu.memref_slice %arg25[%add3A_25, %dma_start3A_65] : memref<10240x128xf32, #tpu.memory_space<vmem_shared>> -> memref<80x128xf32, #tpu.memory_space<vmem_shared>>
      %dma_start3A_67 = arith.constant 0 : i32
      %dma_start3A_68 = tpu.memref_slice %arg25[%add3A_25, %dma_start3A_67] : memref<10240x128xf32, #tpu.memory_space<vmem_shared>> -> memref<80x128xf32, #tpu.memory_space<vmem_shared>>
      tpu.enqueue_dma source(%arg9 : memref<80x128xf32, #tpu.memory_space<vmem>>) target(%dma_start3A_68 : memref<80x128xf32, #tpu.memory_space<vmem_shared>>) target_semaphore(%run_scoped3A : memref<!tpu.dma_semaphore, #tpu.memory_space<semaphore_mem>>)
      %dma_wait3A_69 = arith.constant 0 : i32
      %dma_wait3A_70 = tpu.memref_slice %arg25[%add3A_25, %dma_wait3A_69] : memref<10240x128xf32, #tpu.memory_space<vmem_shared>> -> memref<80x128xf32, #tpu.memory_space<vmem_shared>>
      %dma_wait3A_71 = arith.constant 0 : i32
      %dma_wait3A_72 = tpu.memref_slice %arg25[%add3A_25, %dma_wait3A_71] : memref<10240x128xf32, #tpu.memory_space<vmem_shared>> -> memref<80x128xf32, #tpu.memory_space<vmem_shared>>
      tpu.wait_dma2 semaphore(%run_scoped3A : memref<!tpu.dma_semaphore, #tpu.memory_space<semaphore_mem>>) src(%arg9 : memref<80x128xf32, #tpu.memory_space<vmem>>) dst(%dma_wait3A_72 : memref<80x128xf32, #tpu.memory_space<vmem_shared>>)
      tpu.yield
    }) : () -> ()
    %barrier3A = arith.constant 0 : index
    tpu.barrier barrier_id(%barrier3A)
    %add3A_26 = arith.constant 0 : i32
    %add3A_27 = arith.addi %mul3A_2, %add3A_26 : i32
    %dma_start3A = tpu.memref_slice %arg3[%add3A_27] : memref<128000xi32, #tpu.memory_space<hbm>> -> memref<80xi32, #tpu.memory_space<hbm>>
    %dma_start3A_28 = tpu.memref_slice %arg3[%add3A_27] : memref<128000xi32, #tpu.memory_space<hbm>> -> memref<80xi32, #tpu.memory_space<hbm>>
    tpu.enqueue_dma source(%dma_start3A_28 : memref<80xi32, #tpu.memory_space<hbm>>) target(%arg5 : memref<80xi32, #tpu.memory_space<vmem>>) target_semaphore(%arg13 : memref<!tpu.dma_semaphore, #tpu.memory_space<semaphore_mem>>)
    %dma_start3A_29 = arith.constant 0 : i32
    %dma_start3A_30 = tpu.memref_slice %arg2[%add3A_27, %dma_start3A_29] : memref<128000x128xf32, #tpu.memory_space<hbm>> -> memref<80x128xf32, #tpu.memory_space<hbm>>
    %dma_start3A_31 = arith.constant 0 : i32
    %dma_start3A_32 = tpu.memref_slice %arg2[%add3A_27, %dma_start3A_31] : memref<128000x128xf32, #tpu.memory_space<hbm>> -> memref<80x128xf32, #tpu.memory_space<hbm>>
    tpu.enqueue_dma source(%dma_start3A_32 : memref<80x128xf32, #tpu.memory_space<hbm>>) target(%arg9 : memref<80x128xf32, #tpu.memory_space<vmem>>) target_semaphore(%arg17 : memref<!tpu.dma_semaphore, #tpu.memory_space<semaphore_mem>>)
    %add3A_33 = arith.constant 80 : i32
    %add3A_34 = arith.addi %mul3A_2, %add3A_33 : i32
    %dma_start3A_35 = tpu.memref_slice %arg3[%add3A_34] : memref<128000xi32, #tpu.memory_space<hbm>> -> memref<80xi32, #tpu.memory_space<hbm>>
    %dma_start3A_36 = tpu.memref_slice %arg3[%add3A_34] : memref<128000xi32, #tpu.memory_space<hbm>> -> memref<80xi32, #tpu.memory_space<hbm>>
    tpu.enqueue_dma source(%dma_start3A_36 : memref<80xi32, #tpu.memory_space<hbm>>) target(%arg6 : memref<80xi32, #tpu.memory_space<vmem>>) target_semaphore(%arg14 : memref<!tpu.dma_semaphore, #tpu.memory_space<semaphore_mem>>)
    %dma_start3A_37 = arith.constant 0 : i32
    %dma_start3A_38 = tpu.memref_slice %arg2[%add3A_34, %dma_start3A_37] : memref<128000x128xf32, #tpu.memory_space<hbm>> -> memref<80x128xf32, #tpu.memory_space<hbm>>
    %dma_start3A_39 = arith.constant 0 : i32
    %dma_start3A_40 = tpu.memref_slice %arg2[%add3A_34, %dma_start3A_39] : memref<128000x128xf32, #tpu.memory_space<hbm>> -> memref<80x128xf32, #tpu.memory_space<hbm>>
    tpu.enqueue_dma source(%dma_start3A_40 : memref<80x128xf32, #tpu.memory_space<hbm>>) target(%arg10 : memref<80x128xf32, #tpu.memory_space<vmem>>) target_semaphore(%arg18 : memref<!tpu.dma_semaphore, #tpu.memory_space<semaphore_mem>>)
    %scan3A_41 = arith.constant 0 : i32
    %scan3A_42 = arith.constant 0 : i32
    %scan3A_43 = arith.constant 13 : i32
    %scan3A_44 = arith.addi %scan3A_42, %scan3A_43 : i32
    %scan3A_45 = arith.constant 1 : i32
    scf.for %scan3A_65 = %scan3A_42 to %scan3A_44 step %scan3A_45  : i32 {
      %mul3A_66 = arith.constant 4 : i32
      %mul3A_67 = arith.muli %scan3A_65, %mul3A_66 : i32
      %add3A_68 = arith.constant 0 : i32
      %add3A_69 = arith.addi %mul3A_67, %add3A_68 : i32
      %lt3A_70 = arith.constant 50 : i32
      %lt3A_71 = arith.cmpi slt, %add3A_69, %lt3A_70 : i32
      %convert_element_type3A_72 = arith.extui %lt3A_71 : i1 to i32
      %cond3A_73 = arith.constant 0 : i32
      %cond3A_74 = arith.cmpi ne, %convert_element_type3A_72, %cond3A_73 : i32
      scf.if %cond3A_74 {
        %dma_wait3A_102 = arith.constant 0 : i32
        %dma_wait3A_103 = tpu.memref_slice %arg3[%dma_wait3A_102] : memref<128000xi32, #tpu.memory_space<hbm>> -> memref<80xi32, #tpu.memory_space<hbm>>
        %dma_wait3A_104 = arith.constant 0 : i32
        %dma_wait3A_105 = tpu.memref_slice %arg3[%dma_wait3A_104] : memref<128000xi32, #tpu.memory_space<hbm>> -> memref<80xi32, #tpu.memory_space<hbm>>
        tpu.wait_dma2 semaphore(%arg13 : memref<!tpu.dma_semaphore, #tpu.memory_space<semaphore_mem>>) src(%dma_wait3A_105 : memref<80xi32, #tpu.memory_space<hbm>>) dst(%arg5 : memref<80xi32, #tpu.memory_space<vmem>>)
        %dma_wait3A_106 = arith.constant 0 : i32
        %dma_wait3A_107 = arith.constant 0 : i32
        %dma_wait3A_108 = tpu.memref_slice %arg2[%dma_wait3A_106, %dma_wait3A_107] : memref<128000x128xf32, #tpu.memory_space<hbm>> -> memref<80x128xf32, #tpu.memory_space<hbm>>
        %dma_wait3A_109 = arith.constant 0 : i32
        %dma_wait3A_110 = arith.constant 0 : i32
        %dma_wait3A_111 = tpu.memref_slice %arg2[%dma_wait3A_109, %dma_wait3A_110] : memref<128000x128xf32, #tpu.memory_space<hbm>> -> memref<80x128xf32, #tpu.memory_space<hbm>>
        tpu.wait_dma2 semaphore(%arg17 : memref<!tpu.dma_semaphore, #tpu.memory_space<semaphore_mem>>) src(%dma_wait3A_111 : memref<80x128xf32, #tpu.memory_space<hbm>>) dst(%arg9 : memref<80x128xf32, #tpu.memory_space<vmem>>)
        %dma_start3A_112 = arith.constant 0 : i32
        %dma_start3A_113 = arith.constant 0 : i32
        %dma_start3A_114 = tpu.memref_slice %arg25[%dma_start3A_112, %dma_start3A_113] : memref<10240x128xf32, #tpu.memory_space<vmem_shared>> -> memref<10240x128xf32, #tpu.memory_space<vmem_shared>>
        tpu.enqueue_indirect_dma source(%arg9 : memref<80x128xf32, #tpu.memory_space<vmem>>) target(%dma_start3A_114 : memref<10240x128xf32, #tpu.memory_space<vmem_shared>>) offsets(%arg5 : memref<80xi32, #tpu.memory_space<vmem>>) semaphore(%arg21 : memref<!tpu.dma_semaphore, #tpu.memory_space<semaphore_mem>>) {add = true}
        %add3A_115 = arith.constant 2 : i32
        %add3A_116 = arith.addi %add3A_69, %add3A_115 : i32
        %lt3A_117 = arith.constant 50 : i32
        %lt3A_118 = arith.cmpi slt, %add3A_116, %lt3A_117 : i32
        %convert_element_type3A_119 = arith.extui %lt3A_118 : i1 to i32
        %cond3A_120 = arith.constant 0 : i32
        %cond3A_121 = arith.cmpi ne, %convert_element_type3A_119, %cond3A_120 : i32
        scf.if %cond3A_121 {
          %ge3A = arith.constant 2 : i32
          %ge3A_122 = arith.cmpi sge, %add3A_69, %ge3A : i32
          %convert_element_type3A_123 = arith.extui %ge3A_122 : i1 to i32
          %cond3A_124 = arith.constant 0 : i32
          %cond3A_125 = arith.cmpi ne, %convert_element_type3A_123, %cond3A_124 : i32
          scf.if %cond3A_125 {
            %dma_wait3A_135 = arith.constant 0 : i32
            %dma_wait3A_136 = arith.constant 0 : i32
            %dma_wait3A_137 = tpu.memref_slice %arg25[%dma_wait3A_135, %dma_wait3A_136] : memref<10240x128xf32, #tpu.memory_space<vmem_shared>> -> memref<10240x128xf32, #tpu.memory_space<vmem_shared>>
            tpu.wait_indirect_dma semaphore(%arg23 : memref<!tpu.dma_semaphore, #tpu.memory_space<semaphore_mem>>) src(%arg11 : memref<80x128xf32, #tpu.memory_space<vmem>>) dst(%dma_wait3A_137 : memref<10240x128xf32, #tpu.memory_space<vmem_shared>>)
          } else {
          }
          %mul3A_126 = arith.constant 80 : i32
          %mul3A_127 = arith.muli %add3A_116, %mul3A_126 : i32
          %add3A_128 = arith.addi %mul3A_2, %mul3A_127 : i32
          %dma_start3A_129 = tpu.memref_slice %arg3[%add3A_128] : memref<128000xi32, #tpu.memory_space<hbm>> -> memref<80xi32, #tpu.memory_space<hbm>>
          %dma_start3A_130 = tpu.memref_slice %arg3[%add3A_128] : memref<128000xi32, #tpu.memory_space<hbm>> -> memref<80xi32, #tpu.memory_space<hbm>>
          tpu.enqueue_dma source(%dma_start3A_130 : memref<80xi32, #tpu.memory_space<hbm>>) target(%arg7 : memref<80xi32, #tpu.memory_space<vmem>>) target_semaphore(%arg15 : memref<!tpu.dma_semaphore, #tpu.memory_space<semaphore_mem>>)
          %dma_start3A_131 = arith.constant 0 : i32
          %dma_start3A_132 = tpu.memref_slice %arg2[%add3A_128, %dma_start3A_131] : memref<128000x128xf32, #tpu.memory_space<hbm>> -> memref<80x128xf32, #tpu.memory_space<hbm>>
          %dma_start3A_133 = arith.constant 0 : i32
          %dma_start3A_134 = tpu.memref_slice %arg2[%add3A_128, %dma_start3A_133] : memref<128000x128xf32, #tpu.memory_space<hbm>> -> memref<80x128xf32, #tpu.memory_space<hbm>>
          tpu.enqueue_dma source(%dma_start3A_134 : memref<80x128xf32, #tpu.memory_space<hbm>>) target(%arg11 : memref<80x128xf32, #tpu.memory_space<vmem>>) target_semaphore(%arg19 : memref<!tpu.dma_semaphore, #tpu.memory_space<semaphore_mem>>)
        } else {
        }
      } else {
      }
      %mul3A_75 = arith.constant 4 : i32
      %mul3A_76 = arith.muli %scan3A_65, %mul3A_75 : i32
      %add3A_77 = arith.constant 1 : i32
      %add3A_78 = arith.addi %mul3A_76, %add3A_77 : i32
      %lt3A_79 = arith.constant 50 : i32
      %lt3A_80 = arith.cmpi slt, %add3A_78, %lt3A_79 : i32
      %convert_element_type3A_81 = arith.extui %lt3A_80 : i1 to i32
      %cond3A_82 = arith.constant 0 : i32
      %cond3A_83 = arith.cmpi ne, %convert_element_type3A_81, %cond3A_82 : i32
      scf.if %cond3A_83 {
        %dma_wait3A_102 = arith.constant 0 : i32
        %dma_wait3A_103 = tpu.memref_slice %arg3[%dma_wait3A_102] : memref<128000xi32, #tpu.memory_space<hbm>> -> memref<80xi32, #tpu.memory_space<hbm>>
        %dma_wait3A_104 = arith.constant 0 : i32
        %dma_wait3A_105 = tpu.memref_slice %arg3[%dma_wait3A_104] : memref<128000xi32, #tpu.memory_space<hbm>> -> memref<80xi32, #tpu.memory_space<hbm>>
        tpu.wait_dma2 semaphore(%arg14 : memref<!tpu.dma_semaphore, #tpu.memory_space<semaphore_mem>>) src(%dma_wait3A_105 : memref<80xi32, #tpu.memory_space<hbm>>) dst(%arg6 : memref<80xi32, #tpu.memory_space<vmem>>)
        %dma_wait3A_106 = arith.constant 0 : i32
        %dma_wait3A_107 = arith.constant 0 : i32
        %dma_wait3A_108 = tpu.memref_slice %arg2[%dma_wait3A_106, %dma_wait3A_107] : memref<128000x128xf32, #tpu.memory_space<hbm>> -> memref<80x128xf32, #tpu.memory_space<hbm>>
        %dma_wait3A_109 = arith.constant 0 : i32
        %dma_wait3A_110 = arith.constant 0 : i32
        %dma_wait3A_111 = tpu.memref_slice %arg2[%dma_wait3A_109, %dma_wait3A_110] : memref<128000x128xf32, #tpu.memory_space<hbm>> -> memref<80x128xf32, #tpu.memory_space<hbm>>
        tpu.wait_dma2 semaphore(%arg18 : memref<!tpu.dma_semaphore, #tpu.memory_space<semaphore_mem>>) src(%dma_wait3A_111 : memref<80x128xf32, #tpu.memory_space<hbm>>) dst(%arg10 : memref<80x128xf32, #tpu.memory_space<vmem>>)
        %dma_start3A_112 = arith.constant 0 : i32
        %dma_start3A_113 = arith.constant 0 : i32
        %dma_start3A_114 = tpu.memref_slice %arg25[%dma_start3A_112, %dma_start3A_113] : memref<10240x128xf32, #tpu.memory_space<vmem_shared>> -> memref<10240x128xf32, #tpu.memory_space<vmem_shared>>
        tpu.enqueue_indirect_dma source(%arg10 : memref<80x128xf32, #tpu.memory_space<vmem>>) target(%dma_start3A_114 : memref<10240x128xf32, #tpu.memory_space<vmem_shared>>) offsets(%arg6 : memref<80xi32, #tpu.memory_space<vmem>>) semaphore(%arg22 : memref<!tpu.dma_semaphore, #tpu.memory_space<semaphore_mem>>) {add = true}
        %add3A_115 = arith.constant 2 : i32
        %add3A_116 = arith.addi %add3A_78, %add3A_115 : i32
        %lt3A_117 = arith.constant 50 : i32
        %lt3A_118 = arith.cmpi slt, %add3A_116, %lt3A_117 : i32
        %convert_element_type3A_119 = arith.extui %lt3A_118 : i1 to i32
        %cond3A_120 = arith.constant 0 : i32
        %cond3A_121 = arith.cmpi ne, %convert_element_type3A_119, %cond3A_120 : i32
        scf.if %cond3A_121 {
          %ge3A = arith.constant 2 : i32
          %ge3A_122 = arith.cmpi sge, %add3A_78, %ge3A : i32
          %convert_element_type3A_123 = arith.extui %ge3A_122 : i1 to i32
          %cond3A_124 = arith.constant 0 : i32
          %cond3A_125 = arith.cmpi ne, %convert_element_type3A_123, %cond3A_124 : i32
          scf.if %cond3A_125 {
            %dma_wait3A_135 = arith.constant 0 : i32
            %dma_wait3A_136 = arith.constant 0 : i32
            %dma_wait3A_137 = tpu.memref_slice %arg25[%dma_wait3A_135, %dma_wait3A_136] : memref<10240x128xf32, #tpu.memory_space<vmem_shared>> -> memref<10240x128xf32, #tpu.memory_space<vmem_shared>>
            tpu.wait_indirect_dma semaphore(%arg24 : memref<!tpu.dma_semaphore, #tpu.memory_space<semaphore_mem>>) src(%arg12 : memref<80x128xf32, #tpu.memory_space<vmem>>) dst(%dma_wait3A_137 : memref<10240x128xf32, #tpu.memory_space<vmem_shared>>)
          } else {
          }
          %mul3A_126 = arith.constant 80 : i32
          %mul3A_127 = arith.muli %add3A_116, %mul3A_126 : i32
          %add3A_128 = arith.addi %mul3A_2, %mul3A_127 : i32
          %dma_start3A_129 = tpu.memref_slice %arg3[%add3A_128] : memref<128000xi32, #tpu.memory_space<hbm>> -> memref<80xi32, #tpu.memory_space<hbm>>
          %dma_start3A_130 = tpu.memref_slice %arg3[%add3A_128] : memref<128000xi32, #tpu.memory_space<hbm>> -> memref<80xi32, #tpu.memory_space<hbm>>
          tpu.enqueue_dma source(%dma_start3A_130 : memref<80xi32, #tpu.memory_space<hbm>>) target(%arg8 : memref<80xi32, #tpu.memory_space<vmem>>) target_semaphore(%arg16 : memref<!tpu.dma_semaphore, #tpu.memory_space<semaphore_mem>>)
          %dma_start3A_131 = arith.constant 0 : i32
          %dma_start3A_132 = tpu.memref_slice %arg2[%add3A_128, %dma_start3A_131] : memref<128000x128xf32, #tpu.memory_space<hbm>> -> memref<80x128xf32, #tpu.memory_space<hbm>>
          %dma_start3A_133 = arith.constant 0 : i32
          %dma_start3A_134 = tpu.memref_slice %arg2[%add3A_128, %dma_start3A_133] : memref<128000x128xf32, #tpu.memory_space<hbm>> -> memref<80x128xf32, #tpu.memory_space<hbm>>
          tpu.enqueue_dma source(%dma_start3A_134 : memref<80x128xf32, #tpu.memory_space<hbm>>) target(%arg12 : memref<80x128xf32, #tpu.memory_space<vmem>>) target_semaphore(%arg20 : memref<!tpu.dma_semaphore, #tpu.memory_space<semaphore_mem>>)
        } else {
        }
      } else {
      }
      %mul3A_84 = arith.constant 4 : i32
      %mul3A_85 = arith.muli %scan3A_65, %mul3A_84 : i32
      %add3A_86 = arith.constant 2 : i32
      %add3A_87 = arith.addi %mul3A_85, %add3A_86 : i32
      %lt3A_88 = arith.constant 50 : i32
      %lt3A_89 = arith.cmpi slt, %add3A_87, %lt3A_88 : i32
      %convert_element_type3A_90 = arith.extui %lt3A_89 : i1 to i32
      %cond3A_91 = arith.constant 0 : i32
      %cond3A_92 = arith.cmpi ne, %convert_element_type3A_90, %cond3A_91 : i32
      scf.if %cond3A_92 {
        %dma_wait3A_102 = arith.constant 0 : i32
        %dma_wait3A_103 = tpu.memref_slice %arg3[%dma_wait3A_102] : memref<128000xi32, #tpu.memory_space<hbm>> -> memref<80xi32, #tpu.memory_space<hbm>>
        %dma_wait3A_104 = arith.constant 0 : i32
        %dma_wait3A_105 = tpu.memref_slice %arg3[%dma_wait3A_104] : memref<128000xi32, #tpu.memory_space<hbm>> -> memref<80xi32, #tpu.memory_space<hbm>>
        tpu.wait_dma2 semaphore(%arg15 : memref<!tpu.dma_semaphore, #tpu.memory_space<semaphore_mem>>) src(%dma_wait3A_105 : memref<80xi32, #tpu.memory_space<hbm>>) dst(%arg7 : memref<80xi32, #tpu.memory_space<vmem>>)
        %dma_wait3A_106 = arith.constant 0 : i32
        %dma_wait3A_107 = arith.constant 0 : i32
        %dma_wait3A_108 = tpu.memref_slice %arg2[%dma_wait3A_106, %dma_wait3A_107] : memref<128000x128xf32, #tpu.memory_space<hbm>> -> memref<80x128xf32, #tpu.memory_space<hbm>>
        %dma_wait3A_109 = arith.constant 0 : i32
        %dma_wait3A_110 = arith.constant 0 : i32
        %dma_wait3A_111 = tpu.memref_slice %arg2[%dma_wait3A_109, %dma_wait3A_110] : memref<128000x128xf32, #tpu.memory_space<hbm>> -> memref<80x128xf32, #tpu.memory_space<hbm>>
        tpu.wait_dma2 semaphore(%arg19 : memref<!tpu.dma_semaphore, #tpu.memory_space<semaphore_mem>>) src(%dma_wait3A_111 : memref<80x128xf32, #tpu.memory_space<hbm>>) dst(%arg11 : memref<80x128xf32, #tpu.memory_space<vmem>>)
        %dma_start3A_112 = arith.constant 0 : i32
        %dma_start3A_113 = arith.constant 0 : i32
        %dma_start3A_114 = tpu.memref_slice %arg25[%dma_start3A_112, %dma_start3A_113] : memref<10240x128xf32, #tpu.memory_space<vmem_shared>> -> memref<10240x128xf32, #tpu.memory_space<vmem_shared>>
        tpu.enqueue_indirect_dma source(%arg11 : memref<80x128xf32, #tpu.memory_space<vmem>>) target(%dma_start3A_114 : memref<10240x128xf32, #tpu.memory_space<vmem_shared>>) offsets(%arg7 : memref<80xi32, #tpu.memory_space<vmem>>) semaphore(%arg23 : memref<!tpu.dma_semaphore, #tpu.memory_space<semaphore_mem>>) {add = true}
        %add3A_115 = arith.constant 2 : i32
        %add3A_116 = arith.addi %add3A_87, %add3A_115 : i32
        %lt3A_117 = arith.constant 50 : i32
        %lt3A_118 = arith.cmpi slt, %add3A_116, %lt3A_117 : i32
        %convert_element_type3A_119 = arith.extui %lt3A_118 : i1 to i32
        %cond3A_120 = arith.constant 0 : i32
        %cond3A_121 = arith.cmpi ne, %convert_element_type3A_119, %cond3A_120 : i32
        scf.if %cond3A_121 {
          %ge3A = arith.constant 2 : i32
          %ge3A_122 = arith.cmpi sge, %add3A_87, %ge3A : i32
          %convert_element_type3A_123 = arith.extui %ge3A_122 : i1 to i32
          %cond3A_124 = arith.constant 0 : i32
          %cond3A_125 = arith.cmpi ne, %convert_element_type3A_123, %cond3A_124 : i32
          scf.if %cond3A_125 {
            %dma_wait3A_135 = arith.constant 0 : i32
            %dma_wait3A_136 = arith.constant 0 : i32
            %dma_wait3A_137 = tpu.memref_slice %arg25[%dma_wait3A_135, %dma_wait3A_136] : memref<10240x128xf32, #tpu.memory_space<vmem_shared>> -> memref<10240x128xf32, #tpu.memory_space<vmem_shared>>
            tpu.wait_indirect_dma semaphore(%arg21 : memref<!tpu.dma_semaphore, #tpu.memory_space<semaphore_mem>>) src(%arg9 : memref<80x128xf32, #tpu.memory_space<vmem>>) dst(%dma_wait3A_137 : memref<10240x128xf32, #tpu.memory_space<vmem_shared>>)
          } else {
          }
          %mul3A_126 = arith.constant 80 : i32
          %mul3A_127 = arith.muli %add3A_116, %mul3A_126 : i32
          %add3A_128 = arith.addi %mul3A_2, %mul3A_127 : i32
          %dma_start3A_129 = tpu.memref_slice %arg3[%add3A_128] : memref<128000xi32, #tpu.memory_space<hbm>> -> memref<80xi32, #tpu.memory_space<hbm>>
          %dma_start3A_130 = tpu.memref_slice %arg3[%add3A_128] : memref<128000xi32, #tpu.memory_space<hbm>> -> memref<80xi32, #tpu.memory_space<hbm>>
          tpu.enqueue_dma source(%dma_start3A_130 : memref<80xi32, #tpu.memory_space<hbm>>) target(%arg5 : memref<80xi32, #tpu.memory_space<vmem>>) target_semaphore(%arg13 : memref<!tpu.dma_semaphore, #tpu.memory_space<semaphore_mem>>)
          %dma_start3A_131 = arith.constant 0 : i32
          %dma_start3A_132 = tpu.memref_slice %arg2[%add3A_128, %dma_start3A_131] : memref<128000x128xf32, #tpu.memory_space<hbm>> -> memref<80x128xf32, #tpu.memory_space<hbm>>
          %dma_start3A_133 = arith.constant 0 : i32
          %dma_start3A_134 = tpu.memref_slice %arg2[%add3A_128, %dma_start3A_133] : memref<128000x128xf32, #tpu.memory_space<hbm>> -> memref<80x128xf32, #tpu.memory_space<hbm>>
          tpu.enqueue_dma source(%dma_start3A_134 : memref<80x128xf32, #tpu.memory_space<hbm>>) target(%arg9 : memref<80x128xf32, #tpu.memory_space<vmem>>) target_semaphore(%arg17 : memref<!tpu.dma_semaphore, #tpu.memory_space<semaphore_mem>>)
        } else {
        }
      } else {
      }
      %mul3A_93 = arith.constant 4 : i32
      %mul3A_94 = arith.muli %scan3A_65, %mul3A_93 : i32
      %add3A_95 = arith.constant 3 : i32
      %add3A_96 = arith.addi %mul3A_94, %add3A_95 : i32
      %lt3A_97 = arith.constant 50 : i32
      %lt3A_98 = arith.cmpi slt, %add3A_96, %lt3A_97 : i32
      %convert_element_type3A_99 = arith.extui %lt3A_98 : i1 to i32
      %cond3A_100 = arith.constant 0 : i32
      %cond3A_101 = arith.cmpi ne, %convert_element_type3A_99, %cond3A_100 : i32
      scf.if %cond3A_101 {
        %dma_wait3A_102 = arith.constant 0 : i32
        %dma_wait3A_103 = tpu.memref_slice %arg3[%dma_wait3A_102] : memref<128000xi32, #tpu.memory_space<hbm>> -> memref<80xi32, #tpu.memory_space<hbm>>
        %dma_wait3A_104 = arith.constant 0 : i32
        %dma_wait3A_105 = tpu.memref_slice %arg3[%dma_wait3A_104] : memref<128000xi32, #tpu.memory_space<hbm>> -> memref<80xi32, #tpu.memory_space<hbm>>
        tpu.wait_dma2 semaphore(%arg16 : memref<!tpu.dma_semaphore, #tpu.memory_space<semaphore_mem>>) src(%dma_wait3A_105 : memref<80xi32, #tpu.memory_space<hbm>>) dst(%arg8 : memref<80xi32, #tpu.memory_space<vmem>>)
        %dma_wait3A_106 = arith.constant 0 : i32
        %dma_wait3A_107 = arith.constant 0 : i32
        %dma_wait3A_108 = tpu.memref_slice %arg2[%dma_wait3A_106, %dma_wait3A_107] : memref<128000x128xf32, #tpu.memory_space<hbm>> -> memref<80x128xf32, #tpu.memory_space<hbm>>
        %dma_wait3A_109 = arith.constant 0 : i32
        %dma_wait3A_110 = arith.constant 0 : i32
        %dma_wait3A_111 = tpu.memref_slice %arg2[%dma_wait3A_109, %dma_wait3A_110] : memref<128000x128xf32, #tpu.memory_space<hbm>> -> memref<80x128xf32, #tpu.memory_space<hbm>>
        tpu.wait_dma2 semaphore(%arg20 : memref<!tpu.dma_semaphore, #tpu.memory_space<semaphore_mem>>) src(%dma_wait3A_111 : memref<80x128xf32, #tpu.memory_space<hbm>>) dst(%arg12 : memref<80x128xf32, #tpu.memory_space<vmem>>)
        %dma_start3A_112 = arith.constant 0 : i32
        %dma_start3A_113 = arith.constant 0 : i32
        %dma_start3A_114 = tpu.memref_slice %arg25[%dma_start3A_112, %dma_start3A_113] : memref<10240x128xf32, #tpu.memory_space<vmem_shared>> -> memref<10240x128xf32, #tpu.memory_space<vmem_shared>>
        tpu.enqueue_indirect_dma source(%arg12 : memref<80x128xf32, #tpu.memory_space<vmem>>) target(%dma_start3A_114 : memref<10240x128xf32, #tpu.memory_space<vmem_shared>>) offsets(%arg8 : memref<80xi32, #tpu.memory_space<vmem>>) semaphore(%arg24 : memref<!tpu.dma_semaphore, #tpu.memory_space<semaphore_mem>>) {add = true}
        %add3A_115 = arith.constant 2 : i32
        %add3A_116 = arith.addi %add3A_96, %add3A_115 : i32
        %lt3A_117 = arith.constant 50 : i32
        %lt3A_118 = arith.cmpi slt, %add3A_116, %lt3A_117 : i32
        %convert_element_type3A_119 = arith.extui %lt3A_118 : i1 to i32
        %cond3A_120 = arith.constant 0 : i32
        %cond3A_121 = arith.cmpi ne, %convert_element_type3A_119, %cond3A_120 : i32
        scf.if %cond3A_121 {
          %ge3A = arith.constant 2 : i32
          %ge3A_122 = arith.cmpi sge, %add3A_96, %ge3A : i32
          %convert_element_type3A_123 = arith.extui %ge3A_122 : i1 to i32
          %cond3A_124 = arith.constant 0 : i32
          %cond3A_125 = arith.cmpi ne, %convert_element_type3A_123, %cond3A_124 : i32
          scf.if %cond3A_125 {
            %dma_wait3A_135 = arith.constant 0 : i32
            %dma_wait3A_136 = arith.constant 0 : i32
            %dma_wait3A_137 = tpu.memref_slice %arg25[%dma_wait3A_135, %dma_wait3A_136] : memref<10240x128xf32, #tpu.memory_space<vmem_shared>> -> memref<10240x128xf32, #tpu.memory_space<vmem_shared>>
            tpu.wait_indirect_dma semaphore(%arg22 : memref<!tpu.dma_semaphore, #tpu.memory_space<semaphore_mem>>) src(%arg10 : memref<80x128xf32, #tpu.memory_space<vmem>>) dst(%dma_wait3A_137 : memref<10240x128xf32, #tpu.memory_space<vmem_shared>>)
          } else {
          }
          %mul3A_126 = arith.constant 80 : i32
          %mul3A_127 = arith.muli %add3A_116, %mul3A_126 : i32
          %add3A_128 = arith.addi %mul3A_2, %mul3A_127 : i32
          %dma_start3A_129 = tpu.memref_slice %arg3[%add3A_128] : memref<128000xi32, #tpu.memory_space<hbm>> -> memref<80xi32, #tpu.memory_space<hbm>>
          %dma_start3A_130 = tpu.memref_slice %arg3[%add3A_128] : memref<128000xi32, #tpu.memory_space<hbm>> -> memref<80xi32, #tpu.memory_space<hbm>>
          tpu.enqueue_dma source(%dma_start3A_130 : memref<80xi32, #tpu.memory_space<hbm>>) target(%arg6 : memref<80xi32, #tpu.memory_space<vmem>>) target_semaphore(%arg14 : memref<!tpu.dma_semaphore, #tpu.memory_space<semaphore_mem>>)
          %dma_start3A_131 = arith.constant 0 : i32
          %dma_start3A_132 = tpu.memref_slice %arg2[%add3A_128, %dma_start3A_131] : memref<128000x128xf32, #tpu.memory_space<hbm>> -> memref<80x128xf32, #tpu.memory_space<hbm>>
          %dma_start3A_133 = arith.constant 0 : i32
          %dma_start3A_134 = tpu.memref_slice %arg2[%add3A_128, %dma_start3A_133] : memref<128000x128xf32, #tpu.memory_space<hbm>> -> memref<80x128xf32, #tpu.memory_space<hbm>>
          tpu.enqueue_dma source(%dma_start3A_134 : memref<80x128xf32, #tpu.memory_space<hbm>>) target(%arg10 : memref<80x128xf32, #tpu.memory_space<vmem>>) target_semaphore(%arg18 : memref<!tpu.dma_semaphore, #tpu.memory_space<semaphore_mem>>)
        } else {
        }
      } else {
      }
    }
    %scan3A_46 = arith.constant 13 : i32
    %dma_wait3A = arith.constant 0 : i32
    %dma_wait3A_47 = arith.constant 0 : i32
    %dma_wait3A_48 = tpu.memref_slice %arg25[%dma_wait3A, %dma_wait3A_47] : memref<10240x128xf32, #tpu.memory_space<vmem_shared>> -> memref<10240x128xf32, #tpu.memory_space<vmem_shared>>
    tpu.wait_indirect_dma semaphore(%arg21 : memref<!tpu.dma_semaphore, #tpu.memory_space<semaphore_mem>>) src(%arg9 : memref<80x128xf32, #tpu.memory_space<vmem>>) dst(%dma_wait3A_48 : memref<10240x128xf32, #tpu.memory_space<vmem_shared>>)
    %dma_wait3A_49 = arith.constant 0 : i32
    %dma_wait3A_50 = arith.constant 0 : i32
    %dma_wait3A_51 = tpu.memref_slice %arg25[%dma_wait3A_49, %dma_wait3A_50] : memref<10240x128xf32, #tpu.memory_space<vmem_shared>> -> memref<10240x128xf32, #tpu.memory_space<vmem_shared>>
    tpu.wait_indirect_dma semaphore(%arg22 : memref<!tpu.dma_semaphore, #tpu.memory_space<semaphore_mem>>) src(%arg10 : memref<80x128xf32, #tpu.memory_space<vmem>>) dst(%dma_wait3A_51 : memref<10240x128xf32, #tpu.memory_space<vmem_shared>>)
    %dma_wait3A_52 = arith.constant 0 : i32
    %dma_wait3A_53 = arith.constant 0 : i32
    %dma_wait3A_54 = tpu.memref_slice %arg25[%dma_wait3A_52, %dma_wait3A_53] : memref<10240x128xf32, #tpu.memory_space<vmem_shared>> -> memref<10240x128xf32, #tpu.memory_space<vmem_shared>>
    tpu.wait_indirect_dma semaphore(%arg23 : memref<!tpu.dma_semaphore, #tpu.memory_space<semaphore_mem>>) src(%arg11 : memref<80x128xf32, #tpu.memory_space<vmem>>) dst(%dma_wait3A_54 : memref<10240x128xf32, #tpu.memory_space<vmem_shared>>)
    %dma_wait3A_55 = arith.constant 0 : i32
    %dma_wait3A_56 = arith.constant 0 : i32
    %dma_wait3A_57 = tpu.memref_slice %arg25[%dma_wait3A_55, %dma_wait3A_56] : memref<10240x128xf32, #tpu.memory_space<vmem_shared>> -> memref<10240x128xf32, #tpu.memory_space<vmem_shared>>
    tpu.wait_indirect_dma semaphore(%arg24 : memref<!tpu.dma_semaphore, #tpu.memory_space<semaphore_mem>>) src(%arg12 : memref<80x128xf32, #tpu.memory_space<vmem>>) dst(%dma_wait3A_57 : memref<10240x128xf32, #tpu.memory_space<vmem_shared>>)
    %barrier3A_58 = arith.constant 0 : index
    tpu.barrier barrier_id(%barrier3A_58)
    %lt3A = arith.constant 15 : i32
    %lt3A_59 = arith.cmpi slt, %arg1, %lt3A : i32
    %convert_element_type3A = arith.extui %lt3A_59 : i1 to i32
    %cond3A = arith.constant 0 : i32
    %cond3A_60 = arith.cmpi ne, %convert_element_type3A, %cond3A : i32
    scf.if %cond3A_60 {
      "tpu.region"() ({
        %run_scoped3A = tpu.sem_alloc : memref<!tpu.dma_semaphore, #tpu.memory_space<semaphore_mem>>
        %dma_start3A_65 = arith.constant 0 : i32
        %dma_start3A_66 = tpu.memref_slice %arg4[%arg0, %mul3A_9, %dma_start3A_65] : memref<2x10000x128xf32, #tpu.memory_space<hbm>> -> memref<1x640x128xf32, #tpu.memory_space<hbm>>
        %dma_start3A_67 = tpu.memref_squeeze %dma_start3A_66 : memref<1x640x128xf32, #tpu.memory_space<hbm>> -> memref<640x128xf32, #tpu.memory_space<hbm>>
        %dma_start3A_68 = arith.constant 0 : i32
        %dma_start3A_69 = tpu.memref_slice %arg25[%mul3A_9, %dma_start3A_68] : memref<10240x128xf32, #tpu.memory_space<vmem_shared>> -> memref<640x128xf32, #tpu.memory_space<vmem_shared>>
        tpu.enqueue_dma source(%dma_start3A_69 : memref<640x128xf32, #tpu.memory_space<vmem_shared>>) target(%dma_start3A_67 : memref<640x128xf32, #tpu.memory_space<hbm>>) target_semaphore(%run_scoped3A : memref<!tpu.dma_semaphore, #tpu.memory_space<semaphore_mem>>)
        %dma_wait3A_70 = arith.constant 0 : i32
        %dma_wait3A_71 = tpu.memref_slice %arg4[%arg0, %mul3A_9, %dma_wait3A_70] : memref<2x10000x128xf32, #tpu.memory_space<hbm>> -> memref<1x640x128xf32, #tpu.memory_space<hbm>>
        %dma_wait3A_72 = tpu.memref_squeeze %dma_wait3A_71 : memref<1x640x128xf32, #tpu.memory_space<hbm>> -> memref<640x128xf32, #tpu.memory_space<hbm>>
        %dma_wait3A_73 = arith.constant 0 : i32
        %dma_wait3A_74 = tpu.memref_slice %arg25[%mul3A_9, %dma_wait3A_73] : memref<10240x128xf32, #tpu.memory_space<vmem_shared>> -> memref<640x128xf32, #tpu.memory_space<vmem_shared>>
        tpu.wait_dma2 semaphore(%run_scoped3A : memref<!tpu.dma_semaphore, #tpu.memory_space<semaphore_mem>>) src(%dma_wait3A_74 : memref<640x128xf32, #tpu.memory_space<vmem_shared>>) dst(%dma_wait3A_72 : memref<640x128xf32, #tpu.memory_space<hbm>>)
        tpu.yield
      }) : () -> ()
    } else {
    }
    %eq3A = arith.constant 15 : i32
    %eq3A_61 = arith.cmpi eq, %arg1, %eq3A : i32
    %convert_element_type3A_62 = arith.extui %eq3A_61 : i1 to i32
    %cond3A_63 = arith.constant 0 : i32
    %cond3A_64 = arith.cmpi ne, %convert_element_type3A_62, %cond3A_63 : i32
    scf.if %cond3A_64 {
      "tpu.region"() ({
        %run_scoped3A = tpu.sem_alloc : memref<!tpu.dma_semaphore, #tpu.memory_space<semaphore_mem>>
        %dma_start3A_65 = arith.constant 9600 : i32
        %dma_start3A_66 = arith.constant 0 : i32
        %dma_start3A_67 = tpu.memref_slice %arg4[%arg0, %dma_start3A_65, %dma_start3A_66] : memref<2x10000x128xf32, #tpu.memory_space<hbm>> -> memref<1x400x128xf32, #tpu.memory_space<hbm>>
        %dma_start3A_68 = tpu.memref_squeeze %dma_start3A_67 : memref<1x400x128xf32, #tpu.memory_space<hbm>> -> memref<400x128xf32, #tpu.memory_space<hbm>>
        %dma_start3A_69 = arith.constant 9600 : i32
        %dma_start3A_70 = arith.constant 0 : i32
        %dma_start3A_71 = tpu.memref_slice %arg25[%dma_start3A_69, %dma_start3A_70] : memref<10240x128xf32, #tpu.memory_space<vmem_shared>> -> memref<400x128xf32, #tpu.memory_space<vmem_shared>>
        tpu.enqueue_dma source(%dma_start3A_71 : memref<400x128xf32, #tpu.memory_space<vmem_shared>>) target(%dma_start3A_68 : memref<400x128xf32, #tpu.memory_space<hbm>>) target_semaphore(%run_scoped3A : memref<!tpu.dma_semaphore, #tpu.memory_space<semaphore_mem>>)
        %dma_wait3A_72 = arith.constant 9600 : i32
        %dma_wait3A_73 = arith.constant 0 : i32
        %dma_wait3A_74 = tpu.memref_slice %arg4[%arg0, %dma_wait3A_72, %dma_wait3A_73] : memref<2x10000x128xf32, #tpu.memory_space<hbm>> -> memref<1x400x128xf32, #tpu.memory_space<hbm>>
        %dma_wait3A_75 = tpu.memref_squeeze %dma_wait3A_74 : memref<1x400x128xf32, #tpu.memory_space<hbm>> -> memref<400x128xf32, #tpu.memory_space<hbm>>
        %dma_wait3A_76 = arith.constant 9600 : i32
        %dma_wait3A_77 = arith.constant 0 : i32
        %dma_wait3A_78 = tpu.memref_slice %arg25[%dma_wait3A_76, %dma_wait3A_77] : memref<10240x128xf32, #tpu.memory_space<vmem_shared>> -> memref<400x128xf32, #tpu.memory_space<vmem_shared>>
        tpu.wait_dma2 semaphore(%run_scoped3A : memref<!tpu.dma_semaphore, #tpu.memory_space<semaphore_mem>>) src(%dma_wait3A_78 : memref<400x128xf32, #tpu.memory_space<vmem_shared>>) dst(%dma_wait3A_75 : memref<400x128xf32, #tpu.memory_space<hbm>>)
        tpu.yield
      }) : () -> ()
    } else {
    }
    return
  }
}

#map = affine_map<(d0, d1) -> (0, 0)>
#map1 = affine_map<(d0, d1) -> (0)>
module attributes {stable_mosaic.version = 14 : i64} {
  func.func @gather(%arg0: i32, %arg1: i32, %arg2: memref<10000x128xf32, #tpu.memory_space<hbm>>, %arg3: memref<128000xi32, #tpu.memory_space<hbm>>, %arg4: memref<128000x128xf32, #tpu.memory_space<hbm>>, %arg5: memref<4000xi32, #tpu.memory_space<vmem>>, %arg6: memref<80x128xf32, #tpu.memory_space<vmem>>, %arg7: memref<80x128xf32, #tpu.memory_space<vmem>>, %arg8: memref<80x128xf32, #tpu.memory_space<vmem>>, %arg9: memref<80x128xf32, #tpu.memory_space<vmem>>, %arg10: memref<!tpu.dma_semaphore, #tpu.memory_space<semaphore_mem>>, %arg11: memref<!tpu.dma_semaphore, #tpu.memory_space<semaphore_mem>>, %arg12: memref<!tpu.dma_semaphore, #tpu.memory_space<semaphore_mem>>, %arg13: memref<!tpu.dma_semaphore, #tpu.memory_space<semaphore_mem>>, %arg14: memref<!tpu.dma_semaphore, #tpu.memory_space<semaphore_mem>>, %arg15: memref<!tpu.dma_semaphore, #tpu.memory_space<semaphore_mem>>, %arg16: memref<!tpu.dma_semaphore, #tpu.memory_space<semaphore_mem>>, %arg17: memref<!tpu.dma_semaphore, #tpu.memory_space<semaphore_mem>>, %arg18: memref<10000x128xf32, #tpu.memory_space<vmem_shared>>) attributes {dimension_semantics = [#tpu.dimension_semantics<core_parallel>, #tpu.dimension_semantics<subcore_parallel>], iteration_bounds = array<i64: 2, 16>, scalar_prefetch = 0 : i64, scratch_operands = 14 : i64, tpu.core_type = #tpu.core_type<sc_vector_subcore>, window_params = [{transform_indices = #map}, {transform_indices = #map1}, {transform_indices = #map}]} {
    %mul3A = arith.constant 2 : i32
    %mul3A_0 = arith.muli %arg1, %mul3A : i32
    %add3A = arith.addi %mul3A_0, %arg0 : i32
    %mul3A_1 = arith.constant 4000 : i32
    %mul3A_2 = arith.muli %add3A, %mul3A_1 : i32
    %mul3A_3 = arith.constant 640 : i32
    %mul3A_4 = arith.muli %arg1, %mul3A_3 : i32
    %lt3A = arith.constant 15 : i32
    %lt3A_5 = arith.cmpi slt, %arg1, %lt3A : i32
    %convert_element_type3A = arith.extui %lt3A_5 : i1 to i32
    %cond3A = arith.constant 0 : i32
    %cond3A_6 = arith.cmpi ne, %convert_element_type3A, %cond3A : i32
    scf.if %cond3A_6 {
      "tpu.region"() ({
        %run_scoped3A = tpu.sem_alloc : memref<!tpu.dma_semaphore, #tpu.memory_space<semaphore_mem>>
        %dma_start3A_48 = arith.constant 0 : i32
        %dma_start3A_49 = tpu.memref_slice %arg18[%mul3A_4, %dma_start3A_48] : memref<10000x128xf32, #tpu.memory_space<vmem_shared>> -> memref<640x128xf32, #tpu.memory_space<vmem_shared>>
        %dma_start3A_50 = arith.constant 0 : i32
        %dma_start3A_51 = tpu.memref_slice %arg2[%mul3A_4, %dma_start3A_50] : memref<10000x128xf32, #tpu.memory_space<hbm>> -> memref<640x128xf32, #tpu.memory_space<hbm>>
        tpu.enqueue_dma source(%dma_start3A_51 : memref<640x128xf32, #tpu.memory_space<hbm>>) target(%dma_start3A_49 : memref<640x128xf32, #tpu.memory_space<vmem_shared>>) target_semaphore(%run_scoped3A : memref<!tpu.dma_semaphore, #tpu.memory_space<semaphore_mem>>)
        %dma_wait3A_52 = arith.constant 0 : i32
        %dma_wait3A_53 = tpu.memref_slice %arg18[%mul3A_4, %dma_wait3A_52] : memref<10000x128xf32, #tpu.memory_space<vmem_shared>> -> memref<640x128xf32, #tpu.memory_space<vmem_shared>>
        %dma_wait3A_54 = arith.constant 0 : i32
        %dma_wait3A_55 = tpu.memref_slice %arg2[%mul3A_4, %dma_wait3A_54] : memref<10000x128xf32, #tpu.memory_space<hbm>> -> memref<640x128xf32, #tpu.memory_space<hbm>>
        tpu.wait_dma2 semaphore(%run_scoped3A : memref<!tpu.dma_semaphore, #tpu.memory_space<semaphore_mem>>) src(%dma_wait3A_55 : memref<640x128xf32, #tpu.memory_space<hbm>>) dst(%dma_wait3A_53 : memref<640x128xf32, #tpu.memory_space<vmem_shared>>)
        tpu.yield
      }) : () -> ()
    } else {
    }
    %eq3A = arith.constant 15 : i32
    %eq3A_7 = arith.cmpi eq, %arg1, %eq3A : i32
    %convert_element_type3A_8 = arith.extui %eq3A_7 : i1 to i32
    %cond3A_9 = arith.constant 0 : i32
    %cond3A_10 = arith.cmpi ne, %convert_element_type3A_8, %cond3A_9 : i32
    scf.if %cond3A_10 {
      "tpu.region"() ({
        %run_scoped3A = tpu.sem_alloc : memref<!tpu.dma_semaphore, #tpu.memory_space<semaphore_mem>>
        %dma_start3A_48 = arith.constant 9600 : i32
        %dma_start3A_49 = arith.constant 0 : i32
        %dma_start3A_50 = tpu.memref_slice %arg18[%dma_start3A_48, %dma_start3A_49] : memref<10000x128xf32, #tpu.memory_space<vmem_shared>> -> memref<400x128xf32, #tpu.memory_space<vmem_shared>>
        %dma_start3A_51 = arith.constant 9600 : i32
        %dma_start3A_52 = arith.constant 0 : i32
        %dma_start3A_53 = tpu.memref_slice %arg2[%dma_start3A_51, %dma_start3A_52] : memref<10000x128xf32, #tpu.memory_space<hbm>> -> memref<400x128xf32, #tpu.memory_space<hbm>>
        tpu.enqueue_dma source(%dma_start3A_53 : memref<400x128xf32, #tpu.memory_space<hbm>>) target(%dma_start3A_50 : memref<400x128xf32, #tpu.memory_space<vmem_shared>>) target_semaphore(%run_scoped3A : memref<!tpu.dma_semaphore, #tpu.memory_space<semaphore_mem>>)
        %dma_wait3A_54 = arith.constant 9600 : i32
        %dma_wait3A_55 = arith.constant 0 : i32
        %dma_wait3A_56 = tpu.memref_slice %arg18[%dma_wait3A_54, %dma_wait3A_55] : memref<10000x128xf32, #tpu.memory_space<vmem_shared>> -> memref<400x128xf32, #tpu.memory_space<vmem_shared>>
        %dma_wait3A_57 = arith.constant 9600 : i32
        %dma_wait3A_58 = arith.constant 0 : i32
        %dma_wait3A_59 = tpu.memref_slice %arg2[%dma_wait3A_57, %dma_wait3A_58] : memref<10000x128xf32, #tpu.memory_space<hbm>> -> memref<400x128xf32, #tpu.memory_space<hbm>>
        tpu.wait_dma2 semaphore(%run_scoped3A : memref<!tpu.dma_semaphore, #tpu.memory_space<semaphore_mem>>) src(%dma_wait3A_59 : memref<400x128xf32, #tpu.memory_space<hbm>>) dst(%dma_wait3A_56 : memref<400x128xf32, #tpu.memory_space<vmem_shared>>)
        tpu.yield
      }) : () -> ()
    } else {
    }
    "tpu.region"() ({
      %run_scoped3A = tpu.sem_alloc : memref<!tpu.dma_semaphore, #tpu.memory_space<semaphore_mem>>
      %dma_start3A_48 = tpu.memref_slice %arg3[%mul3A_2] : memref<128000xi32, #tpu.memory_space<hbm>> -> memref<4000xi32, #tpu.memory_space<hbm>>
      %dma_start3A_49 = tpu.memref_slice %arg3[%mul3A_2] : memref<128000xi32, #tpu.memory_space<hbm>> -> memref<4000xi32, #tpu.memory_space<hbm>>
      tpu.enqueue_dma source(%dma_start3A_49 : memref<4000xi32, #tpu.memory_space<hbm>>) target(%arg5 : memref<4000xi32, #tpu.memory_space<vmem>>) target_semaphore(%run_scoped3A : memref<!tpu.dma_semaphore, #tpu.memory_space<semaphore_mem>>)
      %dma_wait3A_50 = tpu.memref_slice %arg3[%mul3A_2] : memref<128000xi32, #tpu.memory_space<hbm>> -> memref<4000xi32, #tpu.memory_space<hbm>>
      %dma_wait3A_51 = tpu.memref_slice %arg3[%mul3A_2] : memref<128000xi32, #tpu.memory_space<hbm>> -> memref<4000xi32, #tpu.memory_space<hbm>>
      tpu.wait_dma2 semaphore(%run_scoped3A : memref<!tpu.dma_semaphore, #tpu.memory_space<semaphore_mem>>) src(%dma_wait3A_51 : memref<4000xi32, #tpu.memory_space<hbm>>) dst(%arg5 : memref<4000xi32, #tpu.memory_space<vmem>>)
      tpu.yield
    }) : () -> ()
    %barrier3A = arith.constant 0 : index
    tpu.barrier barrier_id(%barrier3A)
    %dma_start3A = arith.constant 0 : i32
    %dma_start3A_11 = tpu.memref_slice %arg5[%dma_start3A] : memref<4000xi32, #tpu.memory_space<vmem>> -> memref<80xi32, #tpu.memory_space<vmem>>
    %dma_start3A_12 = arith.constant 0 : i32
    %dma_start3A_13 = arith.constant 0 : i32
    %dma_start3A_14 = tpu.memref_slice %arg18[%dma_start3A_12, %dma_start3A_13] : memref<10000x128xf32, #tpu.memory_space<vmem_shared>> -> memref<10000x128xf32, #tpu.memory_space<vmem_shared>>
    tpu.enqueue_indirect_dma source(%dma_start3A_14 : memref<10000x128xf32, #tpu.memory_space<vmem_shared>>) target(%arg6 : memref<80x128xf32, #tpu.memory_space<vmem>>) offsets(%dma_start3A_11 : memref<80xi32, #tpu.memory_space<vmem>>) semaphore(%arg10 : memref<!tpu.dma_semaphore, #tpu.memory_space<semaphore_mem>>)
    %dma_start3A_15 = arith.constant 80 : i32
    %dma_start3A_16 = tpu.memref_slice %arg5[%dma_start3A_15] : memref<4000xi32, #tpu.memory_space<vmem>> -> memref<80xi32, #tpu.memory_space<vmem>>
    %dma_start3A_17 = arith.constant 0 : i32
    %dma_start3A_18 = arith.constant 0 : i32
    %dma_start3A_19 = tpu.memref_slice %arg18[%dma_start3A_17, %dma_start3A_18] : memref<10000x128xf32, #tpu.memory_space<vmem_shared>> -> memref<10000x128xf32, #tpu.memory_space<vmem_shared>>
    tpu.enqueue_indirect_dma source(%dma_start3A_19 : memref<10000x128xf32, #tpu.memory_space<vmem_shared>>) target(%arg7 : memref<80x128xf32, #tpu.memory_space<vmem>>) offsets(%dma_start3A_16 : memref<80xi32, #tpu.memory_space<vmem>>) semaphore(%arg11 : memref<!tpu.dma_semaphore, #tpu.memory_space<semaphore_mem>>)
    %scan3A = arith.constant 0 : i32
    %scan3A_20 = arith.constant 0 : i32
    %scan3A_21 = arith.constant 13 : i32
    %scan3A_22 = arith.addi %scan3A_20, %scan3A_21 : i32
    %scan3A_23 = arith.constant 1 : i32
    scf.for %scan3A_48 = %scan3A_20 to %scan3A_22 step %scan3A_23  : i32 {
      %mul3A_49 = arith.constant 4 : i32
      %mul3A_50 = arith.muli %scan3A_48, %mul3A_49 : i32
      %add3A_51 = arith.constant 0 : i32
      %add3A_52 = arith.addi %mul3A_50, %add3A_51 : i32
      %lt3A_53 = arith.constant 50 : i32
      %lt3A_54 = arith.cmpi slt, %add3A_52, %lt3A_53 : i32
      %convert_element_type3A_55 = arith.extui %lt3A_54 : i1 to i32
      %cond3A_56 = arith.constant 0 : i32
      %cond3A_57 = arith.cmpi ne, %convert_element_type3A_55, %cond3A_56 : i32
      scf.if %cond3A_57 {
        %dma_wait3A_85 = arith.constant 0 : i32
        %dma_wait3A_86 = arith.constant 0 : i32
        %dma_wait3A_87 = tpu.memref_slice %arg4[%dma_wait3A_85, %dma_wait3A_86] : memref<128000x128xf32, #tpu.memory_space<hbm>> -> memref<80x128xf32, #tpu.memory_space<hbm>>
        %dma_wait3A_88 = arith.constant 0 : i32
        %dma_wait3A_89 = arith.constant 0 : i32
        %dma_wait3A_90 = tpu.memref_slice %arg4[%dma_wait3A_88, %dma_wait3A_89] : memref<128000x128xf32, #tpu.memory_space<hbm>> -> memref<80x128xf32, #tpu.memory_space<hbm>>
        tpu.wait_dma2 semaphore(%arg10 : memref<!tpu.dma_semaphore, #tpu.memory_space<semaphore_mem>>) src(%dma_wait3A_90 : memref<80x128xf32, #tpu.memory_space<hbm>>) dst(%arg6 : memref<80x128xf32, #tpu.memory_space<vmem>>)
        %mul3A_91 = arith.constant 80 : i32
        %mul3A_92 = arith.muli %add3A_52, %mul3A_91 : i32
        %add3A_93 = arith.addi %mul3A_2, %mul3A_92 : i32
        %dma_start3A_94 = arith.constant 0 : i32
        %dma_start3A_95 = tpu.memref_slice %arg4[%add3A_93, %dma_start3A_94] : memref<128000x128xf32, #tpu.memory_space<hbm>> -> memref<80x128xf32, #tpu.memory_space<hbm>>
        %dma_start3A_96 = arith.constant 0 : i32
        %dma_start3A_97 = tpu.memref_slice %arg4[%add3A_93, %dma_start3A_96] : memref<128000x128xf32, #tpu.memory_space<hbm>> -> memref<80x128xf32, #tpu.memory_space<hbm>>
        tpu.enqueue_dma source(%arg6 : memref<80x128xf32, #tpu.memory_space<vmem>>) target(%dma_start3A_97 : memref<80x128xf32, #tpu.memory_space<hbm>>) target_semaphore(%arg14 : memref<!tpu.dma_semaphore, #tpu.memory_space<semaphore_mem>>)
        %add3A_98 = arith.constant 2 : i32
        %add3A_99 = arith.addi %add3A_52, %add3A_98 : i32
        %lt3A_100 = arith.constant 50 : i32
        %lt3A_101 = arith.cmpi slt, %add3A_99, %lt3A_100 : i32
        %convert_element_type3A_102 = arith.extui %lt3A_101 : i1 to i32
        %cond3A_103 = arith.constant 0 : i32
        %cond3A_104 = arith.cmpi ne, %convert_element_type3A_102, %cond3A_103 : i32
        scf.if %cond3A_104 {
          %ge3A = arith.constant 2 : i32
          %ge3A_105 = arith.cmpi sge, %add3A_52, %ge3A : i32
          %convert_element_type3A_106 = arith.extui %ge3A_105 : i1 to i32
          %cond3A_107 = arith.constant 0 : i32
          %cond3A_108 = arith.cmpi ne, %convert_element_type3A_106, %cond3A_107 : i32
          scf.if %cond3A_108 {
            %dma_wait3A_115 = arith.constant 0 : i32
            %dma_wait3A_116 = arith.constant 0 : i32
            %dma_wait3A_117 = tpu.memref_slice %arg4[%dma_wait3A_115, %dma_wait3A_116] : memref<128000x128xf32, #tpu.memory_space<hbm>> -> memref<80x128xf32, #tpu.memory_space<hbm>>
            %dma_wait3A_118 = arith.constant 0 : i32
            %dma_wait3A_119 = arith.constant 0 : i32
            %dma_wait3A_120 = tpu.memref_slice %arg4[%dma_wait3A_118, %dma_wait3A_119] : memref<128000x128xf32, #tpu.memory_space<hbm>> -> memref<80x128xf32, #tpu.memory_space<hbm>>
            tpu.wait_dma2 semaphore(%arg16 : memref<!tpu.dma_semaphore, #tpu.memory_space<semaphore_mem>>) src(%arg8 : memref<80x128xf32, #tpu.memory_space<vmem>>) dst(%dma_wait3A_120 : memref<80x128xf32, #tpu.memory_space<hbm>>)
          } else {
          }
          %mul3A_109 = arith.constant 80 : i32
          %mul3A_110 = arith.muli %add3A_99, %mul3A_109 : i32
          %dma_start3A_111 = tpu.memref_slice %arg5[%mul3A_110] : memref<4000xi32, #tpu.memory_space<vmem>> -> memref<80xi32, #tpu.memory_space<vmem>>
          %dma_start3A_112 = arith.constant 0 : i32
          %dma_start3A_113 = arith.constant 0 : i32
          %dma_start3A_114 = tpu.memref_slice %arg18[%dma_start3A_112, %dma_start3A_113] : memref<10000x128xf32, #tpu.memory_space<vmem_shared>> -> memref<10000x128xf32, #tpu.memory_space<vmem_shared>>
          tpu.enqueue_indirect_dma source(%dma_start3A_114 : memref<10000x128xf32, #tpu.memory_space<vmem_shared>>) target(%arg8 : memref<80x128xf32, #tpu.memory_space<vmem>>) offsets(%dma_start3A_111 : memref<80xi32, #tpu.memory_space<vmem>>) semaphore(%arg12 : memref<!tpu.dma_semaphore, #tpu.memory_space<semaphore_mem>>)
        } else {
        }
      } else {
      }
      %mul3A_58 = arith.constant 4 : i32
      %mul3A_59 = arith.muli %scan3A_48, %mul3A_58 : i32
      %add3A_60 = arith.constant 1 : i32
      %add3A_61 = arith.addi %mul3A_59, %add3A_60 : i32
      %lt3A_62 = arith.constant 50 : i32
      %lt3A_63 = arith.cmpi slt, %add3A_61, %lt3A_62 : i32
      %convert_element_type3A_64 = arith.extui %lt3A_63 : i1 to i32
      %cond3A_65 = arith.constant 0 : i32
      %cond3A_66 = arith.cmpi ne, %convert_element_type3A_64, %cond3A_65 : i32
      scf.if %cond3A_66 {
        %dma_wait3A_85 = arith.constant 0 : i32
        %dma_wait3A_86 = arith.constant 0 : i32
        %dma_wait3A_87 = tpu.memref_slice %arg4[%dma_wait3A_85, %dma_wait3A_86] : memref<128000x128xf32, #tpu.memory_space<hbm>> -> memref<80x128xf32, #tpu.memory_space<hbm>>
        %dma_wait3A_88 = arith.constant 0 : i32
        %dma_wait3A_89 = arith.constant 0 : i32
        %dma_wait3A_90 = tpu.memref_slice %arg4[%dma_wait3A_88, %dma_wait3A_89] : memref<128000x128xf32, #tpu.memory_space<hbm>> -> memref<80x128xf32, #tpu.memory_space<hbm>>
        tpu.wait_dma2 semaphore(%arg11 : memref<!tpu.dma_semaphore, #tpu.memory_space<semaphore_mem>>) src(%dma_wait3A_90 : memref<80x128xf32, #tpu.memory_space<hbm>>) dst(%arg7 : memref<80x128xf32, #tpu.memory_space<vmem>>)
        %mul3A_91 = arith.constant 80 : i32
        %mul3A_92 = arith.muli %add3A_61, %mul3A_91 : i32
        %add3A_93 = arith.addi %mul3A_2, %mul3A_92 : i32
        %dma_start3A_94 = arith.constant 0 : i32
        %dma_start3A_95 = tpu.memref_slice %arg4[%add3A_93, %dma_start3A_94] : memref<128000x128xf32, #tpu.memory_space<hbm>> -> memref<80x128xf32, #tpu.memory_space<hbm>>
        %dma_start3A_96 = arith.constant 0 : i32
        %dma_start3A_97 = tpu.memref_slice %arg4[%add3A_93, %dma_start3A_96] : memref<128000x128xf32, #tpu.memory_space<hbm>> -> memref<80x128xf32, #tpu.memory_space<hbm>>
        tpu.enqueue_dma source(%arg7 : memref<80x128xf32, #tpu.memory_space<vmem>>) target(%dma_start3A_97 : memref<80x128xf32, #tpu.memory_space<hbm>>) target_semaphore(%arg15 : memref<!tpu.dma_semaphore, #tpu.memory_space<semaphore_mem>>)
        %add3A_98 = arith.constant 2 : i32
        %add3A_99 = arith.addi %add3A_61, %add3A_98 : i32
        %lt3A_100 = arith.constant 50 : i32
        %lt3A_101 = arith.cmpi slt, %add3A_99, %lt3A_100 : i32
        %convert_element_type3A_102 = arith.extui %lt3A_101 : i1 to i32
        %cond3A_103 = arith.constant 0 : i32
        %cond3A_104 = arith.cmpi ne, %convert_element_type3A_102, %cond3A_103 : i32
        scf.if %cond3A_104 {
          %ge3A = arith.constant 2 : i32
          %ge3A_105 = arith.cmpi sge, %add3A_61, %ge3A : i32
          %convert_element_type3A_106 = arith.extui %ge3A_105 : i1 to i32
          %cond3A_107 = arith.constant 0 : i32
          %cond3A_108 = arith.cmpi ne, %convert_element_type3A_106, %cond3A_107 : i32
          scf.if %cond3A_108 {
            %dma_wait3A_115 = arith.constant 0 : i32
            %dma_wait3A_116 = arith.constant 0 : i32
            %dma_wait3A_117 = tpu.memref_slice %arg4[%dma_wait3A_115, %dma_wait3A_116] : memref<128000x128xf32, #tpu.memory_space<hbm>> -> memref<80x128xf32, #tpu.memory_space<hbm>>
            %dma_wait3A_118 = arith.constant 0 : i32
            %dma_wait3A_119 = arith.constant 0 : i32
            %dma_wait3A_120 = tpu.memref_slice %arg4[%dma_wait3A_118, %dma_wait3A_119] : memref<128000x128xf32, #tpu.memory_space<hbm>> -> memref<80x128xf32, #tpu.memory_space<hbm>>
            tpu.wait_dma2 semaphore(%arg17 : memref<!tpu.dma_semaphore, #tpu.memory_space<semaphore_mem>>) src(%arg9 : memref<80x128xf32, #tpu.memory_space<vmem>>) dst(%dma_wait3A_120 : memref<80x128xf32, #tpu.memory_space<hbm>>)
          } else {
          }
          %mul3A_109 = arith.constant 80 : i32
          %mul3A_110 = arith.muli %add3A_99, %mul3A_109 : i32
          %dma_start3A_111 = tpu.memref_slice %arg5[%mul3A_110] : memref<4000xi32, #tpu.memory_space<vmem>> -> memref<80xi32, #tpu.memory_space<vmem>>
          %dma_start3A_112 = arith.constant 0 : i32
          %dma_start3A_113 = arith.constant 0 : i32
          %dma_start3A_114 = tpu.memref_slice %arg18[%dma_start3A_112, %dma_start3A_113] : memref<10000x128xf32, #tpu.memory_space<vmem_shared>> -> memref<10000x128xf32, #tpu.memory_space<vmem_shared>>
          tpu.enqueue_indirect_dma source(%dma_start3A_114 : memref<10000x128xf32, #tpu.memory_space<vmem_shared>>) target(%arg9 : memref<80x128xf32, #tpu.memory_space<vmem>>) offsets(%dma_start3A_111 : memref<80xi32, #tpu.memory_space<vmem>>) semaphore(%arg13 : memref<!tpu.dma_semaphore, #tpu.memory_space<semaphore_mem>>)
        } else {
        }
      } else {
      }
      %mul3A_67 = arith.constant 4 : i32
      %mul3A_68 = arith.muli %scan3A_48, %mul3A_67 : i32
      %add3A_69 = arith.constant 2 : i32
      %add3A_70 = arith.addi %mul3A_68, %add3A_69 : i32
      %lt3A_71 = arith.constant 50 : i32
      %lt3A_72 = arith.cmpi slt, %add3A_70, %lt3A_71 : i32
      %convert_element_type3A_73 = arith.extui %lt3A_72 : i1 to i32
      %cond3A_74 = arith.constant 0 : i32
      %cond3A_75 = arith.cmpi ne, %convert_element_type3A_73, %cond3A_74 : i32
      scf.if %cond3A_75 {
        %dma_wait3A_85 = arith.constant 0 : i32
        %dma_wait3A_86 = arith.constant 0 : i32
        %dma_wait3A_87 = tpu.memref_slice %arg4[%dma_wait3A_85, %dma_wait3A_86] : memref<128000x128xf32, #tpu.memory_space<hbm>> -> memref<80x128xf32, #tpu.memory_space<hbm>>
        %dma_wait3A_88 = arith.constant 0 : i32
        %dma_wait3A_89 = arith.constant 0 : i32
        %dma_wait3A_90 = tpu.memref_slice %arg4[%dma_wait3A_88, %dma_wait3A_89] : memref<128000x128xf32, #tpu.memory_space<hbm>> -> memref<80x128xf32, #tpu.memory_space<hbm>>
        tpu.wait_dma2 semaphore(%arg12 : memref<!tpu.dma_semaphore, #tpu.memory_space<semaphore_mem>>) src(%dma_wait3A_90 : memref<80x128xf32, #tpu.memory_space<hbm>>) dst(%arg8 : memref<80x128xf32, #tpu.memory_space<vmem>>)
        %mul3A_91 = arith.constant 80 : i32
        %mul3A_92 = arith.muli %add3A_70, %mul3A_91 : i32
        %add3A_93 = arith.addi %mul3A_2, %mul3A_92 : i32
        %dma_start3A_94 = arith.constant 0 : i32
        %dma_start3A_95 = tpu.memref_slice %arg4[%add3A_93, %dma_start3A_94] : memref<128000x128xf32, #tpu.memory_space<hbm>> -> memref<80x128xf32, #tpu.memory_space<hbm>>
        %dma_start3A_96 = arith.constant 0 : i32
        %dma_start3A_97 = tpu.memref_slice %arg4[%add3A_93, %dma_start3A_96] : memref<128000x128xf32, #tpu.memory_space<hbm>> -> memref<80x128xf32, #tpu.memory_space<hbm>>
        tpu.enqueue_dma source(%arg8 : memref<80x128xf32, #tpu.memory_space<vmem>>) target(%dma_start3A_97 : memref<80x128xf32, #tpu.memory_space<hbm>>) target_semaphore(%arg16 : memref<!tpu.dma_semaphore, #tpu.memory_space<semaphore_mem>>)
        %add3A_98 = arith.constant 2 : i32
        %add3A_99 = arith.addi %add3A_70, %add3A_98 : i32
        %lt3A_100 = arith.constant 50 : i32
        %lt3A_101 = arith.cmpi slt, %add3A_99, %lt3A_100 : i32
        %convert_element_type3A_102 = arith.extui %lt3A_101 : i1 to i32
        %cond3A_103 = arith.constant 0 : i32
        %cond3A_104 = arith.cmpi ne, %convert_element_type3A_102, %cond3A_103 : i32
        scf.if %cond3A_104 {
          %ge3A = arith.constant 2 : i32
          %ge3A_105 = arith.cmpi sge, %add3A_70, %ge3A : i32
          %convert_element_type3A_106 = arith.extui %ge3A_105 : i1 to i32
          %cond3A_107 = arith.constant 0 : i32
          %cond3A_108 = arith.cmpi ne, %convert_element_type3A_106, %cond3A_107 : i32
          scf.if %cond3A_108 {
            %dma_wait3A_115 = arith.constant 0 : i32
            %dma_wait3A_116 = arith.constant 0 : i32
            %dma_wait3A_117 = tpu.memref_slice %arg4[%dma_wait3A_115, %dma_wait3A_116] : memref<128000x128xf32, #tpu.memory_space<hbm>> -> memref<80x128xf32, #tpu.memory_space<hbm>>
            %dma_wait3A_118 = arith.constant 0 : i32
            %dma_wait3A_119 = arith.constant 0 : i32
            %dma_wait3A_120 = tpu.memref_slice %arg4[%dma_wait3A_118, %dma_wait3A_119] : memref<128000x128xf32, #tpu.memory_space<hbm>> -> memref<80x128xf32, #tpu.memory_space<hbm>>
            tpu.wait_dma2 semaphore(%arg14 : memref<!tpu.dma_semaphore, #tpu.memory_space<semaphore_mem>>) src(%arg6 : memref<80x128xf32, #tpu.memory_space<vmem>>) dst(%dma_wait3A_120 : memref<80x128xf32, #tpu.memory_space<hbm>>)
          } else {
          }
          %mul3A_109 = arith.constant 80 : i32
          %mul3A_110 = arith.muli %add3A_99, %mul3A_109 : i32
          %dma_start3A_111 = tpu.memref_slice %arg5[%mul3A_110] : memref<4000xi32, #tpu.memory_space<vmem>> -> memref<80xi32, #tpu.memory_space<vmem>>
          %dma_start3A_112 = arith.constant 0 : i32
          %dma_start3A_113 = arith.constant 0 : i32
          %dma_start3A_114 = tpu.memref_slice %arg18[%dma_start3A_112, %dma_start3A_113] : memref<10000x128xf32, #tpu.memory_space<vmem_shared>> -> memref<10000x128xf32, #tpu.memory_space<vmem_shared>>
          tpu.enqueue_indirect_dma source(%dma_start3A_114 : memref<10000x128xf32, #tpu.memory_space<vmem_shared>>) target(%arg6 : memref<80x128xf32, #tpu.memory_space<vmem>>) offsets(%dma_start3A_111 : memref<80xi32, #tpu.memory_space<vmem>>) semaphore(%arg10 : memref<!tpu.dma_semaphore, #tpu.memory_space<semaphore_mem>>)
        } else {
        }
      } else {
      }
      %mul3A_76 = arith.constant 4 : i32
      %mul3A_77 = arith.muli %scan3A_48, %mul3A_76 : i32
      %add3A_78 = arith.constant 3 : i32
      %add3A_79 = arith.addi %mul3A_77, %add3A_78 : i32
      %lt3A_80 = arith.constant 50 : i32
      %lt3A_81 = arith.cmpi slt, %add3A_79, %lt3A_80 : i32
      %convert_element_type3A_82 = arith.extui %lt3A_81 : i1 to i32
      %cond3A_83 = arith.constant 0 : i32
      %cond3A_84 = arith.cmpi ne, %convert_element_type3A_82, %cond3A_83 : i32
      scf.if %cond3A_84 {
        %dma_wait3A_85 = arith.constant 0 : i32
        %dma_wait3A_86 = arith.constant 0 : i32
        %dma_wait3A_87 = tpu.memref_slice %arg4[%dma_wait3A_85, %dma_wait3A_86] : memref<128000x128xf32, #tpu.memory_space<hbm>> -> memref<80x128xf32, #tpu.memory_space<hbm>>
        %dma_wait3A_88 = arith.constant 0 : i32
        %dma_wait3A_89 = arith.constant 0 : i32
        %dma_wait3A_90 = tpu.memref_slice %arg4[%dma_wait3A_88, %dma_wait3A_89] : memref<128000x128xf32, #tpu.memory_space<hbm>> -> memref<80x128xf32, #tpu.memory_space<hbm>>
        tpu.wait_dma2 semaphore(%arg13 : memref<!tpu.dma_semaphore, #tpu.memory_space<semaphore_mem>>) src(%dma_wait3A_90 : memref<80x128xf32, #tpu.memory_space<hbm>>) dst(%arg9 : memref<80x128xf32, #tpu.memory_space<vmem>>)
        %mul3A_91 = arith.constant 80 : i32
        %mul3A_92 = arith.muli %add3A_79, %mul3A_91 : i32
        %add3A_93 = arith.addi %mul3A_2, %mul3A_92 : i32
        %dma_start3A_94 = arith.constant 0 : i32
        %dma_start3A_95 = tpu.memref_slice %arg4[%add3A_93, %dma_start3A_94] : memref<128000x128xf32, #tpu.memory_space<hbm>> -> memref<80x128xf32, #tpu.memory_space<hbm>>
        %dma_start3A_96 = arith.constant 0 : i32
        %dma_start3A_97 = tpu.memref_slice %arg4[%add3A_93, %dma_start3A_96] : memref<128000x128xf32, #tpu.memory_space<hbm>> -> memref<80x128xf32, #tpu.memory_space<hbm>>
        tpu.enqueue_dma source(%arg9 : memref<80x128xf32, #tpu.memory_space<vmem>>) target(%dma_start3A_97 : memref<80x128xf32, #tpu.memory_space<hbm>>) target_semaphore(%arg17 : memref<!tpu.dma_semaphore, #tpu.memory_space<semaphore_mem>>)
        %add3A_98 = arith.constant 2 : i32
        %add3A_99 = arith.addi %add3A_79, %add3A_98 : i32
        %lt3A_100 = arith.constant 50 : i32
        %lt3A_101 = arith.cmpi slt, %add3A_99, %lt3A_100 : i32
        %convert_element_type3A_102 = arith.extui %lt3A_101 : i1 to i32
        %cond3A_103 = arith.constant 0 : i32
        %cond3A_104 = arith.cmpi ne, %convert_element_type3A_102, %cond3A_103 : i32
        scf.if %cond3A_104 {
          %ge3A = arith.constant 2 : i32
          %ge3A_105 = arith.cmpi sge, %add3A_79, %ge3A : i32
          %convert_element_type3A_106 = arith.extui %ge3A_105 : i1 to i32
          %cond3A_107 = arith.constant 0 : i32
          %cond3A_108 = arith.cmpi ne, %convert_element_type3A_106, %cond3A_107 : i32
          scf.if %cond3A_108 {
            %dma_wait3A_115 = arith.constant 0 : i32
            %dma_wait3A_116 = arith.constant 0 : i32
            %dma_wait3A_117 = tpu.memref_slice %arg4[%dma_wait3A_115, %dma_wait3A_116] : memref<128000x128xf32, #tpu.memory_space<hbm>> -> memref<80x128xf32, #tpu.memory_space<hbm>>
            %dma_wait3A_118 = arith.constant 0 : i32
            %dma_wait3A_119 = arith.constant 0 : i32
            %dma_wait3A_120 = tpu.memref_slice %arg4[%dma_wait3A_118, %dma_wait3A_119] : memref<128000x128xf32, #tpu.memory_space<hbm>> -> memref<80x128xf32, #tpu.memory_space<hbm>>
            tpu.wait_dma2 semaphore(%arg15 : memref<!tpu.dma_semaphore, #tpu.memory_space<semaphore_mem>>) src(%arg7 : memref<80x128xf32, #tpu.memory_space<vmem>>) dst(%dma_wait3A_120 : memref<80x128xf32, #tpu.memory_space<hbm>>)
          } else {
          }
          %mul3A_109 = arith.constant 80 : i32
          %mul3A_110 = arith.muli %add3A_99, %mul3A_109 : i32
          %dma_start3A_111 = tpu.memref_slice %arg5[%mul3A_110] : memref<4000xi32, #tpu.memory_space<vmem>> -> memref<80xi32, #tpu.memory_space<vmem>>
          %dma_start3A_112 = arith.constant 0 : i32
          %dma_start3A_113 = arith.constant 0 : i32
          %dma_start3A_114 = tpu.memref_slice %arg18[%dma_start3A_112, %dma_start3A_113] : memref<10000x128xf32, #tpu.memory_space<vmem_shared>> -> memref<10000x128xf32, #tpu.memory_space<vmem_shared>>
          tpu.enqueue_indirect_dma source(%dma_start3A_114 : memref<10000x128xf32, #tpu.memory_space<vmem_shared>>) target(%arg7 : memref<80x128xf32, #tpu.memory_space<vmem>>) offsets(%dma_start3A_111 : memref<80xi32, #tpu.memory_space<vmem>>) semaphore(%arg11 : memref<!tpu.dma_semaphore, #tpu.memory_space<semaphore_mem>>)
        } else {
        }
      } else {
      }
    }
    %scan3A_24 = arith.constant 13 : i32
    %dma_wait3A = arith.constant 0 : i32
    %dma_wait3A_25 = arith.constant 0 : i32
    %dma_wait3A_26 = tpu.memref_slice %arg4[%dma_wait3A, %dma_wait3A_25] : memref<128000x128xf32, #tpu.memory_space<hbm>> -> memref<80x128xf32, #tpu.memory_space<hbm>>
    %dma_wait3A_27 = arith.constant 0 : i32
    %dma_wait3A_28 = arith.constant 0 : i32
    %dma_wait3A_29 = tpu.memref_slice %arg4[%dma_wait3A_27, %dma_wait3A_28] : memref<128000x128xf32, #tpu.memory_space<hbm>> -> memref<80x128xf32, #tpu.memory_space<hbm>>
    tpu.wait_dma2 semaphore(%arg14 : memref<!tpu.dma_semaphore, #tpu.memory_space<semaphore_mem>>) src(%arg6 : memref<80x128xf32, #tpu.memory_space<vmem>>) dst(%dma_wait3A_29 : memref<80x128xf32, #tpu.memory_space<hbm>>)
    %dma_wait3A_30 = arith.constant 0 : i32
    %dma_wait3A_31 = arith.constant 0 : i32
    %dma_wait3A_32 = tpu.memref_slice %arg4[%dma_wait3A_30, %dma_wait3A_31] : memref<128000x128xf32, #tpu.memory_space<hbm>> -> memref<80x128xf32, #tpu.memory_space<hbm>>
    %dma_wait3A_33 = arith.constant 0 : i32
    %dma_wait3A_34 = arith.constant 0 : i32
    %dma_wait3A_35 = tpu.memref_slice %arg4[%dma_wait3A_33, %dma_wait3A_34] : memref<128000x128xf32, #tpu.memory_space<hbm>> -> memref<80x128xf32, #tpu.memory_space<hbm>>
    tpu.wait_dma2 semaphore(%arg15 : memref<!tpu.dma_semaphore, #tpu.memory_space<semaphore_mem>>) src(%arg7 : memref<80x128xf32, #tpu.memory_space<vmem>>) dst(%dma_wait3A_35 : memref<80x128xf32, #tpu.memory_space<hbm>>)
    %dma_wait3A_36 = arith.constant 0 : i32
    %dma_wait3A_37 = arith.constant 0 : i32
    %dma_wait3A_38 = tpu.memref_slice %arg4[%dma_wait3A_36, %dma_wait3A_37] : memref<128000x128xf32, #tpu.memory_space<hbm>> -> memref<80x128xf32, #tpu.memory_space<hbm>>
    %dma_wait3A_39 = arith.constant 0 : i32
    %dma_wait3A_40 = arith.constant 0 : i32
    %dma_wait3A_41 = tpu.memref_slice %arg4[%dma_wait3A_39, %dma_wait3A_40] : memref<128000x128xf32, #tpu.memory_space<hbm>> -> memref<80x128xf32, #tpu.memory_space<hbm>>
    tpu.wait_dma2 semaphore(%arg16 : memref<!tpu.dma_semaphore, #tpu.memory_space<semaphore_mem>>) src(%arg8 : memref<80x128xf32, #tpu.memory_space<vmem>>) dst(%dma_wait3A_41 : memref<80x128xf32, #tpu.memory_space<hbm>>)
    %dma_wait3A_42 = arith.constant 0 : i32
    %dma_wait3A_43 = arith.constant 0 : i32
    %dma_wait3A_44 = tpu.memref_slice %arg4[%dma_wait3A_42, %dma_wait3A_43] : memref<128000x128xf32, #tpu.memory_space<hbm>> -> memref<80x128xf32, #tpu.memory_space<hbm>>
    %dma_wait3A_45 = arith.constant 0 : i32
    %dma_wait3A_46 = arith.constant 0 : i32
    %dma_wait3A_47 = tpu.memref_slice %arg4[%dma_wait3A_45, %dma_wait3A_46] : memref<128000x128xf32, #tpu.memory_space<hbm>> -> memref<80x128xf32, #tpu.memory_space<hbm>>
    tpu.wait_dma2 semaphore(%arg17 : memref<!tpu.dma_semaphore, #tpu.memory_space<semaphore_mem>>) src(%arg9 : memref<80x128xf32, #tpu.memory_space<vmem>>) dst(%dma_wait3A_47 : memref<80x128xf32, #tpu.memory_space<hbm>>)
    return
  }
}

#map = affine_map<(d0, d1) -> (0, 0)>
#map1 = affine_map<(d0, d1) -> (0)>
module attributes {stable_mosaic.version = 14 : i64} {
  func.func @gather(%arg0: i32, %arg1: i32, %arg2: memref<10000x128xf32, #tpu.memory_space<hbm>>, %arg3: memref<192000xi32, #tpu.memory_space<hbm>>, %arg4: memref<192000x128xf32, #tpu.memory_space<hbm>>, %arg5: memref<6000xi32, #tpu.memory_space<vmem>>, %arg6: memref<80x128xf32, #tpu.memory_space<vmem>>, %arg7: memref<80x128xf32, #tpu.memory_space<vmem>>, %arg8: memref<80x128xf32, #tpu.memory_space<vmem>>, %arg9: memref<80x128xf32, #tpu.memory_space<vmem>>, %arg10: memref<!tpu.dma_semaphore, #tpu.memory_space<semaphore_mem>>, %arg11: memref<!tpu.dma_semaphore, #tpu.memory_space<semaphore_mem>>, %arg12: memref<!tpu.dma_semaphore, #tpu.memory_space<semaphore_mem>>, %arg13: memref<!tpu.dma_semaphore, #tpu.memory_space<semaphore_mem>>, %arg14: memref<!tpu.dma_semaphore, #tpu.memory_space<semaphore_mem>>, %arg15: memref<!tpu.dma_semaphore, #tpu.memory_space<semaphore_mem>>, %arg16: memref<!tpu.dma_semaphore, #tpu.memory_space<semaphore_mem>>, %arg17: memref<!tpu.dma_semaphore, #tpu.memory_space<semaphore_mem>>, %arg18: memref<10000x128xf32, #tpu.memory_space<vmem_shared>>) attributes {dimension_semantics = [#tpu.dimension_semantics<core_parallel>, #tpu.dimension_semantics<subcore_parallel>], iteration_bounds = array<i64: 2, 16>, scalar_prefetch = 0 : i64, scratch_operands = 14 : i64, tpu.core_type = #tpu.core_type<sc_vector_subcore>, window_params = [{transform_indices = #map}, {transform_indices = #map1}, {transform_indices = #map}]} {
    %mul3A = arith.constant 2 : i32
    %mul3A_0 = arith.muli %arg1, %mul3A : i32
    %add3A = arith.addi %mul3A_0, %arg0 : i32
    %mul3A_1 = arith.constant 6000 : i32
    %mul3A_2 = arith.muli %add3A, %mul3A_1 : i32
    %mul3A_3 = arith.constant 640 : i32
    %mul3A_4 = arith.muli %arg1, %mul3A_3 : i32
    %lt3A = arith.constant 15 : i32
    %lt3A_5 = arith.cmpi slt, %arg1, %lt3A : i32
    %convert_element_type3A = arith.extui %lt3A_5 : i1 to i32
    %cond3A = arith.constant 0 : i32
    %cond3A_6 = arith.cmpi ne, %convert_element_type3A, %cond3A : i32
    scf.if %cond3A_6 {
      "tpu.region"() ({
        %run_scoped3A = tpu.sem_alloc : memref<!tpu.dma_semaphore, #tpu.memory_space<semaphore_mem>>
        %dma_start3A_48 = arith.constant 0 : i32
        %dma_start3A_49 = tpu.memref_slice %arg18[%mul3A_4, %dma_start3A_48] : memref<10000x128xf32, #tpu.memory_space<vmem_shared>> -> memref<640x128xf32, #tpu.memory_space<vmem_shared>>
        %dma_start3A_50 = arith.constant 0 : i32
        %dma_start3A_51 = tpu.memref_slice %arg2[%mul3A_4, %dma_start3A_50] : memref<10000x128xf32, #tpu.memory_space<hbm>> -> memref<640x128xf32, #tpu.memory_space<hbm>>
        tpu.enqueue_dma source(%dma_start3A_51 : memref<640x128xf32, #tpu.memory_space<hbm>>) target(%dma_start3A_49 : memref<640x128xf32, #tpu.memory_space<vmem_shared>>) target_semaphore(%run_scoped3A : memref<!tpu.dma_semaphore, #tpu.memory_space<semaphore_mem>>)
        %dma_wait3A_52 = arith.constant 0 : i32
        %dma_wait3A_53 = tpu.memref_slice %arg18[%mul3A_4, %dma_wait3A_52] : memref<10000x128xf32, #tpu.memory_space<vmem_shared>> -> memref<640x128xf32, #tpu.memory_space<vmem_shared>>
        %dma_wait3A_54 = arith.constant 0 : i32
        %dma_wait3A_55 = tpu.memref_slice %arg2[%mul3A_4, %dma_wait3A_54] : memref<10000x128xf32, #tpu.memory_space<hbm>> -> memref<640x128xf32, #tpu.memory_space<hbm>>
        tpu.wait_dma2 semaphore(%run_scoped3A : memref<!tpu.dma_semaphore, #tpu.memory_space<semaphore_mem>>) src(%dma_wait3A_55 : memref<640x128xf32, #tpu.memory_space<hbm>>) dst(%dma_wait3A_53 : memref<640x128xf32, #tpu.memory_space<vmem_shared>>)
        tpu.yield
      }) : () -> ()
    } else {
    }
    %eq3A = arith.constant 15 : i32
    %eq3A_7 = arith.cmpi eq, %arg1, %eq3A : i32
    %convert_element_type3A_8 = arith.extui %eq3A_7 : i1 to i32
    %cond3A_9 = arith.constant 0 : i32
    %cond3A_10 = arith.cmpi ne, %convert_element_type3A_8, %cond3A_9 : i32
    scf.if %cond3A_10 {
      "tpu.region"() ({
        %run_scoped3A = tpu.sem_alloc : memref<!tpu.dma_semaphore, #tpu.memory_space<semaphore_mem>>
        %dma_start3A_48 = arith.constant 9600 : i32
        %dma_start3A_49 = arith.constant 0 : i32
        %dma_start3A_50 = tpu.memref_slice %arg18[%dma_start3A_48, %dma_start3A_49] : memref<10000x128xf32, #tpu.memory_space<vmem_shared>> -> memref<400x128xf32, #tpu.memory_space<vmem_shared>>
        %dma_start3A_51 = arith.constant 9600 : i32
        %dma_start3A_52 = arith.constant 0 : i32
        %dma_start3A_53 = tpu.memref_slice %arg2[%dma_start3A_51, %dma_start3A_52] : memref<10000x128xf32, #tpu.memory_space<hbm>> -> memref<400x128xf32, #tpu.memory_space<hbm>>
        tpu.enqueue_dma source(%dma_start3A_53 : memref<400x128xf32, #tpu.memory_space<hbm>>) target(%dma_start3A_50 : memref<400x128xf32, #tpu.memory_space<vmem_shared>>) target_semaphore(%run_scoped3A : memref<!tpu.dma_semaphore, #tpu.memory_space<semaphore_mem>>)
        %dma_wait3A_54 = arith.constant 9600 : i32
        %dma_wait3A_55 = arith.constant 0 : i32
        %dma_wait3A_56 = tpu.memref_slice %arg18[%dma_wait3A_54, %dma_wait3A_55] : memref<10000x128xf32, #tpu.memory_space<vmem_shared>> -> memref<400x128xf32, #tpu.memory_space<vmem_shared>>
        %dma_wait3A_57 = arith.constant 9600 : i32
        %dma_wait3A_58 = arith.constant 0 : i32
        %dma_wait3A_59 = tpu.memref_slice %arg2[%dma_wait3A_57, %dma_wait3A_58] : memref<10000x128xf32, #tpu.memory_space<hbm>> -> memref<400x128xf32, #tpu.memory_space<hbm>>
        tpu.wait_dma2 semaphore(%run_scoped3A : memref<!tpu.dma_semaphore, #tpu.memory_space<semaphore_mem>>) src(%dma_wait3A_59 : memref<400x128xf32, #tpu.memory_space<hbm>>) dst(%dma_wait3A_56 : memref<400x128xf32, #tpu.memory_space<vmem_shared>>)
        tpu.yield
      }) : () -> ()
    } else {
    }
    "tpu.region"() ({
      %run_scoped3A = tpu.sem_alloc : memref<!tpu.dma_semaphore, #tpu.memory_space<semaphore_mem>>
      %dma_start3A_48 = tpu.memref_slice %arg3[%mul3A_2] : memref<192000xi32, #tpu.memory_space<hbm>> -> memref<6000xi32, #tpu.memory_space<hbm>>
      %dma_start3A_49 = tpu.memref_slice %arg3[%mul3A_2] : memref<192000xi32, #tpu.memory_space<hbm>> -> memref<6000xi32, #tpu.memory_space<hbm>>
      tpu.enqueue_dma source(%dma_start3A_49 : memref<6000xi32, #tpu.memory_space<hbm>>) target(%arg5 : memref<6000xi32, #tpu.memory_space<vmem>>) target_semaphore(%run_scoped3A : memref<!tpu.dma_semaphore, #tpu.memory_space<semaphore_mem>>)
      %dma_wait3A_50 = tpu.memref_slice %arg3[%mul3A_2] : memref<192000xi32, #tpu.memory_space<hbm>> -> memref<6000xi32, #tpu.memory_space<hbm>>
      %dma_wait3A_51 = tpu.memref_slice %arg3[%mul3A_2] : memref<192000xi32, #tpu.memory_space<hbm>> -> memref<6000xi32, #tpu.memory_space<hbm>>
      tpu.wait_dma2 semaphore(%run_scoped3A : memref<!tpu.dma_semaphore, #tpu.memory_space<semaphore_mem>>) src(%dma_wait3A_51 : memref<6000xi32, #tpu.memory_space<hbm>>) dst(%arg5 : memref<6000xi32, #tpu.memory_space<vmem>>)
      tpu.yield
    }) : () -> ()
    %barrier3A = arith.constant 0 : index
    tpu.barrier barrier_id(%barrier3A)
    %dma_start3A = arith.constant 0 : i32
    %dma_start3A_11 = tpu.memref_slice %arg5[%dma_start3A] : memref<6000xi32, #tpu.memory_space<vmem>> -> memref<80xi32, #tpu.memory_space<vmem>>
    %dma_start3A_12 = arith.constant 0 : i32
    %dma_start3A_13 = arith.constant 0 : i32
    %dma_start3A_14 = tpu.memref_slice %arg18[%dma_start3A_12, %dma_start3A_13] : memref<10000x128xf32, #tpu.memory_space<vmem_shared>> -> memref<10000x128xf32, #tpu.memory_space<vmem_shared>>
    tpu.enqueue_indirect_dma source(%dma_start3A_14 : memref<10000x128xf32, #tpu.memory_space<vmem_shared>>) target(%arg6 : memref<80x128xf32, #tpu.memory_space<vmem>>) offsets(%dma_start3A_11 : memref<80xi32, #tpu.memory_space<vmem>>) semaphore(%arg10 : memref<!tpu.dma_semaphore, #tpu.memory_space<semaphore_mem>>)
    %dma_start3A_15 = arith.constant 80 : i32
    %dma_start3A_16 = tpu.memref_slice %arg5[%dma_start3A_15] : memref<6000xi32, #tpu.memory_space<vmem>> -> memref<80xi32, #tpu.memory_space<vmem>>
    %dma_start3A_17 = arith.constant 0 : i32
    %dma_start3A_18 = arith.constant 0 : i32
    %dma_start3A_19 = tpu.memref_slice %arg18[%dma_start3A_17, %dma_start3A_18] : memref<10000x128xf32, #tpu.memory_space<vmem_shared>> -> memref<10000x128xf32, #tpu.memory_space<vmem_shared>>
    tpu.enqueue_indirect_dma source(%dma_start3A_19 : memref<10000x128xf32, #tpu.memory_space<vmem_shared>>) target(%arg7 : memref<80x128xf32, #tpu.memory_space<vmem>>) offsets(%dma_start3A_16 : memref<80xi32, #tpu.memory_space<vmem>>) semaphore(%arg11 : memref<!tpu.dma_semaphore, #tpu.memory_space<semaphore_mem>>)
    %scan3A = arith.constant 0 : i32
    %scan3A_20 = arith.constant 0 : i32
    %scan3A_21 = arith.constant 19 : i32
    %scan3A_22 = arith.addi %scan3A_20, %scan3A_21 : i32
    %scan3A_23 = arith.constant 1 : i32
    scf.for %scan3A_48 = %scan3A_20 to %scan3A_22 step %scan3A_23  : i32 {
      %mul3A_49 = arith.constant 4 : i32
      %mul3A_50 = arith.muli %scan3A_48, %mul3A_49 : i32
      %add3A_51 = arith.constant 0 : i32
      %add3A_52 = arith.addi %mul3A_50, %add3A_51 : i32
      %lt3A_53 = arith.constant 75 : i32
      %lt3A_54 = arith.cmpi slt, %add3A_52, %lt3A_53 : i32
      %convert_element_type3A_55 = arith.extui %lt3A_54 : i1 to i32
      %cond3A_56 = arith.constant 0 : i32
      %cond3A_57 = arith.cmpi ne, %convert_element_type3A_55, %cond3A_56 : i32
      scf.if %cond3A_57 {
        %dma_wait3A_85 = arith.constant 0 : i32
        %dma_wait3A_86 = arith.constant 0 : i32
        %dma_wait3A_87 = tpu.memref_slice %arg4[%dma_wait3A_85, %dma_wait3A_86] : memref<192000x128xf32, #tpu.memory_space<hbm>> -> memref<80x128xf32, #tpu.memory_space<hbm>>
        %dma_wait3A_88 = arith.constant 0 : i32
        %dma_wait3A_89 = arith.constant 0 : i32
        %dma_wait3A_90 = tpu.memref_slice %arg4[%dma_wait3A_88, %dma_wait3A_89] : memref<192000x128xf32, #tpu.memory_space<hbm>> -> memref<80x128xf32, #tpu.memory_space<hbm>>
        tpu.wait_dma2 semaphore(%arg10 : memref<!tpu.dma_semaphore, #tpu.memory_space<semaphore_mem>>) src(%dma_wait3A_90 : memref<80x128xf32, #tpu.memory_space<hbm>>) dst(%arg6 : memref<80x128xf32, #tpu.memory_space<vmem>>)
        %mul3A_91 = arith.constant 80 : i32
        %mul3A_92 = arith.muli %add3A_52, %mul3A_91 : i32
        %add3A_93 = arith.addi %mul3A_2, %mul3A_92 : i32
        %dma_start3A_94 = arith.constant 0 : i32
        %dma_start3A_95 = tpu.memref_slice %arg4[%add3A_93, %dma_start3A_94] : memref<192000x128xf32, #tpu.memory_space<hbm>> -> memref<80x128xf32, #tpu.memory_space<hbm>>
        %dma_start3A_96 = arith.constant 0 : i32
        %dma_start3A_97 = tpu.memref_slice %arg4[%add3A_93, %dma_start3A_96] : memref<192000x128xf32, #tpu.memory_space<hbm>> -> memref<80x128xf32, #tpu.memory_space<hbm>>
        tpu.enqueue_dma source(%arg6 : memref<80x128xf32, #tpu.memory_space<vmem>>) target(%dma_start3A_97 : memref<80x128xf32, #tpu.memory_space<hbm>>) target_semaphore(%arg14 : memref<!tpu.dma_semaphore, #tpu.memory_space<semaphore_mem>>)
        %add3A_98 = arith.constant 2 : i32
        %add3A_99 = arith.addi %add3A_52, %add3A_98 : i32
        %lt3A_100 = arith.constant 75 : i32
        %lt3A_101 = arith.cmpi slt, %add3A_99, %lt3A_100 : i32
        %convert_element_type3A_102 = arith.extui %lt3A_101 : i1 to i32
        %cond3A_103 = arith.constant 0 : i32
        %cond3A_104 = arith.cmpi ne, %convert_element_type3A_102, %cond3A_103 : i32
        scf.if %cond3A_104 {
          %ge3A = arith.constant 2 : i32
          %ge3A_105 = arith.cmpi sge, %add3A_52, %ge3A : i32
          %convert_element_type3A_106 = arith.extui %ge3A_105 : i1 to i32
          %cond3A_107 = arith.constant 0 : i32
          %cond3A_108 = arith.cmpi ne, %convert_element_type3A_106, %cond3A_107 : i32
          scf.if %cond3A_108 {
            %dma_wait3A_115 = arith.constant 0 : i32
            %dma_wait3A_116 = arith.constant 0 : i32
            %dma_wait3A_117 = tpu.memref_slice %arg4[%dma_wait3A_115, %dma_wait3A_116] : memref<192000x128xf32, #tpu.memory_space<hbm>> -> memref<80x128xf32, #tpu.memory_space<hbm>>
            %dma_wait3A_118 = arith.constant 0 : i32
            %dma_wait3A_119 = arith.constant 0 : i32
            %dma_wait3A_120 = tpu.memref_slice %arg4[%dma_wait3A_118, %dma_wait3A_119] : memref<192000x128xf32, #tpu.memory_space<hbm>> -> memref<80x128xf32, #tpu.memory_space<hbm>>
            tpu.wait_dma2 semaphore(%arg16 : memref<!tpu.dma_semaphore, #tpu.memory_space<semaphore_mem>>) src(%arg8 : memref<80x128xf32, #tpu.memory_space<vmem>>) dst(%dma_wait3A_120 : memref<80x128xf32, #tpu.memory_space<hbm>>)
          } else {
          }
          %mul3A_109 = arith.constant 80 : i32
          %mul3A_110 = arith.muli %add3A_99, %mul3A_109 : i32
          %dma_start3A_111 = tpu.memref_slice %arg5[%mul3A_110] : memref<6000xi32, #tpu.memory_space<vmem>> -> memref<80xi32, #tpu.memory_space<vmem>>
          %dma_start3A_112 = arith.constant 0 : i32
          %dma_start3A_113 = arith.constant 0 : i32
          %dma_start3A_114 = tpu.memref_slice %arg18[%dma_start3A_112, %dma_start3A_113] : memref<10000x128xf32, #tpu.memory_space<vmem_shared>> -> memref<10000x128xf32, #tpu.memory_space<vmem_shared>>
          tpu.enqueue_indirect_dma source(%dma_start3A_114 : memref<10000x128xf32, #tpu.memory_space<vmem_shared>>) target(%arg8 : memref<80x128xf32, #tpu.memory_space<vmem>>) offsets(%dma_start3A_111 : memref<80xi32, #tpu.memory_space<vmem>>) semaphore(%arg12 : memref<!tpu.dma_semaphore, #tpu.memory_space<semaphore_mem>>)
        } else {
        }
      } else {
      }
      %mul3A_58 = arith.constant 4 : i32
      %mul3A_59 = arith.muli %scan3A_48, %mul3A_58 : i32
      %add3A_60 = arith.constant 1 : i32
      %add3A_61 = arith.addi %mul3A_59, %add3A_60 : i32
      %lt3A_62 = arith.constant 75 : i32
      %lt3A_63 = arith.cmpi slt, %add3A_61, %lt3A_62 : i32
      %convert_element_type3A_64 = arith.extui %lt3A_63 : i1 to i32
      %cond3A_65 = arith.constant 0 : i32
      %cond3A_66 = arith.cmpi ne, %convert_element_type3A_64, %cond3A_65 : i32
      scf.if %cond3A_66 {
        %dma_wait3A_85 = arith.constant 0 : i32
        %dma_wait3A_86 = arith.constant 0 : i32
        %dma_wait3A_87 = tpu.memref_slice %arg4[%dma_wait3A_85, %dma_wait3A_86] : memref<192000x128xf32, #tpu.memory_space<hbm>> -> memref<80x128xf32, #tpu.memory_space<hbm>>
        %dma_wait3A_88 = arith.constant 0 : i32
        %dma_wait3A_89 = arith.constant 0 : i32
        %dma_wait3A_90 = tpu.memref_slice %arg4[%dma_wait3A_88, %dma_wait3A_89] : memref<192000x128xf32, #tpu.memory_space<hbm>> -> memref<80x128xf32, #tpu.memory_space<hbm>>
        tpu.wait_dma2 semaphore(%arg11 : memref<!tpu.dma_semaphore, #tpu.memory_space<semaphore_mem>>) src(%dma_wait3A_90 : memref<80x128xf32, #tpu.memory_space<hbm>>) dst(%arg7 : memref<80x128xf32, #tpu.memory_space<vmem>>)
        %mul3A_91 = arith.constant 80 : i32
        %mul3A_92 = arith.muli %add3A_61, %mul3A_91 : i32
        %add3A_93 = arith.addi %mul3A_2, %mul3A_92 : i32
        %dma_start3A_94 = arith.constant 0 : i32
        %dma_start3A_95 = tpu.memref_slice %arg4[%add3A_93, %dma_start3A_94] : memref<192000x128xf32, #tpu.memory_space<hbm>> -> memref<80x128xf32, #tpu.memory_space<hbm>>
        %dma_start3A_96 = arith.constant 0 : i32
        %dma_start3A_97 = tpu.memref_slice %arg4[%add3A_93, %dma_start3A_96] : memref<192000x128xf32, #tpu.memory_space<hbm>> -> memref<80x128xf32, #tpu.memory_space<hbm>>
        tpu.enqueue_dma source(%arg7 : memref<80x128xf32, #tpu.memory_space<vmem>>) target(%dma_start3A_97 : memref<80x128xf32, #tpu.memory_space<hbm>>) target_semaphore(%arg15 : memref<!tpu.dma_semaphore, #tpu.memory_space<semaphore_mem>>)
        %add3A_98 = arith.constant 2 : i32
        %add3A_99 = arith.addi %add3A_61, %add3A_98 : i32
        %lt3A_100 = arith.constant 75 : i32
        %lt3A_101 = arith.cmpi slt, %add3A_99, %lt3A_100 : i32
        %convert_element_type3A_102 = arith.extui %lt3A_101 : i1 to i32
        %cond3A_103 = arith.constant 0 : i32
        %cond3A_104 = arith.cmpi ne, %convert_element_type3A_102, %cond3A_103 : i32
        scf.if %cond3A_104 {
          %ge3A = arith.constant 2 : i32
          %ge3A_105 = arith.cmpi sge, %add3A_61, %ge3A : i32
          %convert_element_type3A_106 = arith.extui %ge3A_105 : i1 to i32
          %cond3A_107 = arith.constant 0 : i32
          %cond3A_108 = arith.cmpi ne, %convert_element_type3A_106, %cond3A_107 : i32
          scf.if %cond3A_108 {
            %dma_wait3A_115 = arith.constant 0 : i32
            %dma_wait3A_116 = arith.constant 0 : i32
            %dma_wait3A_117 = tpu.memref_slice %arg4[%dma_wait3A_115, %dma_wait3A_116] : memref<192000x128xf32, #tpu.memory_space<hbm>> -> memref<80x128xf32, #tpu.memory_space<hbm>>
            %dma_wait3A_118 = arith.constant 0 : i32
            %dma_wait3A_119 = arith.constant 0 : i32
            %dma_wait3A_120 = tpu.memref_slice %arg4[%dma_wait3A_118, %dma_wait3A_119] : memref<192000x128xf32, #tpu.memory_space<hbm>> -> memref<80x128xf32, #tpu.memory_space<hbm>>
            tpu.wait_dma2 semaphore(%arg17 : memref<!tpu.dma_semaphore, #tpu.memory_space<semaphore_mem>>) src(%arg9 : memref<80x128xf32, #tpu.memory_space<vmem>>) dst(%dma_wait3A_120 : memref<80x128xf32, #tpu.memory_space<hbm>>)
          } else {
          }
          %mul3A_109 = arith.constant 80 : i32
          %mul3A_110 = arith.muli %add3A_99, %mul3A_109 : i32
          %dma_start3A_111 = tpu.memref_slice %arg5[%mul3A_110] : memref<6000xi32, #tpu.memory_space<vmem>> -> memref<80xi32, #tpu.memory_space<vmem>>
          %dma_start3A_112 = arith.constant 0 : i32
          %dma_start3A_113 = arith.constant 0 : i32
          %dma_start3A_114 = tpu.memref_slice %arg18[%dma_start3A_112, %dma_start3A_113] : memref<10000x128xf32, #tpu.memory_space<vmem_shared>> -> memref<10000x128xf32, #tpu.memory_space<vmem_shared>>
          tpu.enqueue_indirect_dma source(%dma_start3A_114 : memref<10000x128xf32, #tpu.memory_space<vmem_shared>>) target(%arg9 : memref<80x128xf32, #tpu.memory_space<vmem>>) offsets(%dma_start3A_111 : memref<80xi32, #tpu.memory_space<vmem>>) semaphore(%arg13 : memref<!tpu.dma_semaphore, #tpu.memory_space<semaphore_mem>>)
        } else {
        }
      } else {
      }
      %mul3A_67 = arith.constant 4 : i32
      %mul3A_68 = arith.muli %scan3A_48, %mul3A_67 : i32
      %add3A_69 = arith.constant 2 : i32
      %add3A_70 = arith.addi %mul3A_68, %add3A_69 : i32
      %lt3A_71 = arith.constant 75 : i32
      %lt3A_72 = arith.cmpi slt, %add3A_70, %lt3A_71 : i32
      %convert_element_type3A_73 = arith.extui %lt3A_72 : i1 to i32
      %cond3A_74 = arith.constant 0 : i32
      %cond3A_75 = arith.cmpi ne, %convert_element_type3A_73, %cond3A_74 : i32
      scf.if %cond3A_75 {
        %dma_wait3A_85 = arith.constant 0 : i32
        %dma_wait3A_86 = arith.constant 0 : i32
        %dma_wait3A_87 = tpu.memref_slice %arg4[%dma_wait3A_85, %dma_wait3A_86] : memref<192000x128xf32, #tpu.memory_space<hbm>> -> memref<80x128xf32, #tpu.memory_space<hbm>>
        %dma_wait3A_88 = arith.constant 0 : i32
        %dma_wait3A_89 = arith.constant 0 : i32
        %dma_wait3A_90 = tpu.memref_slice %arg4[%dma_wait3A_88, %dma_wait3A_89] : memref<192000x128xf32, #tpu.memory_space<hbm>> -> memref<80x128xf32, #tpu.memory_space<hbm>>
        tpu.wait_dma2 semaphore(%arg12 : memref<!tpu.dma_semaphore, #tpu.memory_space<semaphore_mem>>) src(%dma_wait3A_90 : memref<80x128xf32, #tpu.memory_space<hbm>>) dst(%arg8 : memref<80x128xf32, #tpu.memory_space<vmem>>)
        %mul3A_91 = arith.constant 80 : i32
        %mul3A_92 = arith.muli %add3A_70, %mul3A_91 : i32
        %add3A_93 = arith.addi %mul3A_2, %mul3A_92 : i32
        %dma_start3A_94 = arith.constant 0 : i32
        %dma_start3A_95 = tpu.memref_slice %arg4[%add3A_93, %dma_start3A_94] : memref<192000x128xf32, #tpu.memory_space<hbm>> -> memref<80x128xf32, #tpu.memory_space<hbm>>
        %dma_start3A_96 = arith.constant 0 : i32
        %dma_start3A_97 = tpu.memref_slice %arg4[%add3A_93, %dma_start3A_96] : memref<192000x128xf32, #tpu.memory_space<hbm>> -> memref<80x128xf32, #tpu.memory_space<hbm>>
        tpu.enqueue_dma source(%arg8 : memref<80x128xf32, #tpu.memory_space<vmem>>) target(%dma_start3A_97 : memref<80x128xf32, #tpu.memory_space<hbm>>) target_semaphore(%arg16 : memref<!tpu.dma_semaphore, #tpu.memory_space<semaphore_mem>>)
        %add3A_98 = arith.constant 2 : i32
        %add3A_99 = arith.addi %add3A_70, %add3A_98 : i32
        %lt3A_100 = arith.constant 75 : i32
        %lt3A_101 = arith.cmpi slt, %add3A_99, %lt3A_100 : i32
        %convert_element_type3A_102 = arith.extui %lt3A_101 : i1 to i32
        %cond3A_103 = arith.constant 0 : i32
        %cond3A_104 = arith.cmpi ne, %convert_element_type3A_102, %cond3A_103 : i32
        scf.if %cond3A_104 {
          %ge3A = arith.constant 2 : i32
          %ge3A_105 = arith.cmpi sge, %add3A_70, %ge3A : i32
          %convert_element_type3A_106 = arith.extui %ge3A_105 : i1 to i32
          %cond3A_107 = arith.constant 0 : i32
          %cond3A_108 = arith.cmpi ne, %convert_element_type3A_106, %cond3A_107 : i32
          scf.if %cond3A_108 {
            %dma_wait3A_115 = arith.constant 0 : i32
            %dma_wait3A_116 = arith.constant 0 : i32
            %dma_wait3A_117 = tpu.memref_slice %arg4[%dma_wait3A_115, %dma_wait3A_116] : memref<192000x128xf32, #tpu.memory_space<hbm>> -> memref<80x128xf32, #tpu.memory_space<hbm>>
            %dma_wait3A_118 = arith.constant 0 : i32
            %dma_wait3A_119 = arith.constant 0 : i32
            %dma_wait3A_120 = tpu.memref_slice %arg4[%dma_wait3A_118, %dma_wait3A_119] : memref<192000x128xf32, #tpu.memory_space<hbm>> -> memref<80x128xf32, #tpu.memory_space<hbm>>
            tpu.wait_dma2 semaphore(%arg14 : memref<!tpu.dma_semaphore, #tpu.memory_space<semaphore_mem>>) src(%arg6 : memref<80x128xf32, #tpu.memory_space<vmem>>) dst(%dma_wait3A_120 : memref<80x128xf32, #tpu.memory_space<hbm>>)
          } else {
          }
          %mul3A_109 = arith.constant 80 : i32
          %mul3A_110 = arith.muli %add3A_99, %mul3A_109 : i32
          %dma_start3A_111 = tpu.memref_slice %arg5[%mul3A_110] : memref<6000xi32, #tpu.memory_space<vmem>> -> memref<80xi32, #tpu.memory_space<vmem>>
          %dma_start3A_112 = arith.constant 0 : i32
          %dma_start3A_113 = arith.constant 0 : i32
          %dma_start3A_114 = tpu.memref_slice %arg18[%dma_start3A_112, %dma_start3A_113] : memref<10000x128xf32, #tpu.memory_space<vmem_shared>> -> memref<10000x128xf32, #tpu.memory_space<vmem_shared>>
          tpu.enqueue_indirect_dma source(%dma_start3A_114 : memref<10000x128xf32, #tpu.memory_space<vmem_shared>>) target(%arg6 : memref<80x128xf32, #tpu.memory_space<vmem>>) offsets(%dma_start3A_111 : memref<80xi32, #tpu.memory_space<vmem>>) semaphore(%arg10 : memref<!tpu.dma_semaphore, #tpu.memory_space<semaphore_mem>>)
        } else {
        }
      } else {
      }
      %mul3A_76 = arith.constant 4 : i32
      %mul3A_77 = arith.muli %scan3A_48, %mul3A_76 : i32
      %add3A_78 = arith.constant 3 : i32
      %add3A_79 = arith.addi %mul3A_77, %add3A_78 : i32
      %lt3A_80 = arith.constant 75 : i32
      %lt3A_81 = arith.cmpi slt, %add3A_79, %lt3A_80 : i32
      %convert_element_type3A_82 = arith.extui %lt3A_81 : i1 to i32
      %cond3A_83 = arith.constant 0 : i32
      %cond3A_84 = arith.cmpi ne, %convert_element_type3A_82, %cond3A_83 : i32
      scf.if %cond3A_84 {
        %dma_wait3A_85 = arith.constant 0 : i32
        %dma_wait3A_86 = arith.constant 0 : i32
        %dma_wait3A_87 = tpu.memref_slice %arg4[%dma_wait3A_85, %dma_wait3A_86] : memref<192000x128xf32, #tpu.memory_space<hbm>> -> memref<80x128xf32, #tpu.memory_space<hbm>>
        %dma_wait3A_88 = arith.constant 0 : i32
        %dma_wait3A_89 = arith.constant 0 : i32
        %dma_wait3A_90 = tpu.memref_slice %arg4[%dma_wait3A_88, %dma_wait3A_89] : memref<192000x128xf32, #tpu.memory_space<hbm>> -> memref<80x128xf32, #tpu.memory_space<hbm>>
        tpu.wait_dma2 semaphore(%arg13 : memref<!tpu.dma_semaphore, #tpu.memory_space<semaphore_mem>>) src(%dma_wait3A_90 : memref<80x128xf32, #tpu.memory_space<hbm>>) dst(%arg9 : memref<80x128xf32, #tpu.memory_space<vmem>>)
        %mul3A_91 = arith.constant 80 : i32
        %mul3A_92 = arith.muli %add3A_79, %mul3A_91 : i32
        %add3A_93 = arith.addi %mul3A_2, %mul3A_92 : i32
        %dma_start3A_94 = arith.constant 0 : i32
        %dma_start3A_95 = tpu.memref_slice %arg4[%add3A_93, %dma_start3A_94] : memref<192000x128xf32, #tpu.memory_space<hbm>> -> memref<80x128xf32, #tpu.memory_space<hbm>>
        %dma_start3A_96 = arith.constant 0 : i32
        %dma_start3A_97 = tpu.memref_slice %arg4[%add3A_93, %dma_start3A_96] : memref<192000x128xf32, #tpu.memory_space<hbm>> -> memref<80x128xf32, #tpu.memory_space<hbm>>
        tpu.enqueue_dma source(%arg9 : memref<80x128xf32, #tpu.memory_space<vmem>>) target(%dma_start3A_97 : memref<80x128xf32, #tpu.memory_space<hbm>>) target_semaphore(%arg17 : memref<!tpu.dma_semaphore, #tpu.memory_space<semaphore_mem>>)
        %add3A_98 = arith.constant 2 : i32
        %add3A_99 = arith.addi %add3A_79, %add3A_98 : i32
        %lt3A_100 = arith.constant 75 : i32
        %lt3A_101 = arith.cmpi slt, %add3A_99, %lt3A_100 : i32
        %convert_element_type3A_102 = arith.extui %lt3A_101 : i1 to i32
        %cond3A_103 = arith.constant 0 : i32
        %cond3A_104 = arith.cmpi ne, %convert_element_type3A_102, %cond3A_103 : i32
        scf.if %cond3A_104 {
          %ge3A = arith.constant 2 : i32
          %ge3A_105 = arith.cmpi sge, %add3A_79, %ge3A : i32
          %convert_element_type3A_106 = arith.extui %ge3A_105 : i1 to i32
          %cond3A_107 = arith.constant 0 : i32
          %cond3A_108 = arith.cmpi ne, %convert_element_type3A_106, %cond3A_107 : i32
          scf.if %cond3A_108 {
            %dma_wait3A_115 = arith.constant 0 : i32
            %dma_wait3A_116 = arith.constant 0 : i32
            %dma_wait3A_117 = tpu.memref_slice %arg4[%dma_wait3A_115, %dma_wait3A_116] : memref<192000x128xf32, #tpu.memory_space<hbm>> -> memref<80x128xf32, #tpu.memory_space<hbm>>
            %dma_wait3A_118 = arith.constant 0 : i32
            %dma_wait3A_119 = arith.constant 0 : i32
            %dma_wait3A_120 = tpu.memref_slice %arg4[%dma_wait3A_118, %dma_wait3A_119] : memref<192000x128xf32, #tpu.memory_space<hbm>> -> memref<80x128xf32, #tpu.memory_space<hbm>>
            tpu.wait_dma2 semaphore(%arg15 : memref<!tpu.dma_semaphore, #tpu.memory_space<semaphore_mem>>) src(%arg7 : memref<80x128xf32, #tpu.memory_space<vmem>>) dst(%dma_wait3A_120 : memref<80x128xf32, #tpu.memory_space<hbm>>)
          } else {
          }
          %mul3A_109 = arith.constant 80 : i32
          %mul3A_110 = arith.muli %add3A_99, %mul3A_109 : i32
          %dma_start3A_111 = tpu.memref_slice %arg5[%mul3A_110] : memref<6000xi32, #tpu.memory_space<vmem>> -> memref<80xi32, #tpu.memory_space<vmem>>
          %dma_start3A_112 = arith.constant 0 : i32
          %dma_start3A_113 = arith.constant 0 : i32
          %dma_start3A_114 = tpu.memref_slice %arg18[%dma_start3A_112, %dma_start3A_113] : memref<10000x128xf32, #tpu.memory_space<vmem_shared>> -> memref<10000x128xf32, #tpu.memory_space<vmem_shared>>
          tpu.enqueue_indirect_dma source(%dma_start3A_114 : memref<10000x128xf32, #tpu.memory_space<vmem_shared>>) target(%arg7 : memref<80x128xf32, #tpu.memory_space<vmem>>) offsets(%dma_start3A_111 : memref<80xi32, #tpu.memory_space<vmem>>) semaphore(%arg11 : memref<!tpu.dma_semaphore, #tpu.memory_space<semaphore_mem>>)
        } else {
        }
      } else {
      }
    }
    %scan3A_24 = arith.constant 19 : i32
    %dma_wait3A = arith.constant 0 : i32
    %dma_wait3A_25 = arith.constant 0 : i32
    %dma_wait3A_26 = tpu.memref_slice %arg4[%dma_wait3A, %dma_wait3A_25] : memref<192000x128xf32, #tpu.memory_space<hbm>> -> memref<80x128xf32, #tpu.memory_space<hbm>>
    %dma_wait3A_27 = arith.constant 0 : i32
    %dma_wait3A_28 = arith.constant 0 : i32
    %dma_wait3A_29 = tpu.memref_slice %arg4[%dma_wait3A_27, %dma_wait3A_28] : memref<192000x128xf32, #tpu.memory_space<hbm>> -> memref<80x128xf32, #tpu.memory_space<hbm>>
    tpu.wait_dma2 semaphore(%arg14 : memref<!tpu.dma_semaphore, #tpu.memory_space<semaphore_mem>>) src(%arg6 : memref<80x128xf32, #tpu.memory_space<vmem>>) dst(%dma_wait3A_29 : memref<80x128xf32, #tpu.memory_space<hbm>>)
    %dma_wait3A_30 = arith.constant 0 : i32
    %dma_wait3A_31 = arith.constant 0 : i32
    %dma_wait3A_32 = tpu.memref_slice %arg4[%dma_wait3A_30, %dma_wait3A_31] : memref<192000x128xf32, #tpu.memory_space<hbm>> -> memref<80x128xf32, #tpu.memory_space<hbm>>
    %dma_wait3A_33 = arith.constant 0 : i32
    %dma_wait3A_34 = arith.constant 0 : i32
    %dma_wait3A_35 = tpu.memref_slice %arg4[%dma_wait3A_33, %dma_wait3A_34] : memref<192000x128xf32, #tpu.memory_space<hbm>> -> memref<80x128xf32, #tpu.memory_space<hbm>>
    tpu.wait_dma2 semaphore(%arg15 : memref<!tpu.dma_semaphore, #tpu.memory_space<semaphore_mem>>) src(%arg7 : memref<80x128xf32, #tpu.memory_space<vmem>>) dst(%dma_wait3A_35 : memref<80x128xf32, #tpu.memory_space<hbm>>)
    %dma_wait3A_36 = arith.constant 0 : i32
    %dma_wait3A_37 = arith.constant 0 : i32
    %dma_wait3A_38 = tpu.memref_slice %arg4[%dma_wait3A_36, %dma_wait3A_37] : memref<192000x128xf32, #tpu.memory_space<hbm>> -> memref<80x128xf32, #tpu.memory_space<hbm>>
    %dma_wait3A_39 = arith.constant 0 : i32
    %dma_wait3A_40 = arith.constant 0 : i32
    %dma_wait3A_41 = tpu.memref_slice %arg4[%dma_wait3A_39, %dma_wait3A_40] : memref<192000x128xf32, #tpu.memory_space<hbm>> -> memref<80x128xf32, #tpu.memory_space<hbm>>
    tpu.wait_dma2 semaphore(%arg16 : memref<!tpu.dma_semaphore, #tpu.memory_space<semaphore_mem>>) src(%arg8 : memref<80x128xf32, #tpu.memory_space<vmem>>) dst(%dma_wait3A_41 : memref<80x128xf32, #tpu.memory_space<hbm>>)
    %dma_wait3A_42 = arith.constant 0 : i32
    %dma_wait3A_43 = arith.constant 0 : i32
    %dma_wait3A_44 = tpu.memref_slice %arg4[%dma_wait3A_42, %dma_wait3A_43] : memref<192000x128xf32, #tpu.memory_space<hbm>> -> memref<80x128xf32, #tpu.memory_space<hbm>>
    %dma_wait3A_45 = arith.constant 0 : i32
    %dma_wait3A_46 = arith.constant 0 : i32
    %dma_wait3A_47 = tpu.memref_slice %arg4[%dma_wait3A_45, %dma_wait3A_46] : memref<192000x128xf32, #tpu.memory_space<hbm>> -> memref<80x128xf32, #tpu.memory_space<hbm>>
    tpu.wait_dma2 semaphore(%arg17 : memref<!tpu.dma_semaphore, #tpu.memory_space<semaphore_mem>>) src(%arg9 : memref<80x128xf32, #tpu.memory_space<vmem>>) dst(%dma_wait3A_47 : memref<80x128xf32, #tpu.memory_space<hbm>>)
    return
  }
}

module attributes {stable_mosaic.version = 14 : i64} {
  func.func @_tc_stats_body(%arg0: i32, %arg1: memref<6400x128xf32, #tpu.memory_space<vmem>>, %arg2: memref<6400x16xf32, #tpu.memory_space<vmem>>, %arg3: memref<128x256xbf16, #tpu.memory_space<vmem>>, %arg4: memref<16x256xbf16, #tpu.memory_space<vmem>>, %arg5: memref<1x256xf32, #tpu.memory_space<vmem>>, %arg6: memref<2x256xf32, #tpu.memory_space<vmem>>) attributes {dimension_semantics = [#tpu.dimension_semantics<arbitrary>], iteration_bounds = array<i64: 20>, scalar_prefetch = 0 : i64, scratch_operands = 0 : i64, tpu.core_type = #tpu.core_type<tc>, window_params = [{transform_indices = @transform_0, window_bounds = array<i64: 6400, 128>}, {transform_indices = @transform_1, window_bounds = array<i64: 6400, 16>}, {pipeline_mode = #tpu.pipeline_mode<synchronous>, transform_indices = @transform_2, window_bounds = array<i64: 128, 256>}, {pipeline_mode = #tpu.pipeline_mode<synchronous>, transform_indices = @transform_3, window_bounds = array<i64: 16, 256>}, {pipeline_mode = #tpu.pipeline_mode<synchronous>, transform_indices = @transform_4, window_bounds = array<i64: 1, 256>}, {pipeline_mode = #tpu.pipeline_mode<synchronous>, transform_indices = @transform_5, window_bounds = array<i64: 2, 256>}]} {
    %get3A = arith.constant 0 : index
    %get3A_0 = arith.constant 0 : index
    %get3A_1 = vector.load %arg1[%get3A, %get3A_0] : memref<6400x128xf32, #tpu.memory_space<vmem>>, vector<6400x128xf32>
    %convert_element_type3A = arith.truncf %get3A_1 : vector<6400x128xf32> to vector<6400x128xbf16>
    %get3A_2 = arith.constant 0 : index
    %get3A_3 = arith.constant 0 : index
    %get3A_4 = vector.load %arg3[%get3A_2, %get3A_3] : memref<128x256xbf16, #tpu.memory_space<vmem>>, vector<128x256xbf16>
    %dot_general3A = arith.constant dense<0.000000e+00> : vector<6400x256xf32>
    %dot_general3A_5 = tpu.matmul %convert_element_type3A, %get3A_4, %dot_general3A {dimension_numbers = #tpu.dot_dimension_numbers<[1], [0], [0], [1], [0, 0, 1, 1], [], []>, transpose_lhs_hint = false} : vector<6400x128xbf16>, vector<128x256xbf16>, vector<6400x256xf32> -> vector<6400x256xf32>
    %get3A_6 = arith.constant 0 : index
    %get3A_7 = arith.constant 0 : index
    %get3A_8 = vector.load %arg2[%get3A_6, %get3A_7] : memref<6400x16xf32, #tpu.memory_space<vmem>>, vector<6400x16xf32>
    %convert_element_type3A_9 = arith.truncf %get3A_8 : vector<6400x16xf32> to vector<6400x16xbf16>
    %get3A_10 = arith.constant 0 : index
    %get3A_11 = arith.constant 0 : index
    %get3A_12 = vector.load %arg4[%get3A_10, %get3A_11] : memref<16x256xbf16, #tpu.memory_space<vmem>>, vector<16x256xbf16>
    %dot_general3A_13 = arith.constant dense<0.000000e+00> : vector<6400x256xf32>
    %dot_general3A_14 = tpu.matmul %convert_element_type3A_9, %get3A_12, %dot_general3A_13 {dimension_numbers = #tpu.dot_dimension_numbers<[1], [0], [0], [1], [0, 0, 1, 1], [], []>, transpose_lhs_hint = false} : vector<6400x16xbf16>, vector<16x256xbf16>, vector<6400x256xf32> -> vector<6400x256xf32>
    %add3A = arith.addf %dot_general3A_5, %dot_general3A_14 : vector<6400x256xf32>
    %get3A_15 = arith.constant 0 : index
    %get3A_16 = arith.constant 0 : index
    %get3A_17 = vector.load %arg5[%get3A_15, %get3A_16] : memref<1x256xf32, #tpu.memory_space<vmem>>, vector<1x256xf32>
    %add3A_18 = vector.broadcast %get3A_17 : vector<1x256xf32> to vector<6400x256xf32>
    %add3A_19 = arith.addf %add3A, %add3A_18 : vector<6400x256xf32>
    %reduce_sum3A = arith.constant dense<0.000000e+00> : vector<256xf32>
    %reduce_sum3A_20 = vector.multi_reduction <add>, %add3A_19, %reduce_sum3A [0] : vector<6400x256xf32> to vector<256xf32>
    %broadcast_in_dim3A = vector.shape_cast %reduce_sum3A_20 : vector<256xf32> to vector<1x256xf32>
    %mul3A = arith.mulf %add3A_19, %add3A_19 : vector<6400x256xf32>
    %reduce_sum3A_21 = arith.constant dense<0.000000e+00> : vector<256xf32>
    %reduce_sum3A_22 = vector.multi_reduction <add>, %mul3A, %reduce_sum3A_21 [0] : vector<6400x256xf32> to vector<256xf32>
    %broadcast_in_dim3A_23 = vector.shape_cast %reduce_sum3A_22 : vector<256xf32> to vector<1x256xf32>
    %concatenate3A = tpu.concatenate %broadcast_in_dim3A, %broadcast_in_dim3A_23 in 0 : vector<1x256xf32>, vector<1x256xf32> -> vector<2x256xf32>
    %eq3A = arith.constant 0 : i32
    %eq3A_24 = arith.cmpi eq, %arg0, %eq3A : i32
    %convert_element_type3A_25 = arith.extui %eq3A_24 : i1 to i32
    %cond3A = arith.constant 0 : i32
    %cond3A_26 = arith.cmpi ne, %convert_element_type3A_25, %cond3A : i32
    scf.if %cond3A_26 {
      %swap3A = arith.constant 0 : index
      %swap3A_31 = arith.constant 0 : index
      %swap3A_32 = vector.load %arg6[%swap3A, %swap3A_31] : memref<2x256xf32, #tpu.memory_space<vmem>>, vector<2x256xf32>
      tpu.vector_store %arg6[%swap3A, %swap3A_31], %concatenate3A {strides = array<i32>} : memref<2x256xf32, #tpu.memory_space<vmem>>, vector<2x256xf32>,
    } else {
    }
    %gt3A = arith.constant 0 : i32
    %gt3A_27 = arith.cmpi sgt, %arg0, %gt3A : i32
    %convert_element_type3A_28 = arith.extui %gt3A_27 : i1 to i32
    %cond3A_29 = arith.constant 0 : i32
    %cond3A_30 = arith.cmpi ne, %convert_element_type3A_28, %cond3A_29 : i32
    scf.if %cond3A_30 {
      %get3A_31 = arith.constant 0 : index
      %get3A_32 = arith.constant 0 : index
      %get3A_33 = vector.load %arg6[%get3A_31, %get3A_32] : memref<2x256xf32, #tpu.memory_space<vmem>>, vector<2x256xf32>
      %add3A_34 = arith.addf %get3A_33, %concatenate3A : vector<2x256xf32>
      %swap3A = arith.constant 0 : index
      %swap3A_35 = arith.constant 0 : index
      %swap3A_36 = vector.load %arg6[%swap3A, %swap3A_35] : memref<2x256xf32, #tpu.memory_space<vmem>>, vector<2x256xf32>
      tpu.vector_store %arg6[%swap3A, %swap3A_35], %add3A_34 {strides = array<i32>} : memref<2x256xf32, #tpu.memory_space<vmem>>, vector<2x256xf32>,
    } else {
    }
    return
  }
  func.func @transform_0(%arg0: i32) -> (i32, i32) {
    %c0_i32 = arith.constant 0 : i32
    %c0_i32_0 = arith.constant 0 : i32
    return %arg0, %c0_i32 : i32, i32
  }
  func.func @transform_1(%arg0: i32) -> (i32, i32) {
    %c0_i32 = arith.constant 0 : i32
    %c0_i32_0 = arith.constant 0 : i32
    return %arg0, %c0_i32 : i32, i32
  }
  func.func @transform_2(%arg0: i32) -> (i32, i32) {
    %c0_i32 = arith.constant 0 : i32
    %c0_i32_0 = arith.constant 0 : i32
    %c0_i32_1 = arith.constant 0 : i32
    return %c0_i32, %c0_i32_0 : i32, i32
  }
  func.func @transform_3(%arg0: i32) -> (i32, i32) {
    %c0_i32 = arith.constant 0 : i32
    %c0_i32_0 = arith.constant 0 : i32
    %c0_i32_1 = arith.constant 0 : i32
    return %c0_i32, %c0_i32_0 : i32, i32
  }
  func.func @transform_4(%arg0: i32) -> (i32, i32) {
    %c0_i32 = arith.constant 0 : i32
    %c0_i32_0 = arith.constant 0 : i32
    %c0_i32_1 = arith.constant 0 : i32
    return %c0_i32, %c0_i32_0 : i32, i32
  }
  func.func @transform_5(%arg0: i32) -> (i32, i32) {
    %c0_i32 = arith.constant 0 : i32
    %c0_i32_0 = arith.constant 0 : i32
    %c0_i32_1 = arith.constant 0 : i32
    return %c0_i32, %c0_i32_0 : i32, i32
  }
}

module attributes {stable_mosaic.version = 14 : i64} {
  func.func @_tc_stats_body(%arg0: i32, %arg1: memref<6400x128xf32, #tpu.memory_space<vmem>>, %arg2: memref<6400x16xf32, #tpu.memory_space<vmem>>, %arg3: memref<128x256xbf16, #tpu.memory_space<vmem>>, %arg4: memref<16x256xbf16, #tpu.memory_space<vmem>>, %arg5: memref<1x256xf32, #tpu.memory_space<vmem>>, %arg6: memref<2x256xf32, #tpu.memory_space<vmem>>) attributes {dimension_semantics = [#tpu.dimension_semantics<arbitrary>], iteration_bounds = array<i64: 30>, scalar_prefetch = 0 : i64, scratch_operands = 0 : i64, tpu.core_type = #tpu.core_type<tc>, window_params = [{transform_indices = @transform_0, window_bounds = array<i64: 6400, 128>}, {transform_indices = @transform_1, window_bounds = array<i64: 6400, 16>}, {pipeline_mode = #tpu.pipeline_mode<synchronous>, transform_indices = @transform_2, window_bounds = array<i64: 128, 256>}, {pipeline_mode = #tpu.pipeline_mode<synchronous>, transform_indices = @transform_3, window_bounds = array<i64: 16, 256>}, {pipeline_mode = #tpu.pipeline_mode<synchronous>, transform_indices = @transform_4, window_bounds = array<i64: 1, 256>}, {pipeline_mode = #tpu.pipeline_mode<synchronous>, transform_indices = @transform_5, window_bounds = array<i64: 2, 256>}]} {
    %get3A = arith.constant 0 : index
    %get3A_0 = arith.constant 0 : index
    %get3A_1 = vector.load %arg1[%get3A, %get3A_0] : memref<6400x128xf32, #tpu.memory_space<vmem>>, vector<6400x128xf32>
    %convert_element_type3A = arith.truncf %get3A_1 : vector<6400x128xf32> to vector<6400x128xbf16>
    %get3A_2 = arith.constant 0 : index
    %get3A_3 = arith.constant 0 : index
    %get3A_4 = vector.load %arg3[%get3A_2, %get3A_3] : memref<128x256xbf16, #tpu.memory_space<vmem>>, vector<128x256xbf16>
    %dot_general3A = arith.constant dense<0.000000e+00> : vector<6400x256xf32>
    %dot_general3A_5 = tpu.matmul %convert_element_type3A, %get3A_4, %dot_general3A {dimension_numbers = #tpu.dot_dimension_numbers<[1], [0], [0], [1], [0, 0, 1, 1], [], []>, transpose_lhs_hint = false} : vector<6400x128xbf16>, vector<128x256xbf16>, vector<6400x256xf32> -> vector<6400x256xf32>
    %get3A_6 = arith.constant 0 : index
    %get3A_7 = arith.constant 0 : index
    %get3A_8 = vector.load %arg2[%get3A_6, %get3A_7] : memref<6400x16xf32, #tpu.memory_space<vmem>>, vector<6400x16xf32>
    %convert_element_type3A_9 = arith.truncf %get3A_8 : vector<6400x16xf32> to vector<6400x16xbf16>
    %get3A_10 = arith.constant 0 : index
    %get3A_11 = arith.constant 0 : index
    %get3A_12 = vector.load %arg4[%get3A_10, %get3A_11] : memref<16x256xbf16, #tpu.memory_space<vmem>>, vector<16x256xbf16>
    %dot_general3A_13 = arith.constant dense<0.000000e+00> : vector<6400x256xf32>
    %dot_general3A_14 = tpu.matmul %convert_element_type3A_9, %get3A_12, %dot_general3A_13 {dimension_numbers = #tpu.dot_dimension_numbers<[1], [0], [0], [1], [0, 0, 1, 1], [], []>, transpose_lhs_hint = false} : vector<6400x16xbf16>, vector<16x256xbf16>, vector<6400x256xf32> -> vector<6400x256xf32>
    %add3A = arith.addf %dot_general3A_5, %dot_general3A_14 : vector<6400x256xf32>
    %get3A_15 = arith.constant 0 : index
    %get3A_16 = arith.constant 0 : index
    %get3A_17 = vector.load %arg5[%get3A_15, %get3A_16] : memref<1x256xf32, #tpu.memory_space<vmem>>, vector<1x256xf32>
    %add3A_18 = vector.broadcast %get3A_17 : vector<1x256xf32> to vector<6400x256xf32>
    %add3A_19 = arith.addf %add3A, %add3A_18 : vector<6400x256xf32>
    %reduce_sum3A = arith.constant dense<0.000000e+00> : vector<256xf32>
    %reduce_sum3A_20 = vector.multi_reduction <add>, %add3A_19, %reduce_sum3A [0] : vector<6400x256xf32> to vector<256xf32>
    %broadcast_in_dim3A = vector.shape_cast %reduce_sum3A_20 : vector<256xf32> to vector<1x256xf32>
    %mul3A = arith.mulf %add3A_19, %add3A_19 : vector<6400x256xf32>
    %reduce_sum3A_21 = arith.constant dense<0.000000e+00> : vector<256xf32>
    %reduce_sum3A_22 = vector.multi_reduction <add>, %mul3A, %reduce_sum3A_21 [0] : vector<6400x256xf32> to vector<256xf32>
    %broadcast_in_dim3A_23 = vector.shape_cast %reduce_sum3A_22 : vector<256xf32> to vector<1x256xf32>
    %concatenate3A = tpu.concatenate %broadcast_in_dim3A, %broadcast_in_dim3A_23 in 0 : vector<1x256xf32>, vector<1x256xf32> -> vector<2x256xf32>
    %eq3A = arith.constant 0 : i32
    %eq3A_24 = arith.cmpi eq, %arg0, %eq3A : i32
    %convert_element_type3A_25 = arith.extui %eq3A_24 : i1 to i32
    %cond3A = arith.constant 0 : i32
    %cond3A_26 = arith.cmpi ne, %convert_element_type3A_25, %cond3A : i32
    scf.if %cond3A_26 {
      %swap3A = arith.constant 0 : index
      %swap3A_31 = arith.constant 0 : index
      %swap3A_32 = vector.load %arg6[%swap3A, %swap3A_31] : memref<2x256xf32, #tpu.memory_space<vmem>>, vector<2x256xf32>
      tpu.vector_store %arg6[%swap3A, %swap3A_31], %concatenate3A {strides = array<i32>} : memref<2x256xf32, #tpu.memory_space<vmem>>, vector<2x256xf32>,
    } else {
    }
    %gt3A = arith.constant 0 : i32
    %gt3A_27 = arith.cmpi sgt, %arg0, %gt3A : i32
    %convert_element_type3A_28 = arith.extui %gt3A_27 : i1 to i32
    %cond3A_29 = arith.constant 0 : i32
    %cond3A_30 = arith.cmpi ne, %convert_element_type3A_28, %cond3A_29 : i32
    scf.if %cond3A_30 {
      %get3A_31 = arith.constant 0 : index
      %get3A_32 = arith.constant 0 : index
      %get3A_33 = vector.load %arg6[%get3A_31, %get3A_32] : memref<2x256xf32, #tpu.memory_space<vmem>>, vector<2x256xf32>
      %add3A_34 = arith.addf %get3A_33, %concatenate3A : vector<2x256xf32>
      %swap3A = arith.constant 0 : index
      %swap3A_35 = arith.constant 0 : index
      %swap3A_36 = vector.load %arg6[%swap3A, %swap3A_35] : memref<2x256xf32, #tpu.memory_space<vmem>>, vector<2x256xf32>
      tpu.vector_store %arg6[%swap3A, %swap3A_35], %add3A_34 {strides = array<i32>} : memref<2x256xf32, #tpu.memory_space<vmem>>, vector<2x256xf32>,
    } else {
    }
    return
  }
  func.func @transform_0(%arg0: i32) -> (i32, i32) {
    %c0_i32 = arith.constant 0 : i32
    %c0_i32_0 = arith.constant 0 : i32
    return %arg0, %c0_i32 : i32, i32
  }
  func.func @transform_1(%arg0: i32) -> (i32, i32) {
    %c0_i32 = arith.constant 0 : i32
    %c0_i32_0 = arith.constant 0 : i32
    return %arg0, %c0_i32 : i32, i32
  }
  func.func @transform_2(%arg0: i32) -> (i32, i32) {
    %c0_i32 = arith.constant 0 : i32
    %c0_i32_0 = arith.constant 0 : i32
    %c0_i32_1 = arith.constant 0 : i32
    return %c0_i32, %c0_i32_0 : i32, i32
  }
  func.func @transform_3(%arg0: i32) -> (i32, i32) {
    %c0_i32 = arith.constant 0 : i32
    %c0_i32_0 = arith.constant 0 : i32
    %c0_i32_1 = arith.constant 0 : i32
    return %c0_i32, %c0_i32_0 : i32, i32
  }
  func.func @transform_4(%arg0: i32) -> (i32, i32) {
    %c0_i32 = arith.constant 0 : i32
    %c0_i32_0 = arith.constant 0 : i32
    %c0_i32_1 = arith.constant 0 : i32
    return %c0_i32, %c0_i32_0 : i32, i32
  }
  func.func @transform_5(%arg0: i32) -> (i32, i32) {
    %c0_i32 = arith.constant 0 : i32
    %c0_i32_0 = arith.constant 0 : i32
    %c0_i32_1 = arith.constant 0 : i32
    return %c0_i32, %c0_i32_0 : i32, i32
  }
}

module attributes {stable_mosaic.version = 14 : i64} {
  func.func @_tc_msg_body(%arg0: i32, %arg1: memref<6400x128xf32, #tpu.memory_space<vmem>>, %arg2: memref<6400x16xf32, #tpu.memory_space<vmem>>, %arg3: memref<128x256xbf16, #tpu.memory_space<vmem>>, %arg4: memref<16x256xbf16, #tpu.memory_space<vmem>>, %arg5: memref<1x256xf32, #tpu.memory_space<vmem>>, %arg6: memref<2x256xf32, #tpu.memory_space<vmem>>, %arg7: memref<1x256xf32, #tpu.memory_space<vmem>>, %arg8: memref<1x256xf32, #tpu.memory_space<vmem>>, %arg9: memref<6400x128xf32, #tpu.memory_space<vmem>>) attributes {dimension_semantics = [#tpu.dimension_semantics<arbitrary>], iteration_bounds = array<i64: 30>, scalar_prefetch = 0 : i64, scratch_operands = 0 : i64, tpu.core_type = #tpu.core_type<tc>, window_params = [{transform_indices = @transform_0, window_bounds = array<i64: 6400, 128>}, {transform_indices = @transform_1, window_bounds = array<i64: 6400, 16>}, {pipeline_mode = #tpu.pipeline_mode<synchronous>, transform_indices = @transform_2, window_bounds = array<i64: 128, 256>}, {pipeline_mode = #tpu.pipeline_mode<synchronous>, transform_indices = @transform_3, window_bounds = array<i64: 16, 256>}, {pipeline_mode = #tpu.pipeline_mode<synchronous>, transform_indices = @transform_4, window_bounds = array<i64: 1, 256>}, {pipeline_mode = #tpu.pipeline_mode<synchronous>, transform_indices = @transform_5, window_bounds = array<i64: 2, 256>}, {pipeline_mode = #tpu.pipeline_mode<synchronous>, transform_indices = @transform_6, window_bounds = array<i64: 1, 256>}, {pipeline_mode = #tpu.pipeline_mode<synchronous>, transform_indices = @transform_7, window_bounds = array<i64: 1, 256>}, {transform_indices = @transform_8, window_bounds = array<i64: 6400, 128>}]} {
    %get3A = arith.constant 0 : index
    %get3A_0 = arith.constant 0 : index
    %get3A_1 = vector.load %arg1[%get3A, %get3A_0] : memref<6400x128xf32, #tpu.memory_space<vmem>>, vector<6400x128xf32>
    %convert_element_type3A = arith.truncf %get3A_1 : vector<6400x128xf32> to vector<6400x128xbf16>
    %get3A_2 = arith.constant 0 : index
    %get3A_3 = arith.constant 0 : index
    %get3A_4 = vector.load %arg3[%get3A_2, %get3A_3] : memref<128x256xbf16, #tpu.memory_space<vmem>>, vector<128x256xbf16>
    %dot_general3A = arith.constant dense<0.000000e+00> : vector<6400x256xf32>
    %dot_general3A_5 = tpu.matmul %convert_element_type3A, %get3A_4, %dot_general3A {dimension_numbers = #tpu.dot_dimension_numbers<[1], [0], [0], [1], [0, 0, 1, 1], [], []>, transpose_lhs_hint = false} : vector<6400x128xbf16>, vector<128x256xbf16>, vector<6400x256xf32> -> vector<6400x256xf32>
    %get3A_6 = arith.constant 0 : index
    %get3A_7 = arith.constant 0 : index
    %get3A_8 = vector.load %arg2[%get3A_6, %get3A_7] : memref<6400x16xf32, #tpu.memory_space<vmem>>, vector<6400x16xf32>
    %convert_element_type3A_9 = arith.truncf %get3A_8 : vector<6400x16xf32> to vector<6400x16xbf16>
    %get3A_10 = arith.constant 0 : index
    %get3A_11 = arith.constant 0 : index
    %get3A_12 = vector.load %arg4[%get3A_10, %get3A_11] : memref<16x256xbf16, #tpu.memory_space<vmem>>, vector<16x256xbf16>
    %dot_general3A_13 = arith.constant dense<0.000000e+00> : vector<6400x256xf32>
    %dot_general3A_14 = tpu.matmul %convert_element_type3A_9, %get3A_12, %dot_general3A_13 {dimension_numbers = #tpu.dot_dimension_numbers<[1], [0], [0], [1], [0, 0, 1, 1], [], []>, transpose_lhs_hint = false} : vector<6400x16xbf16>, vector<16x256xbf16>, vector<6400x256xf32> -> vector<6400x256xf32>
    %add3A = arith.addf %dot_general3A_5, %dot_general3A_14 : vector<6400x256xf32>
    %get3A_15 = arith.constant 0 : index
    %get3A_16 = arith.constant 0 : index
    %get3A_17 = vector.load %arg5[%get3A_15, %get3A_16] : memref<1x256xf32, #tpu.memory_space<vmem>>, vector<1x256xf32>
    %add3A_18 = vector.broadcast %get3A_17 : vector<1x256xf32> to vector<6400x256xf32>
    %add3A_19 = arith.addf %add3A, %add3A_18 : vector<6400x256xf32>
    %get3A_20 = arith.constant 0 : index
    %get3A_21 = arith.constant 0 : index
    %get3A_22 = vector.load %arg6[%get3A_20, %get3A_21] : memref<2x256xf32, #tpu.memory_space<vmem>>, vector<1x256xf32>
    %mul3A = arith.constant 3.125000e-06 : f32
    %mul3A_23 = vector.broadcast %mul3A : f32 to vector<1x256xf32>
    %mul3A_24 = arith.mulf %get3A_22, %mul3A_23 : vector<1x256xf32>
    %get3A_25 = arith.constant 1 : index
    %get3A_26 = arith.constant 0 : index
    %get3A_27 = vector.load %arg6[%get3A_25, %get3A_26] : memref<2x256xf32, #tpu.memory_space<vmem>>, vector<1x256xf32>
    %mul3A_28 = arith.constant 3.125000e-06 : f32
    %mul3A_29 = vector.broadcast %mul3A_28 : f32 to vector<1x256xf32>
    %mul3A_30 = arith.mulf %get3A_27, %mul3A_29 : vector<1x256xf32>
    %mul3A_31 = arith.mulf %mul3A_24, %mul3A_24 : vector<1x256xf32>
    %sub3A = arith.subf %mul3A_30, %mul3A_31 : vector<1x256xf32>
    %add3A_32 = arith.constant 9.99999974E-6 : f32
    %add3A_33 = vector.broadcast %add3A_32 : f32 to vector<1x256xf32>
    %add3A_34 = arith.addf %sub3A, %add3A_33 : vector<1x256xf32>
    %rsqrt3A = math.rsqrt %add3A_34 : vector<1x256xf32>
    %get3A_35 = arith.constant 0 : index
    %get3A_36 = arith.constant 0 : index
    %get3A_37 = vector.load %arg7[%get3A_35, %get3A_36] : memref<1x256xf32, #tpu.memory_space<vmem>>, vector<1x256xf32>
    %mul3A_38 = arith.mulf %get3A_37, %rsqrt3A : vector<1x256xf32>
    %get3A_39 = arith.constant 0 : index
    %get3A_40 = arith.constant 0 : index
    %get3A_41 = vector.load %arg8[%get3A_39, %get3A_40] : memref<1x256xf32, #tpu.memory_space<vmem>>, vector<1x256xf32>
    %mul3A_42 = arith.mulf %mul3A_24, %mul3A_38 : vector<1x256xf32>
    %sub3A_43 = arith.subf %get3A_41, %mul3A_42 : vector<1x256xf32>
    %mul3A_44 = vector.broadcast %mul3A_38 : vector<1x256xf32> to vector<6400x256xf32>
    %mul3A_45 = arith.mulf %add3A_19, %mul3A_44 : vector<6400x256xf32>
    %add3A_46 = vector.broadcast %sub3A_43 : vector<1x256xf32> to vector<6400x256xf32>
    %add3A_47 = arith.addf %mul3A_45, %add3A_46 : vector<6400x256xf32>
    %slice3A = vector.extract_strided_slice %add3A_47 {offsets = [0, 0], sizes = [6400, 128], strides = [1, 1]} : vector<6400x256xf32> to vector<6400x128xf32>
    %logistic3A = arith.negf %slice3A : vector<6400x128xf32>
    %logistic3A_48 = math.exp %logistic3A : vector<6400x128xf32>
    %logistic3A_49 = arith.constant 1.000000e+00 : f32
    %logistic3A_50 = vector.broadcast %logistic3A_49 : f32 to vector<6400x128xf32>
    %logistic3A_51 = arith.addf %logistic3A_50, %logistic3A_48 : vector<6400x128xf32>
    %logistic3A_52 = arith.divf %logistic3A_50, %logistic3A_51 : vector<6400x128xf32>
    %slice3A_53 = vector.extract_strided_slice %add3A_47 {offsets = [0, 128], sizes = [6400, 128], strides = [1, 1]} : vector<6400x256xf32> to vector<6400x128xf32>
    %tanh3A = math.tanh %slice3A_53 : vector<6400x128xf32>
    %mul3A_54 = arith.mulf %logistic3A_52, %tanh3A : vector<6400x128xf32>
    %swap3A = arith.constant 0 : index
    %swap3A_55 = arith.constant 0 : index
    %swap3A_56 = vector.load %arg9[%swap3A, %swap3A_55] : memref<6400x128xf32, #tpu.memory_space<vmem>>, vector<6400x128xf32>
    tpu.vector_store %arg9[%swap3A, %swap3A_55], %mul3A_54 {strides = array<i32>} : memref<6400x128xf32, #tpu.memory_space<vmem>>, vector<6400x128xf32>,
    return
  }
  func.func @transform_0(%arg0: i32) -> (i32, i32) {
    %c0_i32 = arith.constant 0 : i32
    %c0_i32_0 = arith.constant 0 : i32
    return %arg0, %c0_i32 : i32, i32
  }
  func.func @transform_1(%arg0: i32) -> (i32, i32) {
    %c0_i32 = arith.constant 0 : i32
    %c0_i32_0 = arith.constant 0 : i32
    return %arg0, %c0_i32 : i32, i32
  }
  func.func @transform_2(%arg0: i32) -> (i32, i32) {
    %c0_i32 = arith.constant 0 : i32
    %c0_i32_0 = arith.constant 0 : i32
    %c0_i32_1 = arith.constant 0 : i32
    return %c0_i32, %c0_i32_0 : i32, i32
  }
  func.func @transform_3(%arg0: i32) -> (i32, i32) {
    %c0_i32 = arith.constant 0 : i32
    %c0_i32_0 = arith.constant 0 : i32
    %c0_i32_1 = arith.constant 0 : i32
    return %c0_i32, %c0_i32_0 : i32, i32
  }
  func.func @transform_4(%arg0: i32) -> (i32, i32) {
    %c0_i32 = arith.constant 0 : i32
    %c0_i32_0 = arith.constant 0 : i32
    %c0_i32_1 = arith.constant 0 : i32
    return %c0_i32, %c0_i32_0 : i32, i32
  }
  func.func @transform_5(%arg0: i32) -> (i32, i32) {
    %c0_i32 = arith.constant 0 : i32
    %c0_i32_0 = arith.constant 0 : i32
    %c0_i32_1 = arith.constant 0 : i32
    return %c0_i32, %c0_i32_0 : i32, i32
  }
  func.func @transform_6(%arg0: i32) -> (i32, i32) {
    %c0_i32 = arith.constant 0 : i32
    %c0_i32_0 = arith.constant 0 : i32
    %c0_i32_1 = arith.constant 0 : i32
    return %c0_i32, %c0_i32_0 : i32, i32
  }
  func.func @transform_7(%arg0: i32) -> (i32, i32) {
    %c0_i32 = arith.constant 0 : i32
    %c0_i32_0 = arith.constant 0 : i32
    %c0_i32_1 = arith.constant 0 : i32
    return %c0_i32, %c0_i32_0 : i32, i32
  }
  func.func @transform_8(%arg0: i32) -> (i32, i32) {
    %c0_i32 = arith.constant 0 : i32
    %c0_i32_0 = arith.constant 0 : i32
    return %arg0, %c0_i32 : i32, i32
  }
}

module attributes {stable_mosaic.version = 14 : i64} {
  func.func @_tc_msg_body(%arg0: i32, %arg1: memref<6400x128xf32, #tpu.memory_space<vmem>>, %arg2: memref<6400x16xf32, #tpu.memory_space<vmem>>, %arg3: memref<128x256xbf16, #tpu.memory_space<vmem>>, %arg4: memref<16x256xbf16, #tpu.memory_space<vmem>>, %arg5: memref<1x256xf32, #tpu.memory_space<vmem>>, %arg6: memref<2x256xf32, #tpu.memory_space<vmem>>, %arg7: memref<1x256xf32, #tpu.memory_space<vmem>>, %arg8: memref<1x256xf32, #tpu.memory_space<vmem>>, %arg9: memref<6400x128xf32, #tpu.memory_space<vmem>>) attributes {dimension_semantics = [#tpu.dimension_semantics<arbitrary>], iteration_bounds = array<i64: 20>, scalar_prefetch = 0 : i64, scratch_operands = 0 : i64, tpu.core_type = #tpu.core_type<tc>, window_params = [{transform_indices = @transform_0, window_bounds = array<i64: 6400, 128>}, {transform_indices = @transform_1, window_bounds = array<i64: 6400, 16>}, {pipeline_mode = #tpu.pipeline_mode<synchronous>, transform_indices = @transform_2, window_bounds = array<i64: 128, 256>}, {pipeline_mode = #tpu.pipeline_mode<synchronous>, transform_indices = @transform_3, window_bounds = array<i64: 16, 256>}, {pipeline_mode = #tpu.pipeline_mode<synchronous>, transform_indices = @transform_4, window_bounds = array<i64: 1, 256>}, {pipeline_mode = #tpu.pipeline_mode<synchronous>, transform_indices = @transform_5, window_bounds = array<i64: 2, 256>}, {pipeline_mode = #tpu.pipeline_mode<synchronous>, transform_indices = @transform_6, window_bounds = array<i64: 1, 256>}, {pipeline_mode = #tpu.pipeline_mode<synchronous>, transform_indices = @transform_7, window_bounds = array<i64: 1, 256>}, {transform_indices = @transform_8, window_bounds = array<i64: 6400, 128>}]} {
    %get3A = arith.constant 0 : index
    %get3A_0 = arith.constant 0 : index
    %get3A_1 = vector.load %arg1[%get3A, %get3A_0] : memref<6400x128xf32, #tpu.memory_space<vmem>>, vector<6400x128xf32>
    %convert_element_type3A = arith.truncf %get3A_1 : vector<6400x128xf32> to vector<6400x128xbf16>
    %get3A_2 = arith.constant 0 : index
    %get3A_3 = arith.constant 0 : index
    %get3A_4 = vector.load %arg3[%get3A_2, %get3A_3] : memref<128x256xbf16, #tpu.memory_space<vmem>>, vector<128x256xbf16>
    %dot_general3A = arith.constant dense<0.000000e+00> : vector<6400x256xf32>
    %dot_general3A_5 = tpu.matmul %convert_element_type3A, %get3A_4, %dot_general3A {dimension_numbers = #tpu.dot_dimension_numbers<[1], [0], [0], [1], [0, 0, 1, 1], [], []>, transpose_lhs_hint = false} : vector<6400x128xbf16>, vector<128x256xbf16>, vector<6400x256xf32> -> vector<6400x256xf32>
    %get3A_6 = arith.constant 0 : index
    %get3A_7 = arith.constant 0 : index
    %get3A_8 = vector.load %arg2[%get3A_6, %get3A_7] : memref<6400x16xf32, #tpu.memory_space<vmem>>, vector<6400x16xf32>
    %convert_element_type3A_9 = arith.truncf %get3A_8 : vector<6400x16xf32> to vector<6400x16xbf16>
    %get3A_10 = arith.constant 0 : index
    %get3A_11 = arith.constant 0 : index
    %get3A_12 = vector.load %arg4[%get3A_10, %get3A_11] : memref<16x256xbf16, #tpu.memory_space<vmem>>, vector<16x256xbf16>
    %dot_general3A_13 = arith.constant dense<0.000000e+00> : vector<6400x256xf32>
    %dot_general3A_14 = tpu.matmul %convert_element_type3A_9, %get3A_12, %dot_general3A_13 {dimension_numbers = #tpu.dot_dimension_numbers<[1], [0], [0], [1], [0, 0, 1, 1], [], []>, transpose_lhs_hint = false} : vector<6400x16xbf16>, vector<16x256xbf16>, vector<6400x256xf32> -> vector<6400x256xf32>
    %add3A = arith.addf %dot_general3A_5, %dot_general3A_14 : vector<6400x256xf32>
    %get3A_15 = arith.constant 0 : index
    %get3A_16 = arith.constant 0 : index
    %get3A_17 = vector.load %arg5[%get3A_15, %get3A_16] : memref<1x256xf32, #tpu.memory_space<vmem>>, vector<1x256xf32>
    %add3A_18 = vector.broadcast %get3A_17 : vector<1x256xf32> to vector<6400x256xf32>
    %add3A_19 = arith.addf %add3A, %add3A_18 : vector<6400x256xf32>
    %get3A_20 = arith.constant 0 : index
    %get3A_21 = arith.constant 0 : index
    %get3A_22 = vector.load %arg6[%get3A_20, %get3A_21] : memref<2x256xf32, #tpu.memory_space<vmem>>, vector<1x256xf32>
    %mul3A = arith.constant 3.125000e-06 : f32
    %mul3A_23 = vector.broadcast %mul3A : f32 to vector<1x256xf32>
    %mul3A_24 = arith.mulf %get3A_22, %mul3A_23 : vector<1x256xf32>
    %get3A_25 = arith.constant 1 : index
    %get3A_26 = arith.constant 0 : index
    %get3A_27 = vector.load %arg6[%get3A_25, %get3A_26] : memref<2x256xf32, #tpu.memory_space<vmem>>, vector<1x256xf32>
    %mul3A_28 = arith.constant 3.125000e-06 : f32
    %mul3A_29 = vector.broadcast %mul3A_28 : f32 to vector<1x256xf32>
    %mul3A_30 = arith.mulf %get3A_27, %mul3A_29 : vector<1x256xf32>
    %mul3A_31 = arith.mulf %mul3A_24, %mul3A_24 : vector<1x256xf32>
    %sub3A = arith.subf %mul3A_30, %mul3A_31 : vector<1x256xf32>
    %add3A_32 = arith.constant 9.99999974E-6 : f32
    %add3A_33 = vector.broadcast %add3A_32 : f32 to vector<1x256xf32>
    %add3A_34 = arith.addf %sub3A, %add3A_33 : vector<1x256xf32>
    %rsqrt3A = math.rsqrt %add3A_34 : vector<1x256xf32>
    %get3A_35 = arith.constant 0 : index
    %get3A_36 = arith.constant 0 : index
    %get3A_37 = vector.load %arg7[%get3A_35, %get3A_36] : memref<1x256xf32, #tpu.memory_space<vmem>>, vector<1x256xf32>
    %mul3A_38 = arith.mulf %get3A_37, %rsqrt3A : vector<1x256xf32>
    %get3A_39 = arith.constant 0 : index
    %get3A_40 = arith.constant 0 : index
    %get3A_41 = vector.load %arg8[%get3A_39, %get3A_40] : memref<1x256xf32, #tpu.memory_space<vmem>>, vector<1x256xf32>
    %mul3A_42 = arith.mulf %mul3A_24, %mul3A_38 : vector<1x256xf32>
    %sub3A_43 = arith.subf %get3A_41, %mul3A_42 : vector<1x256xf32>
    %mul3A_44 = vector.broadcast %mul3A_38 : vector<1x256xf32> to vector<6400x256xf32>
    %mul3A_45 = arith.mulf %add3A_19, %mul3A_44 : vector<6400x256xf32>
    %add3A_46 = vector.broadcast %sub3A_43 : vector<1x256xf32> to vector<6400x256xf32>
    %add3A_47 = arith.addf %mul3A_45, %add3A_46 : vector<6400x256xf32>
    %slice3A = vector.extract_strided_slice %add3A_47 {offsets = [0, 0], sizes = [6400, 128], strides = [1, 1]} : vector<6400x256xf32> to vector<6400x128xf32>
    %logistic3A = arith.negf %slice3A : vector<6400x128xf32>
    %logistic3A_48 = math.exp %logistic3A : vector<6400x128xf32>
    %logistic3A_49 = arith.constant 1.000000e+00 : f32
    %logistic3A_50 = vector.broadcast %logistic3A_49 : f32 to vector<6400x128xf32>
    %logistic3A_51 = arith.addf %logistic3A_50, %logistic3A_48 : vector<6400x128xf32>
    %logistic3A_52 = arith.divf %logistic3A_50, %logistic3A_51 : vector<6400x128xf32>
    %slice3A_53 = vector.extract_strided_slice %add3A_47 {offsets = [0, 128], sizes = [6400, 128], strides = [1, 1]} : vector<6400x256xf32> to vector<6400x128xf32>
    %tanh3A = math.tanh %slice3A_53 : vector<6400x128xf32>
    %mul3A_54 = arith.mulf %logistic3A_52, %tanh3A : vector<6400x128xf32>
    %swap3A = arith.constant 0 : index
    %swap3A_55 = arith.constant 0 : index
    %swap3A_56 = vector.load %arg9[%swap3A, %swap3A_55] : memref<6400x128xf32, #tpu.memory_space<vmem>>, vector<6400x128xf32>
    tpu.vector_store %arg9[%swap3A, %swap3A_55], %mul3A_54 {strides = array<i32>} : memref<6400x128xf32, #tpu.memory_space<vmem>>, vector<6400x128xf32>,
    return
  }
  func.func @transform_0(%arg0: i32) -> (i32, i32) {
    %c0_i32 = arith.constant 0 : i32
    %c0_i32_0 = arith.constant 0 : i32
    return %arg0, %c0_i32 : i32, i32
  }
  func.func @transform_1(%arg0: i32) -> (i32, i32) {
    %c0_i32 = arith.constant 0 : i32
    %c0_i32_0 = arith.constant 0 : i32
    return %arg0, %c0_i32 : i32, i32
  }
  func.func @transform_2(%arg0: i32) -> (i32, i32) {
    %c0_i32 = arith.constant 0 : i32
    %c0_i32_0 = arith.constant 0 : i32
    %c0_i32_1 = arith.constant 0 : i32
    return %c0_i32, %c0_i32_0 : i32, i32
  }
  func.func @transform_3(%arg0: i32) -> (i32, i32) {
    %c0_i32 = arith.constant 0 : i32
    %c0_i32_0 = arith.constant 0 : i32
    %c0_i32_1 = arith.constant 0 : i32
    return %c0_i32, %c0_i32_0 : i32, i32
  }
  func.func @transform_4(%arg0: i32) -> (i32, i32) {
    %c0_i32 = arith.constant 0 : i32
    %c0_i32_0 = arith.constant 0 : i32
    %c0_i32_1 = arith.constant 0 : i32
    return %c0_i32, %c0_i32_0 : i32, i32
  }
  func.func @transform_5(%arg0: i32) -> (i32, i32) {
    %c0_i32 = arith.constant 0 : i32
    %c0_i32_0 = arith.constant 0 : i32
    %c0_i32_1 = arith.constant 0 : i32
    return %c0_i32, %c0_i32_0 : i32, i32
  }
  func.func @transform_6(%arg0: i32) -> (i32, i32) {
    %c0_i32 = arith.constant 0 : i32
    %c0_i32_0 = arith.constant 0 : i32
    %c0_i32_1 = arith.constant 0 : i32
    return %c0_i32, %c0_i32_0 : i32, i32
  }
  func.func @transform_7(%arg0: i32) -> (i32, i32) {
    %c0_i32 = arith.constant 0 : i32
    %c0_i32_0 = arith.constant 0 : i32
    %c0_i32_1 = arith.constant 0 : i32
    return %c0_i32, %c0_i32_0 : i32, i32
  }
  func.func @transform_8(%arg0: i32) -> (i32, i32) {
    %c0_i32 = arith.constant 0 : i32
    %c0_i32_0 = arith.constant 0 : i32
    return %arg0, %c0_i32 : i32, i32
  }
}

module attributes {stable_mosaic.version = 14 : i64} {
  func.func @_tc_final_body(%arg0: memref<2x10000x128xf32, #tpu.memory_space<vmem>>, %arg1: memref<2x10000x128xf32, #tpu.memory_space<vmem>>, %arg2: memref<10000x128xf32, #tpu.memory_space<vmem>>, %arg3: memref<1x128xf32, #tpu.memory_space<vmem>>, %arg4: memref<1x128xf32, #tpu.memory_space<vmem>>, %arg5: memref<10000x128xf32, #tpu.memory_space<vmem>>) attributes {dimension_semantics = [], scalar_prefetch = 0 : i64, scratch_operands = 0 : i64, tpu.core_type = #tpu.core_type<tc>} {
    %get3A = arith.constant 0 : index
    %get3A_0 = arith.constant 0 : index
    %get3A_1 = arith.constant 0 : index
    %get3A_2 = vector.load %arg0[%get3A, %get3A_0, %get3A_1] : memref<2x10000x128xf32, #tpu.memory_space<vmem>>, vector<1x10000x128xf32>
    %get3A_3 = vector.shape_cast %get3A_2 : vector<1x10000x128xf32> to vector<10000x128xf32>
    %get3A_4 = arith.constant 1 : index
    %get3A_5 = arith.constant 0 : index
    %get3A_6 = arith.constant 0 : index
    %get3A_7 = vector.load %arg0[%get3A_4, %get3A_5, %get3A_6] : memref<2x10000x128xf32, #tpu.memory_space<vmem>>, vector<1x10000x128xf32>
    %get3A_8 = vector.shape_cast %get3A_7 : vector<1x10000x128xf32> to vector<10000x128xf32>
    %add3A = arith.addf %get3A_3, %get3A_8 : vector<10000x128xf32>
    %get3A_9 = arith.constant 0 : index
    %get3A_10 = arith.constant 0 : index
    %get3A_11 = arith.constant 0 : index
    %get3A_12 = vector.load %arg1[%get3A_9, %get3A_10, %get3A_11] : memref<2x10000x128xf32, #tpu.memory_space<vmem>>, vector<1x10000x128xf32>
    %get3A_13 = vector.shape_cast %get3A_12 : vector<1x10000x128xf32> to vector<10000x128xf32>
    %add3A_14 = arith.addf %add3A, %get3A_13 : vector<10000x128xf32>
    %get3A_15 = arith.constant 1 : index
    %get3A_16 = arith.constant 0 : index
    %get3A_17 = arith.constant 0 : index
    %get3A_18 = vector.load %arg1[%get3A_15, %get3A_16, %get3A_17] : memref<2x10000x128xf32, #tpu.memory_space<vmem>>, vector<1x10000x128xf32>
    %get3A_19 = vector.shape_cast %get3A_18 : vector<1x10000x128xf32> to vector<10000x128xf32>
    %add3A_20 = arith.addf %add3A_14, %get3A_19 : vector<10000x128xf32>
    %reduce_sum3A = arith.constant dense<0.000000e+00> : vector<128xf32>
    %reduce_sum3A_21 = vector.multi_reduction <add>, %add3A_20, %reduce_sum3A [0] : vector<10000x128xf32> to vector<128xf32>
    %broadcast_in_dim3A = vector.shape_cast %reduce_sum3A_21 : vector<128xf32> to vector<1x128xf32>
    %div3A = arith.constant 1.000000e+04 : f32
    %div3A_22 = vector.broadcast %div3A : f32 to vector<1x128xf32>
    %div3A_23 = arith.divf %broadcast_in_dim3A, %div3A_22 : vector<1x128xf32>
    %sub3A = vector.broadcast %div3A_23 : vector<1x128xf32> to vector<10000x128xf32>
    %sub3A_24 = arith.subf %add3A_20, %sub3A : vector<10000x128xf32>
    %integer_pow3A = arith.mulf %sub3A_24, %sub3A_24 : vector<10000x128xf32>
    %reduce_sum3A_25 = arith.constant dense<0.000000e+00> : vector<128xf32>
    %reduce_sum3A_26 = vector.multi_reduction <add>, %integer_pow3A, %reduce_sum3A_25 [0] : vector<10000x128xf32> to vector<128xf32>
    %broadcast_in_dim3A_27 = vector.shape_cast %reduce_sum3A_26 : vector<128xf32> to vector<1x128xf32>
    %div3A_28 = arith.constant 1.000000e+04 : f32
    %div3A_29 = vector.broadcast %div3A_28 : f32 to vector<1x128xf32>
    %div3A_30 = arith.divf %broadcast_in_dim3A_27, %div3A_29 : vector<1x128xf32>
    %sub3A_31 = vector.broadcast %div3A_23 : vector<1x128xf32> to vector<10000x128xf32>
    %sub3A_32 = arith.subf %add3A_20, %sub3A_31 : vector<10000x128xf32>
    %add3A_33 = arith.constant 9.99999974E-6 : f32
    %add3A_34 = vector.broadcast %add3A_33 : f32 to vector<1x128xf32>
    %add3A_35 = arith.addf %div3A_30, %add3A_34 : vector<1x128xf32>
    %rsqrt3A = math.rsqrt %add3A_35 : vector<1x128xf32>
    %mul3A = vector.broadcast %rsqrt3A : vector<1x128xf32> to vector<10000x128xf32>
    %mul3A_36 = arith.mulf %sub3A_32, %mul3A : vector<10000x128xf32>
    %get3A_37 = arith.constant 0 : index
    %get3A_38 = arith.constant 0 : index
    %get3A_39 = vector.load %arg3[%get3A_37, %get3A_38] : memref<1x128xf32, #tpu.memory_space<vmem>>, vector<1x128xf32>
    %mul3A_40 = vector.broadcast %get3A_39 : vector<1x128xf32> to vector<10000x128xf32>
    %mul3A_41 = arith.mulf %mul3A_36, %mul3A_40 : vector<10000x128xf32>
    %get3A_42 = arith.constant 0 : index
    %get3A_43 = arith.constant 0 : index
    %get3A_44 = vector.load %arg4[%get3A_42, %get3A_43] : memref<1x128xf32, #tpu.memory_space<vmem>>, vector<1x128xf32>
    %add3A_45 = vector.broadcast %get3A_44 : vector<1x128xf32> to vector<10000x128xf32>
    %add3A_46 = arith.addf %mul3A_41, %add3A_45 : vector<10000x128xf32>
    %get3A_47 = arith.constant 0 : index
    %get3A_48 = arith.constant 0 : index
    %get3A_49 = vector.load %arg2[%get3A_47, %get3A_48] : memref<10000x128xf32, #tpu.memory_space<vmem>>, vector<10000x128xf32>
    %add3A_50 = arith.addf %get3A_49, %add3A_46 : vector<10000x128xf32>
    %tanh3A = math.tanh %add3A_50 : vector<10000x128xf32>
    %swap3A = arith.constant 0 : index
    %swap3A_51 = arith.constant 0 : index
    %swap3A_52 = vector.load %arg5[%swap3A, %swap3A_51] : memref<10000x128xf32, #tpu.memory_space<vmem>>, vector<10000x128xf32>
    tpu.vector_store %arg5[%swap3A, %swap3A_51], %tanh3A {strides = array<i32>} : memref<10000x128xf32, #tpu.memory_space<vmem>>, vector<10000x128xf32>,
    return
  }
}

</mosaic_0001>

<sc_bundles>
// kernel: kernel.11.cloned.1.call-start
scs
__scs_entry_jumppad:
0x0: {  	(pc) =	sbr.rel $0x88, $3  }
0x1: {  	(tag) =	ssettag $0x0;
	lr =	simm.s32 $0x1  }
0x2: {  	[smem:$0x3F98] =	sst lr;
	_ =	strace $0xD0000000  }
0x3: {  	_ = 	snop  }
0x4: {  	_ = 	snop  }
0x5: {  	_ = 	snop  }
0x6: {  	_ = 	snop  }
0x7: {  	_ = 	snop  }
__scs_overlays_trampoline_lowered:
0x8: {  	[smem:$0x3FA7] =	sst s0  }
0x9: {  	[smem:$0x3FA8] =	sst s1  }
0xa: {  	[smem:$0x3FA9] =	sst s2  }
0xb: {  	[smem:$0x3FAA] =	sst s3  }
0xc: {  	[smem:$0x3FAB] =	sst s4  }
0xd: {  	[smem:$0x3FAC] =	sst s5  }
0xe: {  	[smem:$0x3FAD] =	sst s6  }
0xf: {  	[smem:$0x3FAE] =	sst s7  }
0x10: {  	[smem:$0x3FAF] =	sst s8  }
0x11: {  	[smem:$0x3FB0] =	sst s9;
	s0 =	simm.s32 @!p0 $0x0  }
0x12: {  	s1 =	sld [smem:$0x3F96];
	s0 =	simm.s32 @p0 $0x1  }
0x13: {  	[smem:$0x3FB1] =	sst s0;
	s0 =	simm.s32 @!p1 $0x0  }
0x14: {  	s2 =	sld [smem:$0x3F95];
	s0 =	simm.s32 @p1 $0x1  }
0x15: {  	[smem:$0x3FB2] =	sst s0;
	s0 =	simm.s32 @!p2 $0x0  }
0x16: {  	s3 =	sld [smem:$0x3FDB];
	s0 =	simm.s32 @p2 $0x1  }
0x17: {  	s4 =	simm.s32 $0x1BF5;
	[smem:$0x3FB4] =	sst s0  }
0x18: {  	s0 =	sld [smem:$0x3F97];
	_ =	swait.ge [sflag:s4], $0x0  }
0x19: {  	s7 =	sld [smem:$0x3F98]  }
0x1a: {  	s8 =	sadd.s32 $0xFFFFE003, lr  }
0x1b: {  	s9 =	sadd.s32 $0xFFFFFEF7, lr;
	s5 =	simm.s32 $0xFFFFFFFF;
	p2 =	slt.u32 s8, $0xFFFFF086  }
0x1c: {  	p1 =	slt.u32 s9, $0xF7A;
	s5 =	simm.s32 @!p2 $0x0  }
0x1d: {  	s5 =	simm.s32 @p1 $0x1;
	p0 =	seq.s32 s7, s2  }
0x1e: {  	s7 =	smul.u32 @!p0 $0xF7A, s2;
	p2 =	seq.s32 @!p0 s5, $0x0  }
0x1f: {  	s9 =	smul.u32 $0xF7A, s1;
	s8 =	simm.s32 @!p0 $0x1BF5;
	p2 =	por !p2, p0  }
0x20: {  	[sflag:s8] =	ssyncset.s32 @!p0 $0xFFFFF086;
	s6 =	sadd.s32 @!p0 s3, s7;
	s7 =	simm.s32 @!p0 $0x108  }
0x21: {  	s3 =	sadd.s32 s3, s9;
	s6 =	sadd.s32 @!p0 $0x88, s6;
	s7 =	simm.s32 @p2 $0x1082  }
0x22: {  	[simem:s7], [sflag:s8] =	dma.local @!p0 [hbm:s6], $0xF7A  }
0x23: {  	s9 =	sor.u32 $0xD0000000, s2;
	s6 =	simm.s32 $0x108;
	_ =	swait.ge @!p0 [sflag:s8], $0x0  }
0x24: {  	s3 =	sadd.s32 $0x88, s3;
	s6 =	simm.s32 @!p1 $0x1082;
	[sflag:s4] =	ssyncset.s32 $0xFFFFF086  }
0x25: {  	[simem:s6], [sflag:s4] =	dma.local [hbm:s3], $0xF7A  }
0x26: {  	[smem:$0x3F98] =	sst s1;
	(tag) =	ssettag s2;
	_ =	strace s9  }
0x27: {  	s1 =	sld [smem:$0x3FA8]  }
0x28: {  	s2 =	sld [smem:$0x3FA9]  }
0x29: {  	s4 =	sld [smem:$0x3FAB]  }
0x2a: {  	p0 =	seq.s32 s5, $0x0;
	s5 =	sld [smem:$0x3FAC]  }
0x2b: {  	s6 =	sld [smem:$0x3FAD]  }
0x2c: {  	s7 =	sld [smem:$0x3FAE]  }
0x2d: {  	s3 =	simm.s32 $0x108;
	s8 =	sld [smem:$0x3FAF]  }
0x2e: {  	s3 =	simm.s32 @!p0 $0x1082;
	s9 =	sld [smem:$0x3FB0]  }
0x2f: {  	lr =	sadd.s32 s0, s3;
	s0 =	sld [smem:$0x3FA7]  }
0x30: {  	s3 =	sld [smem:$0x3FAA]  }
0x31: {  	[smem:$0x3FB3] =	sst s10  }
0x32: {  	s10 =	sld [smem:$0x3FB1];
	_ =	sdelay $0x3  }
0x33: {  	p0 =	seq.s32 s10, $0x1;
	s10 =	sld [smem:$0x3FB3];
	_ =	sdelay $0x3  }
0x34: {  	[smem:$0x3FB3] =	sst s10  }
0x35: {  	s10 =	sld [smem:$0x3FB2];
	_ =	sdelay $0x3  }
0x36: {  	p1 =	seq.s32 s10, $0x1;
	s10 =	sld [smem:$0x3FB3];
	_ =	sdelay $0x3  }
0x37: {  	[smem:$0x3FB3] =	sst s10  }
0x38: {  	s10 =	sld [smem:$0x3FB4]  }
0x39: {  	_ = 	snop;
	(pc) =	sbr.ind lr, $3  }
0x3a: {  	_ = 	snop  }
0x3b: {  	_ = 	snop  }
0x3c: {  	p2 =	seq.s32 s10, $0x1;
	s10 =	sld [smem:$0x3FB3]  }
0x3d: {  	_ =	shalt  }
0x3e: {  	_ =	shalt  }
0x3f: {  	_ =	shalt  }
0x40: {  	_ =	shalt  }
0x41: {  	_ =	shalt  }
0x42: {  	_ =	shalt  }
0x43: {  	_ =	shalt  }
0x44: {  	_ =	shalt  }
0x45: {  	_ =	shalt  }
0x46: {  	_ =	shalt  }
0x47: {  	_ =	shalt  }
0x48: {  	_ =	shalt  }
0x49: {  	_ =	shalt  }
0x4a: {  	_ =	shalt  }
0x4b: {  	_ =	shalt  }
0x4c: {  	_ =	shalt  }
0x4d: {  	_ =	shalt  }
0x4e: {  	_ =	shalt  }
0x4f: {  	_ =	shalt  }
0x50: {  	_ =	shalt  }
0x51: {  	_ =	shalt  }
0x52: {  	_ =	shalt  }
0x53: {  	_ =	shalt  }
0x54: {  	_ =	shalt  }
0x55: {  	_ =	shalt  }
0x56: {  	_ =	shalt  }
0x57: {  	_ =	shalt  }
0x58: {  	_ =	shalt  }
0x59: {  	_ =	shalt  }
0x5a: {  	_ =	shalt  }
0x5b: {  	_ =	shalt  }
0x5c: {  	_ =	shalt  }
0x5d: {  	_ =	shalt  }
0x5e: {  	_ =	shalt  }
0x5f: {  	_ =	shalt  }
0x60: {  	_ =	shalt  }
0x61: {  	_ =	shalt  }
0x62: {  	_ =	shalt  }
0x63: {  	_ =	shalt  }
0x64: {  	_ =	shalt  }
0x65: {  	_ =	shalt  }
0x66: {  	_ =	shalt  }
0x67: {  	_ =	shalt  }
0x68: {  	_ =	shalt  }
0x69: {  	_ =	shalt  }
0x6a: {  	_ =	shalt  }
0x6b: {  	_ =	shalt  }
0x6c: {  	_ =	shalt  }
0x6d: {  	_ =	shalt  }
0x6e: {  	_ =	shalt  }
0x6f: {  	_ =	shalt  }
0x70: {  	_ =	shalt  }
0x71: {  	_ =	shalt  }
0x72: {  	_ =	shalt  }
0x73: {  	_ =	shalt  }
0x74: {  	_ =	shalt  }
0x75: {  	_ =	shalt  }
0x76: {  	_ =	shalt  }
0x77: {  	_ =	shalt  }
0x78: {  	_ =	shalt  }
0x79: {  	_ =	shalt  }
0x7a: {  	_ =	shalt  }
0x7b: {  	_ =	shalt  }
0x7c: {  	_ =	shalt  }
0x7d: {  	_ =	shalt  }
0x7e: {  	_ =	shalt  }
0x7f: {  	_ =	shalt  }
0x80: {  	_ =	shalt  }
0x81: {  	_ =	shalt  }
0x82: {  	_ =	shalt  }
0x83: {  	_ =	shalt  }
0x84: {  	_ =	shalt  }
0x85: {  	_ =	shalt  }
0x86: {  	_ =	shalt  }
0x87: {  	_ =	shalt  }
.Lfunc_end0:
.L_simem_size_0:
called_computation_lowered:
.L_overlay_start_0:
0x88: {  	s2 =	sld [smem:$0x3FD9]  }
0x89: {  	s3 =	sld [smem:$0x3FFE];
	_ =	sdelay $0x1  }
0x8a: {  	s1 =	srdreg.scid  }
0x8b: {  	s0 =	sand.u32 $0x1, s1  }
0x8c: {  	s17 =	sshll.u32 s0, $0xA;
	s2 =	sadd.s32 s3, s2  }
0x8d: {  	s2 =	sadd.s32 s2, s17  }
0x8e: {  	[smem:$0x3FBF] =	sst s2  }
0x8f: {  	_ = 	snop  }
0x90: {  	s2 =	sld [smem:$0x3FC9];
	(tm) =	ssettm $0x1  }
0x91: {  	s18 =	sld [smem:$0x3FFB];
	_ =	sdelay $0x3  }
0x92: {  	_ =	strace s18  }
0x93: {  	s3 =	sld [smem:$0x3FFC];
	_ =	sdelay $0x3  }
0x94: {  	_ =	strace s3  }
0x95: {  	s3 =	sld [smem:$0x3FFD];
	_ =	sdelay $0x3  }
0x96: {  	_ =	strace s3  }
0x97: {  	_ =	strace $0x8FFFFFFF  }
0x98: {  	s19 =	sld [smem:$0x3FDB];
	_ =	sdelay $0x1  }
0x99: {  	s4 =	simm.s32 $_scs_section_size  }
0x9a: {  	s5 =	simm.s32 $_size__tile_overlayer_lowered;
	s6 =	simm.s32 $_tile_overlayer_lowered  }
0x9b: {  	s22 =	simm.s32 $0x1BFF;
	s21 =	sshll.u32 s6, $0x1;
	s3 =	sadd.s32 s4, s19  }
0x9c: {  	s7 =	simm.s32 $0x0;
	s20 =	sshll.u32 s5, $0x1;
	s5 =	sadd.s32 s21, s3  }
0x9d: {  	[timem:s7], [sflag:s22] =	dma.local [hbm:s5], s20  }
0x9e: {  	_ =	swait.ge [sflag:s22], s20  }
0x9f: {  	s4 =	ssub.s32 $0x0, s20;
	[sflag:s22] =	ssyncset.done $0x0  }
0xa0: {  	[sflag:s22] =	ssyncadd.s32 s4;
	_ =	sdelay $0x1  }
0xa1: {  	s23 =	simm.s32 $0x1B8B  }
0xa2: {  	_ =	swait.ge [sflag:s23], $0x1  }
0xa3: {  	[sflag:s23] =	ssyncset.done $0x0  }
0xa4: {  	s25 =	simm.s32 $0x1B8E;
	s24 =	sld [smem:$0x3FFE];
	[sflag:s23] =	ssyncadd.s32 $0xFFFFFFFF  }
0xa5: {  	s26 =	simm.s32 $execute0_lowered;
	[smem:$0x3FD2] =	sst s25  }
0xa6: {  	s5 =	sshll.u32 s26, $0x1;
	_ =	strace $0x80000046;
	[dreg:$0x1] =	wrdreg $0xFFFFFFFF  }
0xa7: {  	s28 =	simm.s32 $_size_execute0_lowered;
	s3 =	sadd.s32 s3, s5;
	[dreg:$0x0] =	wrdreg $0x0  }
0xa8: {  	s5 =	sshll.u32 s28, $0x1;
	[dreg:$0x2] =	wrdreg s3  }
0xa9: {  	[dreg:$0x3] =	wrdreg s5  }
0xaa: {  	[dreg:$0x4] =	wrdreg $0xC0  }
0xab: {  	_ =	task [dreg:s7], $0x5FFFF  }
0xac: {  	[dreg:$0x1] =	wrdreg $0xFFFFFFFF  }
0xad: {  	[dreg:$0x0] =	wrdreg $0x60  }
0xae: {  	[dreg:$0x2] =	wrdreg s2  }
0xaf: {  	[dreg:$0x3] =	wrdreg s24  }
0xb0: {  	[dreg:$0x4] =	wrdreg $0xB0000  }
0xb1: {  	[dreg:$0x5] =	wrdreg $0x9  }
0xb2: {  	_ =	task.clear_ibuf [dreg:s7], $0x6FFFF;
	_ =	strace $0x90000046  }
0xb3: {  	s29 =	simm.s32 $0x9;
	_ =	strace $0x80000048  }
0xb4: {  	_ =	swait.ge [sflag:s29], $0x1  }
0xb5: {  	[sflag:s29] =	ssyncadd.s32 $0xFFFFFFFF  }
0xb6: {  	_ =	strace $0x90000048  }
0xb7: {  	_ =	sfence  }
0xb8: {  	s30 =	sld [smem:$0x0];
	_ =	sdelay $0x2  }
0xb9: {  	s31 =	sshll.u32 s1, $0xD;
	s1 =	sshrl.u32 s1, $0x2  }
0xba: {  	s3 =	sand.u32 $0x4000, s31;
	s1 =	sadd.s32 s1, s30  }
0xbb: {  	s0 =	sor.u32 s3, s0;
	s1 =	sshll.u32 s1, $0x11  }
0xbc: {  	s0 =	sor.u32 s1, s0  }
0xbd: {  	s0 =	sadd.s32 $0x8F2B, s0  }
0xbe: {  	[sflag:s0] =	ssyncadd.remote.s32 $0x1  }
0xbf: {  	_ =	sfence.sel $0xFFFF  }
0xc0: {  	[dreg:$0x0] =	wrdreg $0xFFFFFFFF;
	(pc) =	sbr.abs _section_cstart, $3  }
0xc1: {  	[dreg:$0x1] =	wrdreg $0xFFFFFFFF  }
0xc2: {  	_ =	task.clear_ibuf [dreg:s7], $0x2FFFF;
	_ =	strace $0x9FFFFFFF  }
0xc3: {  	(tm) =	ssettm $0x7FFFFFFF  }
tec
execute0_lowered:
.L_overlay_start_1:
0x0: {  	(tag) =	ssettag $0x1  }
0x1: {  	s5 =	rddreg [dreg:$0x0];
	s1 =	srdreg.scid  }
0x2: {  	s0 =	stileid.u32;
	s4 =	rddreg [dreg:$0x1]  }
0x3: {  	s2 =	rddreg [dreg:$0x2];
	s3 =	simm.s32 $0x0;
	s13 =	simm.s32 $0x50  }
0x4: {  	s14 =	simm.s32 $0x1000;
	s15 =	simm.s32 $0x3800;
	s16 =	simm.s32 $0x1  }
0x5: {  	s17 =	simm.s32 $0x2;
	s18 =	simm.s32 $0x5;
	s19 =	simm.s32 $0x6  }
0x6: {  	s20 =	simm.s32 $0x7;
	s21 =	simm.s32 $0x8;
	s8 =	smul.u32 $0x50000, s0  }
0x7: {  	s22 =	simm.s32 $0x0;
	s6 =	sand.u32 $0x1, s1;
	s9 =	smul.u32 $0x1F400, s0  }
0x8: {  	s28 =	sshll.u32 s0, $0x1;
	[smem:$0x7FF] =	sst s3;
	s12 =	smul.u32 $0x2800, s0  }
0x9: {  	s31 =	sadd.s32 $0x25800, s5;
	p0 =	seq.s32 s0, $0xF;
	s7 =	sor.u32 s6, s28  }
0xa: {  	_ =	strace $0x80000047;
	s10 =	ssub.s32 $0x2, s6;
	s30 =	smul.u32 $0xFA00, s6  }
0xb: {  	[dreg:$0x5] =	wrdreg s31;
	s7 =	smul.u32 $0xFA0, s7;
	s11 =	sshrl.u32 s10, $0x1  }
0xc: {  	s8 =	sshrl.u32 s8, $0x2;
	s9 =	sadd.s32 s9, s4;
	s29 =	sadd.s32 s5, s12  }
0xd: {  	s12 =	sadd.s32 $0x12C000, s2;
	s10 =	ssub.s32 s10, s11;
	s11 =	sadd.s32 s8, s2  }
0xe: {  	[dreg:$0x4] =	wrdreg s29;
	s8 =	sadd.s32 s30, s9;
	s7 =	sshrl.u32 s7, $0x3  }
0xf: {  	s9 =	sshrl.u32 @p0 s12, $0x3;
	s12 =	simm.s32 $0x9;
	s7 =	sadd.s32 s7, s4  }
0x10: {  	s6 =	sadd.s32 $0x2A00, s7;
	s7 =	smax.u32 s10, $0x1;
	s10 =	sshll.u32 @!p0 s0, $0x6  }
0x11: {  	s8 =	sadd.s32 $0x6A00, s8;
	s11 =	sshrl.u32 @!p0 s11, $0x3;
	s10 =	sor.u32 @!p0 $0x1C09, s10  }
.LBB2_1:
0x12: {  	s23 =	simm.s32 @p0 $0x1FC9;
	s0 =	rddreg [dreg:$0x5]  }
0x13: {  	[spmem:s9], [sflag:s23] =	dma.local @p0 [hbm:s0], $0x1900  }
0x14: {  	s23 =	simm.s32 @p0 $0x9  }
0x15: {  	_ =	swait.ge @p0 [sflag:s23], $0x1900  }
0x16: {  	[sflag:s23] =	ssyncset.done @p0 $0x0  }
0x17: {  	s0 =	rddreg [dreg:$0x4];
	[sflag:s23] =	ssyncadd.s32 @p0 $0xFFFFE700;
	s23 =	simm.s32 @!p0 $0x9  }
0x18: {  	[spmem:s11], [sflag:s10] =	dma.local @!p0 [hbm:s0], $0x2800  }
0x19: {  	_ =	swait.ge @!p0 [sflag:s23], $0x2800  }
0x1a: {  	[sflag:s23] =	ssyncset.done @!p0 $0x0  }
0x1b: {  	[sflag:s23] =	ssyncadd.s32 @!p0 $0xFFFFD800  }
0x1c: {  	[tilespmem:s3], [sflag:$0x9] =	stream.linear.gather [hbm4b:s6+s3], $0xFA0, $0x38;
	[tilespmem:$0x1E880] =	vst v63  }
0x1d: {  	_ =	swait.ge [sflag:s12], $0xFA0  }
0x1e: {  	[sflag:s12] =	ssyncset.done $0x0  }
0x1f: {  	[sflag:s12] =	ssyncadd.s32 $0xFFFFF060  }
0x20: {  	[bflag:$0x0] =	sbarrier.arrive $0xFFFF  }
0x21: {  	[tilespmem:s14], [sflag:$0x1] =	stream.indirect.gather [spmem:s2], $0x80, s3, s13, $0xb8;
	[tilespmem:$0x1E880] =	vst v63  }
0x22: {  	p2 =	por $0x0, $0x0  }
0x23: {  	[tilespmem:s15], [sflag:$0x2] =	stream.indirect.gather [spmem:s2], $0x80, s13, s13, $0xb8;
	[tilespmem:$0x1E880] =	vst v63  }
0x24: {  	p1 =	por @!p2 $0x1, $0x1;
	_ =	swait.ge [sflag:s16], $0x2800  }
0x25: {  	p1 =	por p1, p2;
	[sflag:s16] =	ssyncset.done $0x0  }
0x26: {  	s31 =	sadd.s32 $0x0, s8;
	s24 =	simm.s32 @!p1 $0x7;
	[sflag:s16] =	ssyncadd.s32 $0xFFFFD800  }
0x27: {  	[hbm4b:s31+s3] =	stream.linear.scatter [tilespmem:s14], [sflag:$0x5], $0x2800, $0x38;
	[tilespmem:$0x1E880] =	vst v63  }
0x28: {  	_ =	swait.ge @!p1 [sflag:s24], $0x2800  }
0x29: {  	s25 =	simm.s32 @!p2 $0x6000;
	s26 =	simm.s32 @!p2 $0xA0;
	[sflag:s24] =	ssyncset.done @!p1 $0x0  }
0x2a: {  	s29 =	simm.s32 @!p2 $0x50;
	[sflag:s24] =	ssyncadd.s32 @!p1 $0xFFFFD800;
	p1 =	por $0x0, $0x0  }
0x2b: {  	[tilespmem:s25], [sflag:$0x3] =	stream.indirect.gather @!p2 [spmem:s2], $0x80, s26, s29, $0xb8;
	[tilespmem:$0x1E880] =	vst v63  }
0x2c: {  	p3 =	por @!p1 $0x1, $0x1;
	_ =	swait.ge [sflag:s17], $0x2800  }
0x2d: {  	p3 =	por p3, p1;
	[sflag:s17] =	ssyncset.done $0x0  }
0x2e: {  	s23 =	sadd.s32 $0x500, s31;
	s24 =	simm.s32 @!p3 $0x8;
	[sflag:s17] =	ssyncadd.s32 $0xFFFFD800  }
0x2f: {  	[hbm4b:s23+s3] =	stream.linear.scatter [tilespmem:s15], [sflag:$0x6], $0x2800, $0x38;
	[tilespmem:$0x1E880] =	vst v63  }
0x30: {  	_ =	swait.ge @!p3 [sflag:s24], $0x2800  }
0x31: {  	s26 =	simm.s32 @!p1 $0xF0;
	s28 =	simm.s32 @!p1 $0x50;
	[sflag:s24] =	ssyncset.done @!p3 $0x0  }
0x32: {  	s23 =	simm.s32 @!p1 $0x8800;
	[sflag:s24] =	ssyncadd.s32 @!p3 $0xFFFFD800;
	s24 =	simm.s32 @!p2 $0x3  }
0x33: {  	[tilespmem:s23], [sflag:$0x4] =	stream.indirect.gather @!p1 [spmem:s2], $0x80, s26, s28, $0xb8;
	[tilespmem:$0x1E880] =	vst v63  }
0x34: {  	_ =	swait.ge @!p2 [sflag:s24], $0x2800  }
0x35: {  	s30 =	simm.s32 @!p2 $0x0;
	s26 =	sadd.s32 @!p2 $0x0, s8;
	[sflag:s24] =	ssyncset.done @!p2 $0x0  }
0x36: {  	s26 =	sadd.s32 @!p2 $0xA00, s26;
	[sflag:s24] =	ssyncadd.s32 @!p2 $0xFFFFD800;
	s24 =	simm.s32 @!p2 $0x5  }
0x37: {  	[hbm4b:s26+s30] =	stream.linear.scatter @!p2 [tilespmem:s25], [sflag:$0x7], $0x2800, $0x38;
	[tilespmem:$0x1E880] =	vst v63  }
0x38: {  	_ =	swait.ge @!p2 [sflag:s24], $0x2800  }
0x39: {  	s25 =	simm.s32 @!p2 $0x140;
	[sflag:s24] =	ssyncset.done @!p2 $0x0  }
0x3a: {  	s26 =	simm.s32 @!p2 $0x1000;
	[sflag:s24] =	ssyncadd.s32 @!p2 $0xFFFFD800;
	s24 =	simm.s32 @!p1 $0x4  }
0x3b: {  	[tilespmem:s26], [sflag:$0x1] =	stream.indirect.gather @!p2 [spmem:s2], $0x80, s25, s29, $0xb8;
	[tilespmem:$0x1E880] =	vst v63  }
0x3c: {  	s30 =	simm.s32 @!p1 $0x0;
	_ =	swait.ge @!p1 [sflag:s24], $0x2800  }
0x3d: {  	s25 =	sadd.s32 @!p1 $0x0, s8;
	s26 =	simm.s32 $0x190;
	[sflag:s24] =	ssyncset.done @!p1 $0x0  }
0x3e: {  	s29 =	simm.s32 @!p1 $0x6;
	s25 =	sadd.s32 @!p1 $0xF00, s25;
	[sflag:s24] =	ssyncadd.s32 @!p1 $0xFFFFD800  }
0x3f: {  	[hbm4b:s25+s30] =	stream.linear.scatter @!p1 [tilespmem:s23], [sflag:$0x8], $0x2800, $0x38;
	[tilespmem:$0x1E880] =	vst v63  }
0x40: {  	s24 =	simm.s32 $0x2D0;
	s23 =	simm.s32 $0x1400;
	_ =	swait.ge @!p1 [sflag:s29], $0x2800  }
0x41: {  	s30 =	simm.s32 @!p1 $0x3800;
	s25 =	simm.s32 $0x7;
	[sflag:s29] =	ssyncset.done @!p1 $0x0  }
.LBB2_2:
0x42: {  	s31 =	sadd.s32 $0xFFFFFFFF, s25  }
0x43: {  	[sflag:s29] =	ssyncadd.s32 @!p1 $0xFFFFD800;
	s29 =	smov.u32 s23;
	s23 =	sadd.s32 $0x1400, s23  }
0x44: {  	[tilespmem:s30], [sflag:$0x2] =	stream.indirect.gather @!p1 [spmem:s2], $0x80, s26, s28, $0xb8;
	[tilespmem:$0x1E880] =	vst v63  }
0x45: {  	p3 =	sgt.u32 s31, $0x31;
	p2 =	sne.s32 s23, $0x10400;
	_ =	swait.ge [sflag:s16], $0x2800  }
0x46: {  	p1 =	seq.s32 @!p3 s29, $0x0;
	s26 =	sadd.s32 @!p3 s29, s8;
	[sflag:s16] =	ssyncset.done $0x0  }
0x47: {  	s28 =	sadd.s32 s29, s8;
	p1 =	por p1, p3;
	[sflag:s16] =	ssyncadd.s32 $0xFFFFD800  }
0x48: {  	s31 =	sadd.s32 @!p3 $0xA00, s26;
	s26 =	smov.u32 s24;
	s30 =	simm.s32 @!p1 $0x7  }
0x49: {  	[hbm4b:s28+s3] =	stream.linear.scatter [tilespmem:s14], [sflag:$0x5], $0x2800, $0x38;
	[tilespmem:$0x1E880] =	vst v63  }
0x4a: {  	s1 =	simm.s32 @!p3 $0x6000;
	_ =	swait.ge @!p1 [sflag:s30], $0x2800  }
0x4b: {  	s0 =	sadd.s32 @!p3 $0xFFFFFF10, s24;
	s4 =	simm.s32 @!p3 $0x50;
	[sflag:s30] =	ssyncset.done @!p1 $0x0  }
0x4c: {  	[sflag:s30] =	ssyncadd.s32 @!p1 $0xFFFFD800;
	p1 =	sgt.u32 s25, $0x31  }
0x4d: {  	[tilespmem:s1], [sflag:$0x3] =	stream.indirect.gather @!p3 [spmem:s2], $0x80, s0, s4, $0xb8;
	[tilespmem:$0x1E880] =	vst v63  }
0x4e: {  	p4 =	seq.s32 @!p1 s29, $0x0;
	s0 =	sadd.s32 @!p1 s29, s8;
	_ =	swait.ge [sflag:s17], $0x2800  }
0x4f: {  	s28 =	sadd.s32 $0x500, s28;
	p4 =	por p4, p1;
	[sflag:s17] =	ssyncset.done $0x0  }
0x50: {  	s0 =	sadd.s32 @!p1 $0xF00, s0;
	s29 =	simm.s32 @!p4 $0x8;
	[sflag:s17] =	ssyncadd.s32 $0xFFFFD800  }
0x51: {  	[hbm4b:s28+s3] =	stream.linear.scatter [tilespmem:s15], [sflag:$0x6], $0x2800, $0x38;
	[tilespmem:$0x1E880] =	vst v63  }
0x52: {  	s30 =	simm.s32 @!p1 $0x8800;
	_ =	swait.ge @!p4 [sflag:s29], $0x2800  }
0x53: {  	s5 =	sadd.s32 @!p1 $0xFFFFFF60, s24;
	s28 =	simm.s32 @!p1 $0x50;
	[sflag:s29] =	ssyncset.done @!p4 $0x0  }
0x54: {  	[sflag:s29] =	ssyncadd.s32 @!p4 $0xFFFFD800;
	s29 =	simm.s32 @!p3 $0x3  }
0x55: {  	[tilespmem:s30], [sflag:$0x4] =	stream.indirect.gather @!p1 [spmem:s2], $0x80, s5, s28, $0xb8;
	[tilespmem:$0x1E880] =	vst v63  }
0x56: {  	_ =	swait.ge @!p3 [sflag:s29], $0x2800  }
0x57: {  	s5 =	simm.s32 @!p3 $0x0;
	[sflag:s29] =	ssyncset.done @!p3 $0x0  }
0x58: {  	[sflag:s29] =	ssyncadd.s32 @!p3 $0xFFFFD800;
	s29 =	simm.s32 @!p3 $0x5  }
0x59: {  	[hbm4b:s31+s5] =	stream.linear.scatter @!p3 [tilespmem:s1], [sflag:$0x7], $0x2800, $0x38;
	[tilespmem:$0x1E880] =	vst v63  }
0x5a: {  	_ =	swait.ge @!p3 [sflag:s29], $0x2800  }
0x5b: {  	s1 =	sadd.s32 @!p3 $0xFFFFFFB0, s24;
	s5 =	simm.s32 @!p3 $0x1000;
	[sflag:s29] =	ssyncset.done @!p3 $0x0  }
0x5c: {  	[sflag:s29] =	ssyncadd.s32 @!p3 $0xFFFFD800;
	s29 =	simm.s32 @!p1 $0x4  }
0x5d: {  	[tilespmem:s5], [sflag:$0x1] =	stream.indirect.gather @!p3 [spmem:s2], $0x80, s1, s4, $0xb8;
	[tilespmem:$0x1E880] =	vst v63  }
0x5e: {  	_ =	swait.ge @!p1 [sflag:s29], $0x2800  }
.Ltmp0:
0x5f: {  	s1 =	simm.s32 @!p1 $0x0;
	[sflag:s29] =	ssyncset.done @!p1 $0x0;
	(pc) =	sbr.rel @p2 .LBB2_2-.Ltmp0, $4  }
0x60: {  	[sflag:s29] =	ssyncadd.s32 @!p1 $0xFFFFD800;
	s29 =	simm.s32 @!p1 $0x6  }
0x61: {  	[hbm4b:s0+s1] =	stream.linear.scatter @!p1 [tilespmem:s30], [sflag:$0x8], $0x2800, $0x38;
	[tilespmem:$0x1E880] =	vst v63  }
0x62: {  	s24 =	sadd.s32 $0x140, s24;
	_ =	swait.ge @!p1 [sflag:s29], $0x2800  }
0x63: {  	s25 =	sadd.s32 $0x4, s25;
	s30 =	simm.s32 @!p1 $0x3800;
	[sflag:s29] =	ssyncset.done @!p1 $0x0  }
0x64: {  	[sflag:s29] =	ssyncadd.s32 @!p1 $0xFFFFD800  }
0x65: {  	[tilespmem:s30], [sflag:$0x2] =	stream.indirect.gather @!p1 [spmem:s2], $0x80, s26, s28, $0xb8;
	[tilespmem:$0x1E880] =	vst v63  }
0x66: {  	_ =	swait.ge [sflag:s18], $0x2800  }
0x67: {  	[sflag:s18] =	ssyncset.done $0x0  }
0x68: {  	[sflag:s18] =	ssyncadd.s32 $0xFFFFD800  }
0x69: {  	_ =	swait.ge [sflag:s19], $0x2800  }
0x6a: {  	[sflag:s19] =	ssyncset.done $0x0  }
0x6b: {  	s22 =	sadd.s32 $0x1, s22;
	[sflag:s19] =	ssyncadd.s32 $0xFFFFD800  }
0x6c: {  	p1 =	sne.s32 s22, s7;
	_ =	swait.ge [sflag:s20], $0x2800  }
.Ltmp1:
0x6d: {  	[sflag:s20] =	ssyncset.done $0x0;
	(pc) =	sbr.rel @p1 .LBB2_1-.Ltmp1, $4  }
0x6e: {  	[sflag:s20] =	ssyncadd.s32 $0xFFFFD800  }
0x6f: {  	_ =	swait.ge [sflag:s21], $0x2800  }
0x70: {  	[sflag:s21] =	ssyncset.done $0x0  }
0x71: {  	[sflag:s21] =	ssyncadd.s32 $0xFFFFD800  }
0x72: {  	_ =	sfence.sel $0x180000  }
0x73: {  	[bflag:$0x0] =	sbarrier.arrive $0xFFFF  }
0x74: {  	_ =	strace $0x90000047  }
0x75: {  	s0 =	stileid.u32;
	[bflag:$0x2] =	sbarrier.arrive $0xFFFF  }
0x76: {  	p0 =	sne.s32 s0, $0x0;
	s0 =	rddreg [dreg:$0x3]  }
0x77: {  	s0 =	sadd.s32 @!p0 $0x100000, s0  }
0x78: {  	[sflag:s0] =	ssyncadd.tile.s32 @!p0 $0x1;
	_ =	shalt  }
.Lfunc_end2:
_tile_overlayer_lowered:
.L_overlay_start_2:
0x79: {  	(tag) =	ssettag $0x2  }
0x7a: {  	s0 =	rddreg [dreg:$0x0];
	s2 =	stileid.u32  }
0x7b: {  	s1 =	rddreg [dreg:$0x1];
	p0 =	sne.s32 s2, $0x0  }
0x7c: {  	s3 =	rddreg [dreg:$0x2];
	[bflag:$0x3] =	sbarrier.arrive $0xFFFF;
	s2 =	simm.s32 @!p0 $0x1C09  }
0x7d: {  	[timem:s3], [sflag:s2] =	dma.local @!p0 [hbm:s0], s1  }
0x7e: {  	s0 =	simm.s32 @!p0 $0x9  }
0x7f: {  	_ =	swait.ge @!p0 [sflag:s0], s1  }
0x80: {  	s1 =	ssub.s32 @!p0 $0x0, s1;
	[sflag:s0] =	ssyncset.done @!p0 $0x0  }
0x81: {  	[sflag:s0] =	ssyncadd.s32 @!p0 s1  }
0x82: {  	[bflag:$0x3] =	sbarrier.arrive $0xFFFF  }
0x83: {  	_ =	shalt  }

// kernel: kernel.14.cloned.1.call-start
scs
__scs_entry_jumppad:
0x0: {  	(pc) =	sbr.rel $0x88, $3  }
0x1: {  	(tag) =	ssettag $0x0;
	lr =	simm.s32 $0x1  }
0x2: {  	[smem:$0x3F98] =	sst lr;
	_ =	strace $0xD0000000  }
0x3: {  	_ = 	snop  }
0x4: {  	_ = 	snop  }
0x5: {  	_ = 	snop  }
0x6: {  	_ = 	snop  }
0x7: {  	_ = 	snop  }
__scs_overlays_trampoline_lowered:
0x8: {  	[smem:$0x3FA7] =	sst s0  }
0x9: {  	[smem:$0x3FA8] =	sst s1  }
0xa: {  	[smem:$0x3FA9] =	sst s2  }
0xb: {  	[smem:$0x3FAA] =	sst s3  }
0xc: {  	[smem:$0x3FAB] =	sst s4  }
0xd: {  	[smem:$0x3FAC] =	sst s5  }
0xe: {  	[smem:$0x3FAD] =	sst s6  }
0xf: {  	[smem:$0x3FAE] =	sst s7  }
0x10: {  	[smem:$0x3FAF] =	sst s8  }
0x11: {  	[smem:$0x3FB0] =	sst s9;
	s0 =	simm.s32 @!p0 $0x0  }
0x12: {  	s1 =	sld [smem:$0x3F96];
	s0 =	simm.s32 @p0 $0x1  }
0x13: {  	[smem:$0x3FB1] =	sst s0;
	s0 =	simm.s32 @!p1 $0x0  }
0x14: {  	s2 =	sld [smem:$0x3F95];
	s0 =	simm.s32 @p1 $0x1  }
0x15: {  	[smem:$0x3FB2] =	sst s0;
	s0 =	simm.s32 @!p2 $0x0  }
0x16: {  	s3 =	sld [smem:$0x3FDB];
	s0 =	simm.s32 @p2 $0x1  }
0x17: {  	s4 =	simm.s32 $0x1BF5;
	[smem:$0x3FB4] =	sst s0  }
0x18: {  	s0 =	sld [smem:$0x3F97];
	_ =	swait.ge [sflag:s4], $0x0  }
0x19: {  	s7 =	sld [smem:$0x3F98]  }
0x1a: {  	s8 =	sadd.s32 $0xFFFFE003, lr  }
0x1b: {  	s9 =	sadd.s32 $0xFFFFFEF7, lr;
	s5 =	simm.s32 $0xFFFFFFFF;
	p2 =	slt.u32 s8, $0xFFFFF086  }
0x1c: {  	p1 =	slt.u32 s9, $0xF7A;
	s5 =	simm.s32 @!p2 $0x0  }
0x1d: {  	s5 =	simm.s32 @p1 $0x1;
	p0 =	seq.s32 s7, s2  }
0x1e: {  	s7 =	smul.u32 @!p0 $0xF7A, s2;
	p2 =	seq.s32 @!p0 s5, $0x0  }
0x1f: {  	s9 =	smul.u32 $0xF7A, s1;
	s8 =	simm.s32 @!p0 $0x1BF5;
	p2 =	por !p2, p0  }
0x20: {  	[sflag:s8] =	ssyncset.s32 @!p0 $0xFFFFF086;
	s6 =	sadd.s32 @!p0 s3, s7;
	s7 =	simm.s32 @!p0 $0x108  }
0x21: {  	s3 =	sadd.s32 s3, s9;
	s6 =	sadd.s32 @!p0 $0x88, s6;
	s7 =	simm.s32 @p2 $0x1082  }
0x22: {  	[simem:s7], [sflag:s8] =	dma.local @!p0 [hbm:s6], $0xF7A  }
0x23: {  	s9 =	sor.u32 $0xD0000000, s2;
	s6 =	simm.s32 $0x108;
	_ =	swait.ge @!p0 [sflag:s8], $0x0  }
0x24: {  	s3 =	sadd.s32 $0x88, s3;
	s6 =	simm.s32 @!p1 $0x1082;
	[sflag:s4] =	ssyncset.s32 $0xFFFFF086  }
0x25: {  	[simem:s6], [sflag:s4] =	dma.local [hbm:s3], $0xF7A  }
0x26: {  	[smem:$0x3F98] =	sst s1;
	(tag) =	ssettag s2;
	_ =	strace s9  }
0x27: {  	s1 =	sld [smem:$0x3FA8]  }
0x28: {  	s2 =	sld [smem:$0x3FA9]  }
0x29: {  	s4 =	sld [smem:$0x3FAB]  }
0x2a: {  	p0 =	seq.s32 s5, $0x0;
	s5 =	sld [smem:$0x3FAC]  }
0x2b: {  	s6 =	sld [smem:$0x3FAD]  }
0x2c: {  	s7 =	sld [smem:$0x3FAE]  }
0x2d: {  	s3 =	simm.s32 $0x108;
	s8 =	sld [smem:$0x3FAF]  }
0x2e: {  	s3 =	simm.s32 @!p0 $0x1082;
	s9 =	sld [smem:$0x3FB0]  }
0x2f: {  	lr =	sadd.s32 s0, s3;
	s0 =	sld [smem:$0x3FA7]  }
0x30: {  	s3 =	sld [smem:$0x3FAA]  }
0x31: {  	[smem:$0x3FB3] =	sst s10  }
0x32: {  	s10 =	sld [smem:$0x3FB1];
	_ =	sdelay $0x3  }
0x33: {  	p0 =	seq.s32 s10, $0x1;
	s10 =	sld [smem:$0x3FB3];
	_ =	sdelay $0x3  }
0x34: {  	[smem:$0x3FB3] =	sst s10  }
0x35: {  	s10 =	sld [smem:$0x3FB2];
	_ =	sdelay $0x3  }
0x36: {  	p1 =	seq.s32 s10, $0x1;
	s10 =	sld [smem:$0x3FB3];
	_ =	sdelay $0x3  }
0x37: {  	[smem:$0x3FB3] =	sst s10  }
0x38: {  	s10 =	sld [smem:$0x3FB4]  }
0x39: {  	_ = 	snop;
	(pc) =	sbr.ind lr, $3  }
0x3a: {  	_ = 	snop  }
0x3b: {  	_ = 	snop  }
0x3c: {  	p2 =	seq.s32 s10, $0x1;
	s10 =	sld [smem:$0x3FB3]  }
0x3d: {  	_ =	shalt  }
0x3e: {  	_ =	shalt  }
0x3f: {  	_ =	shalt  }
0x40: {  	_ =	shalt  }
0x41: {  	_ =	shalt  }
0x42: {  	_ =	shalt  }
0x43: {  	_ =	shalt  }
0x44: {  	_ =	shalt  }
0x45: {  	_ =	shalt  }
0x46: {  	_ =	shalt  }
0x47: {  	_ =	shalt  }
0x48: {  	_ =	shalt  }
0x49: {  	_ =	shalt  }
0x4a: {  	_ =	shalt  }
0x4b: {  	_ =	shalt  }
0x4c: {  	_ =	shalt  }
0x4d: {  	_ =	shalt  }
0x4e: {  	_ =	shalt  }
0x4f: {  	_ =	shalt  }
0x50: {  	_ =	shalt  }
0x51: {  	_ =	shalt  }
0x52: {  	_ =	shalt  }
0x53: {  	_ =	shalt  }
0x54: {  	_ =	shalt  }
0x55: {  	_ =	shalt  }
0x56: {  	_ =	shalt  }
0x57: {  	_ =	shalt  }
0x58: {  	_ =	shalt  }
0x59: {  	_ =	shalt  }
0x5a: {  	_ =	shalt  }
0x5b: {  	_ =	shalt  }
0x5c: {  	_ =	shalt  }
0x5d: {  	_ =	shalt  }
0x5e: {  	_ =	shalt  }
0x5f: {  	_ =	shalt  }
0x60: {  	_ =	shalt  }
0x61: {  	_ =	shalt  }
0x62: {  	_ =	shalt  }
0x63: {  	_ =	shalt  }
0x64: {  	_ =	shalt  }
0x65: {  	_ =	shalt  }
0x66: {  	_ =	shalt  }
0x67: {  	_ =	shalt  }
0x68: {  	_ =	shalt  }
0x69: {  	_ =	shalt  }
0x6a: {  	_ =	shalt  }
0x6b: {  	_ =	shalt  }
0x6c: {  	_ =	shalt  }
0x6d: {  	_ =	shalt  }
0x6e: {  	_ =	shalt  }
0x6f: {  	_ =	shalt  }
0x70: {  	_ =	shalt  }
0x71: {  	_ =	shalt  }
0x72: {  	_ =	shalt  }
0x73: {  	_ =	shalt  }
0x74: {  	_ =	shalt  }
0x75: {  	_ =	shalt  }
0x76: {  	_ =	shalt  }
0x77: {  	_ =	shalt  }
0x78: {  	_ =	shalt  }
0x79: {  	_ =	shalt  }
0x7a: {  	_ =	shalt  }
0x7b: {  	_ =	shalt  }
0x7c: {  	_ =	shalt  }
0x7d: {  	_ =	shalt  }
0x7e: {  	_ =	shalt  }
0x7f: {  	_ =	shalt  }
0x80: {  	_ =	shalt  }
0x81: {  	_ =	shalt  }
0x82: {  	_ =	shalt  }
0x83: {  	_ =	shalt  }
0x84: {  	_ =	shalt  }
0x85: {  	_ =	shalt  }
0x86: {  	_ =	shalt  }
0x87: {  	_ =	shalt  }
.Lfunc_end0:
.L_simem_size_0:
called_computation.1_lowered:
.L_overlay_start_0:
0x88: {  	s2 =	sld [smem:$0x3FD9]  }
0x89: {  	s3 =	sld [smem:$0x3FFE];
	_ =	sdelay $0x1  }
0x8a: {  	s1 =	srdreg.scid  }
0x8b: {  	s0 =	sand.u32 $0x1, s1  }
0x8c: {  	s17 =	sshll.u32 s0, $0xA;
	s2 =	sadd.s32 s3, s2  }
0x8d: {  	s2 =	sadd.s32 s2, s17  }
0x8e: {  	[smem:$0x3FBF] =	sst s2  }
0x8f: {  	_ = 	snop  }
0x90: {  	s18 =	sld [smem:$0x3FC9]  }
0x91: {  	s4 =	sld [smem:$0x3FD0];
	(tm) =	ssettm $0x1  }
0x92: {  	s19 =	sld [smem:$0x3FFB];
	_ =	sdelay $0x3  }
0x93: {  	_ =	strace s19  }
0x94: {  	s2 =	sld [smem:$0x3FFC];
	_ =	sdelay $0x3  }
0x95: {  	_ =	strace s2  }
0x96: {  	s2 =	sld [smem:$0x3FFD];
	_ =	sdelay $0x3  }
0x97: {  	_ =	strace s2  }
0x98: {  	_ =	strace $0x8FFFFFFF  }
0x99: {  	s20 =	sld [smem:$0x3FDB];
	_ =	sdelay $0x1  }
0x9a: {  	s5 =	simm.s32 $_scs_section_size  }
0x9b: {  	s6 =	simm.s32 $_size__tile_overlayer_lowered;
	s7 =	simm.s32 $_tile_overlayer_lowered  }
0x9c: {  	s8 =	simm.s32 $0x1BFF;
	s21 =	sshll.u32 s7, $0x1;
	s5 =	sadd.s32 s5, s20  }
0x9d: {  	s22 =	simm.s32 $0x0;
	s6 =	sshll.u32 s6, $0x1;
	s7 =	sadd.s32 s21, s5  }
0x9e: {  	[timem:s22], [sflag:s8] =	dma.local [hbm:s7], s6  }
0x9f: {  	_ =	swait.ge [sflag:s8], s6  }
0xa0: {  	s6 =	ssub.s32 $0x0, s6;
	[sflag:s8] =	ssyncset.done $0x0  }
0xa1: {  	[sflag:s8] =	ssyncadd.s32 s6;
	_ =	sdelay $0x1  }
0xa2: {  	s23 =	simm.s32 $0x1B8B  }
0xa3: {  	_ =	swait.ge [sflag:s23], $0x1  }
0xa4: {  	[sflag:s23] =	ssyncset.done $0x0  }
0xa5: {  	[sflag:s23] =	ssyncadd.s32 $0xFFFFFFFF  }
0xa6: {  	s6 =	sld [smem:$0x0]  }
0xa7: {  	s7 =	sand.u32 $0xFFFFFFFE, s1  }
0xa8: {  	p0 =	sne.s32 s1, s7  }
0xa9: {  	s7 =	sshll.u32 @p0 s7, $0xE  }
0xaa: {  	s7 =	sadd.s32 @p0 $0x11B8D, s7;
	s8 =	sshll.u32 @p0 s6, $0x11  }
0xab: {  	s7 =	sor.u32 @p0 s8, s7  }
0xac: {  	[sflag:s7] =	ssyncadd.remote.s32 @p0 $0x1;
	_ =	sdelay $0x1  }
0xad: {  	s7 =	simm.s32 @p0 $0x1B8D  }
0xae: {  	_ =	swait.eq @p0 [sflag:s7], $0x1  }
0xaf: {  	[sflag:s7] =	ssyncadd.s32 @p0 $0xFFFFFFFF  }
0xb0: {  	s8 =	sshll.u32 @!p0 s1, $0xE  }
0xb1: {  	s8 =	sor.u32 @!p0 $0x4000, s8;
	s7 =	simm.s32 @!p0 $0x1B8D  }
0xb2: {  	s6 =	sshll.u32 @!p0 s6, $0x11;
	s8 =	sadd.s32 @!p0 $0x11B8D, s8;
	_ =	swait.eq @!p0 [sflag:s7], $0x1  }
0xb3: {  	s6 =	sor.u32 @!p0 s6, s8;
	[sflag:s7] =	ssyncadd.s32 @!p0 $0xFFFFFFFF  }
0xb4: {  	s25 =	simm.s32 $0x1B8E;
	s24 =	sld [smem:$0x3FFE];
	[sflag:s6] =	ssyncadd.remote.s32 @!p0 $0x1  }
0xb5: {  	s26 =	simm.s32 $execute0_lowered;
	[smem:$0x3FD2] =	sst s25  }
0xb6: {  	s7 =	sshll.u32 s26, $0x1;
	_ =	strace $0x80000049;
	[dreg:$0x1] =	wrdreg $0xFFFFFFFF  }
0xb7: {  	s28 =	simm.s32 $_size_execute0_lowered;
	s5 =	sadd.s32 s5, s7;
	[dreg:$0x0] =	wrdreg $0x0  }
0xb8: {  	s7 =	sshll.u32 s28, $0x1;
	[dreg:$0x2] =	wrdreg s5  }
0xb9: {  	[dreg:$0x3] =	wrdreg s7  }
0xba: {  	[dreg:$0x4] =	wrdreg $0xC0  }
0xbb: {  	_ =	task [dreg:s22], $0x5FFFF  }
0xbc: {  	[dreg:$0x1] =	wrdreg $0xFFFFFFFF  }
0xbd: {  	[dreg:$0x0] =	wrdreg $0x60  }
0xbe: {  	[dreg:$0x2] =	wrdreg s18  }
0xbf: {  	[dreg:$0x3] =	wrdreg s4  }
0xc0: {  	[dreg:$0x4] =	wrdreg s24  }
0xc1: {  	[dreg:$0x5] =	wrdreg $0xB7800  }
0xc2: {  	[dreg:$0x6] =	wrdreg $0xA  }
0xc3: {  	_ =	task.clear_ibuf [dreg:s22], $0x7FFFF;
	_ =	strace $0x90000049  }
0xc4: {  	s29 =	simm.s32 $0xA;
	_ =	strace $0x8000004B  }
0xc5: {  	_ =	swait.ge [sflag:s29], $0x1  }
0xc6: {  	[sflag:s29] =	ssyncadd.s32 $0xFFFFFFFF  }
0xc7: {  	_ =	strace $0x9000004B  }
0xc8: {  	_ =	sfence  }
0xc9: {  	s30 =	sld [smem:$0x0];
	_ =	sdelay $0x2  }
0xca: {  	s31 =	sshll.u32 s1, $0xD;
	s1 =	sshrl.u32 s1, $0x2  }
0xcb: {  	s4 =	sand.u32 $0x4000, s31;
	s1 =	sadd.s32 s1, s30  }
0xcc: {  	s0 =	sor.u32 s4, s0;
	s1 =	sshll.u32 s1, $0x11  }
0xcd: {  	s0 =	sor.u32 s1, s0  }
0xce: {  	s0 =	sadd.s32 $0x8F2B, s0  }
0xcf: {  	[sflag:s0] =	ssyncadd.remote.s32 $0x1  }
0xd0: {  	_ =	sfence.sel $0xFFFF  }
0xd1: {  	[dreg:$0x0] =	wrdreg $0xFFFFFFFF;
	(pc) =	sbr.abs _section_cstart, $3  }
0xd2: {  	[dreg:$0x1] =	wrdreg $0xFFFFFFFF  }
0xd3: {  	_ =	task.clear_ibuf [dreg:s22], $0x2FFFF;
	_ =	strace $0x9FFFFFFF  }
0xd4: {  	(tm) =	ssettm $0x7FFFFFFF  }
0xd5: {  	_ =	shalt  }
tec
execute0_lowered:
.L_overlay_start_1:
0x0: {  	(tag) =	ssettag $0x1  }
0x1: {  	s0 =	rddreg [dreg:$0x0]  }
0x2: {  	s6 =	rddreg [dreg:$0x1]  }
0x3: {  	s4 =	rddreg [dreg:$0x2]  }
0x4: {  	s2 =	rddreg [dreg:$0x3];
	s3 =	simm.s32 $0x0  }
0x5: {  	s1 =	stileid.u32;
	s5 =	srdreg.scid;
	s14 =	simm.s32 $0x1780  }
0x6: {  	s15 =	simm.s32 $0x3F80;
	s16 =	simm.s32 $0x1;
	s17 =	simm.s32 $0x6780  }
0x7: {  	s18 =	simm.s32 $0x2;
	s19 =	simm.s32 $0x3;
	s20 =	simm.s32 $0x5  }
0x8: {  	s21 =	simm.s32 $0x6;
	s22 =	simm.s32 $0x7;
	s23 =	simm.s32 $0x8  }
0x9: {  	s24 =	simm.s32 $0x0;
	s7 =	smul.u32 $0x2EE00, s1;
	s5 =	sand.u32 $0x1, s5  }
0xa: {  	s8 =	sshll.u32 s1, $0x1;
	[smem:$0x7FF] =	sst s3;
	s9 =	smul.u32 $0x50000, s1  }
0xb: {  	s12 =	smul.u32 $0x2800, s1;
	p0 =	seq.s32 s1, $0xF;
	s8 =	sor.u32 s5, s8  }
0xc: {  	_ =	strace $0x8000004A;
	s10 =	ssub.s32 $0x2, s5;
	s30 =	smul.u32 $0x17700, s5  }
0xd: {  	s5 =	sadd.s32 $0x25800, s0;
	s8 =	smul.u32 $0x1770, s8;
	s11 =	sshrl.u32 s10, $0x1  }
0xe: {  	s9 =	sshrl.u32 s9, $0x2;
	s13 =	sadd.s32 s7, s4;
	s4 =	sadd.s32 s0, s12  }
.Ltmp0:
0xf: {  	s0 =	sshll.u32 @!p0 s1, $0x6;
	s12 =	simm.s32 $0x9;
	(pc) =	sbr.rel .LBB2_1-.Ltmp0, $4  }
0x10: {  	s29 =	ssub.s32 s10, s11;
	s11 =	sadd.s32 s9, s2;
	s10 =	sadd.s32 $0x12C000, s2  }
0x11: {  	s31 =	sadd.s32 s30, s13;
	s13 =	simm.s32 $0x50;
	s8 =	sshrl.u32 s8, $0x3  }
0x12: {  	s7 =	smax.u32 s29, $0x1;
	s9 =	sshrl.u32 @p0 s10, $0x3;
	s10 =	sor.u32 @!p0 $0x1C09, s0  }
0x13: {  	s11 =	sshrl.u32 @!p0 s11, $0x3;
	s6 =	sadd.s32 s6, s8;
	s8 =	sadd.s32 $0x1FAA00, s31  }
.LBB2_4:
0x14: {  	_ =	swait.ge [sflag:s21], $0x2800  }
0x15: {  	[sflag:s21] =	ssyncset.done $0x0  }
0x16: {  	s24 =	sadd.s32 $0x1, s24;
	[sflag:s21] =	ssyncadd.s32 $0xFFFFD800  }
0x17: {  	p1 =	sne.s32 s24, s7;
	_ =	swait.ge [sflag:s22], $0x2800  }
.Ltmp1:
0x18: {  	[sflag:s22] =	ssyncset.done $0x0;
	(pc) =	sbr.rel @!p1 .LBB2_5-.Ltmp1, $4  }
0x19: {  	[sflag:s22] =	ssyncadd.s32 $0xFFFFD800  }
0x1a: {  	_ =	swait.ge [sflag:s23], $0x2800  }
0x1b: {  	[sflag:s23] =	ssyncset.done $0x0  }
0x1c: {  	[sflag:s23] =	ssyncadd.s32 $0xFFFFD800  }
.LBB2_1:
0x1d: {  	s0 =	simm.s32 @p0 $0x1FC9  }
0x1e: {  	[spmem:s9], [sflag:s0] =	dma.local @p0 [hbm:s5], $0x1900  }
0x1f: {  	s0 =	simm.s32 @p0 $0x9  }
0x20: {  	_ =	swait.ge @p0 [sflag:s0], $0x1900  }
0x21: {  	[sflag:s0] =	ssyncset.done @p0 $0x0  }
0x22: {  	[sflag:s0] =	ssyncadd.s32 @p0 $0xFFFFE700;
	s0 =	simm.s32 @!p0 $0x9  }
0x23: {  	[spmem:s11], [sflag:s10] =	dma.local @!p0 [hbm:s4], $0x2800  }
0x24: {  	_ =	swait.ge @!p0 [sflag:s0], $0x2800  }
0x25: {  	[sflag:s0] =	ssyncset.done @!p0 $0x0  }
0x26: {  	[sflag:s0] =	ssyncadd.s32 @!p0 $0xFFFFD800  }
0x27: {  	[tilespmem:s3], [sflag:$0x9] =	stream.linear.gather [hbm4b:s6+s3], $0x1770, $0x38;
	[tilespmem:$0x1F000] =	vst v63  }
0x28: {  	_ =	swait.ge [sflag:s12], $0x1770  }
0x29: {  	[sflag:s12] =	ssyncset.done $0x0  }
0x2a: {  	[sflag:s12] =	ssyncadd.s32 $0xFFFFE890  }
0x2b: {  	[bflag:$0x0] =	sbarrier.arrive $0xFFFF  }
0x2c: {  	[tilespmem:s14], [sflag:$0x1] =	stream.indirect.gather [spmem:s2], $0x80, s3, s13, $0xb8;
	[tilespmem:$0x1F000] =	vst v63  }
0x2d: {  	s25 =	simm.s32 $0x3;
	s26 =	smov.u32 s8;
	s28 =	simm.s32 $0x0  }
0x2e: {  	[tilespmem:s15], [sflag:$0x2] =	stream.indirect.gather [spmem:s2], $0x80, s13, s13, $0xb8;
	[tilespmem:$0x1F000] =	vst v63  }
.LBB2_2:
0x2f: {  	_ =	swait.ge [sflag:s16], $0x2800  }
0x30: {  	p1 =	seq.s32 s28, $0x0;
	[sflag:s16] =	ssyncset.done $0x0  }
0x31: {  	s0 =	simm.s32 @!p1 $0x7;
	[sflag:s16] =	ssyncadd.s32 $0xFFFFD800  }
0x32: {  	[hbm4b:s26+s3] =	stream.linear.scatter [tilespmem:s14], [sflag:$0x5], $0x2800, $0x38;
	[tilespmem:$0x1F000] =	vst v63  }
0x33: {  	_ =	swait.ge @!p1 [sflag:s0], $0x2800  }
0x34: {  	s29 =	sshra.s32 s28, $0x2;
	[sflag:s0] =	ssyncset.done @!p1 $0x0  }
0x35: {  	s1 =	sadd.s32 $0xA0, s29;
	[sflag:s0] =	ssyncadd.s32 @!p1 $0xFFFFD800;
	p1 =	sgt.u32 s25, $0x4A  }
0x36: {  	[tilespmem:s17], [sflag:$0x3] =	stream.indirect.gather [spmem:s2], $0x80, s1, s13, $0xb8;
	[tilespmem:$0x1F000] =	vst v63  }
0x37: {  	p2 =	seq.s32 @!p1 s28, $0x0;
	_ =	swait.ge [sflag:s18], $0x2800  }
0x38: {  	p2 =	por p2, p1;
	[sflag:s18] =	ssyncset.done $0x0  }
0x39: {  	s1 =	sadd.s32 $0x500, s26;
	s0 =	simm.s32 @!p2 $0x8;
	[sflag:s18] =	ssyncadd.s32 $0xFFFFD800  }
0x3a: {  	[hbm4b:s1+s3] =	stream.linear.scatter [tilespmem:s15], [sflag:$0x6], $0x2800, $0x38;
	[tilespmem:$0x1F000] =	vst v63  }
0x3b: {  	_ =	swait.ge @!p2 [sflag:s0], $0x2800  }
0x3c: {  	s30 =	sshra.s32 @!p1 s28, $0x2;
	s31 =	simm.s32 @!p1 $0x50;
	[sflag:s0] =	ssyncset.done @!p2 $0x0  }
0x3d: {  	s1 =	sadd.s32 @!p1 $0xF0, s30;
	[sflag:s0] =	ssyncadd.s32 @!p2 $0xFFFFD800;
	s0 =	simm.s32 @!p1 $0x8F80  }
0x3e: {  	[tilespmem:s0], [sflag:$0x4] =	stream.indirect.gather @!p1 [spmem:s2], $0x80, s1, s31, $0xb8;
	[tilespmem:$0x1F000] =	vst v63  }
0x3f: {  	_ =	swait.ge [sflag:s19], $0x2800  }
0x40: {  	p2 =	seq.s32 s28, $0x5A00;
	[sflag:s19] =	ssyncset.done $0x0  }
.Ltmp2:
0x41: {  	s1 =	sadd.s32 $0xA00, s26;
	[sflag:s19] =	ssyncadd.s32 $0xFFFFD800;
	(pc) =	sbr.rel @p2 .LBB2_4-.Ltmp2, $4  }
0x42: {  	[hbm4b:s1+s3] =	stream.linear.scatter [tilespmem:s17], [sflag:$0x7], $0x2800, $0x38;
	[tilespmem:$0x1F000] =	vst v63  }
0x43: {  	_ =	swait.ge [sflag:s20], $0x2800  }
0x44: {  	[sflag:s20] =	ssyncset.done $0x0  }
0x45: {  	[sflag:s20] =	ssyncadd.s32 $0xFFFFD800  }
0x46: {  	s1 =	sadd.s32 $0x140, s29  }
0x47: {  	[tilespmem:s14], [sflag:$0x1] =	stream.indirect.gather [spmem:s2], $0x80, s1, s13, $0xb8;
	[tilespmem:$0x1F000] =	vst v63  }
0x48: {  	s1 =	simm.s32 @!p1 $0x4  }
0x49: {  	_ =	swait.ge @!p1 [sflag:s1], $0x2800  }
0x4a: {  	[sflag:s1] =	ssyncset.done @!p1 $0x0  }
0x4b: {  	s29 =	simm.s32 @!p1 $0x0;
	[sflag:s1] =	ssyncadd.s32 @!p1 $0xFFFFD800;
	s1 =	sadd.s32 @!p1 $0xF00, s26  }
0x4c: {  	[hbm4b:s1+s29] =	stream.linear.scatter @!p1 [tilespmem:s0], [sflag:$0x8], $0x2800, $0x38;
	[tilespmem:$0x1F000] =	vst v63  }
.Ltmp3:
0x4d: {  	s0 =	simm.s32 @!p1 $0x6;
	(pc) =	sbr.rel .LBB2_2-.Ltmp3, $4  }
0x4e: {  	s28 =	sadd.s32 $0x500, s28;
	_ =	swait.ge @!p1 [sflag:s0], $0x2800  }
0x4f: {  	s25 =	sadd.s32 $0x4, s25;
	s26 =	sadd.s32 $0x1400, s26;
	[sflag:s0] =	ssyncset.done @!p1 $0x0  }
0x50: {  	s1 =	simm.s32 @!p1 $0x3F80;
	[sflag:s0] =	ssyncadd.s32 @!p1 $0xFFFFD800;
	s0 =	sadd.s32 @!p1 $0x190, s30  }
0x51: {  	[tilespmem:s1], [sflag:$0x2] =	stream.indirect.gather @!p1 [spmem:s2], $0x80, s0, s31, $0xb8;
	[tilespmem:$0x1F000] =	vst v63  }
.LBB2_5:
0x52: {  	_ =	sfence.sel $0x180000  }
0x53: {  	[bflag:$0x0] =	sbarrier.arrive $0xFFFF  }
0x54: {  	_ =	strace $0x9000004A  }
0x55: {  	s0 =	stileid.u32;
	[bflag:$0x2] =	sbarrier.arrive $0xFFFF  }
0x56: {  	p0 =	sne.s32 s0, $0x0;
	s0 =	rddreg [dreg:$0x4]  }
0x57: {  	s0 =	sadd.s32 @!p0 $0x100000, s0  }
0x58: {  	[sflag:s0] =	ssyncadd.tile.s32 @!p0 $0x1;
	_ =	shalt  }
.Lfunc_end2:
_tile_overlayer_lowered:
.L_overlay_start_2:
0x59: {  	(tag) =	ssettag $0x2  }
0x5a: {  	s0 =	rddreg [dreg:$0x0];
	s2 =	stileid.u32  }
0x5b: {  	s1 =	rddreg [dreg:$0x1];
	p0 =	sne.s32 s2, $0x0  }
0x5c: {  	s3 =	rddreg [dreg:$0x2];
	[bflag:$0x3] =	sbarrier.arrive $0xFFFF;
	s2 =	simm.s32 @!p0 $0x1C09  }
0x5d: {  	[timem:s3], [sflag:s2] =	dma.local @!p0 [hbm:s0], s1  }
0x5e: {  	s0 =	simm.s32 @!p0 $0x9  }
0x5f: {  	_ =	swait.ge @!p0 [sflag:s0], s1  }
0x60: {  	s1 =	ssub.s32 @!p0 $0x0, s1;
	[sflag:s0] =	ssyncset.done @!p0 $0x0  }
0x61: {  	[sflag:s0] =	ssyncadd.s32 @!p0 s1  }
0x62: {  	[bflag:$0x3] =	sbarrier.arrive $0xFFFF  }
0x63: {  	_ =	shalt  }

// kernel: kernel.17.cloned.1.call-start
scs
__scs_entry_jumppad:
0x0: {  	(pc) =	sbr.rel $0x88, $3  }
0x1: {  	(tag) =	ssettag $0x0;
	lr =	simm.s32 $0x1  }
0x2: {  	[smem:$0x3F98] =	sst lr;
	_ =	strace $0xD0000000  }
0x3: {  	_ = 	snop  }
0x4: {  	_ = 	snop  }
0x5: {  	_ = 	snop  }
0x6: {  	_ = 	snop  }
0x7: {  	_ = 	snop  }
__scs_overlays_trampoline_lowered:
0x8: {  	[smem:$0x3FA7] =	sst s0  }
0x9: {  	[smem:$0x3FA8] =	sst s1  }
0xa: {  	[smem:$0x3FA9] =	sst s2  }
0xb: {  	[smem:$0x3FAA] =	sst s3  }
0xc: {  	[smem:$0x3FAB] =	sst s4  }
0xd: {  	[smem:$0x3FAC] =	sst s5  }
0xe: {  	[smem:$0x3FAD] =	sst s6  }
0xf: {  	[smem:$0x3FAE] =	sst s7  }
0x10: {  	[smem:$0x3FAF] =	sst s8  }
0x11: {  	[smem:$0x3FB0] =	sst s9;
	s0 =	simm.s32 @!p0 $0x0  }
0x12: {  	s1 =	sld [smem:$0x3F96];
	s0 =	simm.s32 @p0 $0x1  }
0x13: {  	[smem:$0x3FB1] =	sst s0;
	s0 =	simm.s32 @!p1 $0x0  }
0x14: {  	s2 =	sld [smem:$0x3F95];
	s0 =	simm.s32 @p1 $0x1  }
0x15: {  	[smem:$0x3FB2] =	sst s0;
	s0 =	simm.s32 @!p2 $0x0  }
0x16: {  	s3 =	sld [smem:$0x3FDB];
	s0 =	simm.s32 @p2 $0x1  }
0x17: {  	s4 =	simm.s32 $0x1BF5;
	[smem:$0x3FB4] =	sst s0  }
0x18: {  	s0 =	sld [smem:$0x3F97];
	_ =	swait.ge [sflag:s4], $0x0  }
0x19: {  	s7 =	sld [smem:$0x3F98]  }
0x1a: {  	s8 =	sadd.s32 $0xFFFFE003, lr  }
0x1b: {  	s9 =	sadd.s32 $0xFFFFFEF7, lr;
	s5 =	simm.s32 $0xFFFFFFFF;
	p2 =	slt.u32 s8, $0xFFFFF086  }
0x1c: {  	p1 =	slt.u32 s9, $0xF7A;
	s5 =	simm.s32 @!p2 $0x0  }
0x1d: {  	s5 =	simm.s32 @p1 $0x1;
	p0 =	seq.s32 s7, s2  }
0x1e: {  	s7 =	smul.u32 @!p0 $0xF7A, s2;
	p2 =	seq.s32 @!p0 s5, $0x0  }
0x1f: {  	s9 =	smul.u32 $0xF7A, s1;
	s8 =	simm.s32 @!p0 $0x1BF5;
	p2 =	por !p2, p0  }
0x20: {  	[sflag:s8] =	ssyncset.s32 @!p0 $0xFFFFF086;
	s6 =	sadd.s32 @!p0 s3, s7;
	s7 =	simm.s32 @!p0 $0x108  }
0x21: {  	s3 =	sadd.s32 s3, s9;
	s6 =	sadd.s32 @!p0 $0x88, s6;
	s7 =	simm.s32 @p2 $0x1082  }
0x22: {  	[simem:s7], [sflag:s8] =	dma.local @!p0 [hbm:s6], $0xF7A  }
0x23: {  	s9 =	sor.u32 $0xD0000000, s2;
	s6 =	simm.s32 $0x108;
	_ =	swait.ge @!p0 [sflag:s8], $0x0  }
0x24: {  	s3 =	sadd.s32 $0x88, s3;
	s6 =	simm.s32 @!p1 $0x1082;
	[sflag:s4] =	ssyncset.s32 $0xFFFFF086  }
0x25: {  	[simem:s6], [sflag:s4] =	dma.local [hbm:s3], $0xF7A  }
0x26: {  	[smem:$0x3F98] =	sst s1;
	(tag) =	ssettag s2;
	_ =	strace s9  }
0x27: {  	s1 =	sld [smem:$0x3FA8]  }
0x28: {  	s2 =	sld [smem:$0x3FA9]  }
0x29: {  	s4 =	sld [smem:$0x3FAB]  }
0x2a: {  	p0 =	seq.s32 s5, $0x0;
	s5 =	sld [smem:$0x3FAC]  }
0x2b: {  	s6 =	sld [smem:$0x3FAD]  }
0x2c: {  	s7 =	sld [smem:$0x3FAE]  }
0x2d: {  	s3 =	simm.s32 $0x108;
	s8 =	sld [smem:$0x3FAF]  }
0x2e: {  	s3 =	simm.s32 @!p0 $0x1082;
	s9 =	sld [smem:$0x3FB0]  }
0x2f: {  	lr =	sadd.s32 s0, s3;
	s0 =	sld [smem:$0x3FA7]  }
0x30: {  	s3 =	sld [smem:$0x3FAA]  }
0x31: {  	[smem:$0x3FB3] =	sst s10  }
0x32: {  	s10 =	sld [smem:$0x3FB1];
	_ =	sdelay $0x3  }
0x33: {  	p0 =	seq.s32 s10, $0x1;
	s10 =	sld [smem:$0x3FB3];
	_ =	sdelay $0x3  }
0x34: {  	[smem:$0x3FB3] =	sst s10  }
0x35: {  	s10 =	sld [smem:$0x3FB2];
	_ =	sdelay $0x3  }
0x36: {  	p1 =	seq.s32 s10, $0x1;
	s10 =	sld [smem:$0x3FB3];
	_ =	sdelay $0x3  }
0x37: {  	[smem:$0x3FB3] =	sst s10  }
0x38: {  	s10 =	sld [smem:$0x3FB4]  }
0x39: {  	_ = 	snop;
	(pc) =	sbr.ind lr, $3  }
0x3a: {  	_ = 	snop  }
0x3b: {  	_ = 	snop  }
0x3c: {  	p2 =	seq.s32 s10, $0x1;
	s10 =	sld [smem:$0x3FB3]  }
0x3d: {  	_ =	shalt  }
0x3e: {  	_ =	shalt  }
0x3f: {  	_ =	shalt  }
0x40: {  	_ =	shalt  }
0x41: {  	_ =	shalt  }
0x42: {  	_ =	shalt  }
0x43: {  	_ =	shalt  }
0x44: {  	_ =	shalt  }
0x45: {  	_ =	shalt  }
0x46: {  	_ =	shalt  }
0x47: {  	_ =	shalt  }
0x48: {  	_ =	shalt  }
0x49: {  	_ =	shalt  }
0x4a: {  	_ =	shalt  }
0x4b: {  	_ =	shalt  }
0x4c: {  	_ =	shalt  }
0x4d: {  	_ =	shalt  }
0x4e: {  	_ =	shalt  }
0x4f: {  	_ =	shalt  }
0x50: {  	_ =	shalt  }
0x51: {  	_ =	shalt  }
0x52: {  	_ =	shalt  }
0x53: {  	_ =	shalt  }
0x54: {  	_ =	shalt  }
0x55: {  	_ =	shalt  }
0x56: {  	_ =	shalt  }
0x57: {  	_ =	shalt  }
0x58: {  	_ =	shalt  }
0x59: {  	_ =	shalt  }
0x5a: {  	_ =	shalt  }
0x5b: {  	_ =	shalt  }
0x5c: {  	_ =	shalt  }
0x5d: {  	_ =	shalt  }
0x5e: {  	_ =	shalt  }
0x5f: {  	_ =	shalt  }
0x60: {  	_ =	shalt  }
0x61: {  	_ =	shalt  }
0x62: {  	_ =	shalt  }
0x63: {  	_ =	shalt  }
0x64: {  	_ =	shalt  }
0x65: {  	_ =	shalt  }
0x66: {  	_ =	shalt  }
0x67: {  	_ =	shalt  }
0x68: {  	_ =	shalt  }
0x69: {  	_ =	shalt  }
0x6a: {  	_ =	shalt  }
0x6b: {  	_ =	shalt  }
0x6c: {  	_ =	shalt  }
0x6d: {  	_ =	shalt  }
0x6e: {  	_ =	shalt  }
0x6f: {  	_ =	shalt  }
0x70: {  	_ =	shalt  }
0x71: {  	_ =	shalt  }
0x72: {  	_ =	shalt  }
0x73: {  	_ =	shalt  }
0x74: {  	_ =	shalt  }
0x75: {  	_ =	shalt  }
0x76: {  	_ =	shalt  }
0x77: {  	_ =	shalt  }
0x78: {  	_ =	shalt  }
0x79: {  	_ =	shalt  }
0x7a: {  	_ =	shalt  }
0x7b: {  	_ =	shalt  }
0x7c: {  	_ =	shalt  }
0x7d: {  	_ =	shalt  }
0x7e: {  	_ =	shalt  }
0x7f: {  	_ =	shalt  }
0x80: {  	_ =	shalt  }
0x81: {  	_ =	shalt  }
0x82: {  	_ =	shalt  }
0x83: {  	_ =	shalt  }
0x84: {  	_ =	shalt  }
0x85: {  	_ =	shalt  }
0x86: {  	_ =	shalt  }
0x87: {  	_ =	shalt  }
.Lfunc_end0:
.L_simem_size_0:
called_computation.2_lowered:
.L_overlay_start_0:
0x88: {  	s2 =	sld [smem:$0x3FD9]  }
0x89: {  	s3 =	sld [smem:$0x3FFE];
	_ =	sdelay $0x1  }
0x8a: {  	s1 =	srdreg.scid  }
0x8b: {  	s0 =	sand.u32 $0x1, s1  }
0x8c: {  	s16 =	sshll.u32 s0, $0xA;
	s2 =	sadd.s32 s3, s2  }
0x8d: {  	s2 =	sadd.s32 s2, s16  }
0x8e: {  	[smem:$0x3FBF] =	sst s2  }
0x8f: {  	_ = 	snop  }
0x90: {  	(tm) =	ssettm $0x1  }
0x91: {  	s17 =	sld [smem:$0x3FFB];
	_ =	sdelay $0x3  }
0x92: {  	_ =	strace s17  }
0x93: {  	s2 =	sld [smem:$0x3FFC];
	_ =	sdelay $0x3  }
0x94: {  	_ =	strace s2  }
0x95: {  	s2 =	sld [smem:$0x3FFD];
	_ =	sdelay $0x3  }
0x96: {  	_ =	strace s2  }
0x97: {  	_ =	strace $0x8FFFFFFF  }
0x98: {  	s18 =	sld [smem:$0x3FDB];
	_ =	sdelay $0x1  }
0x99: {  	s19 =	simm.s32 $_scs_section_size  }
0x9a: {  	s4 =	simm.s32 $_size__tile_overlayer_lowered;
	s5 =	simm.s32 $_tile_overlayer_lowered  }
0x9b: {  	s22 =	simm.s32 $0x1BFF;
	s21 =	sshll.u32 s5, $0x1;
	s2 =	sadd.s32 s19, s18  }
0x9c: {  	s6 =	simm.s32 $0x0;
	s20 =	sshll.u32 s4, $0x1;
	s4 =	sadd.s32 s21, s2  }
0x9d: {  	[timem:s6], [sflag:s22] =	dma.local [hbm:s4], s20  }
0x9e: {  	_ =	swait.ge [sflag:s22], s20  }
0x9f: {  	s3 =	ssub.s32 $0x0, s20;
	[sflag:s22] =	ssyncset.done $0x0  }
0xa0: {  	[sflag:s22] =	ssyncadd.s32 s3;
	_ =	sdelay $0x1  }
0xa1: {  	s23 =	simm.s32 $0x1B8B  }
0xa2: {  	_ =	swait.ge [sflag:s23], $0x1  }
0xa3: {  	[sflag:s23] =	ssyncset.done $0x0  }
0xa4: {  	s25 =	simm.s32 $0x1B8E;
	s24 =	sld [smem:$0x3FFE];
	[sflag:s23] =	ssyncadd.s32 $0xFFFFFFFF  }
0xa5: {  	s26 =	simm.s32 $execute0_lowered;
	[smem:$0x3FD2] =	sst s25  }
0xa6: {  	s4 =	sshll.u32 s26, $0x1;
	_ =	strace $0x8000004C;
	[dreg:$0x1] =	wrdreg $0xFFFFFFFF  }
0xa7: {  	s28 =	simm.s32 $_size_execute0_lowered;
	s2 =	sadd.s32 s2, s4;
	[dreg:$0x0] =	wrdreg $0x0  }
0xa8: {  	s4 =	sshll.u32 s28, $0x1;
	[dreg:$0x2] =	wrdreg s2  }
0xa9: {  	[dreg:$0x3] =	wrdreg s4  }
0xaa: {  	[dreg:$0x4] =	wrdreg $0xC0  }
0xab: {  	_ =	task [dreg:s6], $0x5FFFF  }
0xac: {  	[dreg:$0x1] =	wrdreg $0xFFFFFFFF  }
0xad: {  	[dreg:$0x0] =	wrdreg $0x60  }
0xae: {  	[dreg:$0x2] =	wrdreg s24  }
0xaf: {  	[dreg:$0x3] =	wrdreg $0xA2000  }
0xb0: {  	[dreg:$0x4] =	wrdreg $0x9  }
0xb1: {  	_ =	task.clear_ibuf [dreg:s6], $0x5FFFF;
	_ =	strace $0x9000004C  }
0xb2: {  	s29 =	simm.s32 $0x9;
	_ =	strace $0x8000004E  }
0xb3: {  	_ =	swait.ge [sflag:s29], $0x1  }
0xb4: {  	[sflag:s29] =	ssyncadd.s32 $0xFFFFFFFF  }
0xb5: {  	_ =	strace $0x9000004E  }
0xb6: {  	_ =	sfence  }
0xb7: {  	s30 =	sld [smem:$0x0];
	_ =	sdelay $0x2  }
0xb8: {  	s31 =	sshll.u32 s1, $0xD;
	s1 =	sshrl.u32 s1, $0x2  }
0xb9: {  	s3 =	sand.u32 $0x4000, s31;
	s1 =	sadd.s32 s1, s30  }
0xba: {  	s0 =	sor.u32 s3, s0;
	s1 =	sshll.u32 s1, $0x11  }
0xbb: {  	s0 =	sor.u32 s1, s0  }
0xbc: {  	s0 =	sadd.s32 $0x8F2B, s0  }
0xbd: {  	[sflag:s0] =	ssyncadd.remote.s32 $0x1  }
0xbe: {  	_ =	sfence.sel $0xFFFF  }
0xbf: {  	[dreg:$0x0] =	wrdreg $0xFFFFFFFF;
	(pc) =	sbr.abs _section_cstart, $3  }
0xc0: {  	[dreg:$0x1] =	wrdreg $0xFFFFFFFF  }
0xc1: {  	_ =	task.clear_ibuf [dreg:s6], $0x2FFFF;
	_ =	strace $0x9FFFFFFF  }
0xc2: {  	(tm) =	ssettm $0x7FFFFFFF  }
0xc3: {  	_ =	shalt  }
tec
execute0_lowered:
.L_overlay_start_1:
0x0: {  	(tag) =	ssettag $0x1  }
0x1: {  	s0 =	rddreg [dreg:$0x0]  }
0x2: {  	s1 =	rddreg [dreg:$0x1]  }
0x3: {  	s3 =	simm.s32 $0x0;
	s2 =	srdreg.scid;
	s13 =	stileid.u32  }
0x4: {  	s28 =	simm.s32 $0xD;
	s29 =	simm.s32 $0x80;
	s30 =	simm.s32 $0x2A00  }
0x5: {  	s31 =	simm.s32 $0x1;
	[smem:$0x7FF] =	sst s3;
	s6 =	sadd.s32 $0x9CAA00, s0  }
0x6: {  	s2 =	sand.u32 $0x1, s2;
	s5 =	smul.u32 $0x50000, s13;
	s4 =	sadd.s32 $0x2A00, s0  }
0x7: {  	s0 =	sadd.s32 $0x6A00, s0;
	s12 =	smul.u32 $0x14000, s13;
	p0 =	seq.s32 s13, $0xF  }
0x8: {  	_ =	strace $0x8000004D;
	s7 =	ssub.s32 $0x2, s2;
	s5 =	sshrl.u32 s5, $0x2  }
0x9: {  	s9 =	sshll.u32 s2, $0x4;
	s11 =	smul.u32 $0x138800, s2;
	s14 =	sadd.s32 s5, s1  }
0xa: {  	s15 =	smul.u32 $0xFA000, s2;
	s5 =	sadd.s32 $0x2800, s14;
	[dreg:$0x3] =	wrdreg s14  }
0xb: {  	s2 =	smul.u32 $0xFA00, s2;
	s18 =	sadd.s32 $0x5000, s14;
	[dreg:$0x4] =	wrdreg s5  }
0xc: {  	s8 =	sshrl.u32 s7, $0x1;
	s19 =	sadd.s32 $0x7800, s14;
	[dreg:$0x5] =	wrdreg s18  }
0xd: {  	s17 =	sor.u32 s13, s9;
	s20 =	sadd.s32 $0xA000, s14;
	[dreg:$0x6] =	wrdreg s19  }
0xe: {  	s7 =	ssub.s32 s7, s8;
	s21 =	sadd.s32 $0xC800, s14;
	[dreg:$0x7] =	wrdreg s20  }
0xf: {  	s9 =	smul.u32 $0xFA0, s17;
	s22 =	sadd.s32 $0xF000, s14;
	[dreg:$0x8] =	wrdreg s21  }
0x10: {  	s8 =	smul.u32 $0xFA00, s17;
	s23 =	sadd.s32 $0x11800, s14;
	[dreg:$0x9] =	wrdreg s22  }
0x11: {  	s12 =	sadd.s32 s12, s11;
	s16 =	sshrl.u32 s11, $0x3;
	[dreg:$0xa] =	wrdreg s23  }
0x12: {  	s10 =	sshrl.u32 s9, $0x3;
	s9 =	sadd.s32 $0x50, s9;
	s26 =	sadd.s32 s6, s8  }
0x13: {  	s18 =	smul.u32 $0xFA0, s13;
	s20 =	smax.u32 s7, $0x1;
	[dreg:$0xc] =	wrdreg s26  }
0x14: {  	s24 =	sadd.s32 s4, s10;
	s25 =	sshrl.u32 s9, $0x3;
	[dreg:$0x11] =	wrdreg s20  }
0x15: {  	s9 =	sshll.u32 s9, $0x4;
	[dreg:$0xb] =	wrdreg s24;
	s8 =	sadd.s32 s4, s25  }
0x16: {  	s19 =	smul.u32 $0xFA00, s13;
	s10 =	sadd.s32 s6, s9;
	[dreg:$0xd] =	wrdreg s8  }
0x17: {  	s6 =	sadd.s32 s15, s6;
	s2 =	sadd.s32 s18, s2;
	[dreg:$0xe] =	wrdreg s10  }
0x18: {  	s8 =	sshrl.u32 s12, $0x3;
	s20 =	sadd.s32 s19, s6;
	s21 =	sadd.s32 $0xA0, s2  }
0x19: {  	s22 =	sadd.s32 $0xF0, s2;
	s12 =	simm.s32 $0x0;
	s17 =	sadd.s32 s0, s8  }
0x1a: {  	s0 =	sadd.s32 s0, s16;
	s6 =	sshrl.u32 s21, $0x3;
	s7 =	sshrl.u32 s22, $0x3  }
0x1b: {  	s8 =	sadd.s32 $0x190, s2;
	s2 =	sadd.s32 $0x140, s2;
	[dreg:$0xf] =	wrdreg s17  }
0x1c: {  	s0 =	sadd.s32 $0x25800, s0;
	s23 =	sadd.s32 s6, s4;
	[dreg:$0x15] =	wrdreg s2  }
0x1d: {  	s24 =	sadd.s32 s7, s4;
	s25 =	sshrl.u32 s8, $0x3;
	[dreg:$0x10] =	wrdreg s0  }
0x1e: {  	s2 =	simm.s32 $0x50;
	s6 =	simm.s32 $0x2;
	[dreg:$0x12] =	wrdreg s23  }
0x1f: {  	s0 =	sadd.s32 $0x12C000, s1;
	[dreg:$0x13] =	wrdreg s24;
	s26 =	sadd.s32 s25, s4  }
0x20: {  	s7 =	simm.s32 $0x6;
	[dreg:$0x14] =	wrdreg s26;
	s0 =	sshrl.u32 @p0 s0, $0x3  }
0x21: {  	v0 =	vimm.f32 $0.0e+00;
	s26 =	simm.s32 $0x200;
	[dreg:$0x16] =	wrdreg s0;
	s0 =	simm.s32 $0x5  }
.LBB2_1:
0x22: {  	s8 =	simm.s32 $0x0;
	s9 =	simm.s32 $0x200  }
.LBB2_2:
0x23: {  	p1 =	sne.s32 s9, $0x9E00;
	[tilespmem:s8+$0x270] =	vst v0  }
0x24: {  	[tilespmem:s8+$0x200] =	vst v0  }
0x25: {  	[tilespmem:s8+$0x210] =	vst v0  }
.Ltmp0:
0x26: {  	[tilespmem:s8+$0x220] =	vst v0;
	(pc) =	sbr.rel @p1 .LBB2_2-.Ltmp0, $4  }
0x27: {  	[tilespmem:s8+$0x230] =	vst v0  }
0x28: {  	[tilespmem:s8+$0x240] =	vst v0  }
0x29: {  	[tilespmem:s8+$0x250] =	vst v0  }
0x2a: {  	[tilespmem:s8+$0x260] =	vst v0;
	s8 =	sshra.s32 s9, $0x2;
	s9 =	sadd.s32 $0x200, s9  }
0x2b: {  	[tilespmem:s8+$0x270] =	vst v0  }
0x2c: {  	[tilespmem:s8+$0x200] =	vst v0  }
0x2d: {  	[tilespmem:s8+$0x210] =	vst v0  }
0x2e: {  	[tilespmem:s8+$0x220] =	vst v0  }
0x2f: {  	[tilespmem:s8+$0x230] =	vst v0  }
0x30: {  	[tilespmem:s8+$0x240] =	vst v0  }
0x31: {  	[tilespmem:s8+$0x250] =	vst v0  }
0x32: {  	[tilespmem:s8+$0x260] =	vst v0  }
0x33: {  	[spmem:s14] =	stream.linear.scatter [tilespmem:s26], [sflag:$0xD], $0x2800, $0x38;
	[tilespmem:$0x1E200] =	vst v63  }
0x34: {  	_ =	swait.ge [sflag:s28], $0x2800  }
0x35: {  	[sflag:s28] =	ssyncset.done $0x0  }
0x36: {  	s5 =	rddreg [dreg:$0x4];
	[sflag:s28] =	ssyncadd.s32 $0xFFFFD800  }
0x37: {  	[spmem:s5] =	stream.linear.scatter [tilespmem:s26], [sflag:$0xD], $0x2800, $0x38;
	[tilespmem:$0x1E200] =	vst v63  }
0x38: {  	_ =	swait.ge [sflag:s28], $0x2800  }
0x39: {  	[sflag:s28] =	ssyncset.done $0x0  }
0x3a: {  	s14 =	rddreg [dreg:$0x5];
	[sflag:s28] =	ssyncadd.s32 $0xFFFFD800  }
0x3b: {  	[spmem:s14] =	stream.linear.scatter [tilespmem:s26], [sflag:$0xD], $0x2800, $0x38;
	[tilespmem:$0x1E200] =	vst v63  }
0x3c: {  	_ =	swait.ge [sflag:s28], $0x2800  }
0x3d: {  	[sflag:s28] =	ssyncset.done $0x0  }
0x3e: {  	s15 =	rddreg [dreg:$0x6];
	[sflag:s28] =	ssyncadd.s32 $0xFFFFD800  }
0x3f: {  	[spmem:s15] =	stream.linear.scatter [tilespmem:s26], [sflag:$0xD], $0x2800, $0x38;
	[tilespmem:$0x1E200] =	vst v63  }
0x40: {  	_ =	swait.ge [sflag:s28], $0x2800  }
0x41: {  	[sflag:s28] =	ssyncset.done $0x0  }
0x42: {  	s16 =	rddreg [dreg:$0x7];
	[sflag:s28] =	ssyncadd.s32 $0xFFFFD800  }
0x43: {  	[spmem:s16] =	stream.linear.scatter [tilespmem:s26], [sflag:$0xD], $0x2800, $0x38;
	[tilespmem:$0x1E200] =	vst v63  }
0x44: {  	_ =	swait.ge [sflag:s28], $0x2800  }
0x45: {  	[sflag:s28] =	ssyncset.done $0x0  }
0x46: {  	s17 =	rddreg [dreg:$0x8];
	[sflag:s28] =	ssyncadd.s32 $0xFFFFD800  }
0x47: {  	[spmem:s17] =	stream.linear.scatter [tilespmem:s26], [sflag:$0xD], $0x2800, $0x38;
	[tilespmem:$0x1E200] =	vst v63  }
0x48: {  	_ =	swait.ge [sflag:s28], $0x2800  }
0x49: {  	[sflag:s28] =	ssyncset.done $0x0  }
0x4a: {  	s18 =	rddreg [dreg:$0x9];
	[sflag:s28] =	ssyncadd.s32 $0xFFFFD800  }
0x4b: {  	[spmem:s18] =	stream.linear.scatter [tilespmem:s26], [sflag:$0xD], $0x2800, $0x38;
	[tilespmem:$0x1E200] =	vst v63  }
0x4c: {  	_ =	swait.ge [sflag:s28], $0x2800  }
0x4d: {  	[sflag:s28] =	ssyncset.done $0x0  }
0x4e: {  	s19 =	rddreg [dreg:$0xa];
	[sflag:s28] =	ssyncadd.s32 $0xFFFFD800  }
0x4f: {  	[spmem:s19] =	stream.linear.scatter [tilespmem:s26], [sflag:$0xD], $0x2800, $0x38;
	[tilespmem:$0x1E200] =	vst v63  }
0x50: {  	_ =	swait.ge [sflag:s28], $0x2800  }
0x51: {  	[sflag:s28] =	ssyncset.done $0x0  }
0x52: {  	[sflag:s28] =	ssyncadd.s32 $0xFFFFD800  }
0x53: {  	[bflag:$0x0] =	sbarrier.arrive $0xFFFF  }
0x54: {  	s21 =	simm.s32 $0x0;
	s22 =	rddreg [dreg:$0xb]  }
0x55: {  	[tilespmem:s21], [sflag:$0x1] =	stream.linear.gather [hbm4b:s22+s21], $0x50, $0x38;
	[tilespmem:$0x1E200] =	vst v63  }
0x56: {  	s23 =	rddreg [dreg:$0xc]  }
0x57: {  	[tilespmem:s26], [sflag:$0x5] =	stream.linear.gather [hbm4b:s23+s21], $0x2800, $0x38;
	[tilespmem:$0x1E200] =	vst v63  }
0x58: {  	s24 =	rddreg [dreg:$0xd]  }
0x59: {  	[tilespmem:s29], [sflag:$0x2] =	stream.linear.gather [hbm4b:s24+s21], $0x50, $0x38;
	[tilespmem:$0x1E200] =	vst v63  }
0x5a: {  	s25 =	rddreg [dreg:$0xe]  }
0x5b: {  	[tilespmem:s30], [sflag:$0x6] =	stream.linear.gather [hbm4b:s25+s21], $0x2800, $0x38;
	[tilespmem:$0x1E200] =	vst v63  }
0x5c: {  	_ =	swait.ge [sflag:s31], $0x50  }
0x5d: {  	[sflag:s31] =	ssyncset.done $0x0  }
0x5e: {  	p1 =	por $0x0, $0x0;
	[sflag:s31] =	ssyncadd.s32 $0xFFFFFFB0  }
0x5f: {  	p2 =	por @!p1 $0x1, $0x1;
	_ =	swait.ge [sflag:s0], $0x2800  }
0x60: {  	p2 =	por p2, p1;
	[sflag:s0] =	ssyncset.done $0x0  }
0x61: {  	s9 =	simm.s32 @!p2 $0xB;
	[sflag:s0] =	ssyncadd.s32 $0xFFFFD800  }
0x62: {  	[spmem:s1] =	stream.indirect.scatter.add.f32 [tilespmem:s26], [sflag:$0x9], $0x80, s3, s2, $0xb8;
	[tilespmem:$0x1E200] =	vst v63  }
0x63: {  	_ =	swait.ge @!p2 [sflag:s9], $0x2800  }
0x64: {  	s8 =	sadd.s32 @!p1 $0x0, s20;
	s13 =	simm.s32 @!p1 $0x0;
	[sflag:s9] =	ssyncset.done @!p2 $0x0  }
0x65: {  	s10 =	simm.s32 @!p1 $0x100;
	s21 =	rddreg [dreg:$0x12];
	[sflag:s9] =	ssyncadd.s32 @!p2 $0xFFFFD800  }
0x66: {  	[tilespmem:s10], [sflag:$0x3] =	stream.linear.gather @!p1 [hbm4b:s21+s13], $0x50, $0x38;
	[tilespmem:$0x1E200] =	vst v63  }
0x67: {  	s14 =	simm.s32 @!p1 $0x5200;
	s9 =	sadd.s32 @!p1 $0xA00, s8  }
0x68: {  	[tilespmem:s14], [sflag:$0x7] =	stream.linear.gather @!p1 [hbm4b:s9+s13], $0x2800, $0x38;
	[tilespmem:$0x1E200] =	vst v63  }
0x69: {  	_ =	swait.ge [sflag:s6], $0x50  }
0x6a: {  	[sflag:s6] =	ssyncset.done $0x0  }
0x6b: {  	p2 =	por $0x0, $0x0;
	[sflag:s6] =	ssyncadd.s32 $0xFFFFFFB0  }
0x6c: {  	p3 =	por @!p2 $0x1, $0x1;
	_ =	swait.ge [sflag:s7], $0x2800  }
0x6d: {  	p3 =	por p3, p2;
	[sflag:s7] =	ssyncset.done $0x0  }
0x6e: {  	s9 =	simm.s32 @!p3 $0xC;
	[sflag:s7] =	ssyncadd.s32 $0xFFFFD800  }
0x6f: {  	[spmem:s1] =	stream.indirect.scatter.add.f32 [tilespmem:s30], [sflag:$0xA], $0x80, s29, s2, $0xb8;
	[tilespmem:$0x1E200] =	vst v63  }
0x70: {  	_ =	swait.ge @!p3 [sflag:s9], $0x2800  }
0x71: {  	s15 =	sadd.s32 @!p2 $0x0, s20;
	s16 =	simm.s32 @!p2 $0x0;
	[sflag:s9] =	ssyncset.done @!p3 $0x0  }
0x72: {  	s17 =	simm.s32 @!p2 $0x180;
	s5 =	rddreg [dreg:$0x13];
	[sflag:s9] =	ssyncadd.s32 @!p3 $0xFFFFD800  }
0x73: {  	[tilespmem:s17], [sflag:$0x4] =	stream.linear.gather @!p2 [hbm4b:s5+s16], $0x50, $0x38;
	[tilespmem:$0x1E200] =	vst v63  }
0x74: {  	s9 =	sadd.s32 @!p2 $0xF00, s15;
	s15 =	simm.s32 @!p2 $0x7A00;
	s17 =	simm.s32 @!p1 $0x3  }
0x75: {  	[tilespmem:s15], [sflag:$0x8] =	stream.linear.gather @!p2 [hbm4b:s9+s16], $0x2800, $0x38;
	[tilespmem:$0x1E200] =	vst v63  }
0x76: {  	_ =	swait.ge @!p1 [sflag:s17], $0x50  }
0x77: {  	[sflag:s17] =	ssyncset.done @!p1 $0x0  }
0x78: {  	s9 =	simm.s32 @!p1 $0x7;
	[sflag:s17] =	ssyncadd.s32 @!p1 $0xFFFFFFB0  }
0x79: {  	_ =	swait.ge @!p1 [sflag:s9], $0x2800  }
0x7a: {  	[sflag:s9] =	ssyncset.done @!p1 $0x0  }
0x7b: {  	s15 =	simm.s32 @!p1 $0x50;
	[sflag:s9] =	ssyncadd.s32 @!p1 $0xFFFFD800;
	s9 =	simm.s32 @!p1 $0x9  }
0x7c: {  	[spmem:s1] =	stream.indirect.scatter.add.f32 @!p1 [tilespmem:s14], [sflag:$0xB], $0x80, s10, s15, $0xb8;
	[tilespmem:$0x1E200] =	vst v63  }
0x7d: {  	_ =	swait.ge @!p1 [sflag:s9], $0x2800  }
0x7e: {  	s11 =	rddreg [dreg:$0x15]  }
0x7f: {  	[sflag:s9] =	ssyncset.done @!p1 $0x0;
	s10 =	sshrl.u32 @!p1 s11, $0x3  }
0x80: {  	[sflag:s9] =	ssyncadd.s32 @!p1 $0xFFFFD800;
	s10 =	sadd.s32 @!p1 s4, s10  }
0x81: {  	[tilespmem:s13], [sflag:$0x1] =	stream.linear.gather @!p1 [hbm4b:s10+s13], $0x50, $0x38;
	[tilespmem:$0x1E200] =	vst v63  }
0x82: {  	s14 =	simm.s32 @!p1 $0x4;
	s9 =	sadd.s32 @!p1 $0x1400, s8;
	s10 =	simm.s32 @!p1 $0x200  }
0x83: {  	[tilespmem:s10], [sflag:$0x5] =	stream.linear.gather @!p1 [hbm4b:s9+s13], $0x2800, $0x38;
	[tilespmem:$0x1E200] =	vst v63  }
0x84: {  	_ =	swait.ge @!p1 [sflag:s14], $0x50  }
0x85: {  	[sflag:s14] =	ssyncset.done @!p1 $0x0  }
0x86: {  	s9 =	simm.s32 @!p1 $0x8;
	[sflag:s14] =	ssyncadd.s32 @!p1 $0xFFFFFFB0  }
0x87: {  	_ =	swait.ge @!p1 [sflag:s9], $0x2800  }
0x88: {  	s10 =	simm.s32 @!p1 $0x180;
	[sflag:s9] =	ssyncset.done @!p1 $0x0  }
0x89: {  	s14 =	simm.s32 @!p1 $0x7A00;
	[sflag:s9] =	ssyncadd.s32 @!p1 $0xFFFFD800;
	s9 =	simm.s32 @!p1 $0xA  }
0x8a: {  	[spmem:s1] =	stream.indirect.scatter.add.f32 @!p1 [tilespmem:s14], [sflag:$0xC], $0x80, s10, s15, $0xb8;
	[tilespmem:$0x1E200] =	vst v63  }
0x8b: {  	s18 =	sadd.s32 $0x28, s5;
	s8 =	sadd.s32 @!p1 $0x1900, s8;
	_ =	swait.ge @!p1 [sflag:s9], $0x2800  }
0x8c: {  	s16 =	sadd.s32 $0x140, s11;
	s14 =	simm.s32 $0x3;
	[sflag:s9] =	ssyncset.done @!p1 $0x0  }
0x8d: {  	s10 =	simm.s32 @!p1 $0x80;
	[sflag:s9] =	ssyncadd.s32 @!p1 $0xFFFFD800;
	s9 =	rddreg [dreg:$0x14]  }
0x8e: {  	[tilespmem:s10], [sflag:$0x2] =	stream.linear.gather @!p1 [hbm4b:s9+s13], $0x50, $0x38;
	[tilespmem:$0x1E200] =	vst v63  }
0x8f: {  	s15 =	simm.s32 $0x1400;
	s17 =	sadd.s32 $0x28, s9;
	s9 =	simm.s32 @!p1 $0x2A00  }
.LBB2_4:
0x90: {  	s21 =	sadd.s32 $0x28, s21;
	s14 =	sadd.s32 $0x4, s14  }
0x91: {  	s11 =	smov.u32 s15;
	s15 =	sadd.s32 $0x1400, s15;
	s25 =	smov.u32 s17  }
0x92: {  	[tilespmem:s9], [sflag:$0x6] =	stream.linear.gather @!p1 [hbm4b:s8+s13], $0x2800, $0x38;
	[tilespmem:$0x1E200] =	vst v63  }
0x93: {  	p2 =	sne.s32 s15, $0x10400;
	_ =	swait.ge [sflag:s31], $0x50  }
0x94: {  	[sflag:s31] =	ssyncset.done $0x0  }
0x95: {  	s8 =	sadd.s32 $0xFFFFFFFF, s14;
	[sflag:s31] =	ssyncadd.s32 $0xFFFFFFB0  }
0x96: {  	p1 =	sgt.u32 s8, $0x31;
	_ =	swait.ge [sflag:s0], $0x2800  }
0x97: {  	p3 =	seq.s32 @!p1 s11, $0x0;
	s8 =	sadd.s32 @!p1 s11, s20;
	[sflag:s0] =	ssyncset.done $0x0  }
0x98: {  	p3 =	por p3, p1;
	s22 =	sadd.s32 @!p1 $0xA00, s8;
	[sflag:s0] =	ssyncadd.s32 $0xFFFFD800  }
0x99: {  	[spmem:s1] =	stream.indirect.scatter.add.f32 [tilespmem:s26], [sflag:$0x9], $0x80, s3, s2, $0xb8;
	[tilespmem:$0x1E200] =	vst v63  }
0x9a: {  	s10 =	sshrl.u32 @!p1 s16, $0x3;
	s9 =	sadd.s32 @!p1 $0x1400, s8;
	s5 =	simm.s32 @!p3 $0xB  }
0x9b: {  	s10 =	sadd.s32 @!p1 s4, s10;
	s8 =	sadd.s32 @!p1 $0x1900, s8;
	_ =	swait.ge @!p3 [sflag:s5], $0x2800  }
0x9c: {  	s13 =	simm.s32 @!p1 $0x0;
	s23 =	simm.s32 @!p1 $0x100;
	[sflag:s5] =	ssyncset.done @!p3 $0x0  }
0x9d: {  	[sflag:s5] =	ssyncadd.s32 @!p3 $0xFFFFD800;
	s5 =	simm.s32 @!p1 $0x5200  }
0x9e: {  	[tilespmem:s23], [sflag:$0x3] =	stream.linear.gather @!p1 [hbm4b:s21+s13], $0x50, $0x38;
	[tilespmem:$0x1E200] =	vst v63  }
0x9f: {  	_ = 	snop  }
0xa0: {  	[tilespmem:s5], [sflag:$0x7] =	stream.linear.gather @!p1 [hbm4b:s22+s13], $0x2800, $0x38;
	[tilespmem:$0x1E200] =	vst v63  }
0xa1: {  	_ =	swait.ge [sflag:s6], $0x50  }
0xa2: {  	[sflag:s6] =	ssyncset.done $0x0  }
0xa3: {  	p3 =	sgt.u32 s14, $0x31;
	[sflag:s6] =	ssyncadd.s32 $0xFFFFFFB0  }
0xa4: {  	p4 =	seq.s32 @!p3 s11, $0x0;
	s11 =	sadd.s32 @!p3 s11, s20;
	_ =	swait.ge [sflag:s7], $0x2800  }
0xa5: {  	p4 =	por p4, p3;
	s11 =	sadd.s32 @!p3 $0xF00, s11;
	[sflag:s7] =	ssyncset.done $0x0  }
0xa6: {  	s22 =	simm.s32 @!p4 $0xC;
	[sflag:s7] =	ssyncadd.s32 $0xFFFFD800  }
0xa7: {  	[spmem:s1] =	stream.indirect.scatter.add.f32 [tilespmem:s30], [sflag:$0xA], $0x80, s29, s2, $0xb8;
	[tilespmem:$0x1E200] =	vst v63  }
0xa8: {  	_ =	swait.ge @!p4 [sflag:s22], $0x2800  }
0xa9: {  	s19 =	simm.s32 @!p3 $0x0;
	s24 =	simm.s32 @!p3 $0x180;
	[sflag:s22] =	ssyncset.done @!p4 $0x0  }
0xaa: {  	[sflag:s22] =	ssyncadd.s32 @!p4 $0xFFFFD800;
	s22 =	simm.s32 @!p3 $0x7A00  }
0xab: {  	[tilespmem:s24], [sflag:$0x4] =	stream.linear.gather @!p3 [hbm4b:s18+s19], $0x50, $0x38;
	[tilespmem:$0x1E200] =	vst v63  }
0xac: {  	s24 =	simm.s32 @!p1 $0x3  }
0xad: {  	[tilespmem:s22], [sflag:$0x8] =	stream.linear.gather @!p3 [hbm4b:s11+s19], $0x2800, $0x38;
	[tilespmem:$0x1E200] =	vst v63  }
0xae: {  	_ =	swait.ge @!p1 [sflag:s24], $0x50  }
0xaf: {  	s11 =	simm.s32 @!p1 $0x7;
	[sflag:s24] =	ssyncset.done @!p1 $0x0  }
0xb0: {  	[sflag:s24] =	ssyncadd.s32 @!p1 $0xFFFFFFB0  }
0xb1: {  	_ =	swait.ge @!p1 [sflag:s11], $0x2800  }
0xb2: {  	s19 =	simm.s32 @!p1 $0x50;
	[sflag:s11] =	ssyncset.done @!p1 $0x0  }
0xb3: {  	[sflag:s11] =	ssyncadd.s32 @!p1 $0xFFFFD800;
	s11 =	simm.s32 @!p1 $0x9  }
0xb4: {  	[spmem:s1] =	stream.indirect.scatter.add.f32 @!p1 [tilespmem:s5], [sflag:$0xB], $0x80, s23, s19, $0xb8;
	[tilespmem:$0x1E200] =	vst v63  }
0xb5: {  	_ =	swait.ge @!p1 [sflag:s11], $0x2800  }
0xb6: {  	[sflag:s11] =	ssyncset.done @!p1 $0x0  }
0xb7: {  	s5 =	simm.s32 @!p1 $0x200;
	[sflag:s11] =	ssyncadd.s32 @!p1 $0xFFFFD800  }
0xb8: {  	[tilespmem:s13], [sflag:$0x1] =	stream.linear.gather @!p1 [hbm4b:s10+s13], $0x50, $0x38;
	[tilespmem:$0x1E200] =	vst v63  }
0xb9: {  	s10 =	simm.s32 @!p1 $0x4  }
0xba: {  	[tilespmem:s5], [sflag:$0x5] =	stream.linear.gather @!p1 [hbm4b:s9+s13], $0x2800, $0x38;
	[tilespmem:$0x1E200] =	vst v63  }
0xbb: {  	_ =	swait.ge @!p1 [sflag:s10], $0x50  }
0xbc: {  	s5 =	simm.s32 @!p1 $0x8;
	[sflag:s10] =	ssyncset.done @!p1 $0x0  }
0xbd: {  	[sflag:s10] =	ssyncadd.s32 @!p1 $0xFFFFFFB0  }
0xbe: {  	_ =	swait.ge @!p1 [sflag:s5], $0x2800  }
0xbf: {  	s9 =	simm.s32 @!p1 $0x180;
	s10 =	simm.s32 @!p1 $0x7A00;
	[sflag:s5] =	ssyncset.done @!p1 $0x0  }
0xc0: {  	[sflag:s5] =	ssyncadd.s32 @!p1 $0xFFFFD800;
	s5 =	simm.s32 @!p1 $0xA  }
0xc1: {  	[spmem:s1] =	stream.indirect.scatter.add.f32 @!p1 [tilespmem:s10], [sflag:$0xC], $0x80, s9, s19, $0xb8;
	[tilespmem:$0x1E200] =	vst v63  }
.Ltmp1:
0xc2: {  	_ = 	snop;
	(pc) =	sbr.rel @p2 .LBB2_4-.Ltmp1, $4  }
0xc3: {  	s16 =	sadd.s32 $0x140, s16;
	_ =	swait.ge @!p1 [sflag:s5], $0x2800  }
0xc4: {  	s17 =	sadd.s32 $0x28, s17;
	s10 =	simm.s32 @!p1 $0x80;
	[sflag:s5] =	ssyncset.done @!p1 $0x0  }
0xc5: {  	s18 =	sadd.s32 $0x28, s18;
	s9 =	simm.s32 @!p1 $0x2A00;
	[sflag:s5] =	ssyncadd.s32 @!p1 $0xFFFFD800  }
0xc6: {  	[tilespmem:s10], [sflag:$0x2] =	stream.linear.gather @!p1 [hbm4b:s25+s13], $0x50, $0x38;
	[tilespmem:$0x1E200] =	vst v63  }
0xc7: {  	[tilespmem:s9], [sflag:$0x6] =	stream.linear.gather @!p1 [hbm4b:s8+s13], $0x2800, $0x38;
	[tilespmem:$0x1E200] =	vst v63  }
0xc8: {  	s5 =	simm.s32 $0x9  }
0xc9: {  	_ =	swait.ge [sflag:s5], $0x2800  }
0xca: {  	[sflag:s5] =	ssyncset.done $0x0  }
0xcb: {  	s22 =	simm.s32 $0xA;
	[sflag:s5] =	ssyncadd.s32 $0xFFFFD800  }
0xcc: {  	_ =	swait.ge [sflag:s22], $0x2800  }
0xcd: {  	[sflag:s22] =	ssyncset.done $0x0  }
0xce: {  	s23 =	simm.s32 $0xB;
	[sflag:s22] =	ssyncadd.s32 $0xFFFFD800  }
0xcf: {  	_ =	swait.ge [sflag:s23], $0x2800  }
0xd0: {  	[sflag:s23] =	ssyncset.done $0x0  }
0xd1: {  	s24 =	simm.s32 $0xC;
	[sflag:s23] =	ssyncadd.s32 $0xFFFFD800  }
0xd2: {  	_ =	swait.ge [sflag:s24], $0x2800  }
0xd3: {  	[sflag:s24] =	ssyncset.done $0x0  }
0xd4: {  	[sflag:s24] =	ssyncadd.s32 $0xFFFFD800  }
0xd5: {  	[bflag:$0x0] =	sbarrier.arrive $0xFFFF  }
0xd6: {  	s8 =	rddreg [dreg:$0x10]  }
0xd7: {  	s5 =	simm.s32 @p0 $0x1FCD;
	s9 =	rddreg [dreg:$0x16]  }
0xd8: {  	[hbm:s8], [sflag:s5] =	dma.local @p0 [spmem:s9], $0x1900  }
0xd9: {  	s5 =	simm.s32 @p0 $0xD  }
0xda: {  	_ =	swait.ge @p0 [sflag:s5], $0x1900  }
0xdb: {  	s8 =	stileid.u32;
	s14 =	rddreg [dreg:$0x3]  }
0xdc: {  	s8 =	sshll.u32 @!p0 s8, $0x6;
	[sflag:s5] =	ssyncset.done @p0 $0x0;
	s9 =	rddreg [dreg:$0xf]  }
0xdd: {  	[sflag:s5] =	ssyncadd.s32 @p0 $0xFFFFE700;
	s5 =	sor.u32 @!p0 $0x1C0D, s8;
	s8 =	sshrl.u32 @!p0 s14, $0x3  }
0xde: {  	[hbm:s9], [sflag:s5] =	dma.local @!p0 [spmem:s8], $0x2800  }
0xdf: {  	s5 =	simm.s32 @!p0 $0xD  }
0xe0: {  	_ =	swait.ge @!p0 [sflag:s5], $0x2800  }
0xe1: {  	s12 =	sadd.s32 $0x1, s12;
	s25 =	rddreg [dreg:$0x11]  }
0xe2: {  	p1 =	sne.s32 s12, s25  }
.Ltmp2:
0xe3: {  	_ = 	snop;
	(pc) =	sbr.rel @p1 .LBB2_1-.Ltmp2, $3  }
0xe4: {  	_ =	sdelay $0x1  }
0xe5: {  	[sflag:s5] =	ssyncset.done @!p0 $0x0  }
0xe6: {  	[sflag:s5] =	ssyncadd.s32 @!p0 $0xFFFFD800  }
0xe7: {  	_ =	sfence.sel $0x180000  }
0xe8: {  	[bflag:$0x0] =	sbarrier.arrive $0xFFFF  }
0xe9: {  	_ =	strace $0x9000004D  }
0xea: {  	s0 =	stileid.u32;
	[bflag:$0x2] =	sbarrier.arrive $0xFFFF  }
0xeb: {  	p0 =	sne.s32 s0, $0x0;
	s0 =	rddreg [dreg:$0x2]  }
0xec: {  	s0 =	sadd.s32 @!p0 $0x100000, s0  }
0xed: {  	[sflag:s0] =	ssyncadd.tile.s32 @!p0 $0x1;
	_ =	shalt  }
.Lfunc_end2:
_tile_overlayer_lowered:
.L_overlay_start_2:
0xee: {  	(tag) =	ssettag $0x2  }
0xef: {  	s0 =	rddreg [dreg:$0x0];
	s2 =	stileid.u32  }
0xf0: {  	s1 =	rddreg [dreg:$0x1];
	p0 =	sne.s32 s2, $0x0  }
0xf1: {  	s3 =	rddreg [dreg:$0x2];
	[bflag:$0x3] =	sbarrier.arrive $0xFFFF;
	s2 =	simm.s32 @!p0 $0x1C0D  }
0xf2: {  	[timem:s3], [sflag:s2] =	dma.local @!p0 [hbm:s0], s1  }
0xf3: {  	s0 =	simm.s32 @!p0 $0xD  }
0xf4: {  	_ =	swait.ge @!p0 [sflag:s0], s1  }
0xf5: {  	s1 =	ssub.s32 @!p0 $0x0, s1;
	[sflag:s0] =	ssyncset.done @!p0 $0x0  }
0xf6: {  	[sflag:s0] =	ssyncadd.s32 @!p0 s1  }
0xf7: {  	[bflag:$0x3] =	sbarrier.arrive $0xFFFF  }
0xf8: {  	_ =	shalt  }

// kernel: kernel.20.cloned.1.call-start
scs
__scs_entry_jumppad:
0x0: {  	(pc) =	sbr.rel $0x88, $3  }
0x1: {  	(tag) =	ssettag $0x0;
	lr =	simm.s32 $0x1  }
0x2: {  	[smem:$0x3F98] =	sst lr;
	_ =	strace $0xD0000000  }
0x3: {  	_ = 	snop  }
0x4: {  	_ = 	snop  }
0x5: {  	_ = 	snop  }
0x6: {  	_ = 	snop  }
0x7: {  	_ = 	snop  }
__scs_overlays_trampoline_lowered:
0x8: {  	[smem:$0x3FA7] =	sst s0  }
0x9: {  	[smem:$0x3FA8] =	sst s1  }
0xa: {  	[smem:$0x3FA9] =	sst s2  }
0xb: {  	[smem:$0x3FAA] =	sst s3  }
0xc: {  	[smem:$0x3FAB] =	sst s4  }
0xd: {  	[smem:$0x3FAC] =	sst s5  }
0xe: {  	[smem:$0x3FAD] =	sst s6  }
0xf: {  	[smem:$0x3FAE] =	sst s7  }
0x10: {  	[smem:$0x3FAF] =	sst s8  }
0x11: {  	[smem:$0x3FB0] =	sst s9;
	s0 =	simm.s32 @!p0 $0x0  }
0x12: {  	s1 =	sld [smem:$0x3F96];
	s0 =	simm.s32 @p0 $0x1  }
0x13: {  	[smem:$0x3FB1] =	sst s0;
	s0 =	simm.s32 @!p1 $0x0  }
0x14: {  	s2 =	sld [smem:$0x3F95];
	s0 =	simm.s32 @p1 $0x1  }
0x15: {  	[smem:$0x3FB2] =	sst s0;
	s0 =	simm.s32 @!p2 $0x0  }
0x16: {  	s3 =	sld [smem:$0x3FDB];
	s0 =	simm.s32 @p2 $0x1  }
0x17: {  	s4 =	simm.s32 $0x1BF5;
	[smem:$0x3FB4] =	sst s0  }
0x18: {  	s0 =	sld [smem:$0x3F97];
	_ =	swait.ge [sflag:s4], $0x0  }
0x19: {  	s7 =	sld [smem:$0x3F98]  }
0x1a: {  	s8 =	sadd.s32 $0xFFFFE003, lr  }
0x1b: {  	s9 =	sadd.s32 $0xFFFFFEF7, lr;
	s5 =	simm.s32 $0xFFFFFFFF;
	p2 =	slt.u32 s8, $0xFFFFF086  }
0x1c: {  	p1 =	slt.u32 s9, $0xF7A;
	s5 =	simm.s32 @!p2 $0x0  }
0x1d: {  	s5 =	simm.s32 @p1 $0x1;
	p0 =	seq.s32 s7, s2  }
0x1e: {  	s7 =	smul.u32 @!p0 $0xF7A, s2;
	p2 =	seq.s32 @!p0 s5, $0x0  }
0x1f: {  	s9 =	smul.u32 $0xF7A, s1;
	s8 =	simm.s32 @!p0 $0x1BF5;
	p2 =	por !p2, p0  }
0x20: {  	[sflag:s8] =	ssyncset.s32 @!p0 $0xFFFFF086;
	s6 =	sadd.s32 @!p0 s3, s7;
	s7 =	simm.s32 @!p0 $0x108  }
0x21: {  	s3 =	sadd.s32 s3, s9;
	s6 =	sadd.s32 @!p0 $0x88, s6;
	s7 =	simm.s32 @p2 $0x1082  }
0x22: {  	[simem:s7], [sflag:s8] =	dma.local @!p0 [hbm:s6], $0xF7A  }
0x23: {  	s9 =	sor.u32 $0xD0000000, s2;
	s6 =	simm.s32 $0x108;
	_ =	swait.ge @!p0 [sflag:s8], $0x0  }
0x24: {  	s3 =	sadd.s32 $0x88, s3;
	s6 =	simm.s32 @!p1 $0x1082;
	[sflag:s4] =	ssyncset.s32 $0xFFFFF086  }
0x25: {  	[simem:s6], [sflag:s4] =	dma.local [hbm:s3], $0xF7A  }
0x26: {  	[smem:$0x3F98] =	sst s1;
	(tag) =	ssettag s2;
	_ =	strace s9  }
0x27: {  	s1 =	sld [smem:$0x3FA8]  }
0x28: {  	s2 =	sld [smem:$0x3FA9]  }
0x29: {  	s4 =	sld [smem:$0x3FAB]  }
0x2a: {  	p0 =	seq.s32 s5, $0x0;
	s5 =	sld [smem:$0x3FAC]  }
0x2b: {  	s6 =	sld [smem:$0x3FAD]  }
0x2c: {  	s7 =	sld [smem:$0x3FAE]  }
0x2d: {  	s3 =	simm.s32 $0x108;
	s8 =	sld [smem:$0x3FAF]  }
0x2e: {  	s3 =	simm.s32 @!p0 $0x1082;
	s9 =	sld [smem:$0x3FB0]  }
0x2f: {  	lr =	sadd.s32 s0, s3;
	s0 =	sld [smem:$0x3FA7]  }
0x30: {  	s3 =	sld [smem:$0x3FAA]  }
0x31: {  	[smem:$0x3FB3] =	sst s10  }
0x32: {  	s10 =	sld [smem:$0x3FB1];
	_ =	sdelay $0x3  }
0x33: {  	p0 =	seq.s32 s10, $0x1;
	s10 =	sld [smem:$0x3FB3];
	_ =	sdelay $0x3  }
0x34: {  	[smem:$0x3FB3] =	sst s10  }
0x35: {  	s10 =	sld [smem:$0x3FB2];
	_ =	sdelay $0x3  }
0x36: {  	p1 =	seq.s32 s10, $0x1;
	s10 =	sld [smem:$0x3FB3];
	_ =	sdelay $0x3  }
0x37: {  	[smem:$0x3FB3] =	sst s10  }
0x38: {  	s10 =	sld [smem:$0x3FB4]  }
0x39: {  	_ = 	snop;
	(pc) =	sbr.ind lr, $3  }
0x3a: {  	_ = 	snop  }
0x3b: {  	_ = 	snop  }
0x3c: {  	p2 =	seq.s32 s10, $0x1;
	s10 =	sld [smem:$0x3FB3]  }
0x3d: {  	_ =	shalt  }
0x3e: {  	_ =	shalt  }
0x3f: {  	_ =	shalt  }
0x40: {  	_ =	shalt  }
0x41: {  	_ =	shalt  }
0x42: {  	_ =	shalt  }
0x43: {  	_ =	shalt  }
0x44: {  	_ =	shalt  }
0x45: {  	_ =	shalt  }
0x46: {  	_ =	shalt  }
0x47: {  	_ =	shalt  }
0x48: {  	_ =	shalt  }
0x49: {  	_ =	shalt  }
0x4a: {  	_ =	shalt  }
0x4b: {  	_ =	shalt  }
0x4c: {  	_ =	shalt  }
0x4d: {  	_ =	shalt  }
0x4e: {  	_ =	shalt  }
0x4f: {  	_ =	shalt  }
0x50: {  	_ =	shalt  }
0x51: {  	_ =	shalt  }
0x52: {  	_ =	shalt  }
0x53: {  	_ =	shalt  }
0x54: {  	_ =	shalt  }
0x55: {  	_ =	shalt  }
0x56: {  	_ =	shalt  }
0x57: {  	_ =	shalt  }
0x58: {  	_ =	shalt  }
0x59: {  	_ =	shalt  }
0x5a: {  	_ =	shalt  }
0x5b: {  	_ =	shalt  }
0x5c: {  	_ =	shalt  }
0x5d: {  	_ =	shalt  }
0x5e: {  	_ =	shalt  }
0x5f: {  	_ =	shalt  }
0x60: {  	_ =	shalt  }
0x61: {  	_ =	shalt  }
0x62: {  	_ =	shalt  }
0x63: {  	_ =	shalt  }
0x64: {  	_ =	shalt  }
0x65: {  	_ =	shalt  }
0x66: {  	_ =	shalt  }
0x67: {  	_ =	shalt  }
0x68: {  	_ =	shalt  }
0x69: {  	_ =	shalt  }
0x6a: {  	_ =	shalt  }
0x6b: {  	_ =	shalt  }
0x6c: {  	_ =	shalt  }
0x6d: {  	_ =	shalt  }
0x6e: {  	_ =	shalt  }
0x6f: {  	_ =	shalt  }
0x70: {  	_ =	shalt  }
0x71: {  	_ =	shalt  }
0x72: {  	_ =	shalt  }
0x73: {  	_ =	shalt  }
0x74: {  	_ =	shalt  }
0x75: {  	_ =	shalt  }
0x76: {  	_ =	shalt  }
0x77: {  	_ =	shalt  }
0x78: {  	_ =	shalt  }
0x79: {  	_ =	shalt  }
0x7a: {  	_ =	shalt  }
0x7b: {  	_ =	shalt  }
0x7c: {  	_ =	shalt  }
0x7d: {  	_ =	shalt  }
0x7e: {  	_ =	shalt  }
0x7f: {  	_ =	shalt  }
0x80: {  	_ =	shalt  }
0x81: {  	_ =	shalt  }
0x82: {  	_ =	shalt  }
0x83: {  	_ =	shalt  }
0x84: {  	_ =	shalt  }
0x85: {  	_ =	shalt  }
0x86: {  	_ =	shalt  }
0x87: {  	_ =	shalt  }
.Lfunc_end0:
.L_simem_size_0:
called_computation.3_lowered:
.L_overlay_start_0:
0x88: {  	s2 =	sld [smem:$0x3FD9]  }
0x89: {  	s3 =	sld [smem:$0x3FFE];
	_ =	sdelay $0x1  }
0x8a: {  	s1 =	srdreg.scid  }
0x8b: {  	s0 =	sand.u32 $0x1, s1  }
0x8c: {  	s17 =	sshll.u32 s0, $0xA;
	s2 =	sadd.s32 s3, s2  }
0x8d: {  	s2 =	sadd.s32 s2, s17  }
0x8e: {  	[smem:$0x3FBF] =	sst s2  }
0x8f: {  	_ = 	snop  }
0x90: {  	s18 =	sld [smem:$0x3FD0];
	(tm) =	ssettm $0x1  }
0x91: {  	s19 =	sld [smem:$0x3FFB];
	_ =	sdelay $0x3  }
0x92: {  	_ =	strace s19  }
0x93: {  	s2 =	sld [smem:$0x3FFC];
	_ =	sdelay $0x3  }
0x94: {  	_ =	strace s2  }
0x95: {  	s2 =	sld [smem:$0x3FFD];
	_ =	sdelay $0x3  }
0x96: {  	_ =	strace s2  }
0x97: {  	_ =	strace $0x8FFFFFFF  }
0x98: {  	s20 =	sld [smem:$0x3FDB];
	_ =	sdelay $0x1  }
0x99: {  	s4 =	simm.s32 $_scs_section_size  }
0x9a: {  	s5 =	simm.s32 $_size__tile_overlayer_lowered;
	s6 =	simm.s32 $_tile_overlayer_lowered  }
0x9b: {  	s7 =	simm.s32 $0x1BFF;
	s21 =	sshll.u32 s6, $0x1;
	s4 =	sadd.s32 s4, s20  }
0x9c: {  	s22 =	simm.s32 $0x0;
	s5 =	sshll.u32 s5, $0x1;
	s6 =	sadd.s32 s21, s4  }
0x9d: {  	[timem:s22], [sflag:s7] =	dma.local [hbm:s6], s5  }
0x9e: {  	_ =	swait.ge [sflag:s7], s5  }
0x9f: {  	s5 =	ssub.s32 $0x0, s5;
	[sflag:s7] =	ssyncset.done $0x0  }
0xa0: {  	[sflag:s7] =	ssyncadd.s32 s5;
	_ =	sdelay $0x1  }
0xa1: {  	s23 =	simm.s32 $0x1B8B  }
0xa2: {  	_ =	swait.ge [sflag:s23], $0x1  }
0xa3: {  	[sflag:s23] =	ssyncset.done $0x0  }
0xa4: {  	[sflag:s23] =	ssyncadd.s32 $0xFFFFFFFF  }
0xa5: {  	s5 =	sld [smem:$0x0]  }
0xa6: {  	s6 =	sand.u32 $0xFFFFFFFE, s1  }
0xa7: {  	p0 =	sne.s32 s1, s6  }
0xa8: {  	s6 =	sshll.u32 @p0 s6, $0xE  }
0xa9: {  	s6 =	sadd.s32 @p0 $0x11B8D, s6;
	s7 =	sshll.u32 @p0 s5, $0x11  }
0xaa: {  	s6 =	sor.u32 @p0 s7, s6  }
0xab: {  	[sflag:s6] =	ssyncadd.remote.s32 @p0 $0x1;
	_ =	sdelay $0x1  }
0xac: {  	s6 =	simm.s32 @p0 $0x1B8D  }
0xad: {  	_ =	swait.eq @p0 [sflag:s6], $0x1  }
0xae: {  	[sflag:s6] =	ssyncadd.s32 @p0 $0xFFFFFFFF  }
0xaf: {  	s7 =	sshll.u32 @!p0 s1, $0xE  }
0xb0: {  	s7 =	sor.u32 @!p0 $0x4000, s7;
	s6 =	simm.s32 @!p0 $0x1B8D  }
0xb1: {  	s5 =	sshll.u32 @!p0 s5, $0x11;
	s7 =	sadd.s32 @!p0 $0x11B8D, s7;
	_ =	swait.eq @!p0 [sflag:s6], $0x1  }
0xb2: {  	s5 =	sor.u32 @!p0 s5, s7;
	[sflag:s6] =	ssyncadd.s32 @!p0 $0xFFFFFFFF  }
0xb3: {  	s25 =	simm.s32 $0x1B8E;
	s24 =	sld [smem:$0x3FFE];
	[sflag:s5] =	ssyncadd.remote.s32 @!p0 $0x1  }
0xb4: {  	s26 =	simm.s32 $execute0_lowered;
	[smem:$0x3FD2] =	sst s25  }
0xb5: {  	s6 =	sshll.u32 s26, $0x1;
	_ =	strace $0x8000004F;
	[dreg:$0x1] =	wrdreg $0xFFFFFFFF  }
0xb6: {  	s28 =	simm.s32 $_size_execute0_lowered;
	s4 =	sadd.s32 s4, s6;
	[dreg:$0x0] =	wrdreg $0x0  }
0xb7: {  	s6 =	sshll.u32 s28, $0x1;
	[dreg:$0x2] =	wrdreg s4  }
0xb8: {  	[dreg:$0x3] =	wrdreg s6  }
0xb9: {  	[dreg:$0x4] =	wrdreg $0xC0  }
0xba: {  	_ =	task [dreg:s22], $0x5FFFF  }
0xbb: {  	[dreg:$0x1] =	wrdreg $0xFFFFFFFF  }
0xbc: {  	[dreg:$0x0] =	wrdreg $0x60  }
0xbd: {  	[dreg:$0x2] =	wrdreg s24  }
0xbe: {  	[dreg:$0x3] =	wrdreg s18  }
0xbf: {  	[dreg:$0x4] =	wrdreg $0xA2000  }
0xc0: {  	[dreg:$0x5] =	wrdreg $0xA  }
0xc1: {  	_ =	task.clear_ibuf [dreg:s22], $0x6FFFF;
	_ =	strace $0x9000004F  }
0xc2: {  	s29 =	simm.s32 $0xA;
	_ =	strace $0x80000051  }
0xc3: {  	_ =	swait.ge [sflag:s29], $0x1  }
0xc4: {  	[sflag:s29] =	ssyncadd.s32 $0xFFFFFFFF  }
0xc5: {  	_ =	strace $0x90000051  }
0xc6: {  	_ =	sfence  }
0xc7: {  	s30 =	sld [smem:$0x0];
	_ =	sdelay $0x2  }
0xc8: {  	s31 =	sshll.u32 s1, $0xD;
	s1 =	sshrl.u32 s1, $0x2  }
0xc9: {  	s4 =	sand.u32 $0x4000, s31;
	s1 =	sadd.s32 s1, s30  }
0xca: {  	s0 =	sor.u32 s4, s0;
	s1 =	sshll.u32 s1, $0x11  }
0xcb: {  	s0 =	sor.u32 s1, s0  }
0xcc: {  	s0 =	sadd.s32 $0x8F2B, s0  }
0xcd: {  	[sflag:s0] =	ssyncadd.remote.s32 $0x1  }
0xce: {  	_ =	sfence.sel $0xFFFF  }
0xcf: {  	[dreg:$0x0] =	wrdreg $0xFFFFFFFF;
	(pc) =	sbr.abs _section_cstart, $3  }
0xd0: {  	[dreg:$0x1] =	wrdreg $0xFFFFFFFF  }
0xd1: {  	_ =	task.clear_ibuf [dreg:s22], $0x2FFFF;
	_ =	strace $0x9FFFFFFF  }
0xd2: {  	(tm) =	ssettm $0x7FFFFFFF  }
0xd3: {  	_ =	shalt  }
tec
execute0_lowered:
.L_overlay_start_1:
0x0: {  	(tag) =	ssettag $0x1  }
0x1: {  	s0 =	rddreg [dreg:$0x0]  }
0x2: {  	s1 =	rddreg [dreg:$0x1]  }
0x3: {  	s3 =	rddreg [dreg:$0x2]  }
0x4: {  	s4 =	simm.s32 $0x0;
	s13 =	stileid.u32;
	s2 =	srdreg.scid  }
0x5: {  	s29 =	simm.s32 $0x80;
	s30 =	simm.s32 $0x2A00;
	s31 =	simm.s32 $0x1  }
0x6: {  	[smem:$0x7FF] =	sst s4;
	s5 =	smul.u32 $0x50000, s13;
	s6 =	sadd.s32 $0xBBEA00, s0  }
0x7: {  	s0 =	sadd.s32 $0x54C00, s0;
	s2 =	sand.u32 $0x1, s2;
	s14 =	smul.u32 $0x14000, s13  }
0x8: {  	s21 =	smul.u32 $0x17700, s13;
	p0 =	seq.s32 s13, $0xF;
	s5 =	sshrl.u32 s5, $0x2  }
0x9: {  	_ =	strace $0x80000050;
	s7 =	ssub.s32 $0x2, s2;
	s15 =	sadd.s32 s5, s3  }
0xa: {  	s8 =	sshll.u32 s2, $0x4;
	s23 =	sadd.s32 $0x2800, s15;
	[dreg:$0x4] =	wrdreg s15  }
0xb: {  	s9 =	sshrl.u32 s7, $0x1;
	s24 =	sadd.s32 $0x5000, s15;
	[dreg:$0x5] =	wrdreg s23  }
0xc: {  	s8 =	sor.u32 s13, s8;
	s25 =	sadd.s32 $0x7800, s15;
	[dreg:$0x6] =	wrdreg s24  }
0xd: {  	s5 =	ssub.s32 s7, s9;
	s26 =	sadd.s32 $0xA000, s15;
	[dreg:$0x7] =	wrdreg s25  }
0xe: {  	s22 =	smul.u32 $0x1770, s8;
	s28 =	sadd.s32 $0xC800, s15;
	[dreg:$0x8] =	wrdreg s26  }
0xf: {  	s8 =	smul.u32 $0x17700, s8;
	s10 =	sadd.s32 $0xF000, s15;
	[dreg:$0x9] =	wrdreg s28  }
0x10: {  	s11 =	sadd.s32 $0x11800, s15;
	s5 =	smax.u32 s5, $0x1;
	[dreg:$0xa] =	wrdreg s10  }
0x11: {  	[dreg:$0xb] =	wrdreg s11;
	s12 =	sshrl.u32 s22, $0x3;
	s10 =	smul.u32 $0x138800, s2  }
0x12: {  	s7 =	sadd.s32 $0x50, s22;
	s8 =	sadd.s32 s6, s8;
	s11 =	smul.u32 $0x17700, s2  }
0x13: {  	s2 =	smul.u32 $0x177000, s2;
	[dreg:$0x12] =	wrdreg s5;
	s9 =	sadd.s32 s1, s12  }
0x14: {  	[dreg:$0xd] =	wrdreg s8;
	s16 =	sshrl.u32 s7, $0x3;
	s7 =	sshll.u32 s7, $0x4  }
0x15: {  	s12 =	smul.u32 $0x1770, s13;
	s13 =	simm.s32 $0xA;
	[dreg:$0xc] =	wrdreg s9  }
0x16: {  	s9 =	sadd.s32 s14, s10;
	s8 =	sadd.s32 s1, s16;
	s7 =	sadd.s32 s6, s7  }
0x17: {  	s18 =	sshrl.u32 s10, $0x3;
	s2 =	sadd.s32 s2, s6;
	s6 =	simm.s32 $0x100  }
0x18: {  	s10 =	simm.s32 $0x3;
	s16 =	simm.s32 $0x4;
	[dreg:$0xe] =	wrdreg s8  }
0x19: {  	s14 =	simm.s32 $0x0;
	[dreg:$0xf] =	wrdreg s7;
	s17 =	sshrl.u32 s9, $0x3  }
0x1a: {  	s19 =	sadd.s32 s12, s11;
	s21 =	sadd.s32 s21, s2;
	s8 =	simm.s32 $0x2  }
0x1b: {  	s9 =	simm.s32 $0x6;
	s11 =	simm.s32 $0x7;
	s12 =	simm.s32 $0x9  }
0x1c: {  	s7 =	sadd.s32 s0, s17;
	s0 =	sadd.s32 s0, s18;
	s20 =	sadd.s32 $0xA0, s19  }
0x1d: {  	s22 =	sadd.s32 $0x190, s19;
	s26 =	sadd.s32 $0xF0, s19;
	s28 =	sadd.s32 $0x140, s19  }
0x1e: {  	s17 =	simm.s32 $0x8;
	s18 =	simm.s32 $0x180;
	s19 =	simm.s32 $0x7A00  }
0x1f: {  	[dreg:$0x10] =	wrdreg s7;
	s0 =	sadd.s32 $0x25800, s0;
	s7 =	sshrl.u32 s20, $0x3  }
0x20: {  	s24 =	sshrl.u32 s22, $0x3;
	[dreg:$0x15] =	wrdreg s28;
	s2 =	sshrl.u32 s26, $0x3  }
.Ltmp0:
0x21: {  	[dreg:$0x11] =	wrdreg s0;
	s23 =	sadd.s32 s7, s1;
	(pc) =	sbr.rel .LBB2_1-.Ltmp0, $4  }
0x22: {  	s26 =	simm.s32 $0x200;
	s25 =	sadd.s32 s24, s1;
	[dreg:$0x13] =	wrdreg s23  }
0x23: {  	s0 =	sadd.s32 $0x12C000, s3;
	s1 =	sadd.s32 s2, s1;
	[dreg:$0x14] =	wrdreg s25  }
0x24: {  	s2 =	simm.s32 $0x50;
	[dreg:$0x16] =	wrdreg s1;
	s0 =	sshrl.u32 @p0 s0, $0x3  }
0x25: {  	v0 =	vimm.f32 $0.0e+00;
	s7 =	simm.s32 $0x5200;
	[dreg:$0x17] =	wrdreg s0;
	s0 =	simm.s32 $0x5  }
.LBB2_6:
0x26: {  	_ =	swait.ge [sflag:s13], $0x2800  }
0x27: {  	[sflag:s13] =	ssyncset.done $0x0  }
0x28: {  	s1 =	simm.s32 $0xB;
	[sflag:s13] =	ssyncadd.s32 $0xFFFFD800  }
0x29: {  	_ =	swait.ge [sflag:s1], $0x2800  }
0x2a: {  	[sflag:s1] =	ssyncset.done $0x0  }
0x2b: {  	s24 =	simm.s32 $0xC;
	[sflag:s1] =	ssyncadd.s32 $0xFFFFD800  }
0x2c: {  	_ =	swait.ge [sflag:s24], $0x2800  }
0x2d: {  	[sflag:s24] =	ssyncset.done $0x0  }
0x2e: {  	[sflag:s24] =	ssyncadd.s32 $0xFFFFD800  }
0x2f: {  	[bflag:$0x0] =	sbarrier.arrive $0xFFFF  }
0x30: {  	s5 =	rddreg [dreg:$0x11]  }
0x31: {  	s1 =	simm.s32 @p0 $0x1FCD;
	s14 =	rddreg [dreg:$0x17]  }
0x32: {  	[hbm:s5], [sflag:s1] =	dma.local @p0 [spmem:s14], $0x1900  }
0x33: {  	s1 =	simm.s32 @p0 $0xD  }
0x34: {  	_ =	swait.ge @p0 [sflag:s1], $0x1900  }
0x35: {  	s5 =	stileid.u32;
	s15 =	rddreg [dreg:$0x4]  }
0x36: {  	s5 =	sshll.u32 @!p0 s5, $0x6;
	[sflag:s1] =	ssyncset.done @p0 $0x0;
	s14 =	rddreg [dreg:$0x10]  }
0x37: {  	[sflag:s1] =	ssyncadd.s32 @p0 $0xFFFFE700;
	s1 =	sor.u32 @!p0 $0x1C0D, s5;
	s5 =	sshrl.u32 @!p0 s15, $0x3  }
0x38: {  	[hbm:s14], [sflag:s1] =	dma.local @!p0 [spmem:s5], $0x2800  }
0x39: {  	s1 =	simm.s32 @!p0 $0xD  }
0x3a: {  	_ =	swait.ge @!p0 [sflag:s1], $0x2800  }
0x3b: {  	s25 =	rddreg [dreg:$0x18]  }
0x3c: {  	s28 =	rddreg [dreg:$0x12];
	s14 =	sadd.s32 $0x1, s25  }
0x3d: {  	p1 =	sne.s32 s14, s28  }
.Ltmp1:
0x3e: {  	_ = 	snop;
	(pc) =	sbr.rel @!p1 .LBB2_7-.Ltmp1, $3  }
0x3f: {  	_ =	sdelay $0x1  }
0x40: {  	[sflag:s1] =	ssyncset.done @!p0 $0x0  }
0x41: {  	[sflag:s1] =	ssyncadd.s32 @!p0 $0xFFFFD800  }
.LBB2_1:
0x42: {  	[dreg:$0x18] =	wrdreg s14;
	s5 =	simm.s32 $0x0;
	s14 =	simm.s32 $0x200  }
.LBB2_2:
0x43: {  	p1 =	sne.s32 s14, $0x9E00;
	[tilespmem:s5+$0x270] =	vst v0  }
0x44: {  	[tilespmem:s5+$0x200] =	vst v0  }
0x45: {  	[tilespmem:s5+$0x210] =	vst v0  }
.Ltmp2:
0x46: {  	[tilespmem:s5+$0x220] =	vst v0;
	(pc) =	sbr.rel @p1 .LBB2_2-.Ltmp2, $4  }
0x47: {  	[tilespmem:s5+$0x230] =	vst v0  }
0x48: {  	[tilespmem:s5+$0x240] =	vst v0  }
0x49: {  	[tilespmem:s5+$0x250] =	vst v0  }
0x4a: {  	[tilespmem:s5+$0x260] =	vst v0;
	s5 =	sshra.s32 s14, $0x2;
	s14 =	sadd.s32 $0x200, s14  }
0x4b: {  	[tilespmem:s5+$0x270] =	vst v0  }
0x4c: {  	[tilespmem:s5+$0x200] =	vst v0  }
0x4d: {  	[tilespmem:s5+$0x210] =	vst v0  }
0x4e: {  	[tilespmem:s5+$0x220] =	vst v0  }
0x4f: {  	[tilespmem:s5+$0x230] =	vst v0  }
0x50: {  	[tilespmem:s5+$0x240] =	vst v0  }
0x51: {  	[tilespmem:s5+$0x250] =	vst v0  }
0x52: {  	[tilespmem:s5+$0x260] =	vst v0;
	s24 =	simm.s32 $0xD  }
0x53: {  	[spmem:s15] =	stream.linear.scatter [tilespmem:s26], [sflag:$0xD], $0x2800, $0x38;
	[tilespmem:$0x1E200] =	vst v63  }
0x54: {  	_ =	swait.ge [sflag:s24], $0x2800  }
0x55: {  	[sflag:s24] =	ssyncset.done $0x0  }
0x56: {  	s1 =	rddreg [dreg:$0x5];
	[sflag:s24] =	ssyncadd.s32 $0xFFFFD800  }
0x57: {  	[spmem:s1] =	stream.linear.scatter [tilespmem:s26], [sflag:$0xD], $0x2800, $0x38;
	[tilespmem:$0x1E200] =	vst v63  }
0x58: {  	_ =	swait.ge [sflag:s24], $0x2800  }
0x59: {  	[sflag:s24] =	ssyncset.done $0x0  }
0x5a: {  	s25 =	rddreg [dreg:$0x6];
	[sflag:s24] =	ssyncadd.s32 $0xFFFFD800  }
0x5b: {  	[spmem:s25] =	stream.linear.scatter [tilespmem:s26], [sflag:$0xD], $0x2800, $0x38;
	[tilespmem:$0x1E200] =	vst v63  }
0x5c: {  	_ =	swait.ge [sflag:s24], $0x2800  }
0x5d: {  	[sflag:s24] =	ssyncset.done $0x0  }
0x5e: {  	s28 =	rddreg [dreg:$0x7];
	[sflag:s24] =	ssyncadd.s32 $0xFFFFD800  }
0x5f: {  	[spmem:s28] =	stream.linear.scatter [tilespmem:s26], [sflag:$0xD], $0x2800, $0x38;
	[tilespmem:$0x1E200] =	vst v63  }
0x60: {  	_ =	swait.ge [sflag:s24], $0x2800  }
0x61: {  	[sflag:s24] =	ssyncset.done $0x0  }
0x62: {  	s14 =	rddreg [dreg:$0x8];
	[sflag:s24] =	ssyncadd.s32 $0xFFFFD800  }
0x63: {  	[spmem:s14] =	stream.linear.scatter [tilespmem:s26], [sflag:$0xD], $0x2800, $0x38;
	[tilespmem:$0x1E200] =	vst v63  }
0x64: {  	_ =	swait.ge [sflag:s24], $0x2800  }
0x65: {  	[sflag:s24] =	ssyncset.done $0x0  }
0x66: {  	s15 =	rddreg [dreg:$0x9];
	[sflag:s24] =	ssyncadd.s32 $0xFFFFD800  }
0x67: {  	[spmem:s15] =	stream.linear.scatter [tilespmem:s26], [sflag:$0xD], $0x2800, $0x38;
	[tilespmem:$0x1E200] =	vst v63  }
0x68: {  	_ =	swait.ge [sflag:s24], $0x2800  }
0x69: {  	[sflag:s24] =	ssyncset.done $0x0  }
0x6a: {  	s20 =	rddreg [dreg:$0xa];
	[sflag:s24] =	ssyncadd.s32 $0xFFFFD800  }
0x6b: {  	[spmem:s20] =	stream.linear.scatter [tilespmem:s26], [sflag:$0xD], $0x2800, $0x38;
	[tilespmem:$0x1E200] =	vst v63  }
0x6c: {  	_ =	swait.ge [sflag:s24], $0x2800  }
0x6d: {  	[sflag:s24] =	ssyncset.done $0x0  }
0x6e: {  	s22 =	rddreg [dreg:$0xb];
	[sflag:s24] =	ssyncadd.s32 $0xFFFFD800  }
0x6f: {  	[spmem:s22] =	stream.linear.scatter [tilespmem:s26], [sflag:$0xD], $0x2800, $0x38;
	[tilespmem:$0x1E200] =	vst v63  }
0x70: {  	_ =	swait.ge [sflag:s24], $0x2800  }
0x71: {  	[sflag:s24] =	ssyncset.done $0x0  }
0x72: {  	[sflag:s24] =	ssyncadd.s32 $0xFFFFD800  }
0x73: {  	[bflag:$0x0] =	sbarrier.arrive $0xFFFF  }
0x74: {  	s23 =	rddreg [dreg:$0xc]  }
0x75: {  	s24 =	rddreg [dreg:$0xd]  }
0x76: {  	s25 =	rddreg [dreg:$0xe]  }
0x77: {  	s28 =	rddreg [dreg:$0xf]  }
0x78: {  	s22 =	simm.s32 $0x0;
	s14 =	rddreg [dreg:$0x14]  }
0x79: {  	[tilespmem:s22], [sflag:$0x1] =	stream.linear.gather [hbm4b:s23+s22], $0x50, $0x38;
	[tilespmem:$0x1E200] =	vst v63  }
0x7a: {  	s15 =	rddreg [dreg:$0x13]  }
0x7b: {  	[tilespmem:s26], [sflag:$0x5] =	stream.linear.gather [hbm4b:s24+s22], $0x2800, $0x38;
	[tilespmem:$0x1E200] =	vst v63  }
0x7c: {  	s24 =	rddreg [dreg:$0x16]  }
0x7d: {  	[tilespmem:s29], [sflag:$0x2] =	stream.linear.gather [hbm4b:s25+s22], $0x50, $0x38;
	[tilespmem:$0x1E200] =	vst v63  }
0x7e: {  	s23 =	simm.s32 $0x3;
	s25 =	rddreg [dreg:$0x15]  }
0x7f: {  	[tilespmem:s30], [sflag:$0x6] =	stream.linear.gather [hbm4b:s28+s22], $0x2800, $0x38;
	[tilespmem:$0x1E200] =	vst v63  }
.LBB2_4:
0x80: {  	_ =	swait.ge [sflag:s31], $0x50  }
0x81: {  	[sflag:s31] =	ssyncset.done $0x0  }
0x82: {  	[sflag:s31] =	ssyncadd.s32 $0xFFFFFFB0  }
0x83: {  	_ =	swait.ge [sflag:s0], $0x2800  }
0x84: {  	p1 =	seq.s32 s22, $0x0;
	[sflag:s0] =	ssyncset.done $0x0  }
0x85: {  	s5 =	simm.s32 @!p1 $0xB;
	[sflag:s0] =	ssyncadd.s32 $0xFFFFD800  }
0x86: {  	[spmem:s3] =	stream.indirect.scatter.add.f32 [tilespmem:s26], [sflag:$0x9], $0x80, s4, s2, $0xb8;
	[tilespmem:$0x1E200] =	vst v63  }
0x87: {  	_ =	swait.ge @!p1 [sflag:s5], $0x2800  }
0x88: {  	[sflag:s5] =	ssyncset.done @!p1 $0x0  }
0x89: {  	[sflag:s5] =	ssyncadd.s32 @!p1 $0xFFFFD800;
	s5 =	sadd.s32 s22, s21  }
0x8a: {  	[tilespmem:s6], [sflag:$0x3] =	stream.linear.gather [hbm4b:s15+s4], $0x50, $0x38;
	[tilespmem:$0x1E200] =	vst v63  }
0x8b: {  	s20 =	sadd.s32 $0xA00, s5  }
0x8c: {  	[tilespmem:s7], [sflag:$0x7] =	stream.linear.gather [hbm4b:s20+s4], $0x2800, $0x38;
	[tilespmem:$0x1E200] =	vst v63  }
0x8d: {  	_ =	swait.ge [sflag:s8], $0x50  }
0x8e: {  	[sflag:s8] =	ssyncset.done $0x0  }
0x8f: {  	p1 =	sgt.u32 s23, $0x4A;
	[sflag:s8] =	ssyncadd.s32 $0xFFFFFFB0  }
0x90: {  	p2 =	seq.s32 @!p1 s22, $0x0;
	_ =	swait.ge [sflag:s9], $0x2800  }
0x91: {  	p2 =	por p2, p1;
	[sflag:s9] =	ssyncset.done $0x0  }
0x92: {  	s20 =	simm.s32 @!p2 $0xC;
	[sflag:s9] =	ssyncadd.s32 $0xFFFFD800  }
0x93: {  	[spmem:s3] =	stream.indirect.scatter.add.f32 [tilespmem:s30], [sflag:$0xA], $0x80, s29, s2, $0xb8;
	[tilespmem:$0x1E200] =	vst v63  }
0x94: {  	_ =	swait.ge @!p2 [sflag:s20], $0x2800  }
0x95: {  	[sflag:s20] =	ssyncset.done @!p2 $0x0  }
0x96: {  	s28 =	simm.s32 @!p1 $0x180;
	[sflag:s20] =	ssyncadd.s32 @!p2 $0xFFFFD800;
	s20 =	simm.s32 @!p1 $0x0  }
0x97: {  	[tilespmem:s28], [sflag:$0x4] =	stream.linear.gather @!p1 [hbm4b:s24+s20], $0x50, $0x38;
	[tilespmem:$0x1E200] =	vst v63  }
0x98: {  	s28 =	sadd.s32 @!p1 s22, s21  }
0x99: {  	s1 =	simm.s32 @!p1 $0x7A00;
	s28 =	sadd.s32 @!p1 $0xF00, s28  }
0x9a: {  	[tilespmem:s1], [sflag:$0x8] =	stream.linear.gather @!p1 [hbm4b:s28+s20], $0x2800, $0x38;
	[tilespmem:$0x1E200] =	vst v63  }
0x9b: {  	_ =	swait.ge [sflag:s10], $0x50  }
0x9c: {  	[sflag:s10] =	ssyncset.done $0x0  }
0x9d: {  	[sflag:s10] =	ssyncadd.s32 $0xFFFFFFB0  }
0x9e: {  	_ =	swait.ge [sflag:s11], $0x2800  }
0x9f: {  	p1 =	seq.s32 s22, $0x16800;
	[sflag:s11] =	ssyncset.done $0x0  }
.Ltmp3:
0xa0: {  	[sflag:s11] =	ssyncadd.s32 $0xFFFFD800;
	(pc) =	sbr.rel @p1 .LBB2_6-.Ltmp3, $4  }
0xa1: {  	[spmem:s3] =	stream.indirect.scatter.add.f32 [tilespmem:s7], [sflag:$0xB], $0x80, s6, s2, $0xb8;
	[tilespmem:$0x1E200] =	vst v63  }
0xa2: {  	_ =	swait.ge [sflag:s12], $0x2800  }
0xa3: {  	[sflag:s12] =	ssyncset.done $0x0  }
0xa4: {  	[sflag:s12] =	ssyncadd.s32 $0xFFFFD800  }
0xa5: {  	s1 =	sshrl.u32 s25, $0x3;
	s20 =	rddreg [dreg:$0x1]  }
0xa6: {  	s1 =	sadd.s32 s20, s1  }
0xa7: {  	[tilespmem:s4], [sflag:$0x1] =	stream.linear.gather [hbm4b:s1+s4], $0x50, $0x38;
	[tilespmem:$0x1E200] =	vst v63  }
0xa8: {  	s20 =	sadd.s32 $0x1400, s5  }
0xa9: {  	[tilespmem:s26], [sflag:$0x5] =	stream.linear.gather [hbm4b:s20+s4], $0x2800, $0x38;
	[tilespmem:$0x1E200] =	vst v63  }
0xaa: {  	_ =	swait.ge [sflag:s16], $0x50  }
0xab: {  	[sflag:s16] =	ssyncset.done $0x0  }
0xac: {  	[sflag:s16] =	ssyncadd.s32 $0xFFFFFFB0  }
0xad: {  	_ =	swait.ge [sflag:s17], $0x2800  }
0xae: {  	[sflag:s17] =	ssyncset.done $0x0  }
0xaf: {  	[sflag:s17] =	ssyncadd.s32 $0xFFFFD800  }
0xb0: {  	[spmem:s3] =	stream.indirect.scatter.add.f32 [tilespmem:s19], [sflag:$0xC], $0x80, s18, s2, $0xb8;
	[tilespmem:$0x1E200] =	vst v63  }
0xb1: {  	s28 =	sadd.s32 $0x1900, s5;
	_ =	swait.ge [sflag:s13], $0x2800  }
.Ltmp4:
0xb2: {  	s15 =	sadd.s32 $0x28, s15;
	[sflag:s13] =	ssyncset.done $0x0;
	(pc) =	sbr.rel .LBB2_4-.Ltmp4, $4  }
0xb3: {  	s22 =	sadd.s32 $0x1400, s22;
	s25 =	sadd.s32 $0x140, s25;
	[sflag:s13] =	ssyncadd.s32 $0xFFFFD800  }
0xb4: {  	[tilespmem:s29], [sflag:$0x2] =	stream.linear.gather [hbm4b:s14+s4], $0x50, $0x38;
	[tilespmem:$0x1E200] =	vst v63  }
0xb5: {  	s24 =	sadd.s32 $0x28, s24;
	s23 =	sadd.s32 $0x4, s23;
	s14 =	sadd.s32 $0x28, s14  }
0xb6: {  	[tilespmem:s30], [sflag:$0x6] =	stream.linear.gather [hbm4b:s28+s4], $0x2800, $0x38;
	[tilespmem:$0x1E200] =	vst v63  }
.LBB2_7:
0xb7: {  	_ =	sfence.sel $0x180000  }
0xb8: {  	[bflag:$0x0] =	sbarrier.arrive $0xFFFF  }
0xb9: {  	_ =	strace $0x90000050  }
0xba: {  	s0 =	stileid.u32;
	[bflag:$0x2] =	sbarrier.arrive $0xFFFF  }
0xbb: {  	p0 =	sne.s32 s0, $0x0;
	s0 =	rddreg [dreg:$0x3]  }
0xbc: {  	s0 =	sadd.s32 @!p0 $0x100000, s0  }
0xbd: {  	[sflag:s0] =	ssyncadd.tile.s32 @!p0 $0x1;
	_ =	shalt  }
.Lfunc_end2:
_tile_overlayer_lowered:
.L_overlay_start_2:
0xbe: {  	(tag) =	ssettag $0x2  }
0xbf: {  	s0 =	rddreg [dreg:$0x0];
	s2 =	stileid.u32  }
0xc0: {  	s1 =	rddreg [dreg:$0x1];
	p0 =	sne.s32 s2, $0x0  }
0xc1: {  	s3 =	rddreg [dreg:$0x2];
	[bflag:$0x3] =	sbarrier.arrive $0xFFFF;
	s2 =	simm.s32 @!p0 $0x1C0D  }
0xc2: {  	[timem:s3], [sflag:s2] =	dma.local @!p0 [hbm:s0], s1  }
0xc3: {  	s0 =	simm.s32 @!p0 $0xD  }
0xc4: {  	_ =	swait.ge @!p0 [sflag:s0], s1  }
0xc5: {  	s1 =	ssub.s32 @!p0 $0x0, s1;
	[sflag:s0] =	ssyncset.done @!p0 $0x0  }
0xc6: {  	[sflag:s0] =	ssyncadd.s32 @!p0 s1  }
0xc7: {  	[bflag:$0x3] =	sbarrier.arrive $0xFFFF  }
0xc8: {  	_ =	shalt  }

</sc_bundles>
